<compile_context>
chip_gen: v7x
topology: tpu7x:2x2x1
jax: 0.10.2.dev20260603
libtpu: 0.0.44.dev20260713+nightly
codegen_flags: <defaults>
</compile_context>

<pallas_src>
import functools

import jax
import jax.numpy as jnp
from jax import lax
from jax.experimental import pallas as pl
from jax.experimental.pallas import tpu as pltpu
from jax.experimental.pallas import tpu_sc as plsc

N = 10000
D = 128
E = 320000

NUM_CORES = 2
NUM_SUBCORES = 16
NW = NUM_CORES * NUM_SUBCORES

N_PAD = 10240
ROWS_SEG = N_PAD // NUM_SUBCORES
N_DUMP = 128
N_ACC = N_PAD + N_DUMP

BLK = 128
BURST = 16
NBUF = 2
EPW = 10240
E_PAD = NW * EPW
N_BURSTS = EPW // BLK // BURST


def _make_sc_agg(want_deg):

    def body(h_hbm, src_hbm, dst_hbm, zeros2d_hbm, zeros1d_hbm, ones_hbm,
             sums_out, deg_out,
             src_v, dst_v, rows_v, ones_v, acc_sh, deg_sh,
             gsem, ssem, dsem):
        c = lax.axis_index("c")
        s = lax.axis_index("s")
        wid = s * NUM_CORES + c

        pltpu.sync_copy(zeros2d_hbm, acc_sh.at[pl.ds(s * ROWS_SEG, ROWS_SEG)])
        if want_deg:
            pltpu.sync_copy(zeros1d_hbm,
                            deg_sh.at[pl.ds(s * ROWS_SEG, ROWS_SEG)])
            pltpu.sync_copy(ones_hbm, ones_v)
        plsc.subcore_barrier()

        blk0 = wid * (EPW // BLK)

        def burst(b, carry):
            base = blk0 + b * BURST
            pltpu.sync_copy(src_hbm.at[pl.ds(base, BURST)], src_v)
            pltpu.sync_copy(dst_hbm.at[pl.ds(base, BURST)], dst_v)
            sd = {}
            dd = {}
            gd = {0: pltpu.async_copy(
                h_hbm.at[src_v.at[0]], rows_v.at[0], gsem)}
            for j in range(BURST):
                gd[j].wait()
                sd[j] = pltpu.async_copy(
                    rows_v.at[j % NBUF], acc_sh.at[dst_v.at[j]], ssem,
                    add=True)
                if want_deg:
                    dd[j] = pltpu.async_copy(
                        ones_v, deg_sh.at[dst_v.at[j]], dsem, add=True)
                if j >= 1:
                    sd[j - 1].wait()
                if j + 1 < BURST:
                    gd[j + 1] = pltpu.async_copy(
                        h_hbm.at[src_v.at[j + 1]], rows_v.at[(j + 1) % NBUF],
                        gsem)
            sd[BURST - 1].wait()
            if want_deg:
                for j in range(BURST):
                    dd[j].wait()
            return carry

        lax.fori_loop(0, N_BURSTS, burst, 0)

        plsc.subcore_barrier()
        pltpu.sync_copy(acc_sh.at[pl.ds(s * ROWS_SEG, ROWS_SEG)],
                        sums_out.at[c].at[pl.ds(s * ROWS_SEG, ROWS_SEG)])
        if want_deg:
            pltpu.sync_copy(deg_sh.at[pl.ds(s * ROWS_SEG, ROWS_SEG)],
                            deg_out.at[c].at[pl.ds(s * ROWS_SEG, ROWS_SEG)])

    return functools.partial(
        pl.kernel,
        out_type=(jax.ShapeDtypeStruct((NUM_CORES, N_PAD, D), jnp.float32),
                  jax.ShapeDtypeStruct((NUM_CORES, N_PAD), jnp.float32)),
        mesh=plsc.VectorSubcoreMesh(core_axis_name="c", subcore_axis_name="s"),
        scratch_types=[
            pltpu.VMEM((BURST, BLK), jnp.int32),
            pltpu.VMEM((BURST, BLK), jnp.int32),
            pltpu.VMEM((NBUF, BLK, D), jnp.float32),
            pltpu.VMEM((BLK,), jnp.float32),
            pltpu.VMEM_SHARED((N_ACC, D), jnp.float32),
            pltpu.VMEM_SHARED((N_ACC,), jnp.float32),
            pltpu.SemaphoreType.DMA,
            pltpu.SemaphoreType.DMA,
            pltpu.SemaphoreType.DMA,
        ],
    )(body)


_sc_agg = _make_sc_agg(True)


RB = 1024


def _tc_layer_body(act, x_ref, s0_ref, s1_ref, d0_ref, d1_ref,
                   wn_ref, ws_ref, b_ref, o_ref):
    deg = jnp.maximum(d0_ref[...] + d1_ref[...], 1.0)
    summed = s0_ref[...] + s1_ref[...]
    neigh = jnp.dot(summed, wn_ref[...],
                    preferred_element_type=jnp.float32) / deg
    out = jnp.dot(x_ref[...], ws_ref[...],
                  preferred_element_type=jnp.float32) + b_ref[...] + neigh
    if act:
        out = jnp.maximum(out, 0.0)
    o_ref[...] = out


def _tc_layer(x, s0, s1, d0, d1, wn_t, ws_t, b2d, act):
    return pl.pallas_call(
        functools.partial(_tc_layer_body, act),
        grid=(N_PAD // RB,),
        in_specs=[
            pl.BlockSpec((RB, D), lambda i: (i, 0)),
            pl.BlockSpec((RB, D), lambda i: (i, 0)),
            pl.BlockSpec((RB, D), lambda i: (i, 0)),
            pl.BlockSpec((RB, 1), lambda i: (i, 0)),
            pl.BlockSpec((RB, 1), lambda i: (i, 0)),
            pl.BlockSpec((D, D), lambda i: (0, 0)),
            pl.BlockSpec((D, D), lambda i: (0, 0)),
            pl.BlockSpec((1, D), lambda i: (0, 0)),
        ],
        out_specs=pl.BlockSpec((RB, D), lambda i: (i, 0)),
        out_shape=jax.ShapeDtypeStruct((N_PAD, D), jnp.float32),
    )(x, s0, s1, d0, d1, wn_t, ws_t, b2d)


def kernel(x, edge_index, W_neigh1, W_self1, b_self1,
           W_neigh2, W_self2, b_self2):
    src = edge_index[0]
    dst = edge_index[1]
    pad_e = E_PAD - E
    src_p = jnp.concatenate(
        [src, jnp.zeros((pad_e,), jnp.int32)]).reshape(E_PAD // BLK, BLK)
    dump_idx = N_PAD + (jnp.arange(pad_e, dtype=jnp.int32) % N_DUMP)
    dst_p = jnp.concatenate([dst, dump_idx]).reshape(E_PAD // BLK, BLK)
    x_p = jnp.concatenate(
        [x, jnp.zeros((N_PAD - N, D), jnp.float32)], axis=0)
    zeros2d = jnp.zeros((ROWS_SEG, D), jnp.float32)
    zeros1d = jnp.zeros((ROWS_SEG,), jnp.float32)
    ones = jnp.ones((BLK,), jnp.float32)

    sums1, deg = _sc_agg(x_p, src_p, dst_p, zeros2d, zeros1d, ones)
    d0 = deg[0].reshape(N_PAD, 1)
    d1 = deg[1].reshape(N_PAD, 1)
    h = _tc_layer(x_p, sums1[0], sums1[1], d0, d1,
                  W_neigh1.T, W_self1.T, b_self1.reshape(1, D), True)
    sums2, _ = _sc_agg(h, src_p, dst_p, zeros2d, zeros1d, ones)
    out = _tc_layer(h, sums2[0], sums2[1], d0, d1,
                    W_neigh2.T, W_self2.T, b_self2.reshape(1, D), False)
    return out[:N]

# --- scband reference (transcript-rebuilt; emitter-appended) ---
"""Pipeline reference for scband-sagemulti-switch-model-83408264888625 (READ-ONLY COPY).

The authoritative reference and input builder live on the scoring server;
editing this copy changes nothing except your own understanding.
"""

import jax, jax.numpy as jnp
import numpy as np

N = 10000
E = 320000
D = 128


def _glorot(key, shape, gain=1.4142135623730951):
    fan_in, fan_out = shape[1], shape[0]
    limit = gain * np.sqrt(6.0 / (fan_in + fan_out))
    return jax.random.uniform(key, shape, dtype=jnp.float32, minval=-limit, maxval=limit)


def setup_inputs(seed: int = 0) -> dict:
    key = jax.random.key(seed)
    ks = jax.random.split(key, 8)
    x = jax.random.normal(ks[0], (N, D), dtype=jnp.float32)
    edge_index = jax.random.randint(ks[1], (2, E), 0, N, dtype=jnp.int32)
    W_neigh1 = _glorot(ks[2], (D, D))
    W_self1 = _glorot(ks[3], (D, D))
    b_self1 = jnp.zeros((D,), dtype=jnp.float32)
    W_neigh2 = _glorot(ks[4], (D, D))
    W_self2 = _glorot(ks[5], (D, D))
    b_self2 = jnp.zeros((D,), dtype=jnp.float32)
    return {"x": x, "edge_index": edge_index,
            "W_neigh1": W_neigh1, "W_self1": W_self1, "b_self1": b_self1,
            "W_neigh2": W_neigh2, "W_self2": W_self2, "b_self2": b_self2}


def _sage_layer(h, src, dst, W_neigh, W_self, b_self, apply_act):
    # DGL SAGEConv 'mean' aggregator, lin_before_mp is False (in == out feats)
    msgs = jnp.take(h, src, axis=0)                       # gather src features per edge
    summed = jax.ops.segment_sum(msgs, dst, num_segments=N)
    deg = jax.ops.segment_sum(jnp.ones((E,), h.dtype), dst, num_segments=N)
    # fn.mean: nodes with zero in-degree receive 0 neighbor feature
    neigh = summed / jnp.clip(deg, 1.0)[:, None]
    h_neigh = neigh @ W_neigh.T
    rst = h @ W_self.T + b_self + h_neigh
    if apply_act:
        rst = jax.nn.relu(rst)
    return rst


def reference(x, edge_index, W_neigh1, W_self1, b_self1, W_neigh2, W_self2, b_self2):
    src = edge_index[0]
    dst = edge_index[1]
    # layer 1: in_dim -> num_hidden, relu activation
    h = _sage_layer(x, src, dst, W_neigh1, W_self1, b_self1, True)
    # layer 2 (last, encoding=False): num_hidden -> out_dim, no activation/norm
    out = _sage_layer(h, src, dst, W_neigh2, W_self2, b_self2, False)
    return out

if __name__ == "__main__":
    import jax
    _d = setup_inputs()
    print(jax.jit(kernel)(*tuple(_d.values())))

</pallas_src>

<mosaic_0001>
#map = affine_map<(d0, d1) -> (0, 0)>
#map1 = affine_map<(d0, d1) -> (0)>
#map2 = affine_map<(d0, d1) -> (0, 0, 0)>
module attributes {stable_mosaic.version = 14 : i64} {
  func.func @body(%arg0: i32, %arg1: i32, %arg2: memref<10240x128xf32, #tpu.memory_space<hbm>>, %arg3: memref<2560x128xi32, #tpu.memory_space<hbm>>, %arg4: memref<2560x128xi32, #tpu.memory_space<hbm>>, %arg5: memref<640x128xf32, #tpu.memory_space<hbm>>, %arg6: memref<640xf32, #tpu.memory_space<hbm>>, %arg7: memref<128xf32, #tpu.memory_space<hbm>>, %arg8: memref<2x10240x128xf32, #tpu.memory_space<hbm>>, %arg9: memref<2x10240xf32, #tpu.memory_space<hbm>>, %arg10: memref<16x128xi32, #tpu.memory_space<vmem>>, %arg11: memref<16x128xi32, #tpu.memory_space<vmem>>, %arg12: memref<2x128x128xf32, #tpu.memory_space<vmem>>, %arg13: memref<128xf32, #tpu.memory_space<vmem>>, %arg14: memref<10368x128xf32, #tpu.memory_space<vmem_shared>>, %arg15: memref<10368xf32, #tpu.memory_space<vmem_shared>>, %arg16: memref<!tpu.dma_semaphore, #tpu.memory_space<semaphore_mem>>, %arg17: memref<!tpu.dma_semaphore, #tpu.memory_space<semaphore_mem>>, %arg18: memref<!tpu.dma_semaphore, #tpu.memory_space<semaphore_mem>>) attributes {dimension_semantics = [#tpu.dimension_semantics<core_parallel>, #tpu.dimension_semantics<subcore_parallel>], iteration_bounds = array<i64: 2, 16>, scalar_prefetch = 0 : i64, scratch_operands = 9 : i64, tpu.core_type = #tpu.core_type<sc_vector_subcore>, window_params = [{transform_indices = #map}, {transform_indices = #map}, {transform_indices = #map}, {transform_indices = #map}, {transform_indices = #map1}, {transform_indices = #map1}, {transform_indices = #map2}, {transform_indices = #map}]} {
    %mul3A = arith.constant 2 : i32
    %mul3A_0 = arith.muli %arg1, %mul3A : i32
    %add3A = arith.addi %mul3A_0, %arg0 : i32
    %mul3A_1 = arith.constant 640 : i32
    %mul3A_2 = arith.muli %arg1, %mul3A_1 : i32
    "tpu.region"() ({
      %run_scoped3A = tpu.sem_alloc : memref<!tpu.dma_semaphore, #tpu.memory_space<semaphore_mem>>
      %dma_start3A = arith.constant 0 : i32
      %dma_start3A_21 = tpu.memref_slice %arg14[%mul3A_2, %dma_start3A] : memref<10368x128xf32, #tpu.memory_space<vmem_shared>> -> memref<640x128xf32, #tpu.memory_space<vmem_shared>>
      tpu.enqueue_dma source(%arg5 : memref<640x128xf32, #tpu.memory_space<hbm>>) target(%dma_start3A_21 : memref<640x128xf32, #tpu.memory_space<vmem_shared>>) target_semaphore(%run_scoped3A : memref<!tpu.dma_semaphore, #tpu.memory_space<semaphore_mem>>)
      %dma_wait3A = arith.constant 0 : i32
      %dma_wait3A_22 = tpu.memref_slice %arg14[%mul3A_2, %dma_wait3A] : memref<10368x128xf32, #tpu.memory_space<vmem_shared>> -> memref<640x128xf32, #tpu.memory_space<vmem_shared>>
      tpu.wait_dma2 semaphore(%run_scoped3A : memref<!tpu.dma_semaphore, #tpu.memory_space<semaphore_mem>>) src(%arg5 : memref<640x128xf32, #tpu.memory_space<hbm>>) dst(%dma_wait3A_22 : memref<640x128xf32, #tpu.memory_space<vmem_shared>>)
      tpu.yield
    }) : () -> ()
    %mul3A_3 = arith.constant 640 : i32
    %mul3A_4 = arith.muli %arg1, %mul3A_3 : i32
    "tpu.region"() ({
      %run_scoped3A = tpu.sem_alloc : memref<!tpu.dma_semaphore, #tpu.memory_space<semaphore_mem>>
      %dma_start3A = tpu.memref_slice %arg15[%mul3A_4] : memref<10368xf32, #tpu.memory_space<vmem_shared>> -> memref<640xf32, #tpu.memory_space<vmem_shared>>
      tpu.enqueue_dma source(%arg6 : memref<640xf32, #tpu.memory_space<hbm>>) target(%dma_start3A : memref<640xf32, #tpu.memory_space<vmem_shared>>) target_semaphore(%run_scoped3A : memref<!tpu.dma_semaphore, #tpu.memory_space<semaphore_mem>>)
      %dma_wait3A = tpu.memref_slice %arg15[%mul3A_4] : memref<10368xf32, #tpu.memory_space<vmem_shared>> -> memref<640xf32, #tpu.memory_space<vmem_shared>>
      tpu.wait_dma2 semaphore(%run_scoped3A : memref<!tpu.dma_semaphore, #tpu.memory_space<semaphore_mem>>) src(%arg6 : memref<640xf32, #tpu.memory_space<hbm>>) dst(%dma_wait3A : memref<640xf32, #tpu.memory_space<vmem_shared>>)
      tpu.yield
    }) : () -> ()
    "tpu.region"() ({
      %run_scoped3A = tpu.sem_alloc : memref<!tpu.dma_semaphore, #tpu.memory_space<semaphore_mem>>
      tpu.enqueue_dma source(%arg7 : memref<128xf32, #tpu.memory_space<hbm>>) target(%arg13 : memref<128xf32, #tpu.memory_space<vmem>>) target_semaphore(%run_scoped3A : memref<!tpu.dma_semaphore, #tpu.memory_space<semaphore_mem>>)
      tpu.wait_dma2 semaphore(%run_scoped3A : memref<!tpu.dma_semaphore, #tpu.memory_space<semaphore_mem>>) src(%arg7 : memref<128xf32, #tpu.memory_space<hbm>>) dst(%arg13 : memref<128xf32, #tpu.memory_space<vmem>>)
      tpu.yield
    }) : () -> ()
    %barrier3A = arith.constant 0 : index
    tpu.barrier barrier_id(%barrier3A)
    %mul3A_5 = arith.constant 80 : i32
    %mul3A_6 = arith.muli %add3A, %mul3A_5 : i32
    %scan3A = arith.constant 0 : i32
    %scan3A_7 = arith.constant 0 : i32
    %scan3A_8 = arith.constant 5 : i32
    %scan3A_9 = arith.addi %scan3A_7, %scan3A_8 : i32
    %scan3A_10 = arith.constant 1 : i32
    scf.for %scan3A_21 = %scan3A_7 to %scan3A_9 step %scan3A_10  : i32 {
      %mul3A_22 = arith.constant 16 : i32
      %mul3A_23 = arith.muli %scan3A_21, %mul3A_22 : i32
      %add3A_24 = arith.addi %mul3A_6, %mul3A_23 : i32
      "tpu.region"() ({
        %run_scoped3A = tpu.sem_alloc : memref<!tpu.dma_semaphore, #tpu.memory_space<semaphore_mem>>
        %dma_start3A_983 = arith.constant 0 : i32
        %dma_start3A_984 = tpu.memref_slice %arg3[%add3A_24, %dma_start3A_983] : memref<2560x128xi32, #tpu.memory_space<hbm>> -> memref<16x128xi32, #tpu.memory_space<hbm>>
        %dma_start3A_985 = arith.constant 0 : i32
        %dma_start3A_986 = tpu.memref_slice %arg3[%add3A_24, %dma_start3A_985] : memref<2560x128xi32, #tpu.memory_space<hbm>> -> memref<16x128xi32, #tpu.memory_space<hbm>>
        tpu.enqueue_dma source(%dma_start3A_986 : memref<16x128xi32, #tpu.memory_space<hbm>>) target(%arg10 : memref<16x128xi32, #tpu.memory_space<vmem>>) target_semaphore(%run_scoped3A : memref<!tpu.dma_semaphore, #tpu.memory_space<semaphore_mem>>)
        %dma_wait3A_987 = arith.constant 0 : i32
        %dma_wait3A_988 = tpu.memref_slice %arg3[%add3A_24, %dma_wait3A_987] : memref<2560x128xi32, #tpu.memory_space<hbm>> -> memref<16x128xi32, #tpu.memory_space<hbm>>
        %dma_wait3A_989 = arith.constant 0 : i32
        %dma_wait3A_990 = tpu.memref_slice %arg3[%add3A_24, %dma_wait3A_989] : memref<2560x128xi32, #tpu.memory_space<hbm>> -> memref<16x128xi32, #tpu.memory_space<hbm>>
        tpu.wait_dma2 semaphore(%run_scoped3A : memref<!tpu.dma_semaphore, #tpu.memory_space<semaphore_mem>>) src(%dma_wait3A_990 : memref<16x128xi32, #tpu.memory_space<hbm>>) dst(%arg10 : memref<16x128xi32, #tpu.memory_space<vmem>>)
        tpu.yield
      }) : () -> ()
      "tpu.region"() ({
        %run_scoped3A = tpu.sem_alloc : memref<!tpu.dma_semaphore, #tpu.memory_space<semaphore_mem>>
        %dma_start3A_983 = arith.constant 0 : i32
        %dma_start3A_984 = tpu.memref_slice %arg4[%add3A_24, %dma_start3A_983] : memref<2560x128xi32, #tpu.memory_space<hbm>> -> memref<16x128xi32, #tpu.memory_space<hbm>>
        %dma_start3A_985 = arith.constant 0 : i32
        %dma_start3A_986 = tpu.memref_slice %arg4[%add3A_24, %dma_start3A_985] : memref<2560x128xi32, #tpu.memory_space<hbm>> -> memref<16x128xi32, #tpu.memory_space<hbm>>
        tpu.enqueue_dma source(%dma_start3A_986 : memref<16x128xi32, #tpu.memory_space<hbm>>) target(%arg11 : memref<16x128xi32, #tpu.memory_space<vmem>>) target_semaphore(%run_scoped3A : memref<!tpu.dma_semaphore, #tpu.memory_space<semaphore_mem>>)
        %dma_wait3A_987 = arith.constant 0 : i32
        %dma_wait3A_988 = tpu.memref_slice %arg4[%add3A_24, %dma_wait3A_987] : memref<2560x128xi32, #tpu.memory_space<hbm>> -> memref<16x128xi32, #tpu.memory_space<hbm>>
        %dma_wait3A_989 = arith.constant 0 : i32
        %dma_wait3A_990 = tpu.memref_slice %arg4[%add3A_24, %dma_wait3A_989] : memref<2560x128xi32, #tpu.memory_space<hbm>> -> memref<16x128xi32, #tpu.memory_space<hbm>>
        tpu.wait_dma2 semaphore(%run_scoped3A : memref<!tpu.dma_semaphore, #tpu.memory_space<semaphore_mem>>) src(%dma_wait3A_990 : memref<16x128xi32, #tpu.memory_space<hbm>>) dst(%arg11 : memref<16x128xi32, #tpu.memory_space<vmem>>)
        tpu.yield
      }) : () -> ()
      %dma_start3A = arith.constant 0 : i32
      %dma_start3A_25 = arith.constant 0 : i32
      %dma_start3A_26 = arith.constant 0 : i32
      %dma_start3A_27 = arith.constant 0 : i32
      %dma_start3A_28 = tpu.memref_slice %arg12[%dma_start3A_25, %dma_start3A_26, %dma_start3A_27] : memref<2x128x128xf32, #tpu.memory_space<vmem>> -> memref<1x128x128xf32, #tpu.memory_space<vmem>>
      %dma_start3A_29 = tpu.memref_squeeze %dma_start3A_28 : memref<1x128x128xf32, #tpu.memory_space<vmem>> -> memref<128x128xf32, #tpu.memory_space<vmem>>
      %dma_start3A_30 = arith.constant 0 : i32
      %dma_start3A_31 = tpu.memref_slice %arg10[%dma_start3A, %dma_start3A_30] : memref<16x128xi32, #tpu.memory_space<vmem>> -> memref<1x128xi32, #tpu.memory_space<vmem>>
      %dma_start3A_32 = tpu.memref_squeeze %dma_start3A_31 : memref<1x128xi32, #tpu.memory_space<vmem>> -> memref<128xi32, #tpu.memory_space<vmem>>
      %dma_start3A_33 = arith.constant 0 : i32
      %dma_start3A_34 = arith.constant 0 : i32
      %dma_start3A_35 = tpu.memref_slice %arg2[%dma_start3A_33, %dma_start3A_34] : memref<10240x128xf32, #tpu.memory_space<hbm>> -> memref<10240x128xf32, #tpu.memory_space<hbm>>
      tpu.enqueue_indirect_dma source(%dma_start3A_35 : memref<10240x128xf32, #tpu.memory_space<hbm>>) target(%dma_start3A_29 : memref<128x128xf32, #tpu.memory_space<vmem>>) offsets(%dma_start3A_32 : memref<128xi32, #tpu.memory_space<vmem>>) semaphore(%arg16 : memref<!tpu.dma_semaphore, #tpu.memory_space<semaphore_mem>>)
      %dma_wait3A = arith.constant 0 : i32
      %dma_wait3A_36 = arith.constant 0 : i32
      %dma_wait3A_37 = arith.constant 0 : i32
      %dma_wait3A_38 = arith.constant 0 : i32
      %dma_wait3A_39 = tpu.memref_slice %arg12[%dma_wait3A_36, %dma_wait3A_37, %dma_wait3A_38] : memref<2x128x128xf32, #tpu.memory_space<vmem>> -> memref<1x128x128xf32, #tpu.memory_space<vmem>>
      %dma_wait3A_40 = tpu.memref_squeeze %dma_wait3A_39 : memref<1x128x128xf32, #tpu.memory_space<vmem>> -> memref<128x128xf32, #tpu.memory_space<vmem>>
      %dma_wait3A_41 = arith.constant 0 : i32
      %dma_wait3A_42 = tpu.memref_slice %arg10[%dma_wait3A, %dma_wait3A_41] : memref<16x128xi32, #tpu.memory_space<vmem>> -> memref<1x128xi32, #tpu.memory_space<vmem>>
      %dma_wait3A_43 = tpu.memref_squeeze %dma_wait3A_42 : memref<1x128xi32, #tpu.memory_space<vmem>> -> memref<128xi32, #tpu.memory_space<vmem>>
      %dma_wait3A_44 = arith.constant 0 : i32
      %dma_wait3A_45 = arith.constant 0 : i32
      %dma_wait3A_46 = tpu.memref_slice %arg2[%dma_wait3A_44, %dma_wait3A_45] : memref<10240x128xf32, #tpu.memory_space<hbm>> -> memref<10240x128xf32, #tpu.memory_space<hbm>>
      tpu.wait_indirect_dma semaphore(%arg16 : memref<!tpu.dma_semaphore, #tpu.memory_space<semaphore_mem>>) src(%dma_wait3A_46 : memref<10240x128xf32, #tpu.memory_space<hbm>>) dst(%dma_wait3A_40 : memref<128x128xf32, #tpu.memory_space<vmem>>)
      %dma_start3A_47 = arith.constant 0 : i32
      %dma_start3A_48 = arith.constant 0 : i32
      %dma_start3A_49 = arith.constant 0 : i32
      %dma_start3A_50 = arith.constant 0 : i32
      %dma_start3A_51 = tpu.memref_slice %arg12[%dma_start3A_47, %dma_start3A_49, %dma_start3A_50] : memref<2x128x128xf32, #tpu.memory_space<vmem>> -> memref<1x128x128xf32, #tpu.memory_space<vmem>>
      %dma_start3A_52 = tpu.memref_squeeze %dma_start3A_51 : memref<1x128x128xf32, #tpu.memory_space<vmem>> -> memref<128x128xf32, #tpu.memory_space<vmem>>
      %dma_start3A_53 = arith.constant 0 : i32
      %dma_start3A_54 = tpu.memref_slice %arg11[%dma_start3A_48, %dma_start3A_53] : memref<16x128xi32, #tpu.memory_space<vmem>> -> memref<1x128xi32, #tpu.memory_space<vmem>>
      %dma_start3A_55 = tpu.memref_squeeze %dma_start3A_54 : memref<1x128xi32, #tpu.memory_space<vmem>> -> memref<128xi32, #tpu.memory_space<vmem>>
      %dma_start3A_56 = arith.constant 0 : i32
      %dma_start3A_57 = arith.constant 0 : i32
      %dma_start3A_58 = tpu.memref_slice %arg14[%dma_start3A_56, %dma_start3A_57] : memref<10368x128xf32, #tpu.memory_space<vmem_shared>> -> memref<10368x128xf32, #tpu.memory_space<vmem_shared>>
      tpu.enqueue_indirect_dma source(%dma_start3A_52 : memref<128x128xf32, #tpu.memory_space<vmem>>) target(%dma_start3A_58 : memref<10368x128xf32, #tpu.memory_space<vmem_shared>>) offsets(%dma_start3A_55 : memref<128xi32, #tpu.memory_space<vmem>>) semaphore(%arg17 : memref<!tpu.dma_semaphore, #tpu.memory_space<semaphore_mem>>) {add = true}
      %dma_start3A_59 = arith.constant 0 : i32
      %dma_start3A_60 = arith.constant 0 : i32
      %dma_start3A_61 = tpu.memref_slice %arg11[%dma_start3A_59, %dma_start3A_60] : memref<16x128xi32, #tpu.memory_space<vmem>> -> memref<1x128xi32, #tpu.memory_space<vmem>>
      %dma_start3A_62 = tpu.memref_squeeze %dma_start3A_61 : memref<1x128xi32, #tpu.memory_space<vmem>> -> memref<128xi32, #tpu.memory_space<vmem>>
      %dma_start3A_63 = arith.constant 0 : i32
      %dma_start3A_64 = tpu.memref_slice %arg15[%dma_start3A_63] : memref<10368xf32, #tpu.memory_space<vmem_shared>> -> memref<10368xf32, #tpu.memory_space<vmem_shared>>
      tpu.enqueue_indirect_dma source(%arg13 : memref<128xf32, #tpu.memory_space<vmem>>) target(%dma_start3A_64 : memref<10368xf32, #tpu.memory_space<vmem_shared>>) offsets(%dma_start3A_62 : memref<128xi32, #tpu.memory_space<vmem>>) semaphore(%arg18 : memref<!tpu.dma_semaphore, #tpu.memory_space<semaphore_mem>>) {add = true}
      %dma_start3A_65 = arith.constant 1 : i32
      %dma_start3A_66 = arith.constant 1 : i32
      %dma_start3A_67 = arith.constant 0 : i32
      %dma_start3A_68 = arith.constant 0 : i32
      %dma_start3A_69 = tpu.memref_slice %arg12[%dma_start3A_66, %dma_start3A_67, %dma_start3A_68] : memref<2x128x128xf32, #tpu.memory_space<vmem>> -> memref<1x128x128xf32, #tpu.memory_space<vmem>>
      %dma_start3A_70 = tpu.memref_squeeze %dma_start3A_69 : memref<1x128x128xf32, #tpu.memory_space<vmem>> -> memref<128x128xf32, #tpu.memory_space<vmem>>
      %dma_start3A_71 = arith.constant 0 : i32
      %dma_start3A_72 = tpu.memref_slice %arg10[%dma_start3A_65, %dma_start3A_71] : memref<16x128xi32, #tpu.memory_space<vmem>> -> memref<1x128xi32, #tpu.memory_space<vmem>>
      %dma_start3A_73 = tpu.memref_squeeze %dma_start3A_72 : memref<1x128xi32, #tpu.memory_space<vmem>> -> memref<128xi32, #tpu.memory_space<vmem>>
      %dma_start3A_74 = arith.constant 0 : i32
      %dma_start3A_75 = arith.constant 0 : i32
      %dma_start3A_76 = tpu.memref_slice %arg2[%dma_start3A_74, %dma_start3A_75] : memref<10240x128xf32, #tpu.memory_space<hbm>> -> memref<10240x128xf32, #tpu.memory_space<hbm>>
      tpu.enqueue_indirect_dma source(%dma_start3A_76 : memref<10240x128xf32, #tpu.memory_space<hbm>>) target(%dma_start3A_70 : memref<128x128xf32, #tpu.memory_space<vmem>>) offsets(%dma_start3A_73 : memref<128xi32, #tpu.memory_space<vmem>>) semaphore(%arg16 : memref<!tpu.dma_semaphore, #tpu.memory_space<semaphore_mem>>)
      %dma_wait3A_77 = arith.constant 1 : i32
      %dma_wait3A_78 = arith.constant 1 : i32
      %dma_wait3A_79 = arith.constant 0 : i32
      %dma_wait3A_80 = arith.constant 0 : i32
      %dma_wait3A_81 = tpu.memref_slice %arg12[%dma_wait3A_78, %dma_wait3A_79, %dma_wait3A_80] : memref<2x128x128xf32, #tpu.memory_space<vmem>> -> memref<1x128x128xf32, #tpu.memory_space<vmem>>
      %dma_wait3A_82 = tpu.memref_squeeze %dma_wait3A_81 : memref<1x128x128xf32, #tpu.memory_space<vmem>> -> memref<128x128xf32, #tpu.memory_space<vmem>>
      %dma_wait3A_83 = arith.constant 0 : i32
      %dma_wait3A_84 = tpu.memref_slice %arg10[%dma_wait3A_77, %dma_wait3A_83] : memref<16x128xi32, #tpu.memory_space<vmem>> -> memref<1x128xi32, #tpu.memory_space<vmem>>
      %dma_wait3A_85 = tpu.memref_squeeze %dma_wait3A_84 : memref<1x128xi32, #tpu.memory_space<vmem>> -> memref<128xi32, #tpu.memory_space<vmem>>
      %dma_wait3A_86 = arith.constant 0 : i32
      %dma_wait3A_87 = arith.constant 0 : i32
      %dma_wait3A_88 = tpu.memref_slice %arg2[%dma_wait3A_86, %dma_wait3A_87] : memref<10240x128xf32, #tpu.memory_space<hbm>> -> memref<10240x128xf32, #tpu.memory_space<hbm>>
      tpu.wait_indirect_dma semaphore(%arg16 : memref<!tpu.dma_semaphore, #tpu.memory_space<semaphore_mem>>) src(%dma_wait3A_88 : memref<10240x128xf32, #tpu.memory_space<hbm>>) dst(%dma_wait3A_82 : memref<128x128xf32, #tpu.memory_space<vmem>>)
      %dma_start3A_89 = arith.constant 1 : i32
      %dma_start3A_90 = arith.constant 1 : i32
      %dma_start3A_91 = arith.constant 0 : i32
      %dma_start3A_92 = arith.constant 0 : i32
      %dma_start3A_93 = tpu.memref_slice %arg12[%dma_start3A_89, %dma_start3A_91, %dma_start3A_92] : memref<2x128x128xf32, #tpu.memory_space<vmem>> -> memref<1x128x128xf32, #tpu.memory_space<vmem>>
      %dma_start3A_94 = tpu.memref_squeeze %dma_start3A_93 : memref<1x128x128xf32, #tpu.memory_space<vmem>> -> memref<128x128xf32, #tpu.memory_space<vmem>>
      %dma_start3A_95 = arith.constant 0 : i32
      %dma_start3A_96 = tpu.memref_slice %arg11[%dma_start3A_90, %dma_start3A_95] : memref<16x128xi32, #tpu.memory_space<vmem>> -> memref<1x128xi32, #tpu.memory_space<vmem>>
      %dma_start3A_97 = tpu.memref_squeeze %dma_start3A_96 : memref<1x128xi32, #tpu.memory_space<vmem>> -> memref<128xi32, #tpu.memory_space<vmem>>
      %dma_start3A_98 = arith.constant 0 : i32
      %dma_start3A_99 = arith.constant 0 : i32
      %dma_start3A_100 = tpu.memref_slice %arg14[%dma_start3A_98, %dma_start3A_99] : memref<10368x128xf32, #tpu.memory_space<vmem_shared>> -> memref<10368x128xf32, #tpu.memory_space<vmem_shared>>
      tpu.enqueue_indirect_dma source(%dma_start3A_94 : memref<128x128xf32, #tpu.memory_space<vmem>>) target(%dma_start3A_100 : memref<10368x128xf32, #tpu.memory_space<vmem_shared>>) offsets(%dma_start3A_97 : memref<128xi32, #tpu.memory_space<vmem>>) semaphore(%arg17 : memref<!tpu.dma_semaphore, #tpu.memory_space<semaphore_mem>>) {add = true}
      %dma_start3A_101 = arith.constant 1 : i32
      %dma_start3A_102 = arith.constant 0 : i32
      %dma_start3A_103 = tpu.memref_slice %arg11[%dma_start3A_101, %dma_start3A_102] : memref<16x128xi32, #tpu.memory_space<vmem>> -> memref<1x128xi32, #tpu.memory_space<vmem>>
      %dma_start3A_104 = tpu.memref_squeeze %dma_start3A_103 : memref<1x128xi32, #tpu.memory_space<vmem>> -> memref<128xi32, #tpu.memory_space<vmem>>
      %dma_start3A_105 = arith.constant 0 : i32
      %dma_start3A_106 = tpu.memref_slice %arg15[%dma_start3A_105] : memref<10368xf32, #tpu.memory_space<vmem_shared>> -> memref<10368xf32, #tpu.memory_space<vmem_shared>>
      tpu.enqueue_indirect_dma source(%arg13 : memref<128xf32, #tpu.memory_space<vmem>>) target(%dma_start3A_106 : memref<10368xf32, #tpu.memory_space<vmem_shared>>) offsets(%dma_start3A_104 : memref<128xi32, #tpu.memory_space<vmem>>) semaphore(%arg18 : memref<!tpu.dma_semaphore, #tpu.memory_space<semaphore_mem>>) {add = true}
      %dma_wait3A_107 = arith.constant 0 : i32
      %dma_wait3A_108 = arith.constant 0 : i32
      %dma_wait3A_109 = arith.constant 0 : i32
      %dma_wait3A_110 = arith.constant 0 : i32
      %dma_wait3A_111 = tpu.memref_slice %arg12[%dma_wait3A_107, %dma_wait3A_109, %dma_wait3A_110] : memref<2x128x128xf32, #tpu.memory_space<vmem>> -> memref<1x128x128xf32, #tpu.memory_space<vmem>>
      %dma_wait3A_112 = tpu.memref_squeeze %dma_wait3A_111 : memref<1x128x128xf32, #tpu.memory_space<vmem>> -> memref<128x128xf32, #tpu.memory_space<vmem>>
      %dma_wait3A_113 = arith.constant 0 : i32
      %dma_wait3A_114 = tpu.memref_slice %arg11[%dma_wait3A_108, %dma_wait3A_113] : memref<16x128xi32, #tpu.memory_space<vmem>> -> memref<1x128xi32, #tpu.memory_space<vmem>>
      %dma_wait3A_115 = tpu.memref_squeeze %dma_wait3A_114 : memref<1x128xi32, #tpu.memory_space<vmem>> -> memref<128xi32, #tpu.memory_space<vmem>>
      %dma_wait3A_116 = arith.constant 0 : i32
      %dma_wait3A_117 = arith.constant 0 : i32
      %dma_wait3A_118 = tpu.memref_slice %arg14[%dma_wait3A_116, %dma_wait3A_117] : memref<10368x128xf32, #tpu.memory_space<vmem_shared>> -> memref<10368x128xf32, #tpu.memory_space<vmem_shared>>
      tpu.wait_indirect_dma semaphore(%arg17 : memref<!tpu.dma_semaphore, #tpu.memory_space<semaphore_mem>>) src(%dma_wait3A_112 : memref<128x128xf32, #tpu.memory_space<vmem>>) dst(%dma_wait3A_118 : memref<10368x128xf32, #tpu.memory_space<vmem_shared>>)
      %dma_start3A_119 = arith.constant 2 : i32
      %dma_start3A_120 = arith.constant 0 : i32
      %dma_start3A_121 = arith.constant 0 : i32
      %dma_start3A_122 = arith.constant 0 : i32
      %dma_start3A_123 = tpu.memref_slice %arg12[%dma_start3A_120, %dma_start3A_121, %dma_start3A_122] : memref<2x128x128xf32, #tpu.memory_space<vmem>> -> memref<1x128x128xf32, #tpu.memory_space<vmem>>
      %dma_start3A_124 = tpu.memref_squeeze %dma_start3A_123 : memref<1x128x128xf32, #tpu.memory_space<vmem>> -> memref<128x128xf32, #tpu.memory_space<vmem>>
      %dma_start3A_125 = arith.constant 0 : i32
      %dma_start3A_126 = tpu.memref_slice %arg10[%dma_start3A_119, %dma_start3A_125] : memref<16x128xi32, #tpu.memory_space<vmem>> -> memref<1x128xi32, #tpu.memory_space<vmem>>
      %dma_start3A_127 = tpu.memref_squeeze %dma_start3A_126 : memref<1x128xi32, #tpu.memory_space<vmem>> -> memref<128xi32, #tpu.memory_space<vmem>>
      %dma_start3A_128 = arith.constant 0 : i32
      %dma_start3A_129 = arith.constant 0 : i32
      %dma_start3A_130 = tpu.memref_slice %arg2[%dma_start3A_128, %dma_start3A_129] : memref<10240x128xf32, #tpu.memory_space<hbm>> -> memref<10240x128xf32, #tpu.memory_space<hbm>>
      tpu.enqueue_indirect_dma source(%dma_start3A_130 : memref<10240x128xf32, #tpu.memory_space<hbm>>) target(%dma_start3A_124 : memref<128x128xf32, #tpu.memory_space<vmem>>) offsets(%dma_start3A_127 : memref<128xi32, #tpu.memory_space<vmem>>) semaphore(%arg16 : memref<!tpu.dma_semaphore, #tpu.memory_space<semaphore_mem>>)
      %dma_wait3A_131 = arith.constant 2 : i32
      %dma_wait3A_132 = arith.constant 0 : i32
      %dma_wait3A_133 = arith.constant 0 : i32
      %dma_wait3A_134 = arith.constant 0 : i32
      %dma_wait3A_135 = tpu.memref_slice %arg12[%dma_wait3A_132, %dma_wait3A_133, %dma_wait3A_134] : memref<2x128x128xf32, #tpu.memory_space<vmem>> -> memref<1x128x128xf32, #tpu.memory_space<vmem>>
      %dma_wait3A_136 = tpu.memref_squeeze %dma_wait3A_135 : memref<1x128x128xf32, #tpu.memory_space<vmem>> -> memref<128x128xf32, #tpu.memory_space<vmem>>
      %dma_wait3A_137 = arith.constant 0 : i32
      %dma_wait3A_138 = tpu.memref_slice %arg10[%dma_wait3A_131, %dma_wait3A_137] : memref<16x128xi32, #tpu.memory_space<vmem>> -> memref<1x128xi32, #tpu.memory_space<vmem>>
      %dma_wait3A_139 = tpu.memref_squeeze %dma_wait3A_138 : memref<1x128xi32, #tpu.memory_space<vmem>> -> memref<128xi32, #tpu.memory_space<vmem>>
      %dma_wait3A_140 = arith.constant 0 : i32
      %dma_wait3A_141 = arith.constant 0 : i32
      %dma_wait3A_142 = tpu.memref_slice %arg2[%dma_wait3A_140, %dma_wait3A_141] : memref<10240x128xf32, #tpu.memory_space<hbm>> -> memref<10240x128xf32, #tpu.memory_space<hbm>>
      tpu.wait_indirect_dma semaphore(%arg16 : memref<!tpu.dma_semaphore, #tpu.memory_space<semaphore_mem>>) src(%dma_wait3A_142 : memref<10240x128xf32, #tpu.memory_space<hbm>>) dst(%dma_wait3A_136 : memref<128x128xf32, #tpu.memory_space<vmem>>)
      %dma_start3A_143 = arith.constant 0 : i32
      %dma_start3A_144 = arith.constant 2 : i32
      %dma_start3A_145 = arith.constant 0 : i32
      %dma_start3A_146 = arith.constant 0 : i32
      %dma_start3A_147 = tpu.memref_slice %arg12[%dma_start3A_143, %dma_start3A_145, %dma_start3A_146] : memref<2x128x128xf32, #tpu.memory_space<vmem>> -> memref<1x128x128xf32, #tpu.memory_space<vmem>>
      %dma_start3A_148 = tpu.memref_squeeze %dma_start3A_147 : memref<1x128x128xf32, #tpu.memory_space<vmem>> -> memref<128x128xf32, #tpu.memory_space<vmem>>
      %dma_start3A_149 = arith.constant 0 : i32
      %dma_start3A_150 = tpu.memref_slice %arg11[%dma_start3A_144, %dma_start3A_149] : memref<16x128xi32, #tpu.memory_space<vmem>> -> memref<1x128xi32, #tpu.memory_space<vmem>>
      %dma_start3A_151 = tpu.memref_squeeze %dma_start3A_150 : memref<1x128xi32, #tpu.memory_space<vmem>> -> memref<128xi32, #tpu.memory_space<vmem>>
      %dma_start3A_152 = arith.constant 0 : i32
      %dma_start3A_153 = arith.constant 0 : i32
      %dma_start3A_154 = tpu.memref_slice %arg14[%dma_start3A_152, %dma_start3A_153] : memref<10368x128xf32, #tpu.memory_space<vmem_shared>> -> memref<10368x128xf32, #tpu.memory_space<vmem_shared>>
      tpu.enqueue_indirect_dma source(%dma_start3A_148 : memref<128x128xf32, #tpu.memory_space<vmem>>) target(%dma_start3A_154 : memref<10368x128xf32, #tpu.memory_space<vmem_shared>>) offsets(%dma_start3A_151 : memref<128xi32, #tpu.memory_space<vmem>>) semaphore(%arg17 : memref<!tpu.dma_semaphore, #tpu.memory_space<semaphore_mem>>) {add = true}
      %dma_start3A_155 = arith.constant 2 : i32
      %dma_start3A_156 = arith.constant 0 : i32
      %dma_start3A_157 = tpu.memref_slice %arg11[%dma_start3A_155, %dma_start3A_156] : memref<16x128xi32, #tpu.memory_space<vmem>> -> memref<1x128xi32, #tpu.memory_space<vmem>>
      %dma_start3A_158 = tpu.memref_squeeze %dma_start3A_157 : memref<1x128xi32, #tpu.memory_space<vmem>> -> memref<128xi32, #tpu.memory_space<vmem>>
      %dma_start3A_159 = arith.constant 0 : i32
      %dma_start3A_160 = tpu.memref_slice %arg15[%dma_start3A_159] : memref<10368xf32, #tpu.memory_space<vmem_shared>> -> memref<10368xf32, #tpu.memory_space<vmem_shared>>
      tpu.enqueue_indirect_dma source(%arg13 : memref<128xf32, #tpu.memory_space<vmem>>) target(%dma_start3A_160 : memref<10368xf32, #tpu.memory_space<vmem_shared>>) offsets(%dma_start3A_158 : memref<128xi32, #tpu.memory_space<vmem>>) semaphore(%arg18 : memref<!tpu.dma_semaphore, #tpu.memory_space<semaphore_mem>>) {add = true}
      %dma_wait3A_161 = arith.constant 1 : i32
      %dma_wait3A_162 = arith.constant 1 : i32
      %dma_wait3A_163 = arith.constant 0 : i32
      %dma_wait3A_164 = arith.constant 0 : i32
      %dma_wait3A_165 = tpu.memref_slice %arg12[%dma_wait3A_161, %dma_wait3A_163, %dma_wait3A_164] : memref<2x128x128xf32, #tpu.memory_space<vmem>> -> memref<1x128x128xf32, #tpu.memory_space<vmem>>
      %dma_wait3A_166 = tpu.memref_squeeze %dma_wait3A_165 : memref<1x128x128xf32, #tpu.memory_space<vmem>> -> memref<128x128xf32, #tpu.memory_space<vmem>>
      %dma_wait3A_167 = arith.constant 0 : i32
      %dma_wait3A_168 = tpu.memref_slice %arg11[%dma_wait3A_162, %dma_wait3A_167] : memref<16x128xi32, #tpu.memory_space<vmem>> -> memref<1x128xi32, #tpu.memory_space<vmem>>
      %dma_wait3A_169 = tpu.memref_squeeze %dma_wait3A_168 : memref<1x128xi32, #tpu.memory_space<vmem>> -> memref<128xi32, #tpu.memory_space<vmem>>
      %dma_wait3A_170 = arith.constant 0 : i32
      %dma_wait3A_171 = arith.constant 0 : i32
      %dma_wait3A_172 = tpu.memref_slice %arg14[%dma_wait3A_170, %dma_wait3A_171] : memref<10368x128xf32, #tpu.memory_space<vmem_shared>> -> memref<10368x128xf32, #tpu.memory_space<vmem_shared>>
      tpu.wait_indirect_dma semaphore(%arg17 : memref<!tpu.dma_semaphore, #tpu.memory_space<semaphore_mem>>) src(%dma_wait3A_166 : memref<128x128xf32, #tpu.memory_space<vmem>>) dst(%dma_wait3A_172 : memref<10368x128xf32, #tpu.memory_space<vmem_shared>>)
      %dma_start3A_173 = arith.constant 3 : i32
      %dma_start3A_174 = arith.constant 1 : i32
      %dma_start3A_175 = arith.constant 0 : i32
      %dma_start3A_176 = arith.constant 0 : i32
      %dma_start3A_177 = tpu.memref_slice %arg12[%dma_start3A_174, %dma_start3A_175, %dma_start3A_176] : memref<2x128x128xf32, #tpu.memory_space<vmem>> -> memref<1x128x128xf32, #tpu.memory_space<vmem>>
      %dma_start3A_178 = tpu.memref_squeeze %dma_start3A_177 : memref<1x128x128xf32, #tpu.memory_space<vmem>> -> memref<128x128xf32, #tpu.memory_space<vmem>>
      %dma_start3A_179 = arith.constant 0 : i32
      %dma_start3A_180 = tpu.memref_slice %arg10[%dma_start3A_173, %dma_start3A_179] : memref<16x128xi32, #tpu.memory_space<vmem>> -> memref<1x128xi32, #tpu.memory_space<vmem>>
      %dma_start3A_181 = tpu.memref_squeeze %dma_start3A_180 : memref<1x128xi32, #tpu.memory_space<vmem>> -> memref<128xi32, #tpu.memory_space<vmem>>
      %dma_start3A_182 = arith.constant 0 : i32
      %dma_start3A_183 = arith.constant 0 : i32
      %dma_start3A_184 = tpu.memref_slice %arg2[%dma_start3A_182, %dma_start3A_183] : memref<10240x128xf32, #tpu.memory_space<hbm>> -> memref<10240x128xf32, #tpu.memory_space<hbm>>
      tpu.enqueue_indirect_dma source(%dma_start3A_184 : memref<10240x128xf32, #tpu.memory_space<hbm>>) target(%dma_start3A_178 : memref<128x128xf32, #tpu.memory_space<vmem>>) offsets(%dma_start3A_181 : memref<128xi32, #tpu.memory_space<vmem>>) semaphore(%arg16 : memref<!tpu.dma_semaphore, #tpu.memory_space<semaphore_mem>>)
      %dma_wait3A_185 = arith.constant 3 : i32
      %dma_wait3A_186 = arith.constant 1 : i32
      %dma_wait3A_187 = arith.constant 0 : i32
      %dma_wait3A_188 = arith.constant 0 : i32
      %dma_wait3A_189 = tpu.memref_slice %arg12[%dma_wait3A_186, %dma_wait3A_187, %dma_wait3A_188] : memref<2x128x128xf32, #tpu.memory_space<vmem>> -> memref<1x128x128xf32, #tpu.memory_space<vmem>>
      %dma_wait3A_190 = tpu.memref_squeeze %dma_wait3A_189 : memref<1x128x128xf32, #tpu.memory_space<vmem>> -> memref<128x128xf32, #tpu.memory_space<vmem>>
      %dma_wait3A_191 = arith.constant 0 : i32
      %dma_wait3A_192 = tpu.memref_slice %arg10[%dma_wait3A_185, %dma_wait3A_191] : memref<16x128xi32, #tpu.memory_space<vmem>> -> memref<1x128xi32, #tpu.memory_space<vmem>>
      %dma_wait3A_193 = tpu.memref_squeeze %dma_wait3A_192 : memref<1x128xi32, #tpu.memory_space<vmem>> -> memref<128xi32, #tpu.memory_space<vmem>>
      %dma_wait3A_194 = arith.constant 0 : i32
      %dma_wait3A_195 = arith.constant 0 : i32
      %dma_wait3A_196 = tpu.memref_slice %arg2[%dma_wait3A_194, %dma_wait3A_195] : memref<10240x128xf32, #tpu.memory_space<hbm>> -> memref<10240x128xf32, #tpu.memory_space<hbm>>
      tpu.wait_indirect_dma semaphore(%arg16 : memref<!tpu.dma_semaphore, #tpu.memory_space<semaphore_mem>>) src(%dma_wait3A_196 : memref<10240x128xf32, #tpu.memory_space<hbm>>) dst(%dma_wait3A_190 : memref<128x128xf32, #tpu.memory_space<vmem>>)
      %dma_start3A_197 = arith.constant 1 : i32
      %dma_start3A_198 = arith.constant 3 : i32
      %dma_start3A_199 = arith.constant 0 : i32
      %dma_start3A_200 = arith.constant 0 : i32
      %dma_start3A_201 = tpu.memref_slice %arg12[%dma_start3A_197, %dma_start3A_199, %dma_start3A_200] : memref<2x128x128xf32, #tpu.memory_space<vmem>> -> memref<1x128x128xf32, #tpu.memory_space<vmem>>
      %dma_start3A_202 = tpu.memref_squeeze %dma_start3A_201 : memref<1x128x128xf32, #tpu.memory_space<vmem>> -> memref<128x128xf32, #tpu.memory_space<vmem>>
      %dma_start3A_203 = arith.constant 0 : i32
      %dma_start3A_204 = tpu.memref_slice %arg11[%dma_start3A_198, %dma_start3A_203] : memref<16x128xi32, #tpu.memory_space<vmem>> -> memref<1x128xi32, #tpu.memory_space<vmem>>
      %dma_start3A_205 = tpu.memref_squeeze %dma_start3A_204 : memref<1x128xi32, #tpu.memory_space<vmem>> -> memref<128xi32, #tpu.memory_space<vmem>>
      %dma_start3A_206 = arith.constant 0 : i32
      %dma_start3A_207 = arith.constant 0 : i32
      %dma_start3A_208 = tpu.memref_slice %arg14[%dma_start3A_206, %dma_start3A_207] : memref<10368x128xf32, #tpu.memory_space<vmem_shared>> -> memref<10368x128xf32, #tpu.memory_space<vmem_shared>>
      tpu.enqueue_indirect_dma source(%dma_start3A_202 : memref<128x128xf32, #tpu.memory_space<vmem>>) target(%dma_start3A_208 : memref<10368x128xf32, #tpu.memory_space<vmem_shared>>) offsets(%dma_start3A_205 : memref<128xi32, #tpu.memory_space<vmem>>) semaphore(%arg17 : memref<!tpu.dma_semaphore, #tpu.memory_space<semaphore_mem>>) {add = true}
      %dma_start3A_209 = arith.constant 3 : i32
      %dma_start3A_210 = arith.constant 0 : i32
      %dma_start3A_211 = tpu.memref_slice %arg11[%dma_start3A_209, %dma_start3A_210] : memref<16x128xi32, #tpu.memory_space<vmem>> -> memref<1x128xi32, #tpu.memory_space<vmem>>
      %dma_start3A_212 = tpu.memref_squeeze %dma_start3A_211 : memref<1x128xi32, #tpu.memory_space<vmem>> -> memref<128xi32, #tpu.memory_space<vmem>>
      %dma_start3A_213 = arith.constant 0 : i32
      %dma_start3A_214 = tpu.memref_slice %arg15[%dma_start3A_213] : memref<10368xf32, #tpu.memory_space<vmem_shared>> -> memref<10368xf32, #tpu.memory_space<vmem_shared>>
      tpu.enqueue_indirect_dma source(%arg13 : memref<128xf32, #tpu.memory_space<vmem>>) target(%dma_start3A_214 : memref<10368xf32, #tpu.memory_space<vmem_shared>>) offsets(%dma_start3A_212 : memref<128xi32, #tpu.memory_space<vmem>>) semaphore(%arg18 : memref<!tpu.dma_semaphore, #tpu.memory_space<semaphore_mem>>) {add = true}
      %dma_wait3A_215 = arith.constant 0 : i32
      %dma_wait3A_216 = arith.constant 2 : i32
      %dma_wait3A_217 = arith.constant 0 : i32
      %dma_wait3A_218 = arith.constant 0 : i32
      %dma_wait3A_219 = tpu.memref_slice %arg12[%dma_wait3A_215, %dma_wait3A_217, %dma_wait3A_218] : memref<2x128x128xf32, #tpu.memory_space<vmem>> -> memref<1x128x128xf32, #tpu.memory_space<vmem>>
      %dma_wait3A_220 = tpu.memref_squeeze %dma_wait3A_219 : memref<1x128x128xf32, #tpu.memory_space<vmem>> -> memref<128x128xf32, #tpu.memory_space<vmem>>
      %dma_wait3A_221 = arith.constant 0 : i32
      %dma_wait3A_222 = tpu.memref_slice %arg11[%dma_wait3A_216, %dma_wait3A_221] : memref<16x128xi32, #tpu.memory_space<vmem>> -> memref<1x128xi32, #tpu.memory_space<vmem>>
      %dma_wait3A_223 = tpu.memref_squeeze %dma_wait3A_222 : memref<1x128xi32, #tpu.memory_space<vmem>> -> memref<128xi32, #tpu.memory_space<vmem>>
      %dma_wait3A_224 = arith.constant 0 : i32
      %dma_wait3A_225 = arith.constant 0 : i32
      %dma_wait3A_226 = tpu.memref_slice %arg14[%dma_wait3A_224, %dma_wait3A_225] : memref<10368x128xf32, #tpu.memory_space<vmem_shared>> -> memref<10368x128xf32, #tpu.memory_space<vmem_shared>>
      tpu.wait_indirect_dma semaphore(%arg17 : memref<!tpu.dma_semaphore, #tpu.memory_space<semaphore_mem>>) src(%dma_wait3A_220 : memref<128x128xf32, #tpu.memory_space<vmem>>) dst(%dma_wait3A_226 : memref<10368x128xf32, #tpu.memory_space<vmem_shared>>)
      %dma_start3A_227 = arith.constant 4 : i32
      %dma_start3A_228 = arith.constant 0 : i32
      %dma_start3A_229 = arith.constant 0 : i32
      %dma_start3A_230 = arith.constant 0 : i32
      %dma_start3A_231 = tpu.memref_slice %arg12[%dma_start3A_228, %dma_start3A_229, %dma_start3A_230] : memref<2x128x128xf32, #tpu.memory_space<vmem>> -> memref<1x128x128xf32, #tpu.memory_space<vmem>>
      %dma_start3A_232 = tpu.memref_squeeze %dma_start3A_231 : memref<1x128x128xf32, #tpu.memory_space<vmem>> -> memref<128x128xf32, #tpu.memory_space<vmem>>
      %dma_start3A_233 = arith.constant 0 : i32
      %dma_start3A_234 = tpu.memref_slice %arg10[%dma_start3A_227, %dma_start3A_233] : memref<16x128xi32, #tpu.memory_space<vmem>> -> memref<1x128xi32, #tpu.memory_space<vmem>>
      %dma_start3A_235 = tpu.memref_squeeze %dma_start3A_234 : memref<1x128xi32, #tpu.memory_space<vmem>> -> memref<128xi32, #tpu.memory_space<vmem>>
      %dma_start3A_236 = arith.constant 0 : i32
      %dma_start3A_237 = arith.constant 0 : i32
      %dma_start3A_238 = tpu.memref_slice %arg2[%dma_start3A_236, %dma_start3A_237] : memref<10240x128xf32, #tpu.memory_space<hbm>> -> memref<10240x128xf32, #tpu.memory_space<hbm>>
      tpu.enqueue_indirect_dma source(%dma_start3A_238 : memref<10240x128xf32, #tpu.memory_space<hbm>>) target(%dma_start3A_232 : memref<128x128xf32, #tpu.memory_space<vmem>>) offsets(%dma_start3A_235 : memref<128xi32, #tpu.memory_space<vmem>>) semaphore(%arg16 : memref<!tpu.dma_semaphore, #tpu.memory_space<semaphore_mem>>)
      %dma_wait3A_239 = arith.constant 4 : i32
      %dma_wait3A_240 = arith.constant 0 : i32
      %dma_wait3A_241 = arith.constant 0 : i32
      %dma_wait3A_242 = arith.constant 0 : i32
      %dma_wait3A_243 = tpu.memref_slice %arg12[%dma_wait3A_240, %dma_wait3A_241, %dma_wait3A_242] : memref<2x128x128xf32, #tpu.memory_space<vmem>> -> memref<1x128x128xf32, #tpu.memory_space<vmem>>
      %dma_wait3A_244 = tpu.memref_squeeze %dma_wait3A_243 : memref<1x128x128xf32, #tpu.memory_space<vmem>> -> memref<128x128xf32, #tpu.memory_space<vmem>>
      %dma_wait3A_245 = arith.constant 0 : i32
      %dma_wait3A_246 = tpu.memref_slice %arg10[%dma_wait3A_239, %dma_wait3A_245] : memref<16x128xi32, #tpu.memory_space<vmem>> -> memref<1x128xi32, #tpu.memory_space<vmem>>
      %dma_wait3A_247 = tpu.memref_squeeze %dma_wait3A_246 : memref<1x128xi32, #tpu.memory_space<vmem>> -> memref<128xi32, #tpu.memory_space<vmem>>
      %dma_wait3A_248 = arith.constant 0 : i32
      %dma_wait3A_249 = arith.constant 0 : i32
      %dma_wait3A_250 = tpu.memref_slice %arg2[%dma_wait3A_248, %dma_wait3A_249] : memref<10240x128xf32, #tpu.memory_space<hbm>> -> memref<10240x128xf32, #tpu.memory_space<hbm>>
      tpu.wait_indirect_dma semaphore(%arg16 : memref<!tpu.dma_semaphore, #tpu.memory_space<semaphore_mem>>) src(%dma_wait3A_250 : memref<10240x128xf32, #tpu.memory_space<hbm>>) dst(%dma_wait3A_244 : memref<128x128xf32, #tpu.memory_space<vmem>>)
      %dma_start3A_251 = arith.constant 0 : i32
      %dma_start3A_252 = arith.constant 4 : i32
      %dma_start3A_253 = arith.constant 0 : i32
      %dma_start3A_254 = arith.constant 0 : i32
      %dma_start3A_255 = tpu.memref_slice %arg12[%dma_start3A_251, %dma_start3A_253, %dma_start3A_254] : memref<2x128x128xf32, #tpu.memory_space<vmem>> -> memref<1x128x128xf32, #tpu.memory_space<vmem>>
      %dma_start3A_256 = tpu.memref_squeeze %dma_start3A_255 : memref<1x128x128xf32, #tpu.memory_space<vmem>> -> memref<128x128xf32, #tpu.memory_space<vmem>>
      %dma_start3A_257 = arith.constant 0 : i32
      %dma_start3A_258 = tpu.memref_slice %arg11[%dma_start3A_252, %dma_start3A_257] : memref<16x128xi32, #tpu.memory_space<vmem>> -> memref<1x128xi32, #tpu.memory_space<vmem>>
      %dma_start3A_259 = tpu.memref_squeeze %dma_start3A_258 : memref<1x128xi32, #tpu.memory_space<vmem>> -> memref<128xi32, #tpu.memory_space<vmem>>
      %dma_start3A_260 = arith.constant 0 : i32
      %dma_start3A_261 = arith.constant 0 : i32
      %dma_start3A_262 = tpu.memref_slice %arg14[%dma_start3A_260, %dma_start3A_261] : memref<10368x128xf32, #tpu.memory_space<vmem_shared>> -> memref<10368x128xf32, #tpu.memory_space<vmem_shared>>
      tpu.enqueue_indirect_dma source(%dma_start3A_256 : memref<128x128xf32, #tpu.memory_space<vmem>>) target(%dma_start3A_262 : memref<10368x128xf32, #tpu.memory_space<vmem_shared>>) offsets(%dma_start3A_259 : memref<128xi32, #tpu.memory_space<vmem>>) semaphore(%arg17 : memref<!tpu.dma_semaphore, #tpu.memory_space<semaphore_mem>>) {add = true}
      %dma_start3A_263 = arith.constant 4 : i32
      %dma_start3A_264 = arith.constant 0 : i32
      %dma_start3A_265 = tpu.memref_slice %arg11[%dma_start3A_263, %dma_start3A_264] : memref<16x128xi32, #tpu.memory_space<vmem>> -> memref<1x128xi32, #tpu.memory_space<vmem>>
      %dma_start3A_266 = tpu.memref_squeeze %dma_start3A_265 : memref<1x128xi32, #tpu.memory_space<vmem>> -> memref<128xi32, #tpu.memory_space<vmem>>
      %dma_start3A_267 = arith.constant 0 : i32
      %dma_start3A_268 = tpu.memref_slice %arg15[%dma_start3A_267] : memref<10368xf32, #tpu.memory_space<vmem_shared>> -> memref<10368xf32, #tpu.memory_space<vmem_shared>>
      tpu.enqueue_indirect_dma source(%arg13 : memref<128xf32, #tpu.memory_space<vmem>>) target(%dma_start3A_268 : memref<10368xf32, #tpu.memory_space<vmem_shared>>) offsets(%dma_start3A_266 : memref<128xi32, #tpu.memory_space<vmem>>) semaphore(%arg18 : memref<!tpu.dma_semaphore, #tpu.memory_space<semaphore_mem>>) {add = true}
      %dma_wait3A_269 = arith.constant 1 : i32
      %dma_wait3A_270 = arith.constant 3 : i32
      %dma_wait3A_271 = arith.constant 0 : i32
      %dma_wait3A_272 = arith.constant 0 : i32
      %dma_wait3A_273 = tpu.memref_slice %arg12[%dma_wait3A_269, %dma_wait3A_271, %dma_wait3A_272] : memref<2x128x128xf32, #tpu.memory_space<vmem>> -> memref<1x128x128xf32, #tpu.memory_space<vmem>>
      %dma_wait3A_274 = tpu.memref_squeeze %dma_wait3A_273 : memref<1x128x128xf32, #tpu.memory_space<vmem>> -> memref<128x128xf32, #tpu.memory_space<vmem>>
      %dma_wait3A_275 = arith.constant 0 : i32
      %dma_wait3A_276 = tpu.memref_slice %arg11[%dma_wait3A_270, %dma_wait3A_275] : memref<16x128xi32, #tpu.memory_space<vmem>> -> memref<1x128xi32, #tpu.memory_space<vmem>>
      %dma_wait3A_277 = tpu.memref_squeeze %dma_wait3A_276 : memref<1x128xi32, #tpu.memory_space<vmem>> -> memref<128xi32, #tpu.memory_space<vmem>>
      %dma_wait3A_278 = arith.constant 0 : i32
      %dma_wait3A_279 = arith.constant 0 : i32
      %dma_wait3A_280 = tpu.memref_slice %arg14[%dma_wait3A_278, %dma_wait3A_279] : memref<10368x128xf32, #tpu.memory_space<vmem_shared>> -> memref<10368x128xf32, #tpu.memory_space<vmem_shared>>
      tpu.wait_indirect_dma semaphore(%arg17 : memref<!tpu.dma_semaphore, #tpu.memory_space<semaphore_mem>>) src(%dma_wait3A_274 : memref<128x128xf32, #tpu.memory_space<vmem>>) dst(%dma_wait3A_280 : memref<10368x128xf32, #tpu.memory_space<vmem_shared>>)
      %dma_start3A_281 = arith.constant 5 : i32
      %dma_start3A_282 = arith.constant 1 : i32
      %dma_start3A_283 = arith.constant 0 : i32
      %dma_start3A_284 = arith.constant 0 : i32
      %dma_start3A_285 = tpu.memref_slice %arg12[%dma_start3A_282, %dma_start3A_283, %dma_start3A_284] : memref<2x128x128xf32, #tpu.memory_space<vmem>> -> memref<1x128x128xf32, #tpu.memory_space<vmem>>
      %dma_start3A_286 = tpu.memref_squeeze %dma_start3A_285 : memref<1x128x128xf32, #tpu.memory_space<vmem>> -> memref<128x128xf32, #tpu.memory_space<vmem>>
      %dma_start3A_287 = arith.constant 0 : i32
      %dma_start3A_288 = tpu.memref_slice %arg10[%dma_start3A_281, %dma_start3A_287] : memref<16x128xi32, #tpu.memory_space<vmem>> -> memref<1x128xi32, #tpu.memory_space<vmem>>
      %dma_start3A_289 = tpu.memref_squeeze %dma_start3A_288 : memref<1x128xi32, #tpu.memory_space<vmem>> -> memref<128xi32, #tpu.memory_space<vmem>>
      %dma_start3A_290 = arith.constant 0 : i32
      %dma_start3A_291 = arith.constant 0 : i32
      %dma_start3A_292 = tpu.memref_slice %arg2[%dma_start3A_290, %dma_start3A_291] : memref<10240x128xf32, #tpu.memory_space<hbm>> -> memref<10240x128xf32, #tpu.memory_space<hbm>>
      tpu.enqueue_indirect_dma source(%dma_start3A_292 : memref<10240x128xf32, #tpu.memory_space<hbm>>) target(%dma_start3A_286 : memref<128x128xf32, #tpu.memory_space<vmem>>) offsets(%dma_start3A_289 : memref<128xi32, #tpu.memory_space<vmem>>) semaphore(%arg16 : memref<!tpu.dma_semaphore, #tpu.memory_space<semaphore_mem>>)
      %dma_wait3A_293 = arith.constant 5 : i32
      %dma_wait3A_294 = arith.constant 1 : i32
      %dma_wait3A_295 = arith.constant 0 : i32
      %dma_wait3A_296 = arith.constant 0 : i32
      %dma_wait3A_297 = tpu.memref_slice %arg12[%dma_wait3A_294, %dma_wait3A_295, %dma_wait3A_296] : memref<2x128x128xf32, #tpu.memory_space<vmem>> -> memref<1x128x128xf32, #tpu.memory_space<vmem>>
      %dma_wait3A_298 = tpu.memref_squeeze %dma_wait3A_297 : memref<1x128x128xf32, #tpu.memory_space<vmem>> -> memref<128x128xf32, #tpu.memory_space<vmem>>
      %dma_wait3A_299 = arith.constant 0 : i32
      %dma_wait3A_300 = tpu.memref_slice %arg10[%dma_wait3A_293, %dma_wait3A_299] : memref<16x128xi32, #tpu.memory_space<vmem>> -> memref<1x128xi32, #tpu.memory_space<vmem>>
      %dma_wait3A_301 = tpu.memref_squeeze %dma_wait3A_300 : memref<1x128xi32, #tpu.memory_space<vmem>> -> memref<128xi32, #tpu.memory_space<vmem>>
      %dma_wait3A_302 = arith.constant 0 : i32
      %dma_wait3A_303 = arith.constant 0 : i32
      %dma_wait3A_304 = tpu.memref_slice %arg2[%dma_wait3A_302, %dma_wait3A_303] : memref<10240x128xf32, #tpu.memory_space<hbm>> -> memref<10240x128xf32, #tpu.memory_space<hbm>>
      tpu.wait_indirect_dma semaphore(%arg16 : memref<!tpu.dma_semaphore, #tpu.memory_space<semaphore_mem>>) src(%dma_wait3A_304 : memref<10240x128xf32, #tpu.memory_space<hbm>>) dst(%dma_wait3A_298 : memref<128x128xf32, #tpu.memory_space<vmem>>)
      %dma_start3A_305 = arith.constant 1 : i32
      %dma_start3A_306 = arith.constant 5 : i32
      %dma_start3A_307 = arith.constant 0 : i32
      %dma_start3A_308 = arith.constant 0 : i32
      %dma_start3A_309 = tpu.memref_slice %arg12[%dma_start3A_305, %dma_start3A_307, %dma_start3A_308] : memref<2x128x128xf32, #tpu.memory_space<vmem>> -> memref<1x128x128xf32, #tpu.memory_space<vmem>>
      %dma_start3A_310 = tpu.memref_squeeze %dma_start3A_309 : memref<1x128x128xf32, #tpu.memory_space<vmem>> -> memref<128x128xf32, #tpu.memory_space<vmem>>
      %dma_start3A_311 = arith.constant 0 : i32
      %dma_start3A_312 = tpu.memref_slice %arg11[%dma_start3A_306, %dma_start3A_311] : memref<16x128xi32, #tpu.memory_space<vmem>> -> memref<1x128xi32, #tpu.memory_space<vmem>>
      %dma_start3A_313 = tpu.memref_squeeze %dma_start3A_312 : memref<1x128xi32, #tpu.memory_space<vmem>> -> memref<128xi32, #tpu.memory_space<vmem>>
      %dma_start3A_314 = arith.constant 0 : i32
      %dma_start3A_315 = arith.constant 0 : i32
      %dma_start3A_316 = tpu.memref_slice %arg14[%dma_start3A_314, %dma_start3A_315] : memref<10368x128xf32, #tpu.memory_space<vmem_shared>> -> memref<10368x128xf32, #tpu.memory_space<vmem_shared>>
      tpu.enqueue_indirect_dma source(%dma_start3A_310 : memref<128x128xf32, #tpu.memory_space<vmem>>) target(%dma_start3A_316 : memref<10368x128xf32, #tpu.memory_space<vmem_shared>>) offsets(%dma_start3A_313 : memref<128xi32, #tpu.memory_space<vmem>>) semaphore(%arg17 : memref<!tpu.dma_semaphore, #tpu.memory_space<semaphore_mem>>) {add = true}
      %dma_start3A_317 = arith.constant 5 : i32
      %dma_start3A_318 = arith.constant 0 : i32
      %dma_start3A_319 = tpu.memref_slice %arg11[%dma_start3A_317, %dma_start3A_318] : memref<16x128xi32, #tpu.memory_space<vmem>> -> memref<1x128xi32, #tpu.memory_space<vmem>>
      %dma_start3A_320 = tpu.memref_squeeze %dma_start3A_319 : memref<1x128xi32, #tpu.memory_space<vmem>> -> memref<128xi32, #tpu.memory_space<vmem>>
      %dma_start3A_321 = arith.constant 0 : i32
      %dma_start3A_322 = tpu.memref_slice %arg15[%dma_start3A_321] : memref<10368xf32, #tpu.memory_space<vmem_shared>> -> memref<10368xf32, #tpu.memory_space<vmem_shared>>
      tpu.enqueue_indirect_dma source(%arg13 : memref<128xf32, #tpu.memory_space<vmem>>) target(%dma_start3A_322 : memref<10368xf32, #tpu.memory_space<vmem_shared>>) offsets(%dma_start3A_320 : memref<128xi32, #tpu.memory_space<vmem>>) semaphore(%arg18 : memref<!tpu.dma_semaphore, #tpu.memory_space<semaphore_mem>>) {add = true}
      %dma_wait3A_323 = arith.constant 0 : i32
      %dma_wait3A_324 = arith.constant 4 : i32
      %dma_wait3A_325 = arith.constant 0 : i32
      %dma_wait3A_326 = arith.constant 0 : i32
      %dma_wait3A_327 = tpu.memref_slice %arg12[%dma_wait3A_323, %dma_wait3A_325, %dma_wait3A_326] : memref<2x128x128xf32, #tpu.memory_space<vmem>> -> memref<1x128x128xf32, #tpu.memory_space<vmem>>
      %dma_wait3A_328 = tpu.memref_squeeze %dma_wait3A_327 : memref<1x128x128xf32, #tpu.memory_space<vmem>> -> memref<128x128xf32, #tpu.memory_space<vmem>>
      %dma_wait3A_329 = arith.constant 0 : i32
      %dma_wait3A_330 = tpu.memref_slice %arg11[%dma_wait3A_324, %dma_wait3A_329] : memref<16x128xi32, #tpu.memory_space<vmem>> -> memref<1x128xi32, #tpu.memory_space<vmem>>
      %dma_wait3A_331 = tpu.memref_squeeze %dma_wait3A_330 : memref<1x128xi32, #tpu.memory_space<vmem>> -> memref<128xi32, #tpu.memory_space<vmem>>
      %dma_wait3A_332 = arith.constant 0 : i32
      %dma_wait3A_333 = arith.constant 0 : i32
      %dma_wait3A_334 = tpu.memref_slice %arg14[%dma_wait3A_332, %dma_wait3A_333] : memref<10368x128xf32, #tpu.memory_space<vmem_shared>> -> memref<10368x128xf32, #tpu.memory_space<vmem_shared>>
      tpu.wait_indirect_dma semaphore(%arg17 : memref<!tpu.dma_semaphore, #tpu.memory_space<semaphore_mem>>) src(%dma_wait3A_328 : memref<128x128xf32, #tpu.memory_space<vmem>>) dst(%dma_wait3A_334 : memref<10368x128xf32, #tpu.memory_space<vmem_shared>>)
      %dma_start3A_335 = arith.constant 6 : i32
      %dma_start3A_336 = arith.constant 0 : i32
      %dma_start3A_337 = arith.constant 0 : i32
      %dma_start3A_338 = arith.constant 0 : i32
      %dma_start3A_339 = tpu.memref_slice %arg12[%dma_start3A_336, %dma_start3A_337, %dma_start3A_338] : memref<2x128x128xf32, #tpu.memory_space<vmem>> -> memref<1x128x128xf32, #tpu.memory_space<vmem>>
      %dma_start3A_340 = tpu.memref_squeeze %dma_start3A_339 : memref<1x128x128xf32, #tpu.memory_space<vmem>> -> memref<128x128xf32, #tpu.memory_space<vmem>>
      %dma_start3A_341 = arith.constant 0 : i32
      %dma_start3A_342 = tpu.memref_slice %arg10[%dma_start3A_335, %dma_start3A_341] : memref<16x128xi32, #tpu.memory_space<vmem>> -> memref<1x128xi32, #tpu.memory_space<vmem>>
      %dma_start3A_343 = tpu.memref_squeeze %dma_start3A_342 : memref<1x128xi32, #tpu.memory_space<vmem>> -> memref<128xi32, #tpu.memory_space<vmem>>
      %dma_start3A_344 = arith.constant 0 : i32
      %dma_start3A_345 = arith.constant 0 : i32
      %dma_start3A_346 = tpu.memref_slice %arg2[%dma_start3A_344, %dma_start3A_345] : memref<10240x128xf32, #tpu.memory_space<hbm>> -> memref<10240x128xf32, #tpu.memory_space<hbm>>
      tpu.enqueue_indirect_dma source(%dma_start3A_346 : memref<10240x128xf32, #tpu.memory_space<hbm>>) target(%dma_start3A_340 : memref<128x128xf32, #tpu.memory_space<vmem>>) offsets(%dma_start3A_343 : memref<128xi32, #tpu.memory_space<vmem>>) semaphore(%arg16 : memref<!tpu.dma_semaphore, #tpu.memory_space<semaphore_mem>>)
      %dma_wait3A_347 = arith.constant 6 : i32
      %dma_wait3A_348 = arith.constant 0 : i32
      %dma_wait3A_349 = arith.constant 0 : i32
      %dma_wait3A_350 = arith.constant 0 : i32
      %dma_wait3A_351 = tpu.memref_slice %arg12[%dma_wait3A_348, %dma_wait3A_349, %dma_wait3A_350] : memref<2x128x128xf32, #tpu.memory_space<vmem>> -> memref<1x128x128xf32, #tpu.memory_space<vmem>>
      %dma_wait3A_352 = tpu.memref_squeeze %dma_wait3A_351 : memref<1x128x128xf32, #tpu.memory_space<vmem>> -> memref<128x128xf32, #tpu.memory_space<vmem>>
      %dma_wait3A_353 = arith.constant 0 : i32
      %dma_wait3A_354 = tpu.memref_slice %arg10[%dma_wait3A_347, %dma_wait3A_353] : memref<16x128xi32, #tpu.memory_space<vmem>> -> memref<1x128xi32, #tpu.memory_space<vmem>>
      %dma_wait3A_355 = tpu.memref_squeeze %dma_wait3A_354 : memref<1x128xi32, #tpu.memory_space<vmem>> -> memref<128xi32, #tpu.memory_space<vmem>>
      %dma_wait3A_356 = arith.constant 0 : i32
      %dma_wait3A_357 = arith.constant 0 : i32
      %dma_wait3A_358 = tpu.memref_slice %arg2[%dma_wait3A_356, %dma_wait3A_357] : memref<10240x128xf32, #tpu.memory_space<hbm>> -> memref<10240x128xf32, #tpu.memory_space<hbm>>
      tpu.wait_indirect_dma semaphore(%arg16 : memref<!tpu.dma_semaphore, #tpu.memory_space<semaphore_mem>>) src(%dma_wait3A_358 : memref<10240x128xf32, #tpu.memory_space<hbm>>) dst(%dma_wait3A_352 : memref<128x128xf32, #tpu.memory_space<vmem>>)
      %dma_start3A_359 = arith.constant 0 : i32
      %dma_start3A_360 = arith.constant 6 : i32
      %dma_start3A_361 = arith.constant 0 : i32
      %dma_start3A_362 = arith.constant 0 : i32
      %dma_start3A_363 = tpu.memref_slice %arg12[%dma_start3A_359, %dma_start3A_361, %dma_start3A_362] : memref<2x128x128xf32, #tpu.memory_space<vmem>> -> memref<1x128x128xf32, #tpu.memory_space<vmem>>
      %dma_start3A_364 = tpu.memref_squeeze %dma_start3A_363 : memref<1x128x128xf32, #tpu.memory_space<vmem>> -> memref<128x128xf32, #tpu.memory_space<vmem>>
      %dma_start3A_365 = arith.constant 0 : i32
      %dma_start3A_366 = tpu.memref_slice %arg11[%dma_start3A_360, %dma_start3A_365] : memref<16x128xi32, #tpu.memory_space<vmem>> -> memref<1x128xi32, #tpu.memory_space<vmem>>
      %dma_start3A_367 = tpu.memref_squeeze %dma_start3A_366 : memref<1x128xi32, #tpu.memory_space<vmem>> -> memref<128xi32, #tpu.memory_space<vmem>>
      %dma_start3A_368 = arith.constant 0 : i32
      %dma_start3A_369 = arith.constant 0 : i32
      %dma_start3A_370 = tpu.memref_slice %arg14[%dma_start3A_368, %dma_start3A_369] : memref<10368x128xf32, #tpu.memory_space<vmem_shared>> -> memref<10368x128xf32, #tpu.memory_space<vmem_shared>>
      tpu.enqueue_indirect_dma source(%dma_start3A_364 : memref<128x128xf32, #tpu.memory_space<vmem>>) target(%dma_start3A_370 : memref<10368x128xf32, #tpu.memory_space<vmem_shared>>) offsets(%dma_start3A_367 : memref<128xi32, #tpu.memory_space<vmem>>) semaphore(%arg17 : memref<!tpu.dma_semaphore, #tpu.memory_space<semaphore_mem>>) {add = true}
      %dma_start3A_371 = arith.constant 6 : i32
      %dma_start3A_372 = arith.constant 0 : i32
      %dma_start3A_373 = tpu.memref_slice %arg11[%dma_start3A_371, %dma_start3A_372] : memref<16x128xi32, #tpu.memory_space<vmem>> -> memref<1x128xi32, #tpu.memory_space<vmem>>
      %dma_start3A_374 = tpu.memref_squeeze %dma_start3A_373 : memref<1x128xi32, #tpu.memory_space<vmem>> -> memref<128xi32, #tpu.memory_space<vmem>>
      %dma_start3A_375 = arith.constant 0 : i32
      %dma_start3A_376 = tpu.memref_slice %arg15[%dma_start3A_375] : memref<10368xf32, #tpu.memory_space<vmem_shared>> -> memref<10368xf32, #tpu.memory_space<vmem_shared>>
      tpu.enqueue_indirect_dma source(%arg13 : memref<128xf32, #tpu.memory_space<vmem>>) target(%dma_start3A_376 : memref<10368xf32, #tpu.memory_space<vmem_shared>>) offsets(%dma_start3A_374 : memref<128xi32, #tpu.memory_space<vmem>>) semaphore(%arg18 : memref<!tpu.dma_semaphore, #tpu.memory_space<semaphore_mem>>) {add = true}
      %dma_wait3A_377 = arith.constant 1 : i32
      %dma_wait3A_378 = arith.constant 5 : i32
      %dma_wait3A_379 = arith.constant 0 : i32
      %dma_wait3A_380 = arith.constant 0 : i32
      %dma_wait3A_381 = tpu.memref_slice %arg12[%dma_wait3A_377, %dma_wait3A_379, %dma_wait3A_380] : memref<2x128x128xf32, #tpu.memory_space<vmem>> -> memref<1x128x128xf32, #tpu.memory_space<vmem>>
      %dma_wait3A_382 = tpu.memref_squeeze %dma_wait3A_381 : memref<1x128x128xf32, #tpu.memory_space<vmem>> -> memref<128x128xf32, #tpu.memory_space<vmem>>
      %dma_wait3A_383 = arith.constant 0 : i32
      %dma_wait3A_384 = tpu.memref_slice %arg11[%dma_wait3A_378, %dma_wait3A_383] : memref<16x128xi32, #tpu.memory_space<vmem>> -> memref<1x128xi32, #tpu.memory_space<vmem>>
      %dma_wait3A_385 = tpu.memref_squeeze %dma_wait3A_384 : memref<1x128xi32, #tpu.memory_space<vmem>> -> memref<128xi32, #tpu.memory_space<vmem>>
      %dma_wait3A_386 = arith.constant 0 : i32
      %dma_wait3A_387 = arith.constant 0 : i32
      %dma_wait3A_388 = tpu.memref_slice %arg14[%dma_wait3A_386, %dma_wait3A_387] : memref<10368x128xf32, #tpu.memory_space<vmem_shared>> -> memref<10368x128xf32, #tpu.memory_space<vmem_shared>>
      tpu.wait_indirect_dma semaphore(%arg17 : memref<!tpu.dma_semaphore, #tpu.memory_space<semaphore_mem>>) src(%dma_wait3A_382 : memref<128x128xf32, #tpu.memory_space<vmem>>) dst(%dma_wait3A_388 : memref<10368x128xf32, #tpu.memory_space<vmem_shared>>)
      %dma_start3A_389 = arith.constant 7 : i32
      %dma_start3A_390 = arith.constant 1 : i32
      %dma_start3A_391 = arith.constant 0 : i32
      %dma_start3A_392 = arith.constant 0 : i32
      %dma_start3A_393 = tpu.memref_slice %arg12[%dma_start3A_390, %dma_start3A_391, %dma_start3A_392] : memref<2x128x128xf32, #tpu.memory_space<vmem>> -> memref<1x128x128xf32, #tpu.memory_space<vmem>>
      %dma_start3A_394 = tpu.memref_squeeze %dma_start3A_393 : memref<1x128x128xf32, #tpu.memory_space<vmem>> -> memref<128x128xf32, #tpu.memory_space<vmem>>
      %dma_start3A_395 = arith.constant 0 : i32
      %dma_start3A_396 = tpu.memref_slice %arg10[%dma_start3A_389, %dma_start3A_395] : memref<16x128xi32, #tpu.memory_space<vmem>> -> memref<1x128xi32, #tpu.memory_space<vmem>>
      %dma_start3A_397 = tpu.memref_squeeze %dma_start3A_396 : memref<1x128xi32, #tpu.memory_space<vmem>> -> memref<128xi32, #tpu.memory_space<vmem>>
      %dma_start3A_398 = arith.constant 0 : i32
      %dma_start3A_399 = arith.constant 0 : i32
      %dma_start3A_400 = tpu.memref_slice %arg2[%dma_start3A_398, %dma_start3A_399] : memref<10240x128xf32, #tpu.memory_space<hbm>> -> memref<10240x128xf32, #tpu.memory_space<hbm>>
      tpu.enqueue_indirect_dma source(%dma_start3A_400 : memref<10240x128xf32, #tpu.memory_space<hbm>>) target(%dma_start3A_394 : memref<128x128xf32, #tpu.memory_space<vmem>>) offsets(%dma_start3A_397 : memref<128xi32, #tpu.memory_space<vmem>>) semaphore(%arg16 : memref<!tpu.dma_semaphore, #tpu.memory_space<semaphore_mem>>)
      %dma_wait3A_401 = arith.constant 7 : i32
      %dma_wait3A_402 = arith.constant 1 : i32
      %dma_wait3A_403 = arith.constant 0 : i32
      %dma_wait3A_404 = arith.constant 0 : i32
      %dma_wait3A_405 = tpu.memref_slice %arg12[%dma_wait3A_402, %dma_wait3A_403, %dma_wait3A_404] : memref<2x128x128xf32, #tpu.memory_space<vmem>> -> memref<1x128x128xf32, #tpu.memory_space<vmem>>
      %dma_wait3A_406 = tpu.memref_squeeze %dma_wait3A_405 : memref<1x128x128xf32, #tpu.memory_space<vmem>> -> memref<128x128xf32, #tpu.memory_space<vmem>>
      %dma_wait3A_407 = arith.constant 0 : i32
      %dma_wait3A_408 = tpu.memref_slice %arg10[%dma_wait3A_401, %dma_wait3A_407] : memref<16x128xi32, #tpu.memory_space<vmem>> -> memref<1x128xi32, #tpu.memory_space<vmem>>
      %dma_wait3A_409 = tpu.memref_squeeze %dma_wait3A_408 : memref<1x128xi32, #tpu.memory_space<vmem>> -> memref<128xi32, #tpu.memory_space<vmem>>
      %dma_wait3A_410 = arith.constant 0 : i32
      %dma_wait3A_411 = arith.constant 0 : i32
      %dma_wait3A_412 = tpu.memref_slice %arg2[%dma_wait3A_410, %dma_wait3A_411] : memref<10240x128xf32, #tpu.memory_space<hbm>> -> memref<10240x128xf32, #tpu.memory_space<hbm>>
      tpu.wait_indirect_dma semaphore(%arg16 : memref<!tpu.dma_semaphore, #tpu.memory_space<semaphore_mem>>) src(%dma_wait3A_412 : memref<10240x128xf32, #tpu.memory_space<hbm>>) dst(%dma_wait3A_406 : memref<128x128xf32, #tpu.memory_space<vmem>>)
      %dma_start3A_413 = arith.constant 1 : i32
      %dma_start3A_414 = arith.constant 7 : i32
      %dma_start3A_415 = arith.constant 0 : i32
      %dma_start3A_416 = arith.constant 0 : i32
      %dma_start3A_417 = tpu.memref_slice %arg12[%dma_start3A_413, %dma_start3A_415, %dma_start3A_416] : memref<2x128x128xf32, #tpu.memory_space<vmem>> -> memref<1x128x128xf32, #tpu.memory_space<vmem>>
      %dma_start3A_418 = tpu.memref_squeeze %dma_start3A_417 : memref<1x128x128xf32, #tpu.memory_space<vmem>> -> memref<128x128xf32, #tpu.memory_space<vmem>>
      %dma_start3A_419 = arith.constant 0 : i32
      %dma_start3A_420 = tpu.memref_slice %arg11[%dma_start3A_414, %dma_start3A_419] : memref<16x128xi32, #tpu.memory_space<vmem>> -> memref<1x128xi32, #tpu.memory_space<vmem>>
      %dma_start3A_421 = tpu.memref_squeeze %dma_start3A_420 : memref<1x128xi32, #tpu.memory_space<vmem>> -> memref<128xi32, #tpu.memory_space<vmem>>
      %dma_start3A_422 = arith.constant 0 : i32
      %dma_start3A_423 = arith.constant 0 : i32
      %dma_start3A_424 = tpu.memref_slice %arg14[%dma_start3A_422, %dma_start3A_423] : memref<10368x128xf32, #tpu.memory_space<vmem_shared>> -> memref<10368x128xf32, #tpu.memory_space<vmem_shared>>
      tpu.enqueue_indirect_dma source(%dma_start3A_418 : memref<128x128xf32, #tpu.memory_space<vmem>>) target(%dma_start3A_424 : memref<10368x128xf32, #tpu.memory_space<vmem_shared>>) offsets(%dma_start3A_421 : memref<128xi32, #tpu.memory_space<vmem>>) semaphore(%arg17 : memref<!tpu.dma_semaphore, #tpu.memory_space<semaphore_mem>>) {add = true}
      %dma_start3A_425 = arith.constant 7 : i32
      %dma_start3A_426 = arith.constant 0 : i32
      %dma_start3A_427 = tpu.memref_slice %arg11[%dma_start3A_425, %dma_start3A_426] : memref<16x128xi32, #tpu.memory_space<vmem>> -> memref<1x128xi32, #tpu.memory_space<vmem>>
      %dma_start3A_428 = tpu.memref_squeeze %dma_start3A_427 : memref<1x128xi32, #tpu.memory_space<vmem>> -> memref<128xi32, #tpu.memory_space<vmem>>
      %dma_start3A_429 = arith.constant 0 : i32
      %dma_start3A_430 = tpu.memref_slice %arg15[%dma_start3A_429] : memref<10368xf32, #tpu.memory_space<vmem_shared>> -> memref<10368xf32, #tpu.memory_space<vmem_shared>>
      tpu.enqueue_indirect_dma source(%arg13 : memref<128xf32, #tpu.memory_space<vmem>>) target(%dma_start3A_430 : memref<10368xf32, #tpu.memory_space<vmem_shared>>) offsets(%dma_start3A_428 : memref<128xi32, #tpu.memory_space<vmem>>) semaphore(%arg18 : memref<!tpu.dma_semaphore, #tpu.memory_space<semaphore_mem>>) {add = true}
      %dma_wait3A_431 = arith.constant 0 : i32
      %dma_wait3A_432 = arith.constant 6 : i32
      %dma_wait3A_433 = arith.constant 0 : i32
      %dma_wait3A_434 = arith.constant 0 : i32
      %dma_wait3A_435 = tpu.memref_slice %arg12[%dma_wait3A_431, %dma_wait3A_433, %dma_wait3A_434] : memref<2x128x128xf32, #tpu.memory_space<vmem>> -> memref<1x128x128xf32, #tpu.memory_space<vmem>>
      %dma_wait3A_436 = tpu.memref_squeeze %dma_wait3A_435 : memref<1x128x128xf32, #tpu.memory_space<vmem>> -> memref<128x128xf32, #tpu.memory_space<vmem>>
      %dma_wait3A_437 = arith.constant 0 : i32
      %dma_wait3A_438 = tpu.memref_slice %arg11[%dma_wait3A_432, %dma_wait3A_437] : memref<16x128xi32, #tpu.memory_space<vmem>> -> memref<1x128xi32, #tpu.memory_space<vmem>>
      %dma_wait3A_439 = tpu.memref_squeeze %dma_wait3A_438 : memref<1x128xi32, #tpu.memory_space<vmem>> -> memref<128xi32, #tpu.memory_space<vmem>>
      %dma_wait3A_440 = arith.constant 0 : i32
      %dma_wait3A_441 = arith.constant 0 : i32
      %dma_wait3A_442 = tpu.memref_slice %arg14[%dma_wait3A_440, %dma_wait3A_441] : memref<10368x128xf32, #tpu.memory_space<vmem_shared>> -> memref<10368x128xf32, #tpu.memory_space<vmem_shared>>
      tpu.wait_indirect_dma semaphore(%arg17 : memref<!tpu.dma_semaphore, #tpu.memory_space<semaphore_mem>>) src(%dma_wait3A_436 : memref<128x128xf32, #tpu.memory_space<vmem>>) dst(%dma_wait3A_442 : memref<10368x128xf32, #tpu.memory_space<vmem_shared>>)
      %dma_start3A_443 = arith.constant 8 : i32
      %dma_start3A_444 = arith.constant 0 : i32
      %dma_start3A_445 = arith.constant 0 : i32
      %dma_start3A_446 = arith.constant 0 : i32
      %dma_start3A_447 = tpu.memref_slice %arg12[%dma_start3A_444, %dma_start3A_445, %dma_start3A_446] : memref<2x128x128xf32, #tpu.memory_space<vmem>> -> memref<1x128x128xf32, #tpu.memory_space<vmem>>
      %dma_start3A_448 = tpu.memref_squeeze %dma_start3A_447 : memref<1x128x128xf32, #tpu.memory_space<vmem>> -> memref<128x128xf32, #tpu.memory_space<vmem>>
      %dma_start3A_449 = arith.constant 0 : i32
      %dma_start3A_450 = tpu.memref_slice %arg10[%dma_start3A_443, %dma_start3A_449] : memref<16x128xi32, #tpu.memory_space<vmem>> -> memref<1x128xi32, #tpu.memory_space<vmem>>
      %dma_start3A_451 = tpu.memref_squeeze %dma_start3A_450 : memref<1x128xi32, #tpu.memory_space<vmem>> -> memref<128xi32, #tpu.memory_space<vmem>>
      %dma_start3A_452 = arith.constant 0 : i32
      %dma_start3A_453 = arith.constant 0 : i32
      %dma_start3A_454 = tpu.memref_slice %arg2[%dma_start3A_452, %dma_start3A_453] : memref<10240x128xf32, #tpu.memory_space<hbm>> -> memref<10240x128xf32, #tpu.memory_space<hbm>>
      tpu.enqueue_indirect_dma source(%dma_start3A_454 : memref<10240x128xf32, #tpu.memory_space<hbm>>) target(%dma_start3A_448 : memref<128x128xf32, #tpu.memory_space<vmem>>) offsets(%dma_start3A_451 : memref<128xi32, #tpu.memory_space<vmem>>) semaphore(%arg16 : memref<!tpu.dma_semaphore, #tpu.memory_space<semaphore_mem>>)
      %dma_wait3A_455 = arith.constant 8 : i32
      %dma_wait3A_456 = arith.constant 0 : i32
      %dma_wait3A_457 = arith.constant 0 : i32
      %dma_wait3A_458 = arith.constant 0 : i32
      %dma_wait3A_459 = tpu.memref_slice %arg12[%dma_wait3A_456, %dma_wait3A_457, %dma_wait3A_458] : memref<2x128x128xf32, #tpu.memory_space<vmem>> -> memref<1x128x128xf32, #tpu.memory_space<vmem>>
      %dma_wait3A_460 = tpu.memref_squeeze %dma_wait3A_459 : memref<1x128x128xf32, #tpu.memory_space<vmem>> -> memref<128x128xf32, #tpu.memory_space<vmem>>
      %dma_wait3A_461 = arith.constant 0 : i32
      %dma_wait3A_462 = tpu.memref_slice %arg10[%dma_wait3A_455, %dma_wait3A_461] : memref<16x128xi32, #tpu.memory_space<vmem>> -> memref<1x128xi32, #tpu.memory_space<vmem>>
      %dma_wait3A_463 = tpu.memref_squeeze %dma_wait3A_462 : memref<1x128xi32, #tpu.memory_space<vmem>> -> memref<128xi32, #tpu.memory_space<vmem>>
      %dma_wait3A_464 = arith.constant 0 : i32
      %dma_wait3A_465 = arith.constant 0 : i32
      %dma_wait3A_466 = tpu.memref_slice %arg2[%dma_wait3A_464, %dma_wait3A_465] : memref<10240x128xf32, #tpu.memory_space<hbm>> -> memref<10240x128xf32, #tpu.memory_space<hbm>>
      tpu.wait_indirect_dma semaphore(%arg16 : memref<!tpu.dma_semaphore, #tpu.memory_space<semaphore_mem>>) src(%dma_wait3A_466 : memref<10240x128xf32, #tpu.memory_space<hbm>>) dst(%dma_wait3A_460 : memref<128x128xf32, #tpu.memory_space<vmem>>)
      %dma_start3A_467 = arith.constant 0 : i32
      %dma_start3A_468 = arith.constant 8 : i32
      %dma_start3A_469 = arith.constant 0 : i32
      %dma_start3A_470 = arith.constant 0 : i32
      %dma_start3A_471 = tpu.memref_slice %arg12[%dma_start3A_467, %dma_start3A_469, %dma_start3A_470] : memref<2x128x128xf32, #tpu.memory_space<vmem>> -> memref<1x128x128xf32, #tpu.memory_space<vmem>>
      %dma_start3A_472 = tpu.memref_squeeze %dma_start3A_471 : memref<1x128x128xf32, #tpu.memory_space<vmem>> -> memref<128x128xf32, #tpu.memory_space<vmem>>
      %dma_start3A_473 = arith.constant 0 : i32
      %dma_start3A_474 = tpu.memref_slice %arg11[%dma_start3A_468, %dma_start3A_473] : memref<16x128xi32, #tpu.memory_space<vmem>> -> memref<1x128xi32, #tpu.memory_space<vmem>>
      %dma_start3A_475 = tpu.memref_squeeze %dma_start3A_474 : memref<1x128xi32, #tpu.memory_space<vmem>> -> memref<128xi32, #tpu.memory_space<vmem>>
      %dma_start3A_476 = arith.constant 0 : i32
      %dma_start3A_477 = arith.constant 0 : i32
      %dma_start3A_478 = tpu.memref_slice %arg14[%dma_start3A_476, %dma_start3A_477] : memref<10368x128xf32, #tpu.memory_space<vmem_shared>> -> memref<10368x128xf32, #tpu.memory_space<vmem_shared>>
      tpu.enqueue_indirect_dma source(%dma_start3A_472 : memref<128x128xf32, #tpu.memory_space<vmem>>) target(%dma_start3A_478 : memref<10368x128xf32, #tpu.memory_space<vmem_shared>>) offsets(%dma_start3A_475 : memref<128xi32, #tpu.memory_space<vmem>>) semaphore(%arg17 : memref<!tpu.dma_semaphore, #tpu.memory_space<semaphore_mem>>) {add = true}
      %dma_start3A_479 = arith.constant 8 : i32
      %dma_start3A_480 = arith.constant 0 : i32
      %dma_start3A_481 = tpu.memref_slice %arg11[%dma_start3A_479, %dma_start3A_480] : memref<16x128xi32, #tpu.memory_space<vmem>> -> memref<1x128xi32, #tpu.memory_space<vmem>>
      %dma_start3A_482 = tpu.memref_squeeze %dma_start3A_481 : memref<1x128xi32, #tpu.memory_space<vmem>> -> memref<128xi32, #tpu.memory_space<vmem>>
      %dma_start3A_483 = arith.constant 0 : i32
      %dma_start3A_484 = tpu.memref_slice %arg15[%dma_start3A_483] : memref<10368xf32, #tpu.memory_space<vmem_shared>> -> memref<10368xf32, #tpu.memory_space<vmem_shared>>
      tpu.enqueue_indirect_dma source(%arg13 : memref<128xf32, #tpu.memory_space<vmem>>) target(%dma_start3A_484 : memref<10368xf32, #tpu.memory_space<vmem_shared>>) offsets(%dma_start3A_482 : memref<128xi32, #tpu.memory_space<vmem>>) semaphore(%arg18 : memref<!tpu.dma_semaphore, #tpu.memory_space<semaphore_mem>>) {add = true}
      %dma_wait3A_485 = arith.constant 1 : i32
      %dma_wait3A_486 = arith.constant 7 : i32
      %dma_wait3A_487 = arith.constant 0 : i32
      %dma_wait3A_488 = arith.constant 0 : i32
      %dma_wait3A_489 = tpu.memref_slice %arg12[%dma_wait3A_485, %dma_wait3A_487, %dma_wait3A_488] : memref<2x128x128xf32, #tpu.memory_space<vmem>> -> memref<1x128x128xf32, #tpu.memory_space<vmem>>
      %dma_wait3A_490 = tpu.memref_squeeze %dma_wait3A_489 : memref<1x128x128xf32, #tpu.memory_space<vmem>> -> memref<128x128xf32, #tpu.memory_space<vmem>>
      %dma_wait3A_491 = arith.constant 0 : i32
      %dma_wait3A_492 = tpu.memref_slice %arg11[%dma_wait3A_486, %dma_wait3A_491] : memref<16x128xi32, #tpu.memory_space<vmem>> -> memref<1x128xi32, #tpu.memory_space<vmem>>
      %dma_wait3A_493 = tpu.memref_squeeze %dma_wait3A_492 : memref<1x128xi32, #tpu.memory_space<vmem>> -> memref<128xi32, #tpu.memory_space<vmem>>
      %dma_wait3A_494 = arith.constant 0 : i32
      %dma_wait3A_495 = arith.constant 0 : i32
      %dma_wait3A_496 = tpu.memref_slice %arg14[%dma_wait3A_494, %dma_wait3A_495] : memref<10368x128xf32, #tpu.memory_space<vmem_shared>> -> memref<10368x128xf32, #tpu.memory_space<vmem_shared>>
      tpu.wait_indirect_dma semaphore(%arg17 : memref<!tpu.dma_semaphore, #tpu.memory_space<semaphore_mem>>) src(%dma_wait3A_490 : memref<128x128xf32, #tpu.memory_space<vmem>>) dst(%dma_wait3A_496 : memref<10368x128xf32, #tpu.memory_space<vmem_shared>>)
      %dma_start3A_497 = arith.constant 9 : i32
      %dma_start3A_498 = arith.constant 1 : i32
      %dma_start3A_499 = arith.constant 0 : i32
      %dma_start3A_500 = arith.constant 0 : i32
      %dma_start3A_501 = tpu.memref_slice %arg12[%dma_start3A_498, %dma_start3A_499, %dma_start3A_500] : memref<2x128x128xf32, #tpu.memory_space<vmem>> -> memref<1x128x128xf32, #tpu.memory_space<vmem>>
      %dma_start3A_502 = tpu.memref_squeeze %dma_start3A_501 : memref<1x128x128xf32, #tpu.memory_space<vmem>> -> memref<128x128xf32, #tpu.memory_space<vmem>>
      %dma_start3A_503 = arith.constant 0 : i32
      %dma_start3A_504 = tpu.memref_slice %arg10[%dma_start3A_497, %dma_start3A_503] : memref<16x128xi32, #tpu.memory_space<vmem>> -> memref<1x128xi32, #tpu.memory_space<vmem>>
      %dma_start3A_505 = tpu.memref_squeeze %dma_start3A_504 : memref<1x128xi32, #tpu.memory_space<vmem>> -> memref<128xi32, #tpu.memory_space<vmem>>
      %dma_start3A_506 = arith.constant 0 : i32
      %dma_start3A_507 = arith.constant 0 : i32
      %dma_start3A_508 = tpu.memref_slice %arg2[%dma_start3A_506, %dma_start3A_507] : memref<10240x128xf32, #tpu.memory_space<hbm>> -> memref<10240x128xf32, #tpu.memory_space<hbm>>
      tpu.enqueue_indirect_dma source(%dma_start3A_508 : memref<10240x128xf32, #tpu.memory_space<hbm>>) target(%dma_start3A_502 : memref<128x128xf32, #tpu.memory_space<vmem>>) offsets(%dma_start3A_505 : memref<128xi32, #tpu.memory_space<vmem>>) semaphore(%arg16 : memref<!tpu.dma_semaphore, #tpu.memory_space<semaphore_mem>>)
      %dma_wait3A_509 = arith.constant 9 : i32
      %dma_wait3A_510 = arith.constant 1 : i32
      %dma_wait3A_511 = arith.constant 0 : i32
      %dma_wait3A_512 = arith.constant 0 : i32
      %dma_wait3A_513 = tpu.memref_slice %arg12[%dma_wait3A_510, %dma_wait3A_511, %dma_wait3A_512] : memref<2x128x128xf32, #tpu.memory_space<vmem>> -> memref<1x128x128xf32, #tpu.memory_space<vmem>>
      %dma_wait3A_514 = tpu.memref_squeeze %dma_wait3A_513 : memref<1x128x128xf32, #tpu.memory_space<vmem>> -> memref<128x128xf32, #tpu.memory_space<vmem>>
      %dma_wait3A_515 = arith.constant 0 : i32
      %dma_wait3A_516 = tpu.memref_slice %arg10[%dma_wait3A_509, %dma_wait3A_515] : memref<16x128xi32, #tpu.memory_space<vmem>> -> memref<1x128xi32, #tpu.memory_space<vmem>>
      %dma_wait3A_517 = tpu.memref_squeeze %dma_wait3A_516 : memref<1x128xi32, #tpu.memory_space<vmem>> -> memref<128xi32, #tpu.memory_space<vmem>>
      %dma_wait3A_518 = arith.constant 0 : i32
      %dma_wait3A_519 = arith.constant 0 : i32
      %dma_wait3A_520 = tpu.memref_slice %arg2[%dma_wait3A_518, %dma_wait3A_519] : memref<10240x128xf32, #tpu.memory_space<hbm>> -> memref<10240x128xf32, #tpu.memory_space<hbm>>
      tpu.wait_indirect_dma semaphore(%arg16 : memref<!tpu.dma_semaphore, #tpu.memory_space<semaphore_mem>>) src(%dma_wait3A_520 : memref<10240x128xf32, #tpu.memory_space<hbm>>) dst(%dma_wait3A_514 : memref<128x128xf32, #tpu.memory_space<vmem>>)
      %dma_start3A_521 = arith.constant 1 : i32
      %dma_start3A_522 = arith.constant 9 : i32
      %dma_start3A_523 = arith.constant 0 : i32
      %dma_start3A_524 = arith.constant 0 : i32
      %dma_start3A_525 = tpu.memref_slice %arg12[%dma_start3A_521, %dma_start3A_523, %dma_start3A_524] : memref<2x128x128xf32, #tpu.memory_space<vmem>> -> memref<1x128x128xf32, #tpu.memory_space<vmem>>
      %dma_start3A_526 = tpu.memref_squeeze %dma_start3A_525 : memref<1x128x128xf32, #tpu.memory_space<vmem>> -> memref<128x128xf32, #tpu.memory_space<vmem>>
      %dma_start3A_527 = arith.constant 0 : i32
      %dma_start3A_528 = tpu.memref_slice %arg11[%dma_start3A_522, %dma_start3A_527] : memref<16x128xi32, #tpu.memory_space<vmem>> -> memref<1x128xi32, #tpu.memory_space<vmem>>
      %dma_start3A_529 = tpu.memref_squeeze %dma_start3A_528 : memref<1x128xi32, #tpu.memory_space<vmem>> -> memref<128xi32, #tpu.memory_space<vmem>>
      %dma_start3A_530 = arith.constant 0 : i32
      %dma_start3A_531 = arith.constant 0 : i32
      %dma_start3A_532 = tpu.memref_slice %arg14[%dma_start3A_530, %dma_start3A_531] : memref<10368x128xf32, #tpu.memory_space<vmem_shared>> -> memref<10368x128xf32, #tpu.memory_space<vmem_shared>>
      tpu.enqueue_indirect_dma source(%dma_start3A_526 : memref<128x128xf32, #tpu.memory_space<vmem>>) target(%dma_start3A_532 : memref<10368x128xf32, #tpu.memory_space<vmem_shared>>) offsets(%dma_start3A_529 : memref<128xi32, #tpu.memory_space<vmem>>) semaphore(%arg17 : memref<!tpu.dma_semaphore, #tpu.memory_space<semaphore_mem>>) {add = true}
      %dma_start3A_533 = arith.constant 9 : i32
      %dma_start3A_534 = arith.constant 0 : i32
      %dma_start3A_535 = tpu.memref_slice %arg11[%dma_start3A_533, %dma_start3A_534] : memref<16x128xi32, #tpu.memory_space<vmem>> -> memref<1x128xi32, #tpu.memory_space<vmem>>
      %dma_start3A_536 = tpu.memref_squeeze %dma_start3A_535 : memref<1x128xi32, #tpu.memory_space<vmem>> -> memref<128xi32, #tpu.memory_space<vmem>>
      %dma_start3A_537 = arith.constant 0 : i32
      %dma_start3A_538 = tpu.memref_slice %arg15[%dma_start3A_537] : memref<10368xf32, #tpu.memory_space<vmem_shared>> -> memref<10368xf32, #tpu.memory_space<vmem_shared>>
      tpu.enqueue_indirect_dma source(%arg13 : memref<128xf32, #tpu.memory_space<vmem>>) target(%dma_start3A_538 : memref<10368xf32, #tpu.memory_space<vmem_shared>>) offsets(%dma_start3A_536 : memref<128xi32, #tpu.memory_space<vmem>>) semaphore(%arg18 : memref<!tpu.dma_semaphore, #tpu.memory_space<semaphore_mem>>) {add = true}
      %dma_wait3A_539 = arith.constant 0 : i32
      %dma_wait3A_540 = arith.constant 8 : i32
      %dma_wait3A_541 = arith.constant 0 : i32
      %dma_wait3A_542 = arith.constant 0 : i32
      %dma_wait3A_543 = tpu.memref_slice %arg12[%dma_wait3A_539, %dma_wait3A_541, %dma_wait3A_542] : memref<2x128x128xf32, #tpu.memory_space<vmem>> -> memref<1x128x128xf32, #tpu.memory_space<vmem>>
      %dma_wait3A_544 = tpu.memref_squeeze %dma_wait3A_543 : memref<1x128x128xf32, #tpu.memory_space<vmem>> -> memref<128x128xf32, #tpu.memory_space<vmem>>
      %dma_wait3A_545 = arith.constant 0 : i32
      %dma_wait3A_546 = tpu.memref_slice %arg11[%dma_wait3A_540, %dma_wait3A_545] : memref<16x128xi32, #tpu.memory_space<vmem>> -> memref<1x128xi32, #tpu.memory_space<vmem>>
      %dma_wait3A_547 = tpu.memref_squeeze %dma_wait3A_546 : memref<1x128xi32, #tpu.memory_space<vmem>> -> memref<128xi32, #tpu.memory_space<vmem>>
      %dma_wait3A_548 = arith.constant 0 : i32
      %dma_wait3A_549 = arith.constant 0 : i32
      %dma_wait3A_550 = tpu.memref_slice %arg14[%dma_wait3A_548, %dma_wait3A_549] : memref<10368x128xf32, #tpu.memory_space<vmem_shared>> -> memref<10368x128xf32, #tpu.memory_space<vmem_shared>>
      tpu.wait_indirect_dma semaphore(%arg17 : memref<!tpu.dma_semaphore, #tpu.memory_space<semaphore_mem>>) src(%dma_wait3A_544 : memref<128x128xf32, #tpu.memory_space<vmem>>) dst(%dma_wait3A_550 : memref<10368x128xf32, #tpu.memory_space<vmem_shared>>)
      %dma_start3A_551 = arith.constant 10 : i32
      %dma_start3A_552 = arith.constant 0 : i32
      %dma_start3A_553 = arith.constant 0 : i32
      %dma_start3A_554 = arith.constant 0 : i32
      %dma_start3A_555 = tpu.memref_slice %arg12[%dma_start3A_552, %dma_start3A_553, %dma_start3A_554] : memref<2x128x128xf32, #tpu.memory_space<vmem>> -> memref<1x128x128xf32, #tpu.memory_space<vmem>>
      %dma_start3A_556 = tpu.memref_squeeze %dma_start3A_555 : memref<1x128x128xf32, #tpu.memory_space<vmem>> -> memref<128x128xf32, #tpu.memory_space<vmem>>
      %dma_start3A_557 = arith.constant 0 : i32
      %dma_start3A_558 = tpu.memref_slice %arg10[%dma_start3A_551, %dma_start3A_557] : memref<16x128xi32, #tpu.memory_space<vmem>> -> memref<1x128xi32, #tpu.memory_space<vmem>>
      %dma_start3A_559 = tpu.memref_squeeze %dma_start3A_558 : memref<1x128xi32, #tpu.memory_space<vmem>> -> memref<128xi32, #tpu.memory_space<vmem>>
      %dma_start3A_560 = arith.constant 0 : i32
      %dma_start3A_561 = arith.constant 0 : i32
      %dma_start3A_562 = tpu.memref_slice %arg2[%dma_start3A_560, %dma_start3A_561] : memref<10240x128xf32, #tpu.memory_space<hbm>> -> memref<10240x128xf32, #tpu.memory_space<hbm>>
      tpu.enqueue_indirect_dma source(%dma_start3A_562 : memref<10240x128xf32, #tpu.memory_space<hbm>>) target(%dma_start3A_556 : memref<128x128xf32, #tpu.memory_space<vmem>>) offsets(%dma_start3A_559 : memref<128xi32, #tpu.memory_space<vmem>>) semaphore(%arg16 : memref<!tpu.dma_semaphore, #tpu.memory_space<semaphore_mem>>)
      %dma_wait3A_563 = arith.constant 10 : i32
      %dma_wait3A_564 = arith.constant 0 : i32
      %dma_wait3A_565 = arith.constant 0 : i32
      %dma_wait3A_566 = arith.constant 0 : i32
      %dma_wait3A_567 = tpu.memref_slice %arg12[%dma_wait3A_564, %dma_wait3A_565, %dma_wait3A_566] : memref<2x128x128xf32, #tpu.memory_space<vmem>> -> memref<1x128x128xf32, #tpu.memory_space<vmem>>
      %dma_wait3A_568 = tpu.memref_squeeze %dma_wait3A_567 : memref<1x128x128xf32, #tpu.memory_space<vmem>> -> memref<128x128xf32, #tpu.memory_space<vmem>>
      %dma_wait3A_569 = arith.constant 0 : i32
      %dma_wait3A_570 = tpu.memref_slice %arg10[%dma_wait3A_563, %dma_wait3A_569] : memref<16x128xi32, #tpu.memory_space<vmem>> -> memref<1x128xi32, #tpu.memory_space<vmem>>
      %dma_wait3A_571 = tpu.memref_squeeze %dma_wait3A_570 : memref<1x128xi32, #tpu.memory_space<vmem>> -> memref<128xi32, #tpu.memory_space<vmem>>
      %dma_wait3A_572 = arith.constant 0 : i32
      %dma_wait3A_573 = arith.constant 0 : i32
      %dma_wait3A_574 = tpu.memref_slice %arg2[%dma_wait3A_572, %dma_wait3A_573] : memref<10240x128xf32, #tpu.memory_space<hbm>> -> memref<10240x128xf32, #tpu.memory_space<hbm>>
      tpu.wait_indirect_dma semaphore(%arg16 : memref<!tpu.dma_semaphore, #tpu.memory_space<semaphore_mem>>) src(%dma_wait3A_574 : memref<10240x128xf32, #tpu.memory_space<hbm>>) dst(%dma_wait3A_568 : memref<128x128xf32, #tpu.memory_space<vmem>>)
      %dma_start3A_575 = arith.constant 0 : i32
      %dma_start3A_576 = arith.constant 10 : i32
      %dma_start3A_577 = arith.constant 0 : i32
      %dma_start3A_578 = arith.constant 0 : i32
      %dma_start3A_579 = tpu.memref_slice %arg12[%dma_start3A_575, %dma_start3A_577, %dma_start3A_578] : memref<2x128x128xf32, #tpu.memory_space<vmem>> -> memref<1x128x128xf32, #tpu.memory_space<vmem>>
      %dma_start3A_580 = tpu.memref_squeeze %dma_start3A_579 : memref<1x128x128xf32, #tpu.memory_space<vmem>> -> memref<128x128xf32, #tpu.memory_space<vmem>>
      %dma_start3A_581 = arith.constant 0 : i32
      %dma_start3A_582 = tpu.memref_slice %arg11[%dma_start3A_576, %dma_start3A_581] : memref<16x128xi32, #tpu.memory_space<vmem>> -> memref<1x128xi32, #tpu.memory_space<vmem>>
      %dma_start3A_583 = tpu.memref_squeeze %dma_start3A_582 : memref<1x128xi32, #tpu.memory_space<vmem>> -> memref<128xi32, #tpu.memory_space<vmem>>
      %dma_start3A_584 = arith.constant 0 : i32
      %dma_start3A_585 = arith.constant 0 : i32
      %dma_start3A_586 = tpu.memref_slice %arg14[%dma_start3A_584, %dma_start3A_585] : memref<10368x128xf32, #tpu.memory_space<vmem_shared>> -> memref<10368x128xf32, #tpu.memory_space<vmem_shared>>
      tpu.enqueue_indirect_dma source(%dma_start3A_580 : memref<128x128xf32, #tpu.memory_space<vmem>>) target(%dma_start3A_586 : memref<10368x128xf32, #tpu.memory_space<vmem_shared>>) offsets(%dma_start3A_583 : memref<128xi32, #tpu.memory_space<vmem>>) semaphore(%arg17 : memref<!tpu.dma_semaphore, #tpu.memory_space<semaphore_mem>>) {add = true}
      %dma_start3A_587 = arith.constant 10 : i32
      %dma_start3A_588 = arith.constant 0 : i32
      %dma_start3A_589 = tpu.memref_slice %arg11[%dma_start3A_587, %dma_start3A_588] : memref<16x128xi32, #tpu.memory_space<vmem>> -> memref<1x128xi32, #tpu.memory_space<vmem>>
      %dma_start3A_590 = tpu.memref_squeeze %dma_start3A_589 : memref<1x128xi32, #tpu.memory_space<vmem>> -> memref<128xi32, #tpu.memory_space<vmem>>
      %dma_start3A_591 = arith.constant 0 : i32
      %dma_start3A_592 = tpu.memref_slice %arg15[%dma_start3A_591] : memref<10368xf32, #tpu.memory_space<vmem_shared>> -> memref<10368xf32, #tpu.memory_space<vmem_shared>>
      tpu.enqueue_indirect_dma source(%arg13 : memref<128xf32, #tpu.memory_space<vmem>>) target(%dma_start3A_592 : memref<10368xf32, #tpu.memory_space<vmem_shared>>) offsets(%dma_start3A_590 : memref<128xi32, #tpu.memory_space<vmem>>) semaphore(%arg18 : memref<!tpu.dma_semaphore, #tpu.memory_space<semaphore_mem>>) {add = true}
      %dma_wait3A_593 = arith.constant 1 : i32
      %dma_wait3A_594 = arith.constant 9 : i32
      %dma_wait3A_595 = arith.constant 0 : i32
      %dma_wait3A_596 = arith.constant 0 : i32
      %dma_wait3A_597 = tpu.memref_slice %arg12[%dma_wait3A_593, %dma_wait3A_595, %dma_wait3A_596] : memref<2x128x128xf32, #tpu.memory_space<vmem>> -> memref<1x128x128xf32, #tpu.memory_space<vmem>>
      %dma_wait3A_598 = tpu.memref_squeeze %dma_wait3A_597 : memref<1x128x128xf32, #tpu.memory_space<vmem>> -> memref<128x128xf32, #tpu.memory_space<vmem>>
      %dma_wait3A_599 = arith.constant 0 : i32
      %dma_wait3A_600 = tpu.memref_slice %arg11[%dma_wait3A_594, %dma_wait3A_599] : memref<16x128xi32, #tpu.memory_space<vmem>> -> memref<1x128xi32, #tpu.memory_space<vmem>>
      %dma_wait3A_601 = tpu.memref_squeeze %dma_wait3A_600 : memref<1x128xi32, #tpu.memory_space<vmem>> -> memref<128xi32, #tpu.memory_space<vmem>>
      %dma_wait3A_602 = arith.constant 0 : i32
      %dma_wait3A_603 = arith.constant 0 : i32
      %dma_wait3A_604 = tpu.memref_slice %arg14[%dma_wait3A_602, %dma_wait3A_603] : memref<10368x128xf32, #tpu.memory_space<vmem_shared>> -> memref<10368x128xf32, #tpu.memory_space<vmem_shared>>
      tpu.wait_indirect_dma semaphore(%arg17 : memref<!tpu.dma_semaphore, #tpu.memory_space<semaphore_mem>>) src(%dma_wait3A_598 : memref<128x128xf32, #tpu.memory_space<vmem>>) dst(%dma_wait3A_604 : memref<10368x128xf32, #tpu.memory_space<vmem_shared>>)
      %dma_start3A_605 = arith.constant 11 : i32
      %dma_start3A_606 = arith.constant 1 : i32
      %dma_start3A_607 = arith.constant 0 : i32
      %dma_start3A_608 = arith.constant 0 : i32
      %dma_start3A_609 = tpu.memref_slice %arg12[%dma_start3A_606, %dma_start3A_607, %dma_start3A_608] : memref<2x128x128xf32, #tpu.memory_space<vmem>> -> memref<1x128x128xf32, #tpu.memory_space<vmem>>
      %dma_start3A_610 = tpu.memref_squeeze %dma_start3A_609 : memref<1x128x128xf32, #tpu.memory_space<vmem>> -> memref<128x128xf32, #tpu.memory_space<vmem>>
      %dma_start3A_611 = arith.constant 0 : i32
      %dma_start3A_612 = tpu.memref_slice %arg10[%dma_start3A_605, %dma_start3A_611] : memref<16x128xi32, #tpu.memory_space<vmem>> -> memref<1x128xi32, #tpu.memory_space<vmem>>
      %dma_start3A_613 = tpu.memref_squeeze %dma_start3A_612 : memref<1x128xi32, #tpu.memory_space<vmem>> -> memref<128xi32, #tpu.memory_space<vmem>>
      %dma_start3A_614 = arith.constant 0 : i32
      %dma_start3A_615 = arith.constant 0 : i32
      %dma_start3A_616 = tpu.memref_slice %arg2[%dma_start3A_614, %dma_start3A_615] : memref<10240x128xf32, #tpu.memory_space<hbm>> -> memref<10240x128xf32, #tpu.memory_space<hbm>>
      tpu.enqueue_indirect_dma source(%dma_start3A_616 : memref<10240x128xf32, #tpu.memory_space<hbm>>) target(%dma_start3A_610 : memref<128x128xf32, #tpu.memory_space<vmem>>) offsets(%dma_start3A_613 : memref<128xi32, #tpu.memory_space<vmem>>) semaphore(%arg16 : memref<!tpu.dma_semaphore, #tpu.memory_space<semaphore_mem>>)
      %dma_wait3A_617 = arith.constant 11 : i32
      %dma_wait3A_618 = arith.constant 1 : i32
      %dma_wait3A_619 = arith.constant 0 : i32
      %dma_wait3A_620 = arith.constant 0 : i32
      %dma_wait3A_621 = tpu.memref_slice %arg12[%dma_wait3A_618, %dma_wait3A_619, %dma_wait3A_620] : memref<2x128x128xf32, #tpu.memory_space<vmem>> -> memref<1x128x128xf32, #tpu.memory_space<vmem>>
      %dma_wait3A_622 = tpu.memref_squeeze %dma_wait3A_621 : memref<1x128x128xf32, #tpu.memory_space<vmem>> -> memref<128x128xf32, #tpu.memory_space<vmem>>
      %dma_wait3A_623 = arith.constant 0 : i32
      %dma_wait3A_624 = tpu.memref_slice %arg10[%dma_wait3A_617, %dma_wait3A_623] : memref<16x128xi32, #tpu.memory_space<vmem>> -> memref<1x128xi32, #tpu.memory_space<vmem>>
      %dma_wait3A_625 = tpu.memref_squeeze %dma_wait3A_624 : memref<1x128xi32, #tpu.memory_space<vmem>> -> memref<128xi32, #tpu.memory_space<vmem>>
      %dma_wait3A_626 = arith.constant 0 : i32
      %dma_wait3A_627 = arith.constant 0 : i32
      %dma_wait3A_628 = tpu.memref_slice %arg2[%dma_wait3A_626, %dma_wait3A_627] : memref<10240x128xf32, #tpu.memory_space<hbm>> -> memref<10240x128xf32, #tpu.memory_space<hbm>>
      tpu.wait_indirect_dma semaphore(%arg16 : memref<!tpu.dma_semaphore, #tpu.memory_space<semaphore_mem>>) src(%dma_wait3A_628 : memref<10240x128xf32, #tpu.memory_space<hbm>>) dst(%dma_wait3A_622 : memref<128x128xf32, #tpu.memory_space<vmem>>)
      %dma_start3A_629 = arith.constant 1 : i32
      %dma_start3A_630 = arith.constant 11 : i32
      %dma_start3A_631 = arith.constant 0 : i32
      %dma_start3A_632 = arith.constant 0 : i32
      %dma_start3A_633 = tpu.memref_slice %arg12[%dma_start3A_629, %dma_start3A_631, %dma_start3A_632] : memref<2x128x128xf32, #tpu.memory_space<vmem>> -> memref<1x128x128xf32, #tpu.memory_space<vmem>>
      %dma_start3A_634 = tpu.memref_squeeze %dma_start3A_633 : memref<1x128x128xf32, #tpu.memory_space<vmem>> -> memref<128x128xf32, #tpu.memory_space<vmem>>
      %dma_start3A_635 = arith.constant 0 : i32
      %dma_start3A_636 = tpu.memref_slice %arg11[%dma_start3A_630, %dma_start3A_635] : memref<16x128xi32, #tpu.memory_space<vmem>> -> memref<1x128xi32, #tpu.memory_space<vmem>>
      %dma_start3A_637 = tpu.memref_squeeze %dma_start3A_636 : memref<1x128xi32, #tpu.memory_space<vmem>> -> memref<128xi32, #tpu.memory_space<vmem>>
      %dma_start3A_638 = arith.constant 0 : i32
      %dma_start3A_639 = arith.constant 0 : i32
      %dma_start3A_640 = tpu.memref_slice %arg14[%dma_start3A_638, %dma_start3A_639] : memref<10368x128xf32, #tpu.memory_space<vmem_shared>> -> memref<10368x128xf32, #tpu.memory_space<vmem_shared>>
      tpu.enqueue_indirect_dma source(%dma_start3A_634 : memref<128x128xf32, #tpu.memory_space<vmem>>) target(%dma_start3A_640 : memref<10368x128xf32, #tpu.memory_space<vmem_shared>>) offsets(%dma_start3A_637 : memref<128xi32, #tpu.memory_space<vmem>>) semaphore(%arg17 : memref<!tpu.dma_semaphore, #tpu.memory_space<semaphore_mem>>) {add = true}
      %dma_start3A_641 = arith.constant 11 : i32
      %dma_start3A_642 = arith.constant 0 : i32
      %dma_start3A_643 = tpu.memref_slice %arg11[%dma_start3A_641, %dma_start3A_642] : memref<16x128xi32, #tpu.memory_space<vmem>> -> memref<1x128xi32, #tpu.memory_space<vmem>>
      %dma_start3A_644 = tpu.memref_squeeze %dma_start3A_643 : memref<1x128xi32, #tpu.memory_space<vmem>> -> memref<128xi32, #tpu.memory_space<vmem>>
      %dma_start3A_645 = arith.constant 0 : i32
      %dma_start3A_646 = tpu.memref_slice %arg15[%dma_start3A_645] : memref<10368xf32, #tpu.memory_space<vmem_shared>> -> memref<10368xf32, #tpu.memory_space<vmem_shared>>
      tpu.enqueue_indirect_dma source(%arg13 : memref<128xf32, #tpu.memory_space<vmem>>) target(%dma_start3A_646 : memref<10368xf32, #tpu.memory_space<vmem_shared>>) offsets(%dma_start3A_644 : memref<128xi32, #tpu.memory_space<vmem>>) semaphore(%arg18 : memref<!tpu.dma_semaphore, #tpu.memory_space<semaphore_mem>>) {add = true}
      %dma_wait3A_647 = arith.constant 0 : i32
      %dma_wait3A_648 = arith.constant 10 : i32
      %dma_wait3A_649 = arith.constant 0 : i32
      %dma_wait3A_650 = arith.constant 0 : i32
      %dma_wait3A_651 = tpu.memref_slice %arg12[%dma_wait3A_647, %dma_wait3A_649, %dma_wait3A_650] : memref<2x128x128xf32, #tpu.memory_space<vmem>> -> memref<1x128x128xf32, #tpu.memory_space<vmem>>
      %dma_wait3A_652 = tpu.memref_squeeze %dma_wait3A_651 : memref<1x128x128xf32, #tpu.memory_space<vmem>> -> memref<128x128xf32, #tpu.memory_space<vmem>>
      %dma_wait3A_653 = arith.constant 0 : i32
      %dma_wait3A_654 = tpu.memref_slice %arg11[%dma_wait3A_648, %dma_wait3A_653] : memref<16x128xi32, #tpu.memory_space<vmem>> -> memref<1x128xi32, #tpu.memory_space<vmem>>
      %dma_wait3A_655 = tpu.memref_squeeze %dma_wait3A_654 : memref<1x128xi32, #tpu.memory_space<vmem>> -> memref<128xi32, #tpu.memory_space<vmem>>
      %dma_wait3A_656 = arith.constant 0 : i32
      %dma_wait3A_657 = arith.constant 0 : i32
      %dma_wait3A_658 = tpu.memref_slice %arg14[%dma_wait3A_656, %dma_wait3A_657] : memref<10368x128xf32, #tpu.memory_space<vmem_shared>> -> memref<10368x128xf32, #tpu.memory_space<vmem_shared>>
      tpu.wait_indirect_dma semaphore(%arg17 : memref<!tpu.dma_semaphore, #tpu.memory_space<semaphore_mem>>) src(%dma_wait3A_652 : memref<128x128xf32, #tpu.memory_space<vmem>>) dst(%dma_wait3A_658 : memref<10368x128xf32, #tpu.memory_space<vmem_shared>>)
      %dma_start3A_659 = arith.constant 12 : i32
      %dma_start3A_660 = arith.constant 0 : i32
      %dma_start3A_661 = arith.constant 0 : i32
      %dma_start3A_662 = arith.constant 0 : i32
      %dma_start3A_663 = tpu.memref_slice %arg12[%dma_start3A_660, %dma_start3A_661, %dma_start3A_662] : memref<2x128x128xf32, #tpu.memory_space<vmem>> -> memref<1x128x128xf32, #tpu.memory_space<vmem>>
      %dma_start3A_664 = tpu.memref_squeeze %dma_start3A_663 : memref<1x128x128xf32, #tpu.memory_space<vmem>> -> memref<128x128xf32, #tpu.memory_space<vmem>>
      %dma_start3A_665 = arith.constant 0 : i32
      %dma_start3A_666 = tpu.memref_slice %arg10[%dma_start3A_659, %dma_start3A_665] : memref<16x128xi32, #tpu.memory_space<vmem>> -> memref<1x128xi32, #tpu.memory_space<vmem>>
      %dma_start3A_667 = tpu.memref_squeeze %dma_start3A_666 : memref<1x128xi32, #tpu.memory_space<vmem>> -> memref<128xi32, #tpu.memory_space<vmem>>
      %dma_start3A_668 = arith.constant 0 : i32
      %dma_start3A_669 = arith.constant 0 : i32
      %dma_start3A_670 = tpu.memref_slice %arg2[%dma_start3A_668, %dma_start3A_669] : memref<10240x128xf32, #tpu.memory_space<hbm>> -> memref<10240x128xf32, #tpu.memory_space<hbm>>
      tpu.enqueue_indirect_dma source(%dma_start3A_670 : memref<10240x128xf32, #tpu.memory_space<hbm>>) target(%dma_start3A_664 : memref<128x128xf32, #tpu.memory_space<vmem>>) offsets(%dma_start3A_667 : memref<128xi32, #tpu.memory_space<vmem>>) semaphore(%arg16 : memref<!tpu.dma_semaphore, #tpu.memory_space<semaphore_mem>>)
      %dma_wait3A_671 = arith.constant 12 : i32
      %dma_wait3A_672 = arith.constant 0 : i32
      %dma_wait3A_673 = arith.constant 0 : i32
      %dma_wait3A_674 = arith.constant 0 : i32
      %dma_wait3A_675 = tpu.memref_slice %arg12[%dma_wait3A_672, %dma_wait3A_673, %dma_wait3A_674] : memref<2x128x128xf32, #tpu.memory_space<vmem>> -> memref<1x128x128xf32, #tpu.memory_space<vmem>>
      %dma_wait3A_676 = tpu.memref_squeeze %dma_wait3A_675 : memref<1x128x128xf32, #tpu.memory_space<vmem>> -> memref<128x128xf32, #tpu.memory_space<vmem>>
      %dma_wait3A_677 = arith.constant 0 : i32
      %dma_wait3A_678 = tpu.memref_slice %arg10[%dma_wait3A_671, %dma_wait3A_677] : memref<16x128xi32, #tpu.memory_space<vmem>> -> memref<1x128xi32, #tpu.memory_space<vmem>>
      %dma_wait3A_679 = tpu.memref_squeeze %dma_wait3A_678 : memref<1x128xi32, #tpu.memory_space<vmem>> -> memref<128xi32, #tpu.memory_space<vmem>>
      %dma_wait3A_680 = arith.constant 0 : i32
      %dma_wait3A_681 = arith.constant 0 : i32
      %dma_wait3A_682 = tpu.memref_slice %arg2[%dma_wait3A_680, %dma_wait3A_681] : memref<10240x128xf32, #tpu.memory_space<hbm>> -> memref<10240x128xf32, #tpu.memory_space<hbm>>
      tpu.wait_indirect_dma semaphore(%arg16 : memref<!tpu.dma_semaphore, #tpu.memory_space<semaphore_mem>>) src(%dma_wait3A_682 : memref<10240x128xf32, #tpu.memory_space<hbm>>) dst(%dma_wait3A_676 : memref<128x128xf32, #tpu.memory_space<vmem>>)
      %dma_start3A_683 = arith.constant 0 : i32
      %dma_start3A_684 = arith.constant 12 : i32
      %dma_start3A_685 = arith.constant 0 : i32
      %dma_start3A_686 = arith.constant 0 : i32
      %dma_start3A_687 = tpu.memref_slice %arg12[%dma_start3A_683, %dma_start3A_685, %dma_start3A_686] : memref<2x128x128xf32, #tpu.memory_space<vmem>> -> memref<1x128x128xf32, #tpu.memory_space<vmem>>
      %dma_start3A_688 = tpu.memref_squeeze %dma_start3A_687 : memref<1x128x128xf32, #tpu.memory_space<vmem>> -> memref<128x128xf32, #tpu.memory_space<vmem>>
      %dma_start3A_689 = arith.constant 0 : i32
      %dma_start3A_690 = tpu.memref_slice %arg11[%dma_start3A_684, %dma_start3A_689] : memref<16x128xi32, #tpu.memory_space<vmem>> -> memref<1x128xi32, #tpu.memory_space<vmem>>
      %dma_start3A_691 = tpu.memref_squeeze %dma_start3A_690 : memref<1x128xi32, #tpu.memory_space<vmem>> -> memref<128xi32, #tpu.memory_space<vmem>>
      %dma_start3A_692 = arith.constant 0 : i32
      %dma_start3A_693 = arith.constant 0 : i32
      %dma_start3A_694 = tpu.memref_slice %arg14[%dma_start3A_692, %dma_start3A_693] : memref<10368x128xf32, #tpu.memory_space<vmem_shared>> -> memref<10368x128xf32, #tpu.memory_space<vmem_shared>>
      tpu.enqueue_indirect_dma source(%dma_start3A_688 : memref<128x128xf32, #tpu.memory_space<vmem>>) target(%dma_start3A_694 : memref<10368x128xf32, #tpu.memory_space<vmem_shared>>) offsets(%dma_start3A_691 : memref<128xi32, #tpu.memory_space<vmem>>) semaphore(%arg17 : memref<!tpu.dma_semaphore, #tpu.memory_space<semaphore_mem>>) {add = true}
      %dma_start3A_695 = arith.constant 12 : i32
      %dma_start3A_696 = arith.constant 0 : i32
      %dma_start3A_697 = tpu.memref_slice %arg11[%dma_start3A_695, %dma_start3A_696] : memref<16x128xi32, #tpu.memory_space<vmem>> -> memref<1x128xi32, #tpu.memory_space<vmem>>
      %dma_start3A_698 = tpu.memref_squeeze %dma_start3A_697 : memref<1x128xi32, #tpu.memory_space<vmem>> -> memref<128xi32, #tpu.memory_space<vmem>>
      %dma_start3A_699 = arith.constant 0 : i32
      %dma_start3A_700 = tpu.memref_slice %arg15[%dma_start3A_699] : memref<10368xf32, #tpu.memory_space<vmem_shared>> -> memref<10368xf32, #tpu.memory_space<vmem_shared>>
      tpu.enqueue_indirect_dma source(%arg13 : memref<128xf32, #tpu.memory_space<vmem>>) target(%dma_start3A_700 : memref<10368xf32, #tpu.memory_space<vmem_shared>>) offsets(%dma_start3A_698 : memref<128xi32, #tpu.memory_space<vmem>>) semaphore(%arg18 : memref<!tpu.dma_semaphore, #tpu.memory_space<semaphore_mem>>) {add = true}
      %dma_wait3A_701 = arith.constant 1 : i32
      %dma_wait3A_702 = arith.constant 11 : i32
      %dma_wait3A_703 = arith.constant 0 : i32
      %dma_wait3A_704 = arith.constant 0 : i32
      %dma_wait3A_705 = tpu.memref_slice %arg12[%dma_wait3A_701, %dma_wait3A_703, %dma_wait3A_704] : memref<2x128x128xf32, #tpu.memory_space<vmem>> -> memref<1x128x128xf32, #tpu.memory_space<vmem>>
      %dma_wait3A_706 = tpu.memref_squeeze %dma_wait3A_705 : memref<1x128x128xf32, #tpu.memory_space<vmem>> -> memref<128x128xf32, #tpu.memory_space<vmem>>
      %dma_wait3A_707 = arith.constant 0 : i32
      %dma_wait3A_708 = tpu.memref_slice %arg11[%dma_wait3A_702, %dma_wait3A_707] : memref<16x128xi32, #tpu.memory_space<vmem>> -> memref<1x128xi32, #tpu.memory_space<vmem>>
      %dma_wait3A_709 = tpu.memref_squeeze %dma_wait3A_708 : memref<1x128xi32, #tpu.memory_space<vmem>> -> memref<128xi32, #tpu.memory_space<vmem>>
      %dma_wait3A_710 = arith.constant 0 : i32
      %dma_wait3A_711 = arith.constant 0 : i32
      %dma_wait3A_712 = tpu.memref_slice %arg14[%dma_wait3A_710, %dma_wait3A_711] : memref<10368x128xf32, #tpu.memory_space<vmem_shared>> -> memref<10368x128xf32, #tpu.memory_space<vmem_shared>>
      tpu.wait_indirect_dma semaphore(%arg17 : memref<!tpu.dma_semaphore, #tpu.memory_space<semaphore_mem>>) src(%dma_wait3A_706 : memref<128x128xf32, #tpu.memory_space<vmem>>) dst(%dma_wait3A_712 : memref<10368x128xf32, #tpu.memory_space<vmem_shared>>)
      %dma_start3A_713 = arith.constant 13 : i32
      %dma_start3A_714 = arith.constant 1 : i32
      %dma_start3A_715 = arith.constant 0 : i32
      %dma_start3A_716 = arith.constant 0 : i32
      %dma_start3A_717 = tpu.memref_slice %arg12[%dma_start3A_714, %dma_start3A_715, %dma_start3A_716] : memref<2x128x128xf32, #tpu.memory_space<vmem>> -> memref<1x128x128xf32, #tpu.memory_space<vmem>>
      %dma_start3A_718 = tpu.memref_squeeze %dma_start3A_717 : memref<1x128x128xf32, #tpu.memory_space<vmem>> -> memref<128x128xf32, #tpu.memory_space<vmem>>
      %dma_start3A_719 = arith.constant 0 : i32
      %dma_start3A_720 = tpu.memref_slice %arg10[%dma_start3A_713, %dma_start3A_719] : memref<16x128xi32, #tpu.memory_space<vmem>> -> memref<1x128xi32, #tpu.memory_space<vmem>>
      %dma_start3A_721 = tpu.memref_squeeze %dma_start3A_720 : memref<1x128xi32, #tpu.memory_space<vmem>> -> memref<128xi32, #tpu.memory_space<vmem>>
      %dma_start3A_722 = arith.constant 0 : i32
      %dma_start3A_723 = arith.constant 0 : i32
      %dma_start3A_724 = tpu.memref_slice %arg2[%dma_start3A_722, %dma_start3A_723] : memref<10240x128xf32, #tpu.memory_space<hbm>> -> memref<10240x128xf32, #tpu.memory_space<hbm>>
      tpu.enqueue_indirect_dma source(%dma_start3A_724 : memref<10240x128xf32, #tpu.memory_space<hbm>>) target(%dma_start3A_718 : memref<128x128xf32, #tpu.memory_space<vmem>>) offsets(%dma_start3A_721 : memref<128xi32, #tpu.memory_space<vmem>>) semaphore(%arg16 : memref<!tpu.dma_semaphore, #tpu.memory_space<semaphore_mem>>)
      %dma_wait3A_725 = arith.constant 13 : i32
      %dma_wait3A_726 = arith.constant 1 : i32
      %dma_wait3A_727 = arith.constant 0 : i32
      %dma_wait3A_728 = arith.constant 0 : i32
      %dma_wait3A_729 = tpu.memref_slice %arg12[%dma_wait3A_726, %dma_wait3A_727, %dma_wait3A_728] : memref<2x128x128xf32, #tpu.memory_space<vmem>> -> memref<1x128x128xf32, #tpu.memory_space<vmem>>
      %dma_wait3A_730 = tpu.memref_squeeze %dma_wait3A_729 : memref<1x128x128xf32, #tpu.memory_space<vmem>> -> memref<128x128xf32, #tpu.memory_space<vmem>>
      %dma_wait3A_731 = arith.constant 0 : i32
      %dma_wait3A_732 = tpu.memref_slice %arg10[%dma_wait3A_725, %dma_wait3A_731] : memref<16x128xi32, #tpu.memory_space<vmem>> -> memref<1x128xi32, #tpu.memory_space<vmem>>
      %dma_wait3A_733 = tpu.memref_squeeze %dma_wait3A_732 : memref<1x128xi32, #tpu.memory_space<vmem>> -> memref<128xi32, #tpu.memory_space<vmem>>
      %dma_wait3A_734 = arith.constant 0 : i32
      %dma_wait3A_735 = arith.constant 0 : i32
      %dma_wait3A_736 = tpu.memref_slice %arg2[%dma_wait3A_734, %dma_wait3A_735] : memref<10240x128xf32, #tpu.memory_space<hbm>> -> memref<10240x128xf32, #tpu.memory_space<hbm>>
      tpu.wait_indirect_dma semaphore(%arg16 : memref<!tpu.dma_semaphore, #tpu.memory_space<semaphore_mem>>) src(%dma_wait3A_736 : memref<10240x128xf32, #tpu.memory_space<hbm>>) dst(%dma_wait3A_730 : memref<128x128xf32, #tpu.memory_space<vmem>>)
      %dma_start3A_737 = arith.constant 1 : i32
      %dma_start3A_738 = arith.constant 13 : i32
      %dma_start3A_739 = arith.constant 0 : i32
      %dma_start3A_740 = arith.constant 0 : i32
      %dma_start3A_741 = tpu.memref_slice %arg12[%dma_start3A_737, %dma_start3A_739, %dma_start3A_740] : memref<2x128x128xf32, #tpu.memory_space<vmem>> -> memref<1x128x128xf32, #tpu.memory_space<vmem>>
      %dma_start3A_742 = tpu.memref_squeeze %dma_start3A_741 : memref<1x128x128xf32, #tpu.memory_space<vmem>> -> memref<128x128xf32, #tpu.memory_space<vmem>>
      %dma_start3A_743 = arith.constant 0 : i32
      %dma_start3A_744 = tpu.memref_slice %arg11[%dma_start3A_738, %dma_start3A_743] : memref<16x128xi32, #tpu.memory_space<vmem>> -> memref<1x128xi32, #tpu.memory_space<vmem>>
      %dma_start3A_745 = tpu.memref_squeeze %dma_start3A_744 : memref<1x128xi32, #tpu.memory_space<vmem>> -> memref<128xi32, #tpu.memory_space<vmem>>
      %dma_start3A_746 = arith.constant 0 : i32
      %dma_start3A_747 = arith.constant 0 : i32
      %dma_start3A_748 = tpu.memref_slice %arg14[%dma_start3A_746, %dma_start3A_747] : memref<10368x128xf32, #tpu.memory_space<vmem_shared>> -> memref<10368x128xf32, #tpu.memory_space<vmem_shared>>
      tpu.enqueue_indirect_dma source(%dma_start3A_742 : memref<128x128xf32, #tpu.memory_space<vmem>>) target(%dma_start3A_748 : memref<10368x128xf32, #tpu.memory_space<vmem_shared>>) offsets(%dma_start3A_745 : memref<128xi32, #tpu.memory_space<vmem>>) semaphore(%arg17 : memref<!tpu.dma_semaphore, #tpu.memory_space<semaphore_mem>>) {add = true}
      %dma_start3A_749 = arith.constant 13 : i32
      %dma_start3A_750 = arith.constant 0 : i32
      %dma_start3A_751 = tpu.memref_slice %arg11[%dma_start3A_749, %dma_start3A_750] : memref<16x128xi32, #tpu.memory_space<vmem>> -> memref<1x128xi32, #tpu.memory_space<vmem>>
      %dma_start3A_752 = tpu.memref_squeeze %dma_start3A_751 : memref<1x128xi32, #tpu.memory_space<vmem>> -> memref<128xi32, #tpu.memory_space<vmem>>
      %dma_start3A_753 = arith.constant 0 : i32
      %dma_start3A_754 = tpu.memref_slice %arg15[%dma_start3A_753] : memref<10368xf32, #tpu.memory_space<vmem_shared>> -> memref<10368xf32, #tpu.memory_space<vmem_shared>>
      tpu.enqueue_indirect_dma source(%arg13 : memref<128xf32, #tpu.memory_space<vmem>>) target(%dma_start3A_754 : memref<10368xf32, #tpu.memory_space<vmem_shared>>) offsets(%dma_start3A_752 : memref<128xi32, #tpu.memory_space<vmem>>) semaphore(%arg18 : memref<!tpu.dma_semaphore, #tpu.memory_space<semaphore_mem>>) {add = true}
      %dma_wait3A_755 = arith.constant 0 : i32
      %dma_wait3A_756 = arith.constant 12 : i32
      %dma_wait3A_757 = arith.constant 0 : i32
      %dma_wait3A_758 = arith.constant 0 : i32
      %dma_wait3A_759 = tpu.memref_slice %arg12[%dma_wait3A_755, %dma_wait3A_757, %dma_wait3A_758] : memref<2x128x128xf32, #tpu.memory_space<vmem>> -> memref<1x128x128xf32, #tpu.memory_space<vmem>>
      %dma_wait3A_760 = tpu.memref_squeeze %dma_wait3A_759 : memref<1x128x128xf32, #tpu.memory_space<vmem>> -> memref<128x128xf32, #tpu.memory_space<vmem>>
      %dma_wait3A_761 = arith.constant 0 : i32
      %dma_wait3A_762 = tpu.memref_slice %arg11[%dma_wait3A_756, %dma_wait3A_761] : memref<16x128xi32, #tpu.memory_space<vmem>> -> memref<1x128xi32, #tpu.memory_space<vmem>>
      %dma_wait3A_763 = tpu.memref_squeeze %dma_wait3A_762 : memref<1x128xi32, #tpu.memory_space<vmem>> -> memref<128xi32, #tpu.memory_space<vmem>>
      %dma_wait3A_764 = arith.constant 0 : i32
      %dma_wait3A_765 = arith.constant 0 : i32
      %dma_wait3A_766 = tpu.memref_slice %arg14[%dma_wait3A_764, %dma_wait3A_765] : memref<10368x128xf32, #tpu.memory_space<vmem_shared>> -> memref<10368x128xf32, #tpu.memory_space<vmem_shared>>
      tpu.wait_indirect_dma semaphore(%arg17 : memref<!tpu.dma_semaphore, #tpu.memory_space<semaphore_mem>>) src(%dma_wait3A_760 : memref<128x128xf32, #tpu.memory_space<vmem>>) dst(%dma_wait3A_766 : memref<10368x128xf32, #tpu.memory_space<vmem_shared>>)
      %dma_start3A_767 = arith.constant 14 : i32
      %dma_start3A_768 = arith.constant 0 : i32
      %dma_start3A_769 = arith.constant 0 : i32
      %dma_start3A_770 = arith.constant 0 : i32
      %dma_start3A_771 = tpu.memref_slice %arg12[%dma_start3A_768, %dma_start3A_769, %dma_start3A_770] : memref<2x128x128xf32, #tpu.memory_space<vmem>> -> memref<1x128x128xf32, #tpu.memory_space<vmem>>
      %dma_start3A_772 = tpu.memref_squeeze %dma_start3A_771 : memref<1x128x128xf32, #tpu.memory_space<vmem>> -> memref<128x128xf32, #tpu.memory_space<vmem>>
      %dma_start3A_773 = arith.constant 0 : i32
      %dma_start3A_774 = tpu.memref_slice %arg10[%dma_start3A_767, %dma_start3A_773] : memref<16x128xi32, #tpu.memory_space<vmem>> -> memref<1x128xi32, #tpu.memory_space<vmem>>
      %dma_start3A_775 = tpu.memref_squeeze %dma_start3A_774 : memref<1x128xi32, #tpu.memory_space<vmem>> -> memref<128xi32, #tpu.memory_space<vmem>>
      %dma_start3A_776 = arith.constant 0 : i32
      %dma_start3A_777 = arith.constant 0 : i32
      %dma_start3A_778 = tpu.memref_slice %arg2[%dma_start3A_776, %dma_start3A_777] : memref<10240x128xf32, #tpu.memory_space<hbm>> -> memref<10240x128xf32, #tpu.memory_space<hbm>>
      tpu.enqueue_indirect_dma source(%dma_start3A_778 : memref<10240x128xf32, #tpu.memory_space<hbm>>) target(%dma_start3A_772 : memref<128x128xf32, #tpu.memory_space<vmem>>) offsets(%dma_start3A_775 : memref<128xi32, #tpu.memory_space<vmem>>) semaphore(%arg16 : memref<!tpu.dma_semaphore, #tpu.memory_space<semaphore_mem>>)
      %dma_wait3A_779 = arith.constant 14 : i32
      %dma_wait3A_780 = arith.constant 0 : i32
      %dma_wait3A_781 = arith.constant 0 : i32
      %dma_wait3A_782 = arith.constant 0 : i32
      %dma_wait3A_783 = tpu.memref_slice %arg12[%dma_wait3A_780, %dma_wait3A_781, %dma_wait3A_782] : memref<2x128x128xf32, #tpu.memory_space<vmem>> -> memref<1x128x128xf32, #tpu.memory_space<vmem>>
      %dma_wait3A_784 = tpu.memref_squeeze %dma_wait3A_783 : memref<1x128x128xf32, #tpu.memory_space<vmem>> -> memref<128x128xf32, #tpu.memory_space<vmem>>
      %dma_wait3A_785 = arith.constant 0 : i32
      %dma_wait3A_786 = tpu.memref_slice %arg10[%dma_wait3A_779, %dma_wait3A_785] : memref<16x128xi32, #tpu.memory_space<vmem>> -> memref<1x128xi32, #tpu.memory_space<vmem>>
      %dma_wait3A_787 = tpu.memref_squeeze %dma_wait3A_786 : memref<1x128xi32, #tpu.memory_space<vmem>> -> memref<128xi32, #tpu.memory_space<vmem>>
      %dma_wait3A_788 = arith.constant 0 : i32
      %dma_wait3A_789 = arith.constant 0 : i32
      %dma_wait3A_790 = tpu.memref_slice %arg2[%dma_wait3A_788, %dma_wait3A_789] : memref<10240x128xf32, #tpu.memory_space<hbm>> -> memref<10240x128xf32, #tpu.memory_space<hbm>>
      tpu.wait_indirect_dma semaphore(%arg16 : memref<!tpu.dma_semaphore, #tpu.memory_space<semaphore_mem>>) src(%dma_wait3A_790 : memref<10240x128xf32, #tpu.memory_space<hbm>>) dst(%dma_wait3A_784 : memref<128x128xf32, #tpu.memory_space<vmem>>)
      %dma_start3A_791 = arith.constant 0 : i32
      %dma_start3A_792 = arith.constant 14 : i32
      %dma_start3A_793 = arith.constant 0 : i32
      %dma_start3A_794 = arith.constant 0 : i32
      %dma_start3A_795 = tpu.memref_slice %arg12[%dma_start3A_791, %dma_start3A_793, %dma_start3A_794] : memref<2x128x128xf32, #tpu.memory_space<vmem>> -> memref<1x128x128xf32, #tpu.memory_space<vmem>>
      %dma_start3A_796 = tpu.memref_squeeze %dma_start3A_795 : memref<1x128x128xf32, #tpu.memory_space<vmem>> -> memref<128x128xf32, #tpu.memory_space<vmem>>
      %dma_start3A_797 = arith.constant 0 : i32
      %dma_start3A_798 = tpu.memref_slice %arg11[%dma_start3A_792, %dma_start3A_797] : memref<16x128xi32, #tpu.memory_space<vmem>> -> memref<1x128xi32, #tpu.memory_space<vmem>>
      %dma_start3A_799 = tpu.memref_squeeze %dma_start3A_798 : memref<1x128xi32, #tpu.memory_space<vmem>> -> memref<128xi32, #tpu.memory_space<vmem>>
      %dma_start3A_800 = arith.constant 0 : i32
      %dma_start3A_801 = arith.constant 0 : i32
      %dma_start3A_802 = tpu.memref_slice %arg14[%dma_start3A_800, %dma_start3A_801] : memref<10368x128xf32, #tpu.memory_space<vmem_shared>> -> memref<10368x128xf32, #tpu.memory_space<vmem_shared>>
      tpu.enqueue_indirect_dma source(%dma_start3A_796 : memref<128x128xf32, #tpu.memory_space<vmem>>) target(%dma_start3A_802 : memref<10368x128xf32, #tpu.memory_space<vmem_shared>>) offsets(%dma_start3A_799 : memref<128xi32, #tpu.memory_space<vmem>>) semaphore(%arg17 : memref<!tpu.dma_semaphore, #tpu.memory_space<semaphore_mem>>) {add = true}
      %dma_start3A_803 = arith.constant 14 : i32
      %dma_start3A_804 = arith.constant 0 : i32
      %dma_start3A_805 = tpu.memref_slice %arg11[%dma_start3A_803, %dma_start3A_804] : memref<16x128xi32, #tpu.memory_space<vmem>> -> memref<1x128xi32, #tpu.memory_space<vmem>>
      %dma_start3A_806 = tpu.memref_squeeze %dma_start3A_805 : memref<1x128xi32, #tpu.memory_space<vmem>> -> memref<128xi32, #tpu.memory_space<vmem>>
      %dma_start3A_807 = arith.constant 0 : i32
      %dma_start3A_808 = tpu.memref_slice %arg15[%dma_start3A_807] : memref<10368xf32, #tpu.memory_space<vmem_shared>> -> memref<10368xf32, #tpu.memory_space<vmem_shared>>
      tpu.enqueue_indirect_dma source(%arg13 : memref<128xf32, #tpu.memory_space<vmem>>) target(%dma_start3A_808 : memref<10368xf32, #tpu.memory_space<vmem_shared>>) offsets(%dma_start3A_806 : memref<128xi32, #tpu.memory_space<vmem>>) semaphore(%arg18 : memref<!tpu.dma_semaphore, #tpu.memory_space<semaphore_mem>>) {add = true}
      %dma_wait3A_809 = arith.constant 1 : i32
      %dma_wait3A_810 = arith.constant 13 : i32
      %dma_wait3A_811 = arith.constant 0 : i32
      %dma_wait3A_812 = arith.constant 0 : i32
      %dma_wait3A_813 = tpu.memref_slice %arg12[%dma_wait3A_809, %dma_wait3A_811, %dma_wait3A_812] : memref<2x128x128xf32, #tpu.memory_space<vmem>> -> memref<1x128x128xf32, #tpu.memory_space<vmem>>
      %dma_wait3A_814 = tpu.memref_squeeze %dma_wait3A_813 : memref<1x128x128xf32, #tpu.memory_space<vmem>> -> memref<128x128xf32, #tpu.memory_space<vmem>>
      %dma_wait3A_815 = arith.constant 0 : i32
      %dma_wait3A_816 = tpu.memref_slice %arg11[%dma_wait3A_810, %dma_wait3A_815] : memref<16x128xi32, #tpu.memory_space<vmem>> -> memref<1x128xi32, #tpu.memory_space<vmem>>
      %dma_wait3A_817 = tpu.memref_squeeze %dma_wait3A_816 : memref<1x128xi32, #tpu.memory_space<vmem>> -> memref<128xi32, #tpu.memory_space<vmem>>
      %dma_wait3A_818 = arith.constant 0 : i32
      %dma_wait3A_819 = arith.constant 0 : i32
      %dma_wait3A_820 = tpu.memref_slice %arg14[%dma_wait3A_818, %dma_wait3A_819] : memref<10368x128xf32, #tpu.memory_space<vmem_shared>> -> memref<10368x128xf32, #tpu.memory_space<vmem_shared>>
      tpu.wait_indirect_dma semaphore(%arg17 : memref<!tpu.dma_semaphore, #tpu.memory_space<semaphore_mem>>) src(%dma_wait3A_814 : memref<128x128xf32, #tpu.memory_space<vmem>>) dst(%dma_wait3A_820 : memref<10368x128xf32, #tpu.memory_space<vmem_shared>>)
      %dma_start3A_821 = arith.constant 15 : i32
      %dma_start3A_822 = arith.constant 1 : i32
      %dma_start3A_823 = arith.constant 0 : i32
      %dma_start3A_824 = arith.constant 0 : i32
      %dma_start3A_825 = tpu.memref_slice %arg12[%dma_start3A_822, %dma_start3A_823, %dma_start3A_824] : memref<2x128x128xf32, #tpu.memory_space<vmem>> -> memref<1x128x128xf32, #tpu.memory_space<vmem>>
      %dma_start3A_826 = tpu.memref_squeeze %dma_start3A_825 : memref<1x128x128xf32, #tpu.memory_space<vmem>> -> memref<128x128xf32, #tpu.memory_space<vmem>>
      %dma_start3A_827 = arith.constant 0 : i32
      %dma_start3A_828 = tpu.memref_slice %arg10[%dma_start3A_821, %dma_start3A_827] : memref<16x128xi32, #tpu.memory_space<vmem>> -> memref<1x128xi32, #tpu.memory_space<vmem>>
      %dma_start3A_829 = tpu.memref_squeeze %dma_start3A_828 : memref<1x128xi32, #tpu.memory_space<vmem>> -> memref<128xi32, #tpu.memory_space<vmem>>
      %dma_start3A_830 = arith.constant 0 : i32
      %dma_start3A_831 = arith.constant 0 : i32
      %dma_start3A_832 = tpu.memref_slice %arg2[%dma_start3A_830, %dma_start3A_831] : memref<10240x128xf32, #tpu.memory_space<hbm>> -> memref<10240x128xf32, #tpu.memory_space<hbm>>
      tpu.enqueue_indirect_dma source(%dma_start3A_832 : memref<10240x128xf32, #tpu.memory_space<hbm>>) target(%dma_start3A_826 : memref<128x128xf32, #tpu.memory_space<vmem>>) offsets(%dma_start3A_829 : memref<128xi32, #tpu.memory_space<vmem>>) semaphore(%arg16 : memref<!tpu.dma_semaphore, #tpu.memory_space<semaphore_mem>>)
      %dma_wait3A_833 = arith.constant 15 : i32
      %dma_wait3A_834 = arith.constant 1 : i32
      %dma_wait3A_835 = arith.constant 0 : i32
      %dma_wait3A_836 = arith.constant 0 : i32
      %dma_wait3A_837 = tpu.memref_slice %arg12[%dma_wait3A_834, %dma_wait3A_835, %dma_wait3A_836] : memref<2x128x128xf32, #tpu.memory_space<vmem>> -> memref<1x128x128xf32, #tpu.memory_space<vmem>>
      %dma_wait3A_838 = tpu.memref_squeeze %dma_wait3A_837 : memref<1x128x128xf32, #tpu.memory_space<vmem>> -> memref<128x128xf32, #tpu.memory_space<vmem>>
      %dma_wait3A_839 = arith.constant 0 : i32
      %dma_wait3A_840 = tpu.memref_slice %arg10[%dma_wait3A_833, %dma_wait3A_839] : memref<16x128xi32, #tpu.memory_space<vmem>> -> memref<1x128xi32, #tpu.memory_space<vmem>>
      %dma_wait3A_841 = tpu.memref_squeeze %dma_wait3A_840 : memref<1x128xi32, #tpu.memory_space<vmem>> -> memref<128xi32, #tpu.memory_space<vmem>>
      %dma_wait3A_842 = arith.constant 0 : i32
      %dma_wait3A_843 = arith.constant 0 : i32
      %dma_wait3A_844 = tpu.memref_slice %arg2[%dma_wait3A_842, %dma_wait3A_843] : memref<10240x128xf32, #tpu.memory_space<hbm>> -> memref<10240x128xf32, #tpu.memory_space<hbm>>
      tpu.wait_indirect_dma semaphore(%arg16 : memref<!tpu.dma_semaphore, #tpu.memory_space<semaphore_mem>>) src(%dma_wait3A_844 : memref<10240x128xf32, #tpu.memory_space<hbm>>) dst(%dma_wait3A_838 : memref<128x128xf32, #tpu.memory_space<vmem>>)
      %dma_start3A_845 = arith.constant 1 : i32
      %dma_start3A_846 = arith.constant 15 : i32
      %dma_start3A_847 = arith.constant 0 : i32
      %dma_start3A_848 = arith.constant 0 : i32
      %dma_start3A_849 = tpu.memref_slice %arg12[%dma_start3A_845, %dma_start3A_847, %dma_start3A_848] : memref<2x128x128xf32, #tpu.memory_space<vmem>> -> memref<1x128x128xf32, #tpu.memory_space<vmem>>
      %dma_start3A_850 = tpu.memref_squeeze %dma_start3A_849 : memref<1x128x128xf32, #tpu.memory_space<vmem>> -> memref<128x128xf32, #tpu.memory_space<vmem>>
      %dma_start3A_851 = arith.constant 0 : i32
      %dma_start3A_852 = tpu.memref_slice %arg11[%dma_start3A_846, %dma_start3A_851] : memref<16x128xi32, #tpu.memory_space<vmem>> -> memref<1x128xi32, #tpu.memory_space<vmem>>
      %dma_start3A_853 = tpu.memref_squeeze %dma_start3A_852 : memref<1x128xi32, #tpu.memory_space<vmem>> -> memref<128xi32, #tpu.memory_space<vmem>>
      %dma_start3A_854 = arith.constant 0 : i32
      %dma_start3A_855 = arith.constant 0 : i32
      %dma_start3A_856 = tpu.memref_slice %arg14[%dma_start3A_854, %dma_start3A_855] : memref<10368x128xf32, #tpu.memory_space<vmem_shared>> -> memref<10368x128xf32, #tpu.memory_space<vmem_shared>>
      tpu.enqueue_indirect_dma source(%dma_start3A_850 : memref<128x128xf32, #tpu.memory_space<vmem>>) target(%dma_start3A_856 : memref<10368x128xf32, #tpu.memory_space<vmem_shared>>) offsets(%dma_start3A_853 : memref<128xi32, #tpu.memory_space<vmem>>) semaphore(%arg17 : memref<!tpu.dma_semaphore, #tpu.memory_space<semaphore_mem>>) {add = true}
      %dma_start3A_857 = arith.constant 15 : i32
      %dma_start3A_858 = arith.constant 0 : i32
      %dma_start3A_859 = tpu.memref_slice %arg11[%dma_start3A_857, %dma_start3A_858] : memref<16x128xi32, #tpu.memory_space<vmem>> -> memref<1x128xi32, #tpu.memory_space<vmem>>
      %dma_start3A_860 = tpu.memref_squeeze %dma_start3A_859 : memref<1x128xi32, #tpu.memory_space<vmem>> -> memref<128xi32, #tpu.memory_space<vmem>>
      %dma_start3A_861 = arith.constant 0 : i32
      %dma_start3A_862 = tpu.memref_slice %arg15[%dma_start3A_861] : memref<10368xf32, #tpu.memory_space<vmem_shared>> -> memref<10368xf32, #tpu.memory_space<vmem_shared>>
      tpu.enqueue_indirect_dma source(%arg13 : memref<128xf32, #tpu.memory_space<vmem>>) target(%dma_start3A_862 : memref<10368xf32, #tpu.memory_space<vmem_shared>>) offsets(%dma_start3A_860 : memref<128xi32, #tpu.memory_space<vmem>>) semaphore(%arg18 : memref<!tpu.dma_semaphore, #tpu.memory_space<semaphore_mem>>) {add = true}
      %dma_wait3A_863 = arith.constant 0 : i32
      %dma_wait3A_864 = arith.constant 14 : i32
      %dma_wait3A_865 = arith.constant 0 : i32
      %dma_wait3A_866 = arith.constant 0 : i32
      %dma_wait3A_867 = tpu.memref_slice %arg12[%dma_wait3A_863, %dma_wait3A_865, %dma_wait3A_866] : memref<2x128x128xf32, #tpu.memory_space<vmem>> -> memref<1x128x128xf32, #tpu.memory_space<vmem>>
      %dma_wait3A_868 = tpu.memref_squeeze %dma_wait3A_867 : memref<1x128x128xf32, #tpu.memory_space<vmem>> -> memref<128x128xf32, #tpu.memory_space<vmem>>
      %dma_wait3A_869 = arith.constant 0 : i32
      %dma_wait3A_870 = tpu.memref_slice %arg11[%dma_wait3A_864, %dma_wait3A_869] : memref<16x128xi32, #tpu.memory_space<vmem>> -> memref<1x128xi32, #tpu.memory_space<vmem>>
      %dma_wait3A_871 = tpu.memref_squeeze %dma_wait3A_870 : memref<1x128xi32, #tpu.memory_space<vmem>> -> memref<128xi32, #tpu.memory_space<vmem>>
      %dma_wait3A_872 = arith.constant 0 : i32
      %dma_wait3A_873 = arith.constant 0 : i32
      %dma_wait3A_874 = tpu.memref_slice %arg14[%dma_wait3A_872, %dma_wait3A_873] : memref<10368x128xf32, #tpu.memory_space<vmem_shared>> -> memref<10368x128xf32, #tpu.memory_space<vmem_shared>>
      tpu.wait_indirect_dma semaphore(%arg17 : memref<!tpu.dma_semaphore, #tpu.memory_space<semaphore_mem>>) src(%dma_wait3A_868 : memref<128x128xf32, #tpu.memory_space<vmem>>) dst(%dma_wait3A_874 : memref<10368x128xf32, #tpu.memory_space<vmem_shared>>)
      %dma_wait3A_875 = arith.constant 1 : i32
      %dma_wait3A_876 = arith.constant 15 : i32
      %dma_wait3A_877 = arith.constant 0 : i32
      %dma_wait3A_878 = arith.constant 0 : i32
      %dma_wait3A_879 = tpu.memref_slice %arg12[%dma_wait3A_875, %dma_wait3A_877, %dma_wait3A_878] : memref<2x128x128xf32, #tpu.memory_space<vmem>> -> memref<1x128x128xf32, #tpu.memory_space<vmem>>
      %dma_wait3A_880 = tpu.memref_squeeze %dma_wait3A_879 : memref<1x128x128xf32, #tpu.memory_space<vmem>> -> memref<128x128xf32, #tpu.memory_space<vmem>>
      %dma_wait3A_881 = arith.constant 0 : i32
      %dma_wait3A_882 = tpu.memref_slice %arg11[%dma_wait3A_876, %dma_wait3A_881] : memref<16x128xi32, #tpu.memory_space<vmem>> -> memref<1x128xi32, #tpu.memory_space<vmem>>
      %dma_wait3A_883 = tpu.memref_squeeze %dma_wait3A_882 : memref<1x128xi32, #tpu.memory_space<vmem>> -> memref<128xi32, #tpu.memory_space<vmem>>
      %dma_wait3A_884 = arith.constant 0 : i32
      %dma_wait3A_885 = arith.constant 0 : i32
      %dma_wait3A_886 = tpu.memref_slice %arg14[%dma_wait3A_884, %dma_wait3A_885] : memref<10368x128xf32, #tpu.memory_space<vmem_shared>> -> memref<10368x128xf32, #tpu.memory_space<vmem_shared>>
      tpu.wait_indirect_dma semaphore(%arg17 : memref<!tpu.dma_semaphore, #tpu.memory_space<semaphore_mem>>) src(%dma_wait3A_880 : memref<128x128xf32, #tpu.memory_space<vmem>>) dst(%dma_wait3A_886 : memref<10368x128xf32, #tpu.memory_space<vmem_shared>>)
      %dma_wait3A_887 = arith.constant 0 : i32
      %dma_wait3A_888 = arith.constant 0 : i32
      %dma_wait3A_889 = tpu.memref_slice %arg11[%dma_wait3A_887, %dma_wait3A_888] : memref<16x128xi32, #tpu.memory_space<vmem>> -> memref<1x128xi32, #tpu.memory_space<vmem>>
      %dma_wait3A_890 = tpu.memref_squeeze %dma_wait3A_889 : memref<1x128xi32, #tpu.memory_space<vmem>> -> memref<128xi32, #tpu.memory_space<vmem>>
      %dma_wait3A_891 = arith.constant 0 : i32
      %dma_wait3A_892 = tpu.memref_slice %arg15[%dma_wait3A_891] : memref<10368xf32, #tpu.memory_space<vmem_shared>> -> memref<10368xf32, #tpu.memory_space<vmem_shared>>
      tpu.wait_indirect_dma semaphore(%arg18 : memref<!tpu.dma_semaphore, #tpu.memory_space<semaphore_mem>>) src(%arg13 : memref<128xf32, #tpu.memory_space<vmem>>) dst(%dma_wait3A_892 : memref<10368xf32, #tpu.memory_space<vmem_shared>>)
      %dma_wait3A_893 = arith.constant 1 : i32
      %dma_wait3A_894 = arith.constant 0 : i32
      %dma_wait3A_895 = tpu.memref_slice %arg11[%dma_wait3A_893, %dma_wait3A_894] : memref<16x128xi32, #tpu.memory_space<vmem>> -> memref<1x128xi32, #tpu.memory_space<vmem>>
      %dma_wait3A_896 = tpu.memref_squeeze %dma_wait3A_895 : memref<1x128xi32, #tpu.memory_space<vmem>> -> memref<128xi32, #tpu.memory_space<vmem>>
      %dma_wait3A_897 = arith.constant 0 : i32
      %dma_wait3A_898 = tpu.memref_slice %arg15[%dma_wait3A_897] : memref<10368xf32, #tpu.memory_space<vmem_shared>> -> memref<10368xf32, #tpu.memory_space<vmem_shared>>
      tpu.wait_indirect_dma semaphore(%arg18 : memref<!tpu.dma_semaphore, #tpu.memory_space<semaphore_mem>>) src(%arg13 : memref<128xf32, #tpu.memory_space<vmem>>) dst(%dma_wait3A_898 : memref<10368xf32, #tpu.memory_space<vmem_shared>>)
      %dma_wait3A_899 = arith.constant 2 : i32
      %dma_wait3A_900 = arith.constant 0 : i32
      %dma_wait3A_901 = tpu.memref_slice %arg11[%dma_wait3A_899, %dma_wait3A_900] : memref<16x128xi32, #tpu.memory_space<vmem>> -> memref<1x128xi32, #tpu.memory_space<vmem>>
      %dma_wait3A_902 = tpu.memref_squeeze %dma_wait3A_901 : memref<1x128xi32, #tpu.memory_space<vmem>> -> memref<128xi32, #tpu.memory_space<vmem>>
      %dma_wait3A_903 = arith.constant 0 : i32
      %dma_wait3A_904 = tpu.memref_slice %arg15[%dma_wait3A_903] : memref<10368xf32, #tpu.memory_space<vmem_shared>> -> memref<10368xf32, #tpu.memory_space<vmem_shared>>
      tpu.wait_indirect_dma semaphore(%arg18 : memref<!tpu.dma_semaphore, #tpu.memory_space<semaphore_mem>>) src(%arg13 : memref<128xf32, #tpu.memory_space<vmem>>) dst(%dma_wait3A_904 : memref<10368xf32, #tpu.memory_space<vmem_shared>>)
      %dma_wait3A_905 = arith.constant 3 : i32
      %dma_wait3A_906 = arith.constant 0 : i32
      %dma_wait3A_907 = tpu.memref_slice %arg11[%dma_wait3A_905, %dma_wait3A_906] : memref<16x128xi32, #tpu.memory_space<vmem>> -> memref<1x128xi32, #tpu.memory_space<vmem>>
      %dma_wait3A_908 = tpu.memref_squeeze %dma_wait3A_907 : memref<1x128xi32, #tpu.memory_space<vmem>> -> memref<128xi32, #tpu.memory_space<vmem>>
      %dma_wait3A_909 = arith.constant 0 : i32
      %dma_wait3A_910 = tpu.memref_slice %arg15[%dma_wait3A_909] : memref<10368xf32, #tpu.memory_space<vmem_shared>> -> memref<10368xf32, #tpu.memory_space<vmem_shared>>
      tpu.wait_indirect_dma semaphore(%arg18 : memref<!tpu.dma_semaphore, #tpu.memory_space<semaphore_mem>>) src(%arg13 : memref<128xf32, #tpu.memory_space<vmem>>) dst(%dma_wait3A_910 : memref<10368xf32, #tpu.memory_space<vmem_shared>>)
      %dma_wait3A_911 = arith.constant 4 : i32
      %dma_wait3A_912 = arith.constant 0 : i32
      %dma_wait3A_913 = tpu.memref_slice %arg11[%dma_wait3A_911, %dma_wait3A_912] : memref<16x128xi32, #tpu.memory_space<vmem>> -> memref<1x128xi32, #tpu.memory_space<vmem>>
      %dma_wait3A_914 = tpu.memref_squeeze %dma_wait3A_913 : memref<1x128xi32, #tpu.memory_space<vmem>> -> memref<128xi32, #tpu.memory_space<vmem>>
      %dma_wait3A_915 = arith.constant 0 : i32
      %dma_wait3A_916 = tpu.memref_slice %arg15[%dma_wait3A_915] : memref<10368xf32, #tpu.memory_space<vmem_shared>> -> memref<10368xf32, #tpu.memory_space<vmem_shared>>
      tpu.wait_indirect_dma semaphore(%arg18 : memref<!tpu.dma_semaphore, #tpu.memory_space<semaphore_mem>>) src(%arg13 : memref<128xf32, #tpu.memory_space<vmem>>) dst(%dma_wait3A_916 : memref<10368xf32, #tpu.memory_space<vmem_shared>>)
      %dma_wait3A_917 = arith.constant 5 : i32
      %dma_wait3A_918 = arith.constant 0 : i32
      %dma_wait3A_919 = tpu.memref_slice %arg11[%dma_wait3A_917, %dma_wait3A_918] : memref<16x128xi32, #tpu.memory_space<vmem>> -> memref<1x128xi32, #tpu.memory_space<vmem>>
      %dma_wait3A_920 = tpu.memref_squeeze %dma_wait3A_919 : memref<1x128xi32, #tpu.memory_space<vmem>> -> memref<128xi32, #tpu.memory_space<vmem>>
      %dma_wait3A_921 = arith.constant 0 : i32
      %dma_wait3A_922 = tpu.memref_slice %arg15[%dma_wait3A_921] : memref<10368xf32, #tpu.memory_space<vmem_shared>> -> memref<10368xf32, #tpu.memory_space<vmem_shared>>
      tpu.wait_indirect_dma semaphore(%arg18 : memref<!tpu.dma_semaphore, #tpu.memory_space<semaphore_mem>>) src(%arg13 : memref<128xf32, #tpu.memory_space<vmem>>) dst(%dma_wait3A_922 : memref<10368xf32, #tpu.memory_space<vmem_shared>>)
      %dma_wait3A_923 = arith.constant 6 : i32
      %dma_wait3A_924 = arith.constant 0 : i32
      %dma_wait3A_925 = tpu.memref_slice %arg11[%dma_wait3A_923, %dma_wait3A_924] : memref<16x128xi32, #tpu.memory_space<vmem>> -> memref<1x128xi32, #tpu.memory_space<vmem>>
      %dma_wait3A_926 = tpu.memref_squeeze %dma_wait3A_925 : memref<1x128xi32, #tpu.memory_space<vmem>> -> memref<128xi32, #tpu.memory_space<vmem>>
      %dma_wait3A_927 = arith.constant 0 : i32
      %dma_wait3A_928 = tpu.memref_slice %arg15[%dma_wait3A_927] : memref<10368xf32, #tpu.memory_space<vmem_shared>> -> memref<10368xf32, #tpu.memory_space<vmem_shared>>
      tpu.wait_indirect_dma semaphore(%arg18 : memref<!tpu.dma_semaphore, #tpu.memory_space<semaphore_mem>>) src(%arg13 : memref<128xf32, #tpu.memory_space<vmem>>) dst(%dma_wait3A_928 : memref<10368xf32, #tpu.memory_space<vmem_shared>>)
      %dma_wait3A_929 = arith.constant 7 : i32
      %dma_wait3A_930 = arith.constant 0 : i32
      %dma_wait3A_931 = tpu.memref_slice %arg11[%dma_wait3A_929, %dma_wait3A_930] : memref<16x128xi32, #tpu.memory_space<vmem>> -> memref<1x128xi32, #tpu.memory_space<vmem>>
      %dma_wait3A_932 = tpu.memref_squeeze %dma_wait3A_931 : memref<1x128xi32, #tpu.memory_space<vmem>> -> memref<128xi32, #tpu.memory_space<vmem>>
      %dma_wait3A_933 = arith.constant 0 : i32
      %dma_wait3A_934 = tpu.memref_slice %arg15[%dma_wait3A_933] : memref<10368xf32, #tpu.memory_space<vmem_shared>> -> memref<10368xf32, #tpu.memory_space<vmem_shared>>
      tpu.wait_indirect_dma semaphore(%arg18 : memref<!tpu.dma_semaphore, #tpu.memory_space<semaphore_mem>>) src(%arg13 : memref<128xf32, #tpu.memory_space<vmem>>) dst(%dma_wait3A_934 : memref<10368xf32, #tpu.memory_space<vmem_shared>>)
      %dma_wait3A_935 = arith.constant 8 : i32
      %dma_wait3A_936 = arith.constant 0 : i32
      %dma_wait3A_937 = tpu.memref_slice %arg11[%dma_wait3A_935, %dma_wait3A_936] : memref<16x128xi32, #tpu.memory_space<vmem>> -> memref<1x128xi32, #tpu.memory_space<vmem>>
      %dma_wait3A_938 = tpu.memref_squeeze %dma_wait3A_937 : memref<1x128xi32, #tpu.memory_space<vmem>> -> memref<128xi32, #tpu.memory_space<vmem>>
      %dma_wait3A_939 = arith.constant 0 : i32
      %dma_wait3A_940 = tpu.memref_slice %arg15[%dma_wait3A_939] : memref<10368xf32, #tpu.memory_space<vmem_shared>> -> memref<10368xf32, #tpu.memory_space<vmem_shared>>
      tpu.wait_indirect_dma semaphore(%arg18 : memref<!tpu.dma_semaphore, #tpu.memory_space<semaphore_mem>>) src(%arg13 : memref<128xf32, #tpu.memory_space<vmem>>) dst(%dma_wait3A_940 : memref<10368xf32, #tpu.memory_space<vmem_shared>>)
      %dma_wait3A_941 = arith.constant 9 : i32
      %dma_wait3A_942 = arith.constant 0 : i32
      %dma_wait3A_943 = tpu.memref_slice %arg11[%dma_wait3A_941, %dma_wait3A_942] : memref<16x128xi32, #tpu.memory_space<vmem>> -> memref<1x128xi32, #tpu.memory_space<vmem>>
      %dma_wait3A_944 = tpu.memref_squeeze %dma_wait3A_943 : memref<1x128xi32, #tpu.memory_space<vmem>> -> memref<128xi32, #tpu.memory_space<vmem>>
      %dma_wait3A_945 = arith.constant 0 : i32
      %dma_wait3A_946 = tpu.memref_slice %arg15[%dma_wait3A_945] : memref<10368xf32, #tpu.memory_space<vmem_shared>> -> memref<10368xf32, #tpu.memory_space<vmem_shared>>
      tpu.wait_indirect_dma semaphore(%arg18 : memref<!tpu.dma_semaphore, #tpu.memory_space<semaphore_mem>>) src(%arg13 : memref<128xf32, #tpu.memory_space<vmem>>) dst(%dma_wait3A_946 : memref<10368xf32, #tpu.memory_space<vmem_shared>>)
      %dma_wait3A_947 = arith.constant 10 : i32
      %dma_wait3A_948 = arith.constant 0 : i32
      %dma_wait3A_949 = tpu.memref_slice %arg11[%dma_wait3A_947, %dma_wait3A_948] : memref<16x128xi32, #tpu.memory_space<vmem>> -> memref<1x128xi32, #tpu.memory_space<vmem>>
      %dma_wait3A_950 = tpu.memref_squeeze %dma_wait3A_949 : memref<1x128xi32, #tpu.memory_space<vmem>> -> memref<128xi32, #tpu.memory_space<vmem>>
      %dma_wait3A_951 = arith.constant 0 : i32
      %dma_wait3A_952 = tpu.memref_slice %arg15[%dma_wait3A_951] : memref<10368xf32, #tpu.memory_space<vmem_shared>> -> memref<10368xf32, #tpu.memory_space<vmem_shared>>
      tpu.wait_indirect_dma semaphore(%arg18 : memref<!tpu.dma_semaphore, #tpu.memory_space<semaphore_mem>>) src(%arg13 : memref<128xf32, #tpu.memory_space<vmem>>) dst(%dma_wait3A_952 : memref<10368xf32, #tpu.memory_space<vmem_shared>>)
      %dma_wait3A_953 = arith.constant 11 : i32
      %dma_wait3A_954 = arith.constant 0 : i32
      %dma_wait3A_955 = tpu.memref_slice %arg11[%dma_wait3A_953, %dma_wait3A_954] : memref<16x128xi32, #tpu.memory_space<vmem>> -> memref<1x128xi32, #tpu.memory_space<vmem>>
      %dma_wait3A_956 = tpu.memref_squeeze %dma_wait3A_955 : memref<1x128xi32, #tpu.memory_space<vmem>> -> memref<128xi32, #tpu.memory_space<vmem>>
      %dma_wait3A_957 = arith.constant 0 : i32
      %dma_wait3A_958 = tpu.memref_slice %arg15[%dma_wait3A_957] : memref<10368xf32, #tpu.memory_space<vmem_shared>> -> memref<10368xf32, #tpu.memory_space<vmem_shared>>
      tpu.wait_indirect_dma semaphore(%arg18 : memref<!tpu.dma_semaphore, #tpu.memory_space<semaphore_mem>>) src(%arg13 : memref<128xf32, #tpu.memory_space<vmem>>) dst(%dma_wait3A_958 : memref<10368xf32, #tpu.memory_space<vmem_shared>>)
      %dma_wait3A_959 = arith.constant 12 : i32
      %dma_wait3A_960 = arith.constant 0 : i32
      %dma_wait3A_961 = tpu.memref_slice %arg11[%dma_wait3A_959, %dma_wait3A_960] : memref<16x128xi32, #tpu.memory_space<vmem>> -> memref<1x128xi32, #tpu.memory_space<vmem>>
      %dma_wait3A_962 = tpu.memref_squeeze %dma_wait3A_961 : memref<1x128xi32, #tpu.memory_space<vmem>> -> memref<128xi32, #tpu.memory_space<vmem>>
      %dma_wait3A_963 = arith.constant 0 : i32
      %dma_wait3A_964 = tpu.memref_slice %arg15[%dma_wait3A_963] : memref<10368xf32, #tpu.memory_space<vmem_shared>> -> memref<10368xf32, #tpu.memory_space<vmem_shared>>
      tpu.wait_indirect_dma semaphore(%arg18 : memref<!tpu.dma_semaphore, #tpu.memory_space<semaphore_mem>>) src(%arg13 : memref<128xf32, #tpu.memory_space<vmem>>) dst(%dma_wait3A_964 : memref<10368xf32, #tpu.memory_space<vmem_shared>>)
      %dma_wait3A_965 = arith.constant 13 : i32
      %dma_wait3A_966 = arith.constant 0 : i32
      %dma_wait3A_967 = tpu.memref_slice %arg11[%dma_wait3A_965, %dma_wait3A_966] : memref<16x128xi32, #tpu.memory_space<vmem>> -> memref<1x128xi32, #tpu.memory_space<vmem>>
      %dma_wait3A_968 = tpu.memref_squeeze %dma_wait3A_967 : memref<1x128xi32, #tpu.memory_space<vmem>> -> memref<128xi32, #tpu.memory_space<vmem>>
      %dma_wait3A_969 = arith.constant 0 : i32
      %dma_wait3A_970 = tpu.memref_slice %arg15[%dma_wait3A_969] : memref<10368xf32, #tpu.memory_space<vmem_shared>> -> memref<10368xf32, #tpu.memory_space<vmem_shared>>
      tpu.wait_indirect_dma semaphore(%arg18 : memref<!tpu.dma_semaphore, #tpu.memory_space<semaphore_mem>>) src(%arg13 : memref<128xf32, #tpu.memory_space<vmem>>) dst(%dma_wait3A_970 : memref<10368xf32, #tpu.memory_space<vmem_shared>>)
      %dma_wait3A_971 = arith.constant 14 : i32
      %dma_wait3A_972 = arith.constant 0 : i32
      %dma_wait3A_973 = tpu.memref_slice %arg11[%dma_wait3A_971, %dma_wait3A_972] : memref<16x128xi32, #tpu.memory_space<vmem>> -> memref<1x128xi32, #tpu.memory_space<vmem>>
      %dma_wait3A_974 = tpu.memref_squeeze %dma_wait3A_973 : memref<1x128xi32, #tpu.memory_space<vmem>> -> memref<128xi32, #tpu.memory_space<vmem>>
      %dma_wait3A_975 = arith.constant 0 : i32
      %dma_wait3A_976 = tpu.memref_slice %arg15[%dma_wait3A_975] : memref<10368xf32, #tpu.memory_space<vmem_shared>> -> memref<10368xf32, #tpu.memory_space<vmem_shared>>
      tpu.wait_indirect_dma semaphore(%arg18 : memref<!tpu.dma_semaphore, #tpu.memory_space<semaphore_mem>>) src(%arg13 : memref<128xf32, #tpu.memory_space<vmem>>) dst(%dma_wait3A_976 : memref<10368xf32, #tpu.memory_space<vmem_shared>>)
      %dma_wait3A_977 = arith.constant 15 : i32
      %dma_wait3A_978 = arith.constant 0 : i32
      %dma_wait3A_979 = tpu.memref_slice %arg11[%dma_wait3A_977, %dma_wait3A_978] : memref<16x128xi32, #tpu.memory_space<vmem>> -> memref<1x128xi32, #tpu.memory_space<vmem>>
      %dma_wait3A_980 = tpu.memref_squeeze %dma_wait3A_979 : memref<1x128xi32, #tpu.memory_space<vmem>> -> memref<128xi32, #tpu.memory_space<vmem>>
      %dma_wait3A_981 = arith.constant 0 : i32
      %dma_wait3A_982 = tpu.memref_slice %arg15[%dma_wait3A_981] : memref<10368xf32, #tpu.memory_space<vmem_shared>> -> memref<10368xf32, #tpu.memory_space<vmem_shared>>
      tpu.wait_indirect_dma semaphore(%arg18 : memref<!tpu.dma_semaphore, #tpu.memory_space<semaphore_mem>>) src(%arg13 : memref<128xf32, #tpu.memory_space<vmem>>) dst(%dma_wait3A_982 : memref<10368xf32, #tpu.memory_space<vmem_shared>>)
    }
    %scan3A_11 = arith.constant 5 : i32
    %barrier3A_12 = arith.constant 0 : index
    tpu.barrier barrier_id(%barrier3A_12)
    %mul3A_13 = arith.constant 640 : i32
    %mul3A_14 = arith.muli %arg1, %mul3A_13 : i32
    %mul3A_15 = arith.constant 640 : i32
    %mul3A_16 = arith.muli %arg1, %mul3A_15 : i32
    "tpu.region"() ({
      %run_scoped3A = tpu.sem_alloc : memref<!tpu.dma_semaphore, #tpu.memory_space<semaphore_mem>>
      %dma_start3A = arith.constant 0 : i32
      %dma_start3A_21 = arith.constant 0 : i32
      %dma_start3A_22 = tpu.memref_slice %arg8[%arg0, %dma_start3A, %dma_start3A_21] : memref<2x10240x128xf32, #tpu.memory_space<hbm>> -> memref<1x10240x128xf32, #tpu.memory_space<hbm>>
      %dma_start3A_23 = tpu.memref_squeeze %dma_start3A_22 : memref<1x10240x128xf32, #tpu.memory_space<hbm>> -> memref<10240x128xf32, #tpu.memory_space<hbm>>
      %dma_start3A_24 = arith.constant 0 : i32
      %dma_start3A_25 = tpu.memref_slice %dma_start3A_23[%mul3A_16, %dma_start3A_24] : memref<10240x128xf32, #tpu.memory_space<hbm>> -> memref<640x128xf32, #tpu.memory_space<hbm>>
      %dma_start3A_26 = arith.constant 0 : i32
      %dma_start3A_27 = tpu.memref_slice %arg14[%mul3A_14, %dma_start3A_26] : memref<10368x128xf32, #tpu.memory_space<vmem_shared>> -> memref<640x128xf32, #tpu.memory_space<vmem_shared>>
      tpu.enqueue_dma source(%dma_start3A_27 : memref<640x128xf32, #tpu.memory_space<vmem_shared>>) target(%dma_start3A_25 : memref<640x128xf32, #tpu.memory_space<hbm>>) target_semaphore(%run_scoped3A : memref<!tpu.dma_semaphore, #tpu.memory_space<semaphore_mem>>)
      %dma_wait3A = arith.constant 0 : i32
      %dma_wait3A_28 = arith.constant 0 : i32
      %dma_wait3A_29 = tpu.memref_slice %arg8[%arg0, %dma_wait3A, %dma_wait3A_28] : memref<2x10240x128xf32, #tpu.memory_space<hbm>> -> memref<1x10240x128xf32, #tpu.memory_space<hbm>>
      %dma_wait3A_30 = tpu.memref_squeeze %dma_wait3A_29 : memref<1x10240x128xf32, #tpu.memory_space<hbm>> -> memref<10240x128xf32, #tpu.memory_space<hbm>>
      %dma_wait3A_31 = arith.constant 0 : i32
      %dma_wait3A_32 = tpu.memref_slice %dma_wait3A_30[%mul3A_16, %dma_wait3A_31] : memref<10240x128xf32, #tpu.memory_space<hbm>> -> memref<640x128xf32, #tpu.memory_space<hbm>>
      %dma_wait3A_33 = arith.constant 0 : i32
      %dma_wait3A_34 = tpu.memref_slice %arg14[%mul3A_14, %dma_wait3A_33] : memref<10368x128xf32, #tpu.memory_space<vmem_shared>> -> memref<640x128xf32, #tpu.memory_space<vmem_shared>>
      tpu.wait_dma2 semaphore(%run_scoped3A : memref<!tpu.dma_semaphore, #tpu.memory_space<semaphore_mem>>) src(%dma_wait3A_34 : memref<640x128xf32, #tpu.memory_space<vmem_shared>>) dst(%dma_wait3A_32 : memref<640x128xf32, #tpu.memory_space<hbm>>)
      tpu.yield
    }) : () -> ()
    %mul3A_17 = arith.constant 640 : i32
    %mul3A_18 = arith.muli %arg1, %mul3A_17 : i32
    %mul3A_19 = arith.constant 640 : i32
    %mul3A_20 = arith.muli %arg1, %mul3A_19 : i32
    "tpu.region"() ({
      %run_scoped3A = tpu.sem_alloc : memref<!tpu.dma_semaphore, #tpu.memory_space<semaphore_mem>>
      %dma_start3A = arith.constant 0 : i32
      %dma_start3A_21 = tpu.memref_slice %arg9[%arg0, %dma_start3A] : memref<2x10240xf32, #tpu.memory_space<hbm>> -> memref<1x10240xf32, #tpu.memory_space<hbm>>
      %dma_start3A_22 = tpu.memref_squeeze %dma_start3A_21 : memref<1x10240xf32, #tpu.memory_space<hbm>> -> memref<10240xf32, #tpu.memory_space<hbm>>
      %dma_start3A_23 = tpu.memref_slice %dma_start3A_22[%mul3A_20] : memref<10240xf32, #tpu.memory_space<hbm>> -> memref<640xf32, #tpu.memory_space<hbm>>
      %dma_start3A_24 = tpu.memref_slice %arg15[%mul3A_18] : memref<10368xf32, #tpu.memory_space<vmem_shared>> -> memref<640xf32, #tpu.memory_space<vmem_shared>>
      tpu.enqueue_dma source(%dma_start3A_24 : memref<640xf32, #tpu.memory_space<vmem_shared>>) target(%dma_start3A_23 : memref<640xf32, #tpu.memory_space<hbm>>) target_semaphore(%run_scoped3A : memref<!tpu.dma_semaphore, #tpu.memory_space<semaphore_mem>>)
      %dma_wait3A = arith.constant 0 : i32
      %dma_wait3A_25 = tpu.memref_slice %arg9[%arg0, %dma_wait3A] : memref<2x10240xf32, #tpu.memory_space<hbm>> -> memref<1x10240xf32, #tpu.memory_space<hbm>>
      %dma_wait3A_26 = tpu.memref_squeeze %dma_wait3A_25 : memref<1x10240xf32, #tpu.memory_space<hbm>> -> memref<10240xf32, #tpu.memory_space<hbm>>
      %dma_wait3A_27 = tpu.memref_slice %dma_wait3A_26[%mul3A_20] : memref<10240xf32, #tpu.memory_space<hbm>> -> memref<640xf32, #tpu.memory_space<hbm>>
      %dma_wait3A_28 = tpu.memref_slice %arg15[%mul3A_18] : memref<10368xf32, #tpu.memory_space<vmem_shared>> -> memref<640xf32, #tpu.memory_space<vmem_shared>>
      tpu.wait_dma2 semaphore(%run_scoped3A : memref<!tpu.dma_semaphore, #tpu.memory_space<semaphore_mem>>) src(%dma_wait3A_28 : memref<640xf32, #tpu.memory_space<vmem_shared>>) dst(%dma_wait3A_27 : memref<640xf32, #tpu.memory_space<hbm>>)
      tpu.yield
    }) : () -> ()
    return
  }
}

#map = affine_map<(d0, d1) -> (0, 0)>
#map1 = affine_map<(d0, d1) -> (0)>
#map2 = affine_map<(d0, d1) -> (0, 0, 0)>
module attributes {stable_mosaic.version = 14 : i64} {
  func.func @body(%arg0: i32, %arg1: i32, %arg2: memref<10240x128xf32, #tpu.memory_space<hbm>>, %arg3: memref<2560x128xi32, #tpu.memory_space<hbm>>, %arg4: memref<2560x128xi32, #tpu.memory_space<hbm>>, %arg5: memref<640x128xf32, #tpu.memory_space<hbm>>, %arg6: memref<640xf32, #tpu.memory_space<hbm>>, %arg7: memref<128xf32, #tpu.memory_space<hbm>>, %arg8: memref<2x10240x128xf32, #tpu.memory_space<hbm>>, %arg9: memref<2x10240xf32, #tpu.memory_space<hbm>>, %arg10: memref<16x128xi32, #tpu.memory_space<vmem>>, %arg11: memref<16x128xi32, #tpu.memory_space<vmem>>, %arg12: memref<2x128x128xf32, #tpu.memory_space<vmem>>, %arg13: memref<128xf32, #tpu.memory_space<vmem>>, %arg14: memref<10368x128xf32, #tpu.memory_space<vmem_shared>>, %arg15: memref<10368xf32, #tpu.memory_space<vmem_shared>>, %arg16: memref<!tpu.dma_semaphore, #tpu.memory_space<semaphore_mem>>, %arg17: memref<!tpu.dma_semaphore, #tpu.memory_space<semaphore_mem>>, %arg18: memref<!tpu.dma_semaphore, #tpu.memory_space<semaphore_mem>>) attributes {dimension_semantics = [#tpu.dimension_semantics<core_parallel>, #tpu.dimension_semantics<subcore_parallel>], iteration_bounds = array<i64: 2, 16>, scalar_prefetch = 0 : i64, scratch_operands = 9 : i64, tpu.core_type = #tpu.core_type<sc_vector_subcore>, window_params = [{transform_indices = #map}, {transform_indices = #map}, {transform_indices = #map}, {transform_indices = #map}, {transform_indices = #map1}, {transform_indices = #map1}, {transform_indices = #map2}, {transform_indices = #map}]} {
    %mul3A = arith.constant 2 : i32
    %mul3A_0 = arith.muli %arg1, %mul3A : i32
    %add3A = arith.addi %mul3A_0, %arg0 : i32
    %mul3A_1 = arith.constant 640 : i32
    %mul3A_2 = arith.muli %arg1, %mul3A_1 : i32
    "tpu.region"() ({
      %run_scoped3A = tpu.sem_alloc : memref<!tpu.dma_semaphore, #tpu.memory_space<semaphore_mem>>
      %dma_start3A = arith.constant 0 : i32
      %dma_start3A_21 = tpu.memref_slice %arg14[%mul3A_2, %dma_start3A] : memref<10368x128xf32, #tpu.memory_space<vmem_shared>> -> memref<640x128xf32, #tpu.memory_space<vmem_shared>>
      tpu.enqueue_dma source(%arg5 : memref<640x128xf32, #tpu.memory_space<hbm>>) target(%dma_start3A_21 : memref<640x128xf32, #tpu.memory_space<vmem_shared>>) target_semaphore(%run_scoped3A : memref<!tpu.dma_semaphore, #tpu.memory_space<semaphore_mem>>)
      %dma_wait3A = arith.constant 0 : i32
      %dma_wait3A_22 = tpu.memref_slice %arg14[%mul3A_2, %dma_wait3A] : memref<10368x128xf32, #tpu.memory_space<vmem_shared>> -> memref<640x128xf32, #tpu.memory_space<vmem_shared>>
      tpu.wait_dma2 semaphore(%run_scoped3A : memref<!tpu.dma_semaphore, #tpu.memory_space<semaphore_mem>>) src(%arg5 : memref<640x128xf32, #tpu.memory_space<hbm>>) dst(%dma_wait3A_22 : memref<640x128xf32, #tpu.memory_space<vmem_shared>>)
      tpu.yield
    }) : () -> ()
    %mul3A_3 = arith.constant 640 : i32
    %mul3A_4 = arith.muli %arg1, %mul3A_3 : i32
    "tpu.region"() ({
      %run_scoped3A = tpu.sem_alloc : memref<!tpu.dma_semaphore, #tpu.memory_space<semaphore_mem>>
      %dma_start3A = tpu.memref_slice %arg15[%mul3A_4] : memref<10368xf32, #tpu.memory_space<vmem_shared>> -> memref<640xf32, #tpu.memory_space<vmem_shared>>
      tpu.enqueue_dma source(%arg6 : memref<640xf32, #tpu.memory_space<hbm>>) target(%dma_start3A : memref<640xf32, #tpu.memory_space<vmem_shared>>) target_semaphore(%run_scoped3A : memref<!tpu.dma_semaphore, #tpu.memory_space<semaphore_mem>>)
      %dma_wait3A = tpu.memref_slice %arg15[%mul3A_4] : memref<10368xf32, #tpu.memory_space<vmem_shared>> -> memref<640xf32, #tpu.memory_space<vmem_shared>>
      tpu.wait_dma2 semaphore(%run_scoped3A : memref<!tpu.dma_semaphore, #tpu.memory_space<semaphore_mem>>) src(%arg6 : memref<640xf32, #tpu.memory_space<hbm>>) dst(%dma_wait3A : memref<640xf32, #tpu.memory_space<vmem_shared>>)
      tpu.yield
    }) : () -> ()
    "tpu.region"() ({
      %run_scoped3A = tpu.sem_alloc : memref<!tpu.dma_semaphore, #tpu.memory_space<semaphore_mem>>
      tpu.enqueue_dma source(%arg7 : memref<128xf32, #tpu.memory_space<hbm>>) target(%arg13 : memref<128xf32, #tpu.memory_space<vmem>>) target_semaphore(%run_scoped3A : memref<!tpu.dma_semaphore, #tpu.memory_space<semaphore_mem>>)
      tpu.wait_dma2 semaphore(%run_scoped3A : memref<!tpu.dma_semaphore, #tpu.memory_space<semaphore_mem>>) src(%arg7 : memref<128xf32, #tpu.memory_space<hbm>>) dst(%arg13 : memref<128xf32, #tpu.memory_space<vmem>>)
      tpu.yield
    }) : () -> ()
    %barrier3A = arith.constant 0 : index
    tpu.barrier barrier_id(%barrier3A)
    %mul3A_5 = arith.constant 80 : i32
    %mul3A_6 = arith.muli %add3A, %mul3A_5 : i32
    %scan3A = arith.constant 0 : i32
    %scan3A_7 = arith.constant 0 : i32
    %scan3A_8 = arith.constant 5 : i32
    %scan3A_9 = arith.addi %scan3A_7, %scan3A_8 : i32
    %scan3A_10 = arith.constant 1 : i32
    scf.for %scan3A_21 = %scan3A_7 to %scan3A_9 step %scan3A_10  : i32 {
      %mul3A_22 = arith.constant 16 : i32
      %mul3A_23 = arith.muli %scan3A_21, %mul3A_22 : i32
      %add3A_24 = arith.addi %mul3A_6, %mul3A_23 : i32
      "tpu.region"() ({
        %run_scoped3A = tpu.sem_alloc : memref<!tpu.dma_semaphore, #tpu.memory_space<semaphore_mem>>
        %dma_start3A_983 = arith.constant 0 : i32
        %dma_start3A_984 = tpu.memref_slice %arg3[%add3A_24, %dma_start3A_983] : memref<2560x128xi32, #tpu.memory_space<hbm>> -> memref<16x128xi32, #tpu.memory_space<hbm>>
        %dma_start3A_985 = arith.constant 0 : i32
        %dma_start3A_986 = tpu.memref_slice %arg3[%add3A_24, %dma_start3A_985] : memref<2560x128xi32, #tpu.memory_space<hbm>> -> memref<16x128xi32, #tpu.memory_space<hbm>>
        tpu.enqueue_dma source(%dma_start3A_986 : memref<16x128xi32, #tpu.memory_space<hbm>>) target(%arg10 : memref<16x128xi32, #tpu.memory_space<vmem>>) target_semaphore(%run_scoped3A : memref<!tpu.dma_semaphore, #tpu.memory_space<semaphore_mem>>)
        %dma_wait3A_987 = arith.constant 0 : i32
        %dma_wait3A_988 = tpu.memref_slice %arg3[%add3A_24, %dma_wait3A_987] : memref<2560x128xi32, #tpu.memory_space<hbm>> -> memref<16x128xi32, #tpu.memory_space<hbm>>
        %dma_wait3A_989 = arith.constant 0 : i32
        %dma_wait3A_990 = tpu.memref_slice %arg3[%add3A_24, %dma_wait3A_989] : memref<2560x128xi32, #tpu.memory_space<hbm>> -> memref<16x128xi32, #tpu.memory_space<hbm>>
        tpu.wait_dma2 semaphore(%run_scoped3A : memref<!tpu.dma_semaphore, #tpu.memory_space<semaphore_mem>>) src(%dma_wait3A_990 : memref<16x128xi32, #tpu.memory_space<hbm>>) dst(%arg10 : memref<16x128xi32, #tpu.memory_space<vmem>>)
        tpu.yield
      }) : () -> ()
      "tpu.region"() ({
        %run_scoped3A = tpu.sem_alloc : memref<!tpu.dma_semaphore, #tpu.memory_space<semaphore_mem>>
        %dma_start3A_983 = arith.constant 0 : i32
        %dma_start3A_984 = tpu.memref_slice %arg4[%add3A_24, %dma_start3A_983] : memref<2560x128xi32, #tpu.memory_space<hbm>> -> memref<16x128xi32, #tpu.memory_space<hbm>>
        %dma_start3A_985 = arith.constant 0 : i32
        %dma_start3A_986 = tpu.memref_slice %arg4[%add3A_24, %dma_start3A_985] : memref<2560x128xi32, #tpu.memory_space<hbm>> -> memref<16x128xi32, #tpu.memory_space<hbm>>
        tpu.enqueue_dma source(%dma_start3A_986 : memref<16x128xi32, #tpu.memory_space<hbm>>) target(%arg11 : memref<16x128xi32, #tpu.memory_space<vmem>>) target_semaphore(%run_scoped3A : memref<!tpu.dma_semaphore, #tpu.memory_space<semaphore_mem>>)
        %dma_wait3A_987 = arith.constant 0 : i32
        %dma_wait3A_988 = tpu.memref_slice %arg4[%add3A_24, %dma_wait3A_987] : memref<2560x128xi32, #tpu.memory_space<hbm>> -> memref<16x128xi32, #tpu.memory_space<hbm>>
        %dma_wait3A_989 = arith.constant 0 : i32
        %dma_wait3A_990 = tpu.memref_slice %arg4[%add3A_24, %dma_wait3A_989] : memref<2560x128xi32, #tpu.memory_space<hbm>> -> memref<16x128xi32, #tpu.memory_space<hbm>>
        tpu.wait_dma2 semaphore(%run_scoped3A : memref<!tpu.dma_semaphore, #tpu.memory_space<semaphore_mem>>) src(%dma_wait3A_990 : memref<16x128xi32, #tpu.memory_space<hbm>>) dst(%arg11 : memref<16x128xi32, #tpu.memory_space<vmem>>)
        tpu.yield
      }) : () -> ()
      %dma_start3A = arith.constant 0 : i32
      %dma_start3A_25 = arith.constant 0 : i32
      %dma_start3A_26 = arith.constant 0 : i32
      %dma_start3A_27 = arith.constant 0 : i32
      %dma_start3A_28 = tpu.memref_slice %arg12[%dma_start3A_25, %dma_start3A_26, %dma_start3A_27] : memref<2x128x128xf32, #tpu.memory_space<vmem>> -> memref<1x128x128xf32, #tpu.memory_space<vmem>>
      %dma_start3A_29 = tpu.memref_squeeze %dma_start3A_28 : memref<1x128x128xf32, #tpu.memory_space<vmem>> -> memref<128x128xf32, #tpu.memory_space<vmem>>
      %dma_start3A_30 = arith.constant 0 : i32
      %dma_start3A_31 = tpu.memref_slice %arg10[%dma_start3A, %dma_start3A_30] : memref<16x128xi32, #tpu.memory_space<vmem>> -> memref<1x128xi32, #tpu.memory_space<vmem>>
      %dma_start3A_32 = tpu.memref_squeeze %dma_start3A_31 : memref<1x128xi32, #tpu.memory_space<vmem>> -> memref<128xi32, #tpu.memory_space<vmem>>
      %dma_start3A_33 = arith.constant 0 : i32
      %dma_start3A_34 = arith.constant 0 : i32
      %dma_start3A_35 = tpu.memref_slice %arg2[%dma_start3A_33, %dma_start3A_34] : memref<10240x128xf32, #tpu.memory_space<hbm>> -> memref<10240x128xf32, #tpu.memory_space<hbm>>
      tpu.enqueue_indirect_dma source(%dma_start3A_35 : memref<10240x128xf32, #tpu.memory_space<hbm>>) target(%dma_start3A_29 : memref<128x128xf32, #tpu.memory_space<vmem>>) offsets(%dma_start3A_32 : memref<128xi32, #tpu.memory_space<vmem>>) semaphore(%arg16 : memref<!tpu.dma_semaphore, #tpu.memory_space<semaphore_mem>>)
      %dma_wait3A = arith.constant 0 : i32
      %dma_wait3A_36 = arith.constant 0 : i32
      %dma_wait3A_37 = arith.constant 0 : i32
      %dma_wait3A_38 = arith.constant 0 : i32
      %dma_wait3A_39 = tpu.memref_slice %arg12[%dma_wait3A_36, %dma_wait3A_37, %dma_wait3A_38] : memref<2x128x128xf32, #tpu.memory_space<vmem>> -> memref<1x128x128xf32, #tpu.memory_space<vmem>>
      %dma_wait3A_40 = tpu.memref_squeeze %dma_wait3A_39 : memref<1x128x128xf32, #tpu.memory_space<vmem>> -> memref<128x128xf32, #tpu.memory_space<vmem>>
      %dma_wait3A_41 = arith.constant 0 : i32
      %dma_wait3A_42 = tpu.memref_slice %arg10[%dma_wait3A, %dma_wait3A_41] : memref<16x128xi32, #tpu.memory_space<vmem>> -> memref<1x128xi32, #tpu.memory_space<vmem>>
      %dma_wait3A_43 = tpu.memref_squeeze %dma_wait3A_42 : memref<1x128xi32, #tpu.memory_space<vmem>> -> memref<128xi32, #tpu.memory_space<vmem>>
      %dma_wait3A_44 = arith.constant 0 : i32
      %dma_wait3A_45 = arith.constant 0 : i32
      %dma_wait3A_46 = tpu.memref_slice %arg2[%dma_wait3A_44, %dma_wait3A_45] : memref<10240x128xf32, #tpu.memory_space<hbm>> -> memref<10240x128xf32, #tpu.memory_space<hbm>>
      tpu.wait_indirect_dma semaphore(%arg16 : memref<!tpu.dma_semaphore, #tpu.memory_space<semaphore_mem>>) src(%dma_wait3A_46 : memref<10240x128xf32, #tpu.memory_space<hbm>>) dst(%dma_wait3A_40 : memref<128x128xf32, #tpu.memory_space<vmem>>)
      %dma_start3A_47 = arith.constant 0 : i32
      %dma_start3A_48 = arith.constant 0 : i32
      %dma_start3A_49 = arith.constant 0 : i32
      %dma_start3A_50 = arith.constant 0 : i32
      %dma_start3A_51 = tpu.memref_slice %arg12[%dma_start3A_47, %dma_start3A_49, %dma_start3A_50] : memref<2x128x128xf32, #tpu.memory_space<vmem>> -> memref<1x128x128xf32, #tpu.memory_space<vmem>>
      %dma_start3A_52 = tpu.memref_squeeze %dma_start3A_51 : memref<1x128x128xf32, #tpu.memory_space<vmem>> -> memref<128x128xf32, #tpu.memory_space<vmem>>
      %dma_start3A_53 = arith.constant 0 : i32
      %dma_start3A_54 = tpu.memref_slice %arg11[%dma_start3A_48, %dma_start3A_53] : memref<16x128xi32, #tpu.memory_space<vmem>> -> memref<1x128xi32, #tpu.memory_space<vmem>>
      %dma_start3A_55 = tpu.memref_squeeze %dma_start3A_54 : memref<1x128xi32, #tpu.memory_space<vmem>> -> memref<128xi32, #tpu.memory_space<vmem>>
      %dma_start3A_56 = arith.constant 0 : i32
      %dma_start3A_57 = arith.constant 0 : i32
      %dma_start3A_58 = tpu.memref_slice %arg14[%dma_start3A_56, %dma_start3A_57] : memref<10368x128xf32, #tpu.memory_space<vmem_shared>> -> memref<10368x128xf32, #tpu.memory_space<vmem_shared>>
      tpu.enqueue_indirect_dma source(%dma_start3A_52 : memref<128x128xf32, #tpu.memory_space<vmem>>) target(%dma_start3A_58 : memref<10368x128xf32, #tpu.memory_space<vmem_shared>>) offsets(%dma_start3A_55 : memref<128xi32, #tpu.memory_space<vmem>>) semaphore(%arg17 : memref<!tpu.dma_semaphore, #tpu.memory_space<semaphore_mem>>) {add = true}
      %dma_start3A_59 = arith.constant 0 : i32
      %dma_start3A_60 = arith.constant 0 : i32
      %dma_start3A_61 = tpu.memref_slice %arg11[%dma_start3A_59, %dma_start3A_60] : memref<16x128xi32, #tpu.memory_space<vmem>> -> memref<1x128xi32, #tpu.memory_space<vmem>>
      %dma_start3A_62 = tpu.memref_squeeze %dma_start3A_61 : memref<1x128xi32, #tpu.memory_space<vmem>> -> memref<128xi32, #tpu.memory_space<vmem>>
      %dma_start3A_63 = arith.constant 0 : i32
      %dma_start3A_64 = tpu.memref_slice %arg15[%dma_start3A_63] : memref<10368xf32, #tpu.memory_space<vmem_shared>> -> memref<10368xf32, #tpu.memory_space<vmem_shared>>
      tpu.enqueue_indirect_dma source(%arg13 : memref<128xf32, #tpu.memory_space<vmem>>) target(%dma_start3A_64 : memref<10368xf32, #tpu.memory_space<vmem_shared>>) offsets(%dma_start3A_62 : memref<128xi32, #tpu.memory_space<vmem>>) semaphore(%arg18 : memref<!tpu.dma_semaphore, #tpu.memory_space<semaphore_mem>>) {add = true}
      %dma_start3A_65 = arith.constant 1 : i32
      %dma_start3A_66 = arith.constant 1 : i32
      %dma_start3A_67 = arith.constant 0 : i32
      %dma_start3A_68 = arith.constant 0 : i32
      %dma_start3A_69 = tpu.memref_slice %arg12[%dma_start3A_66, %dma_start3A_67, %dma_start3A_68] : memref<2x128x128xf32, #tpu.memory_space<vmem>> -> memref<1x128x128xf32, #tpu.memory_space<vmem>>
      %dma_start3A_70 = tpu.memref_squeeze %dma_start3A_69 : memref<1x128x128xf32, #tpu.memory_space<vmem>> -> memref<128x128xf32, #tpu.memory_space<vmem>>
      %dma_start3A_71 = arith.constant 0 : i32
      %dma_start3A_72 = tpu.memref_slice %arg10[%dma_start3A_65, %dma_start3A_71] : memref<16x128xi32, #tpu.memory_space<vmem>> -> memref<1x128xi32, #tpu.memory_space<vmem>>
      %dma_start3A_73 = tpu.memref_squeeze %dma_start3A_72 : memref<1x128xi32, #tpu.memory_space<vmem>> -> memref<128xi32, #tpu.memory_space<vmem>>
      %dma_start3A_74 = arith.constant 0 : i32
      %dma_start3A_75 = arith.constant 0 : i32
      %dma_start3A_76 = tpu.memref_slice %arg2[%dma_start3A_74, %dma_start3A_75] : memref<10240x128xf32, #tpu.memory_space<hbm>> -> memref<10240x128xf32, #tpu.memory_space<hbm>>
      tpu.enqueue_indirect_dma source(%dma_start3A_76 : memref<10240x128xf32, #tpu.memory_space<hbm>>) target(%dma_start3A_70 : memref<128x128xf32, #tpu.memory_space<vmem>>) offsets(%dma_start3A_73 : memref<128xi32, #tpu.memory_space<vmem>>) semaphore(%arg16 : memref<!tpu.dma_semaphore, #tpu.memory_space<semaphore_mem>>)
      %dma_wait3A_77 = arith.constant 1 : i32
      %dma_wait3A_78 = arith.constant 1 : i32
      %dma_wait3A_79 = arith.constant 0 : i32
      %dma_wait3A_80 = arith.constant 0 : i32
      %dma_wait3A_81 = tpu.memref_slice %arg12[%dma_wait3A_78, %dma_wait3A_79, %dma_wait3A_80] : memref<2x128x128xf32, #tpu.memory_space<vmem>> -> memref<1x128x128xf32, #tpu.memory_space<vmem>>
      %dma_wait3A_82 = tpu.memref_squeeze %dma_wait3A_81 : memref<1x128x128xf32, #tpu.memory_space<vmem>> -> memref<128x128xf32, #tpu.memory_space<vmem>>
      %dma_wait3A_83 = arith.constant 0 : i32
      %dma_wait3A_84 = tpu.memref_slice %arg10[%dma_wait3A_77, %dma_wait3A_83] : memref<16x128xi32, #tpu.memory_space<vmem>> -> memref<1x128xi32, #tpu.memory_space<vmem>>
      %dma_wait3A_85 = tpu.memref_squeeze %dma_wait3A_84 : memref<1x128xi32, #tpu.memory_space<vmem>> -> memref<128xi32, #tpu.memory_space<vmem>>
      %dma_wait3A_86 = arith.constant 0 : i32
      %dma_wait3A_87 = arith.constant 0 : i32
      %dma_wait3A_88 = tpu.memref_slice %arg2[%dma_wait3A_86, %dma_wait3A_87] : memref<10240x128xf32, #tpu.memory_space<hbm>> -> memref<10240x128xf32, #tpu.memory_space<hbm>>
      tpu.wait_indirect_dma semaphore(%arg16 : memref<!tpu.dma_semaphore, #tpu.memory_space<semaphore_mem>>) src(%dma_wait3A_88 : memref<10240x128xf32, #tpu.memory_space<hbm>>) dst(%dma_wait3A_82 : memref<128x128xf32, #tpu.memory_space<vmem>>)
      %dma_start3A_89 = arith.constant 1 : i32
      %dma_start3A_90 = arith.constant 1 : i32
      %dma_start3A_91 = arith.constant 0 : i32
      %dma_start3A_92 = arith.constant 0 : i32
      %dma_start3A_93 = tpu.memref_slice %arg12[%dma_start3A_89, %dma_start3A_91, %dma_start3A_92] : memref<2x128x128xf32, #tpu.memory_space<vmem>> -> memref<1x128x128xf32, #tpu.memory_space<vmem>>
      %dma_start3A_94 = tpu.memref_squeeze %dma_start3A_93 : memref<1x128x128xf32, #tpu.memory_space<vmem>> -> memref<128x128xf32, #tpu.memory_space<vmem>>
      %dma_start3A_95 = arith.constant 0 : i32
      %dma_start3A_96 = tpu.memref_slice %arg11[%dma_start3A_90, %dma_start3A_95] : memref<16x128xi32, #tpu.memory_space<vmem>> -> memref<1x128xi32, #tpu.memory_space<vmem>>
      %dma_start3A_97 = tpu.memref_squeeze %dma_start3A_96 : memref<1x128xi32, #tpu.memory_space<vmem>> -> memref<128xi32, #tpu.memory_space<vmem>>
      %dma_start3A_98 = arith.constant 0 : i32
      %dma_start3A_99 = arith.constant 0 : i32
      %dma_start3A_100 = tpu.memref_slice %arg14[%dma_start3A_98, %dma_start3A_99] : memref<10368x128xf32, #tpu.memory_space<vmem_shared>> -> memref<10368x128xf32, #tpu.memory_space<vmem_shared>>
      tpu.enqueue_indirect_dma source(%dma_start3A_94 : memref<128x128xf32, #tpu.memory_space<vmem>>) target(%dma_start3A_100 : memref<10368x128xf32, #tpu.memory_space<vmem_shared>>) offsets(%dma_start3A_97 : memref<128xi32, #tpu.memory_space<vmem>>) semaphore(%arg17 : memref<!tpu.dma_semaphore, #tpu.memory_space<semaphore_mem>>) {add = true}
      %dma_start3A_101 = arith.constant 1 : i32
      %dma_start3A_102 = arith.constant 0 : i32
      %dma_start3A_103 = tpu.memref_slice %arg11[%dma_start3A_101, %dma_start3A_102] : memref<16x128xi32, #tpu.memory_space<vmem>> -> memref<1x128xi32, #tpu.memory_space<vmem>>
      %dma_start3A_104 = tpu.memref_squeeze %dma_start3A_103 : memref<1x128xi32, #tpu.memory_space<vmem>> -> memref<128xi32, #tpu.memory_space<vmem>>
      %dma_start3A_105 = arith.constant 0 : i32
      %dma_start3A_106 = tpu.memref_slice %arg15[%dma_start3A_105] : memref<10368xf32, #tpu.memory_space<vmem_shared>> -> memref<10368xf32, #tpu.memory_space<vmem_shared>>
      tpu.enqueue_indirect_dma source(%arg13 : memref<128xf32, #tpu.memory_space<vmem>>) target(%dma_start3A_106 : memref<10368xf32, #tpu.memory_space<vmem_shared>>) offsets(%dma_start3A_104 : memref<128xi32, #tpu.memory_space<vmem>>) semaphore(%arg18 : memref<!tpu.dma_semaphore, #tpu.memory_space<semaphore_mem>>) {add = true}
      %dma_wait3A_107 = arith.constant 0 : i32
      %dma_wait3A_108 = arith.constant 0 : i32
      %dma_wait3A_109 = arith.constant 0 : i32
      %dma_wait3A_110 = arith.constant 0 : i32
      %dma_wait3A_111 = tpu.memref_slice %arg12[%dma_wait3A_107, %dma_wait3A_109, %dma_wait3A_110] : memref<2x128x128xf32, #tpu.memory_space<vmem>> -> memref<1x128x128xf32, #tpu.memory_space<vmem>>
      %dma_wait3A_112 = tpu.memref_squeeze %dma_wait3A_111 : memref<1x128x128xf32, #tpu.memory_space<vmem>> -> memref<128x128xf32, #tpu.memory_space<vmem>>
      %dma_wait3A_113 = arith.constant 0 : i32
      %dma_wait3A_114 = tpu.memref_slice %arg11[%dma_wait3A_108, %dma_wait3A_113] : memref<16x128xi32, #tpu.memory_space<vmem>> -> memref<1x128xi32, #tpu.memory_space<vmem>>
      %dma_wait3A_115 = tpu.memref_squeeze %dma_wait3A_114 : memref<1x128xi32, #tpu.memory_space<vmem>> -> memref<128xi32, #tpu.memory_space<vmem>>
      %dma_wait3A_116 = arith.constant 0 : i32
      %dma_wait3A_117 = arith.constant 0 : i32
      %dma_wait3A_118 = tpu.memref_slice %arg14[%dma_wait3A_116, %dma_wait3A_117] : memref<10368x128xf32, #tpu.memory_space<vmem_shared>> -> memref<10368x128xf32, #tpu.memory_space<vmem_shared>>
      tpu.wait_indirect_dma semaphore(%arg17 : memref<!tpu.dma_semaphore, #tpu.memory_space<semaphore_mem>>) src(%dma_wait3A_112 : memref<128x128xf32, #tpu.memory_space<vmem>>) dst(%dma_wait3A_118 : memref<10368x128xf32, #tpu.memory_space<vmem_shared>>)
      %dma_start3A_119 = arith.constant 2 : i32
      %dma_start3A_120 = arith.constant 0 : i32
      %dma_start3A_121 = arith.constant 0 : i32
      %dma_start3A_122 = arith.constant 0 : i32
      %dma_start3A_123 = tpu.memref_slice %arg12[%dma_start3A_120, %dma_start3A_121, %dma_start3A_122] : memref<2x128x128xf32, #tpu.memory_space<vmem>> -> memref<1x128x128xf32, #tpu.memory_space<vmem>>
      %dma_start3A_124 = tpu.memref_squeeze %dma_start3A_123 : memref<1x128x128xf32, #tpu.memory_space<vmem>> -> memref<128x128xf32, #tpu.memory_space<vmem>>
      %dma_start3A_125 = arith.constant 0 : i32
      %dma_start3A_126 = tpu.memref_slice %arg10[%dma_start3A_119, %dma_start3A_125] : memref<16x128xi32, #tpu.memory_space<vmem>> -> memref<1x128xi32, #tpu.memory_space<vmem>>
      %dma_start3A_127 = tpu.memref_squeeze %dma_start3A_126 : memref<1x128xi32, #tpu.memory_space<vmem>> -> memref<128xi32, #tpu.memory_space<vmem>>
      %dma_start3A_128 = arith.constant 0 : i32
      %dma_start3A_129 = arith.constant 0 : i32
      %dma_start3A_130 = tpu.memref_slice %arg2[%dma_start3A_128, %dma_start3A_129] : memref<10240x128xf32, #tpu.memory_space<hbm>> -> memref<10240x128xf32, #tpu.memory_space<hbm>>
      tpu.enqueue_indirect_dma source(%dma_start3A_130 : memref<10240x128xf32, #tpu.memory_space<hbm>>) target(%dma_start3A_124 : memref<128x128xf32, #tpu.memory_space<vmem>>) offsets(%dma_start3A_127 : memref<128xi32, #tpu.memory_space<vmem>>) semaphore(%arg16 : memref<!tpu.dma_semaphore, #tpu.memory_space<semaphore_mem>>)
      %dma_wait3A_131 = arith.constant 2 : i32
      %dma_wait3A_132 = arith.constant 0 : i32
      %dma_wait3A_133 = arith.constant 0 : i32
      %dma_wait3A_134 = arith.constant 0 : i32
      %dma_wait3A_135 = tpu.memref_slice %arg12[%dma_wait3A_132, %dma_wait3A_133, %dma_wait3A_134] : memref<2x128x128xf32, #tpu.memory_space<vmem>> -> memref<1x128x128xf32, #tpu.memory_space<vmem>>
      %dma_wait3A_136 = tpu.memref_squeeze %dma_wait3A_135 : memref<1x128x128xf32, #tpu.memory_space<vmem>> -> memref<128x128xf32, #tpu.memory_space<vmem>>
      %dma_wait3A_137 = arith.constant 0 : i32
      %dma_wait3A_138 = tpu.memref_slice %arg10[%dma_wait3A_131, %dma_wait3A_137] : memref<16x128xi32, #tpu.memory_space<vmem>> -> memref<1x128xi32, #tpu.memory_space<vmem>>
      %dma_wait3A_139 = tpu.memref_squeeze %dma_wait3A_138 : memref<1x128xi32, #tpu.memory_space<vmem>> -> memref<128xi32, #tpu.memory_space<vmem>>
      %dma_wait3A_140 = arith.constant 0 : i32
      %dma_wait3A_141 = arith.constant 0 : i32
      %dma_wait3A_142 = tpu.memref_slice %arg2[%dma_wait3A_140, %dma_wait3A_141] : memref<10240x128xf32, #tpu.memory_space<hbm>> -> memref<10240x128xf32, #tpu.memory_space<hbm>>
      tpu.wait_indirect_dma semaphore(%arg16 : memref<!tpu.dma_semaphore, #tpu.memory_space<semaphore_mem>>) src(%dma_wait3A_142 : memref<10240x128xf32, #tpu.memory_space<hbm>>) dst(%dma_wait3A_136 : memref<128x128xf32, #tpu.memory_space<vmem>>)
      %dma_start3A_143 = arith.constant 0 : i32
      %dma_start3A_144 = arith.constant 2 : i32
      %dma_start3A_145 = arith.constant 0 : i32
      %dma_start3A_146 = arith.constant 0 : i32
      %dma_start3A_147 = tpu.memref_slice %arg12[%dma_start3A_143, %dma_start3A_145, %dma_start3A_146] : memref<2x128x128xf32, #tpu.memory_space<vmem>> -> memref<1x128x128xf32, #tpu.memory_space<vmem>>
      %dma_start3A_148 = tpu.memref_squeeze %dma_start3A_147 : memref<1x128x128xf32, #tpu.memory_space<vmem>> -> memref<128x128xf32, #tpu.memory_space<vmem>>
      %dma_start3A_149 = arith.constant 0 : i32
      %dma_start3A_150 = tpu.memref_slice %arg11[%dma_start3A_144, %dma_start3A_149] : memref<16x128xi32, #tpu.memory_space<vmem>> -> memref<1x128xi32, #tpu.memory_space<vmem>>
      %dma_start3A_151 = tpu.memref_squeeze %dma_start3A_150 : memref<1x128xi32, #tpu.memory_space<vmem>> -> memref<128xi32, #tpu.memory_space<vmem>>
      %dma_start3A_152 = arith.constant 0 : i32
      %dma_start3A_153 = arith.constant 0 : i32
      %dma_start3A_154 = tpu.memref_slice %arg14[%dma_start3A_152, %dma_start3A_153] : memref<10368x128xf32, #tpu.memory_space<vmem_shared>> -> memref<10368x128xf32, #tpu.memory_space<vmem_shared>>
      tpu.enqueue_indirect_dma source(%dma_start3A_148 : memref<128x128xf32, #tpu.memory_space<vmem>>) target(%dma_start3A_154 : memref<10368x128xf32, #tpu.memory_space<vmem_shared>>) offsets(%dma_start3A_151 : memref<128xi32, #tpu.memory_space<vmem>>) semaphore(%arg17 : memref<!tpu.dma_semaphore, #tpu.memory_space<semaphore_mem>>) {add = true}
      %dma_start3A_155 = arith.constant 2 : i32
      %dma_start3A_156 = arith.constant 0 : i32
      %dma_start3A_157 = tpu.memref_slice %arg11[%dma_start3A_155, %dma_start3A_156] : memref<16x128xi32, #tpu.memory_space<vmem>> -> memref<1x128xi32, #tpu.memory_space<vmem>>
      %dma_start3A_158 = tpu.memref_squeeze %dma_start3A_157 : memref<1x128xi32, #tpu.memory_space<vmem>> -> memref<128xi32, #tpu.memory_space<vmem>>
      %dma_start3A_159 = arith.constant 0 : i32
      %dma_start3A_160 = tpu.memref_slice %arg15[%dma_start3A_159] : memref<10368xf32, #tpu.memory_space<vmem_shared>> -> memref<10368xf32, #tpu.memory_space<vmem_shared>>
      tpu.enqueue_indirect_dma source(%arg13 : memref<128xf32, #tpu.memory_space<vmem>>) target(%dma_start3A_160 : memref<10368xf32, #tpu.memory_space<vmem_shared>>) offsets(%dma_start3A_158 : memref<128xi32, #tpu.memory_space<vmem>>) semaphore(%arg18 : memref<!tpu.dma_semaphore, #tpu.memory_space<semaphore_mem>>) {add = true}
      %dma_wait3A_161 = arith.constant 1 : i32
      %dma_wait3A_162 = arith.constant 1 : i32
      %dma_wait3A_163 = arith.constant 0 : i32
      %dma_wait3A_164 = arith.constant 0 : i32
      %dma_wait3A_165 = tpu.memref_slice %arg12[%dma_wait3A_161, %dma_wait3A_163, %dma_wait3A_164] : memref<2x128x128xf32, #tpu.memory_space<vmem>> -> memref<1x128x128xf32, #tpu.memory_space<vmem>>
      %dma_wait3A_166 = tpu.memref_squeeze %dma_wait3A_165 : memref<1x128x128xf32, #tpu.memory_space<vmem>> -> memref<128x128xf32, #tpu.memory_space<vmem>>
      %dma_wait3A_167 = arith.constant 0 : i32
      %dma_wait3A_168 = tpu.memref_slice %arg11[%dma_wait3A_162, %dma_wait3A_167] : memref<16x128xi32, #tpu.memory_space<vmem>> -> memref<1x128xi32, #tpu.memory_space<vmem>>
      %dma_wait3A_169 = tpu.memref_squeeze %dma_wait3A_168 : memref<1x128xi32, #tpu.memory_space<vmem>> -> memref<128xi32, #tpu.memory_space<vmem>>
      %dma_wait3A_170 = arith.constant 0 : i32
      %dma_wait3A_171 = arith.constant 0 : i32
      %dma_wait3A_172 = tpu.memref_slice %arg14[%dma_wait3A_170, %dma_wait3A_171] : memref<10368x128xf32, #tpu.memory_space<vmem_shared>> -> memref<10368x128xf32, #tpu.memory_space<vmem_shared>>
      tpu.wait_indirect_dma semaphore(%arg17 : memref<!tpu.dma_semaphore, #tpu.memory_space<semaphore_mem>>) src(%dma_wait3A_166 : memref<128x128xf32, #tpu.memory_space<vmem>>) dst(%dma_wait3A_172 : memref<10368x128xf32, #tpu.memory_space<vmem_shared>>)
      %dma_start3A_173 = arith.constant 3 : i32
      %dma_start3A_174 = arith.constant 1 : i32
      %dma_start3A_175 = arith.constant 0 : i32
      %dma_start3A_176 = arith.constant 0 : i32
      %dma_start3A_177 = tpu.memref_slice %arg12[%dma_start3A_174, %dma_start3A_175, %dma_start3A_176] : memref<2x128x128xf32, #tpu.memory_space<vmem>> -> memref<1x128x128xf32, #tpu.memory_space<vmem>>
      %dma_start3A_178 = tpu.memref_squeeze %dma_start3A_177 : memref<1x128x128xf32, #tpu.memory_space<vmem>> -> memref<128x128xf32, #tpu.memory_space<vmem>>
      %dma_start3A_179 = arith.constant 0 : i32
      %dma_start3A_180 = tpu.memref_slice %arg10[%dma_start3A_173, %dma_start3A_179] : memref<16x128xi32, #tpu.memory_space<vmem>> -> memref<1x128xi32, #tpu.memory_space<vmem>>
      %dma_start3A_181 = tpu.memref_squeeze %dma_start3A_180 : memref<1x128xi32, #tpu.memory_space<vmem>> -> memref<128xi32, #tpu.memory_space<vmem>>
      %dma_start3A_182 = arith.constant 0 : i32
      %dma_start3A_183 = arith.constant 0 : i32
      %dma_start3A_184 = tpu.memref_slice %arg2[%dma_start3A_182, %dma_start3A_183] : memref<10240x128xf32, #tpu.memory_space<hbm>> -> memref<10240x128xf32, #tpu.memory_space<hbm>>
      tpu.enqueue_indirect_dma source(%dma_start3A_184 : memref<10240x128xf32, #tpu.memory_space<hbm>>) target(%dma_start3A_178 : memref<128x128xf32, #tpu.memory_space<vmem>>) offsets(%dma_start3A_181 : memref<128xi32, #tpu.memory_space<vmem>>) semaphore(%arg16 : memref<!tpu.dma_semaphore, #tpu.memory_space<semaphore_mem>>)
      %dma_wait3A_185 = arith.constant 3 : i32
      %dma_wait3A_186 = arith.constant 1 : i32
      %dma_wait3A_187 = arith.constant 0 : i32
      %dma_wait3A_188 = arith.constant 0 : i32
      %dma_wait3A_189 = tpu.memref_slice %arg12[%dma_wait3A_186, %dma_wait3A_187, %dma_wait3A_188] : memref<2x128x128xf32, #tpu.memory_space<vmem>> -> memref<1x128x128xf32, #tpu.memory_space<vmem>>
      %dma_wait3A_190 = tpu.memref_squeeze %dma_wait3A_189 : memref<1x128x128xf32, #tpu.memory_space<vmem>> -> memref<128x128xf32, #tpu.memory_space<vmem>>
      %dma_wait3A_191 = arith.constant 0 : i32
      %dma_wait3A_192 = tpu.memref_slice %arg10[%dma_wait3A_185, %dma_wait3A_191] : memref<16x128xi32, #tpu.memory_space<vmem>> -> memref<1x128xi32, #tpu.memory_space<vmem>>
      %dma_wait3A_193 = tpu.memref_squeeze %dma_wait3A_192 : memref<1x128xi32, #tpu.memory_space<vmem>> -> memref<128xi32, #tpu.memory_space<vmem>>
      %dma_wait3A_194 = arith.constant 0 : i32
      %dma_wait3A_195 = arith.constant 0 : i32
      %dma_wait3A_196 = tpu.memref_slice %arg2[%dma_wait3A_194, %dma_wait3A_195] : memref<10240x128xf32, #tpu.memory_space<hbm>> -> memref<10240x128xf32, #tpu.memory_space<hbm>>
      tpu.wait_indirect_dma semaphore(%arg16 : memref<!tpu.dma_semaphore, #tpu.memory_space<semaphore_mem>>) src(%dma_wait3A_196 : memref<10240x128xf32, #tpu.memory_space<hbm>>) dst(%dma_wait3A_190 : memref<128x128xf32, #tpu.memory_space<vmem>>)
      %dma_start3A_197 = arith.constant 1 : i32
      %dma_start3A_198 = arith.constant 3 : i32
      %dma_start3A_199 = arith.constant 0 : i32
      %dma_start3A_200 = arith.constant 0 : i32
      %dma_start3A_201 = tpu.memref_slice %arg12[%dma_start3A_197, %dma_start3A_199, %dma_start3A_200] : memref<2x128x128xf32, #tpu.memory_space<vmem>> -> memref<1x128x128xf32, #tpu.memory_space<vmem>>
      %dma_start3A_202 = tpu.memref_squeeze %dma_start3A_201 : memref<1x128x128xf32, #tpu.memory_space<vmem>> -> memref<128x128xf32, #tpu.memory_space<vmem>>
      %dma_start3A_203 = arith.constant 0 : i32
      %dma_start3A_204 = tpu.memref_slice %arg11[%dma_start3A_198, %dma_start3A_203] : memref<16x128xi32, #tpu.memory_space<vmem>> -> memref<1x128xi32, #tpu.memory_space<vmem>>
      %dma_start3A_205 = tpu.memref_squeeze %dma_start3A_204 : memref<1x128xi32, #tpu.memory_space<vmem>> -> memref<128xi32, #tpu.memory_space<vmem>>
      %dma_start3A_206 = arith.constant 0 : i32
      %dma_start3A_207 = arith.constant 0 : i32
      %dma_start3A_208 = tpu.memref_slice %arg14[%dma_start3A_206, %dma_start3A_207] : memref<10368x128xf32, #tpu.memory_space<vmem_shared>> -> memref<10368x128xf32, #tpu.memory_space<vmem_shared>>
      tpu.enqueue_indirect_dma source(%dma_start3A_202 : memref<128x128xf32, #tpu.memory_space<vmem>>) target(%dma_start3A_208 : memref<10368x128xf32, #tpu.memory_space<vmem_shared>>) offsets(%dma_start3A_205 : memref<128xi32, #tpu.memory_space<vmem>>) semaphore(%arg17 : memref<!tpu.dma_semaphore, #tpu.memory_space<semaphore_mem>>) {add = true}
      %dma_start3A_209 = arith.constant 3 : i32
      %dma_start3A_210 = arith.constant 0 : i32
      %dma_start3A_211 = tpu.memref_slice %arg11[%dma_start3A_209, %dma_start3A_210] : memref<16x128xi32, #tpu.memory_space<vmem>> -> memref<1x128xi32, #tpu.memory_space<vmem>>
      %dma_start3A_212 = tpu.memref_squeeze %dma_start3A_211 : memref<1x128xi32, #tpu.memory_space<vmem>> -> memref<128xi32, #tpu.memory_space<vmem>>
      %dma_start3A_213 = arith.constant 0 : i32
      %dma_start3A_214 = tpu.memref_slice %arg15[%dma_start3A_213] : memref<10368xf32, #tpu.memory_space<vmem_shared>> -> memref<10368xf32, #tpu.memory_space<vmem_shared>>
      tpu.enqueue_indirect_dma source(%arg13 : memref<128xf32, #tpu.memory_space<vmem>>) target(%dma_start3A_214 : memref<10368xf32, #tpu.memory_space<vmem_shared>>) offsets(%dma_start3A_212 : memref<128xi32, #tpu.memory_space<vmem>>) semaphore(%arg18 : memref<!tpu.dma_semaphore, #tpu.memory_space<semaphore_mem>>) {add = true}
      %dma_wait3A_215 = arith.constant 0 : i32
      %dma_wait3A_216 = arith.constant 2 : i32
      %dma_wait3A_217 = arith.constant 0 : i32
      %dma_wait3A_218 = arith.constant 0 : i32
      %dma_wait3A_219 = tpu.memref_slice %arg12[%dma_wait3A_215, %dma_wait3A_217, %dma_wait3A_218] : memref<2x128x128xf32, #tpu.memory_space<vmem>> -> memref<1x128x128xf32, #tpu.memory_space<vmem>>
      %dma_wait3A_220 = tpu.memref_squeeze %dma_wait3A_219 : memref<1x128x128xf32, #tpu.memory_space<vmem>> -> memref<128x128xf32, #tpu.memory_space<vmem>>
      %dma_wait3A_221 = arith.constant 0 : i32
      %dma_wait3A_222 = tpu.memref_slice %arg11[%dma_wait3A_216, %dma_wait3A_221] : memref<16x128xi32, #tpu.memory_space<vmem>> -> memref<1x128xi32, #tpu.memory_space<vmem>>
      %dma_wait3A_223 = tpu.memref_squeeze %dma_wait3A_222 : memref<1x128xi32, #tpu.memory_space<vmem>> -> memref<128xi32, #tpu.memory_space<vmem>>
      %dma_wait3A_224 = arith.constant 0 : i32
      %dma_wait3A_225 = arith.constant 0 : i32
      %dma_wait3A_226 = tpu.memref_slice %arg14[%dma_wait3A_224, %dma_wait3A_225] : memref<10368x128xf32, #tpu.memory_space<vmem_shared>> -> memref<10368x128xf32, #tpu.memory_space<vmem_shared>>
      tpu.wait_indirect_dma semaphore(%arg17 : memref<!tpu.dma_semaphore, #tpu.memory_space<semaphore_mem>>) src(%dma_wait3A_220 : memref<128x128xf32, #tpu.memory_space<vmem>>) dst(%dma_wait3A_226 : memref<10368x128xf32, #tpu.memory_space<vmem_shared>>)
      %dma_start3A_227 = arith.constant 4 : i32
      %dma_start3A_228 = arith.constant 0 : i32
      %dma_start3A_229 = arith.constant 0 : i32
      %dma_start3A_230 = arith.constant 0 : i32
      %dma_start3A_231 = tpu.memref_slice %arg12[%dma_start3A_228, %dma_start3A_229, %dma_start3A_230] : memref<2x128x128xf32, #tpu.memory_space<vmem>> -> memref<1x128x128xf32, #tpu.memory_space<vmem>>
      %dma_start3A_232 = tpu.memref_squeeze %dma_start3A_231 : memref<1x128x128xf32, #tpu.memory_space<vmem>> -> memref<128x128xf32, #tpu.memory_space<vmem>>
      %dma_start3A_233 = arith.constant 0 : i32
      %dma_start3A_234 = tpu.memref_slice %arg10[%dma_start3A_227, %dma_start3A_233] : memref<16x128xi32, #tpu.memory_space<vmem>> -> memref<1x128xi32, #tpu.memory_space<vmem>>
      %dma_start3A_235 = tpu.memref_squeeze %dma_start3A_234 : memref<1x128xi32, #tpu.memory_space<vmem>> -> memref<128xi32, #tpu.memory_space<vmem>>
      %dma_start3A_236 = arith.constant 0 : i32
      %dma_start3A_237 = arith.constant 0 : i32
      %dma_start3A_238 = tpu.memref_slice %arg2[%dma_start3A_236, %dma_start3A_237] : memref<10240x128xf32, #tpu.memory_space<hbm>> -> memref<10240x128xf32, #tpu.memory_space<hbm>>
      tpu.enqueue_indirect_dma source(%dma_start3A_238 : memref<10240x128xf32, #tpu.memory_space<hbm>>) target(%dma_start3A_232 : memref<128x128xf32, #tpu.memory_space<vmem>>) offsets(%dma_start3A_235 : memref<128xi32, #tpu.memory_space<vmem>>) semaphore(%arg16 : memref<!tpu.dma_semaphore, #tpu.memory_space<semaphore_mem>>)
      %dma_wait3A_239 = arith.constant 4 : i32
      %dma_wait3A_240 = arith.constant 0 : i32
      %dma_wait3A_241 = arith.constant 0 : i32
      %dma_wait3A_242 = arith.constant 0 : i32
      %dma_wait3A_243 = tpu.memref_slice %arg12[%dma_wait3A_240, %dma_wait3A_241, %dma_wait3A_242] : memref<2x128x128xf32, #tpu.memory_space<vmem>> -> memref<1x128x128xf32, #tpu.memory_space<vmem>>
      %dma_wait3A_244 = tpu.memref_squeeze %dma_wait3A_243 : memref<1x128x128xf32, #tpu.memory_space<vmem>> -> memref<128x128xf32, #tpu.memory_space<vmem>>
      %dma_wait3A_245 = arith.constant 0 : i32
      %dma_wait3A_246 = tpu.memref_slice %arg10[%dma_wait3A_239, %dma_wait3A_245] : memref<16x128xi32, #tpu.memory_space<vmem>> -> memref<1x128xi32, #tpu.memory_space<vmem>>
      %dma_wait3A_247 = tpu.memref_squeeze %dma_wait3A_246 : memref<1x128xi32, #tpu.memory_space<vmem>> -> memref<128xi32, #tpu.memory_space<vmem>>
      %dma_wait3A_248 = arith.constant 0 : i32
      %dma_wait3A_249 = arith.constant 0 : i32
      %dma_wait3A_250 = tpu.memref_slice %arg2[%dma_wait3A_248, %dma_wait3A_249] : memref<10240x128xf32, #tpu.memory_space<hbm>> -> memref<10240x128xf32, #tpu.memory_space<hbm>>
      tpu.wait_indirect_dma semaphore(%arg16 : memref<!tpu.dma_semaphore, #tpu.memory_space<semaphore_mem>>) src(%dma_wait3A_250 : memref<10240x128xf32, #tpu.memory_space<hbm>>) dst(%dma_wait3A_244 : memref<128x128xf32, #tpu.memory_space<vmem>>)
      %dma_start3A_251 = arith.constant 0 : i32
      %dma_start3A_252 = arith.constant 4 : i32
      %dma_start3A_253 = arith.constant 0 : i32
      %dma_start3A_254 = arith.constant 0 : i32
      %dma_start3A_255 = tpu.memref_slice %arg12[%dma_start3A_251, %dma_start3A_253, %dma_start3A_254] : memref<2x128x128xf32, #tpu.memory_space<vmem>> -> memref<1x128x128xf32, #tpu.memory_space<vmem>>
      %dma_start3A_256 = tpu.memref_squeeze %dma_start3A_255 : memref<1x128x128xf32, #tpu.memory_space<vmem>> -> memref<128x128xf32, #tpu.memory_space<vmem>>
      %dma_start3A_257 = arith.constant 0 : i32
      %dma_start3A_258 = tpu.memref_slice %arg11[%dma_start3A_252, %dma_start3A_257] : memref<16x128xi32, #tpu.memory_space<vmem>> -> memref<1x128xi32, #tpu.memory_space<vmem>>
      %dma_start3A_259 = tpu.memref_squeeze %dma_start3A_258 : memref<1x128xi32, #tpu.memory_space<vmem>> -> memref<128xi32, #tpu.memory_space<vmem>>
      %dma_start3A_260 = arith.constant 0 : i32
      %dma_start3A_261 = arith.constant 0 : i32
      %dma_start3A_262 = tpu.memref_slice %arg14[%dma_start3A_260, %dma_start3A_261] : memref<10368x128xf32, #tpu.memory_space<vmem_shared>> -> memref<10368x128xf32, #tpu.memory_space<vmem_shared>>
      tpu.enqueue_indirect_dma source(%dma_start3A_256 : memref<128x128xf32, #tpu.memory_space<vmem>>) target(%dma_start3A_262 : memref<10368x128xf32, #tpu.memory_space<vmem_shared>>) offsets(%dma_start3A_259 : memref<128xi32, #tpu.memory_space<vmem>>) semaphore(%arg17 : memref<!tpu.dma_semaphore, #tpu.memory_space<semaphore_mem>>) {add = true}
      %dma_start3A_263 = arith.constant 4 : i32
      %dma_start3A_264 = arith.constant 0 : i32
      %dma_start3A_265 = tpu.memref_slice %arg11[%dma_start3A_263, %dma_start3A_264] : memref<16x128xi32, #tpu.memory_space<vmem>> -> memref<1x128xi32, #tpu.memory_space<vmem>>
      %dma_start3A_266 = tpu.memref_squeeze %dma_start3A_265 : memref<1x128xi32, #tpu.memory_space<vmem>> -> memref<128xi32, #tpu.memory_space<vmem>>
      %dma_start3A_267 = arith.constant 0 : i32
      %dma_start3A_268 = tpu.memref_slice %arg15[%dma_start3A_267] : memref<10368xf32, #tpu.memory_space<vmem_shared>> -> memref<10368xf32, #tpu.memory_space<vmem_shared>>
      tpu.enqueue_indirect_dma source(%arg13 : memref<128xf32, #tpu.memory_space<vmem>>) target(%dma_start3A_268 : memref<10368xf32, #tpu.memory_space<vmem_shared>>) offsets(%dma_start3A_266 : memref<128xi32, #tpu.memory_space<vmem>>) semaphore(%arg18 : memref<!tpu.dma_semaphore, #tpu.memory_space<semaphore_mem>>) {add = true}
      %dma_wait3A_269 = arith.constant 1 : i32
      %dma_wait3A_270 = arith.constant 3 : i32
      %dma_wait3A_271 = arith.constant 0 : i32
      %dma_wait3A_272 = arith.constant 0 : i32
      %dma_wait3A_273 = tpu.memref_slice %arg12[%dma_wait3A_269, %dma_wait3A_271, %dma_wait3A_272] : memref<2x128x128xf32, #tpu.memory_space<vmem>> -> memref<1x128x128xf32, #tpu.memory_space<vmem>>
      %dma_wait3A_274 = tpu.memref_squeeze %dma_wait3A_273 : memref<1x128x128xf32, #tpu.memory_space<vmem>> -> memref<128x128xf32, #tpu.memory_space<vmem>>
      %dma_wait3A_275 = arith.constant 0 : i32
      %dma_wait3A_276 = tpu.memref_slice %arg11[%dma_wait3A_270, %dma_wait3A_275] : memref<16x128xi32, #tpu.memory_space<vmem>> -> memref<1x128xi32, #tpu.memory_space<vmem>>
      %dma_wait3A_277 = tpu.memref_squeeze %dma_wait3A_276 : memref<1x128xi32, #tpu.memory_space<vmem>> -> memref<128xi32, #tpu.memory_space<vmem>>
      %dma_wait3A_278 = arith.constant 0 : i32
      %dma_wait3A_279 = arith.constant 0 : i32
      %dma_wait3A_280 = tpu.memref_slice %arg14[%dma_wait3A_278, %dma_wait3A_279] : memref<10368x128xf32, #tpu.memory_space<vmem_shared>> -> memref<10368x128xf32, #tpu.memory_space<vmem_shared>>
      tpu.wait_indirect_dma semaphore(%arg17 : memref<!tpu.dma_semaphore, #tpu.memory_space<semaphore_mem>>) src(%dma_wait3A_274 : memref<128x128xf32, #tpu.memory_space<vmem>>) dst(%dma_wait3A_280 : memref<10368x128xf32, #tpu.memory_space<vmem_shared>>)
      %dma_start3A_281 = arith.constant 5 : i32
      %dma_start3A_282 = arith.constant 1 : i32
      %dma_start3A_283 = arith.constant 0 : i32
      %dma_start3A_284 = arith.constant 0 : i32
      %dma_start3A_285 = tpu.memref_slice %arg12[%dma_start3A_282, %dma_start3A_283, %dma_start3A_284] : memref<2x128x128xf32, #tpu.memory_space<vmem>> -> memref<1x128x128xf32, #tpu.memory_space<vmem>>
      %dma_start3A_286 = tpu.memref_squeeze %dma_start3A_285 : memref<1x128x128xf32, #tpu.memory_space<vmem>> -> memref<128x128xf32, #tpu.memory_space<vmem>>
      %dma_start3A_287 = arith.constant 0 : i32
      %dma_start3A_288 = tpu.memref_slice %arg10[%dma_start3A_281, %dma_start3A_287] : memref<16x128xi32, #tpu.memory_space<vmem>> -> memref<1x128xi32, #tpu.memory_space<vmem>>
      %dma_start3A_289 = tpu.memref_squeeze %dma_start3A_288 : memref<1x128xi32, #tpu.memory_space<vmem>> -> memref<128xi32, #tpu.memory_space<vmem>>
      %dma_start3A_290 = arith.constant 0 : i32
      %dma_start3A_291 = arith.constant 0 : i32
      %dma_start3A_292 = tpu.memref_slice %arg2[%dma_start3A_290, %dma_start3A_291] : memref<10240x128xf32, #tpu.memory_space<hbm>> -> memref<10240x128xf32, #tpu.memory_space<hbm>>
      tpu.enqueue_indirect_dma source(%dma_start3A_292 : memref<10240x128xf32, #tpu.memory_space<hbm>>) target(%dma_start3A_286 : memref<128x128xf32, #tpu.memory_space<vmem>>) offsets(%dma_start3A_289 : memref<128xi32, #tpu.memory_space<vmem>>) semaphore(%arg16 : memref<!tpu.dma_semaphore, #tpu.memory_space<semaphore_mem>>)
      %dma_wait3A_293 = arith.constant 5 : i32
      %dma_wait3A_294 = arith.constant 1 : i32
      %dma_wait3A_295 = arith.constant 0 : i32
      %dma_wait3A_296 = arith.constant 0 : i32
      %dma_wait3A_297 = tpu.memref_slice %arg12[%dma_wait3A_294, %dma_wait3A_295, %dma_wait3A_296] : memref<2x128x128xf32, #tpu.memory_space<vmem>> -> memref<1x128x128xf32, #tpu.memory_space<vmem>>
      %dma_wait3A_298 = tpu.memref_squeeze %dma_wait3A_297 : memref<1x128x128xf32, #tpu.memory_space<vmem>> -> memref<128x128xf32, #tpu.memory_space<vmem>>
      %dma_wait3A_299 = arith.constant 0 : i32
      %dma_wait3A_300 = tpu.memref_slice %arg10[%dma_wait3A_293, %dma_wait3A_299] : memref<16x128xi32, #tpu.memory_space<vmem>> -> memref<1x128xi32, #tpu.memory_space<vmem>>
      %dma_wait3A_301 = tpu.memref_squeeze %dma_wait3A_300 : memref<1x128xi32, #tpu.memory_space<vmem>> -> memref<128xi32, #tpu.memory_space<vmem>>
      %dma_wait3A_302 = arith.constant 0 : i32
      %dma_wait3A_303 = arith.constant 0 : i32
      %dma_wait3A_304 = tpu.memref_slice %arg2[%dma_wait3A_302, %dma_wait3A_303] : memref<10240x128xf32, #tpu.memory_space<hbm>> -> memref<10240x128xf32, #tpu.memory_space<hbm>>
      tpu.wait_indirect_dma semaphore(%arg16 : memref<!tpu.dma_semaphore, #tpu.memory_space<semaphore_mem>>) src(%dma_wait3A_304 : memref<10240x128xf32, #tpu.memory_space<hbm>>) dst(%dma_wait3A_298 : memref<128x128xf32, #tpu.memory_space<vmem>>)
      %dma_start3A_305 = arith.constant 1 : i32
      %dma_start3A_306 = arith.constant 5 : i32
      %dma_start3A_307 = arith.constant 0 : i32
      %dma_start3A_308 = arith.constant 0 : i32
      %dma_start3A_309 = tpu.memref_slice %arg12[%dma_start3A_305, %dma_start3A_307, %dma_start3A_308] : memref<2x128x128xf32, #tpu.memory_space<vmem>> -> memref<1x128x128xf32, #tpu.memory_space<vmem>>
      %dma_start3A_310 = tpu.memref_squeeze %dma_start3A_309 : memref<1x128x128xf32, #tpu.memory_space<vmem>> -> memref<128x128xf32, #tpu.memory_space<vmem>>
      %dma_start3A_311 = arith.constant 0 : i32
      %dma_start3A_312 = tpu.memref_slice %arg11[%dma_start3A_306, %dma_start3A_311] : memref<16x128xi32, #tpu.memory_space<vmem>> -> memref<1x128xi32, #tpu.memory_space<vmem>>
      %dma_start3A_313 = tpu.memref_squeeze %dma_start3A_312 : memref<1x128xi32, #tpu.memory_space<vmem>> -> memref<128xi32, #tpu.memory_space<vmem>>
      %dma_start3A_314 = arith.constant 0 : i32
      %dma_start3A_315 = arith.constant 0 : i32
      %dma_start3A_316 = tpu.memref_slice %arg14[%dma_start3A_314, %dma_start3A_315] : memref<10368x128xf32, #tpu.memory_space<vmem_shared>> -> memref<10368x128xf32, #tpu.memory_space<vmem_shared>>
      tpu.enqueue_indirect_dma source(%dma_start3A_310 : memref<128x128xf32, #tpu.memory_space<vmem>>) target(%dma_start3A_316 : memref<10368x128xf32, #tpu.memory_space<vmem_shared>>) offsets(%dma_start3A_313 : memref<128xi32, #tpu.memory_space<vmem>>) semaphore(%arg17 : memref<!tpu.dma_semaphore, #tpu.memory_space<semaphore_mem>>) {add = true}
      %dma_start3A_317 = arith.constant 5 : i32
      %dma_start3A_318 = arith.constant 0 : i32
      %dma_start3A_319 = tpu.memref_slice %arg11[%dma_start3A_317, %dma_start3A_318] : memref<16x128xi32, #tpu.memory_space<vmem>> -> memref<1x128xi32, #tpu.memory_space<vmem>>
      %dma_start3A_320 = tpu.memref_squeeze %dma_start3A_319 : memref<1x128xi32, #tpu.memory_space<vmem>> -> memref<128xi32, #tpu.memory_space<vmem>>
      %dma_start3A_321 = arith.constant 0 : i32
      %dma_start3A_322 = tpu.memref_slice %arg15[%dma_start3A_321] : memref<10368xf32, #tpu.memory_space<vmem_shared>> -> memref<10368xf32, #tpu.memory_space<vmem_shared>>
      tpu.enqueue_indirect_dma source(%arg13 : memref<128xf32, #tpu.memory_space<vmem>>) target(%dma_start3A_322 : memref<10368xf32, #tpu.memory_space<vmem_shared>>) offsets(%dma_start3A_320 : memref<128xi32, #tpu.memory_space<vmem>>) semaphore(%arg18 : memref<!tpu.dma_semaphore, #tpu.memory_space<semaphore_mem>>) {add = true}
      %dma_wait3A_323 = arith.constant 0 : i32
      %dma_wait3A_324 = arith.constant 4 : i32
      %dma_wait3A_325 = arith.constant 0 : i32
      %dma_wait3A_326 = arith.constant 0 : i32
      %dma_wait3A_327 = tpu.memref_slice %arg12[%dma_wait3A_323, %dma_wait3A_325, %dma_wait3A_326] : memref<2x128x128xf32, #tpu.memory_space<vmem>> -> memref<1x128x128xf32, #tpu.memory_space<vmem>>
      %dma_wait3A_328 = tpu.memref_squeeze %dma_wait3A_327 : memref<1x128x128xf32, #tpu.memory_space<vmem>> -> memref<128x128xf32, #tpu.memory_space<vmem>>
      %dma_wait3A_329 = arith.constant 0 : i32
      %dma_wait3A_330 = tpu.memref_slice %arg11[%dma_wait3A_324, %dma_wait3A_329] : memref<16x128xi32, #tpu.memory_space<vmem>> -> memref<1x128xi32, #tpu.memory_space<vmem>>
      %dma_wait3A_331 = tpu.memref_squeeze %dma_wait3A_330 : memref<1x128xi32, #tpu.memory_space<vmem>> -> memref<128xi32, #tpu.memory_space<vmem>>
      %dma_wait3A_332 = arith.constant 0 : i32
      %dma_wait3A_333 = arith.constant 0 : i32
      %dma_wait3A_334 = tpu.memref_slice %arg14[%dma_wait3A_332, %dma_wait3A_333] : memref<10368x128xf32, #tpu.memory_space<vmem_shared>> -> memref<10368x128xf32, #tpu.memory_space<vmem_shared>>
      tpu.wait_indirect_dma semaphore(%arg17 : memref<!tpu.dma_semaphore, #tpu.memory_space<semaphore_mem>>) src(%dma_wait3A_328 : memref<128x128xf32, #tpu.memory_space<vmem>>) dst(%dma_wait3A_334 : memref<10368x128xf32, #tpu.memory_space<vmem_shared>>)
      %dma_start3A_335 = arith.constant 6 : i32
      %dma_start3A_336 = arith.constant 0 : i32
      %dma_start3A_337 = arith.constant 0 : i32
      %dma_start3A_338 = arith.constant 0 : i32
      %dma_start3A_339 = tpu.memref_slice %arg12[%dma_start3A_336, %dma_start3A_337, %dma_start3A_338] : memref<2x128x128xf32, #tpu.memory_space<vmem>> -> memref<1x128x128xf32, #tpu.memory_space<vmem>>
      %dma_start3A_340 = tpu.memref_squeeze %dma_start3A_339 : memref<1x128x128xf32, #tpu.memory_space<vmem>> -> memref<128x128xf32, #tpu.memory_space<vmem>>
      %dma_start3A_341 = arith.constant 0 : i32
      %dma_start3A_342 = tpu.memref_slice %arg10[%dma_start3A_335, %dma_start3A_341] : memref<16x128xi32, #tpu.memory_space<vmem>> -> memref<1x128xi32, #tpu.memory_space<vmem>>
      %dma_start3A_343 = tpu.memref_squeeze %dma_start3A_342 : memref<1x128xi32, #tpu.memory_space<vmem>> -> memref<128xi32, #tpu.memory_space<vmem>>
      %dma_start3A_344 = arith.constant 0 : i32
      %dma_start3A_345 = arith.constant 0 : i32
      %dma_start3A_346 = tpu.memref_slice %arg2[%dma_start3A_344, %dma_start3A_345] : memref<10240x128xf32, #tpu.memory_space<hbm>> -> memref<10240x128xf32, #tpu.memory_space<hbm>>
      tpu.enqueue_indirect_dma source(%dma_start3A_346 : memref<10240x128xf32, #tpu.memory_space<hbm>>) target(%dma_start3A_340 : memref<128x128xf32, #tpu.memory_space<vmem>>) offsets(%dma_start3A_343 : memref<128xi32, #tpu.memory_space<vmem>>) semaphore(%arg16 : memref<!tpu.dma_semaphore, #tpu.memory_space<semaphore_mem>>)
      %dma_wait3A_347 = arith.constant 6 : i32
      %dma_wait3A_348 = arith.constant 0 : i32
      %dma_wait3A_349 = arith.constant 0 : i32
      %dma_wait3A_350 = arith.constant 0 : i32
      %dma_wait3A_351 = tpu.memref_slice %arg12[%dma_wait3A_348, %dma_wait3A_349, %dma_wait3A_350] : memref<2x128x128xf32, #tpu.memory_space<vmem>> -> memref<1x128x128xf32, #tpu.memory_space<vmem>>
      %dma_wait3A_352 = tpu.memref_squeeze %dma_wait3A_351 : memref<1x128x128xf32, #tpu.memory_space<vmem>> -> memref<128x128xf32, #tpu.memory_space<vmem>>
      %dma_wait3A_353 = arith.constant 0 : i32
      %dma_wait3A_354 = tpu.memref_slice %arg10[%dma_wait3A_347, %dma_wait3A_353] : memref<16x128xi32, #tpu.memory_space<vmem>> -> memref<1x128xi32, #tpu.memory_space<vmem>>
      %dma_wait3A_355 = tpu.memref_squeeze %dma_wait3A_354 : memref<1x128xi32, #tpu.memory_space<vmem>> -> memref<128xi32, #tpu.memory_space<vmem>>
      %dma_wait3A_356 = arith.constant 0 : i32
      %dma_wait3A_357 = arith.constant 0 : i32
      %dma_wait3A_358 = tpu.memref_slice %arg2[%dma_wait3A_356, %dma_wait3A_357] : memref<10240x128xf32, #tpu.memory_space<hbm>> -> memref<10240x128xf32, #tpu.memory_space<hbm>>
      tpu.wait_indirect_dma semaphore(%arg16 : memref<!tpu.dma_semaphore, #tpu.memory_space<semaphore_mem>>) src(%dma_wait3A_358 : memref<10240x128xf32, #tpu.memory_space<hbm>>) dst(%dma_wait3A_352 : memref<128x128xf32, #tpu.memory_space<vmem>>)
      %dma_start3A_359 = arith.constant 0 : i32
      %dma_start3A_360 = arith.constant 6 : i32
      %dma_start3A_361 = arith.constant 0 : i32
      %dma_start3A_362 = arith.constant 0 : i32
      %dma_start3A_363 = tpu.memref_slice %arg12[%dma_start3A_359, %dma_start3A_361, %dma_start3A_362] : memref<2x128x128xf32, #tpu.memory_space<vmem>> -> memref<1x128x128xf32, #tpu.memory_space<vmem>>
      %dma_start3A_364 = tpu.memref_squeeze %dma_start3A_363 : memref<1x128x128xf32, #tpu.memory_space<vmem>> -> memref<128x128xf32, #tpu.memory_space<vmem>>
      %dma_start3A_365 = arith.constant 0 : i32
      %dma_start3A_366 = tpu.memref_slice %arg11[%dma_start3A_360, %dma_start3A_365] : memref<16x128xi32, #tpu.memory_space<vmem>> -> memref<1x128xi32, #tpu.memory_space<vmem>>
      %dma_start3A_367 = tpu.memref_squeeze %dma_start3A_366 : memref<1x128xi32, #tpu.memory_space<vmem>> -> memref<128xi32, #tpu.memory_space<vmem>>
      %dma_start3A_368 = arith.constant 0 : i32
      %dma_start3A_369 = arith.constant 0 : i32
      %dma_start3A_370 = tpu.memref_slice %arg14[%dma_start3A_368, %dma_start3A_369] : memref<10368x128xf32, #tpu.memory_space<vmem_shared>> -> memref<10368x128xf32, #tpu.memory_space<vmem_shared>>
      tpu.enqueue_indirect_dma source(%dma_start3A_364 : memref<128x128xf32, #tpu.memory_space<vmem>>) target(%dma_start3A_370 : memref<10368x128xf32, #tpu.memory_space<vmem_shared>>) offsets(%dma_start3A_367 : memref<128xi32, #tpu.memory_space<vmem>>) semaphore(%arg17 : memref<!tpu.dma_semaphore, #tpu.memory_space<semaphore_mem>>) {add = true}
      %dma_start3A_371 = arith.constant 6 : i32
      %dma_start3A_372 = arith.constant 0 : i32
      %dma_start3A_373 = tpu.memref_slice %arg11[%dma_start3A_371, %dma_start3A_372] : memref<16x128xi32, #tpu.memory_space<vmem>> -> memref<1x128xi32, #tpu.memory_space<vmem>>
      %dma_start3A_374 = tpu.memref_squeeze %dma_start3A_373 : memref<1x128xi32, #tpu.memory_space<vmem>> -> memref<128xi32, #tpu.memory_space<vmem>>
      %dma_start3A_375 = arith.constant 0 : i32
      %dma_start3A_376 = tpu.memref_slice %arg15[%dma_start3A_375] : memref<10368xf32, #tpu.memory_space<vmem_shared>> -> memref<10368xf32, #tpu.memory_space<vmem_shared>>
      tpu.enqueue_indirect_dma source(%arg13 : memref<128xf32, #tpu.memory_space<vmem>>) target(%dma_start3A_376 : memref<10368xf32, #tpu.memory_space<vmem_shared>>) offsets(%dma_start3A_374 : memref<128xi32, #tpu.memory_space<vmem>>) semaphore(%arg18 : memref<!tpu.dma_semaphore, #tpu.memory_space<semaphore_mem>>) {add = true}
      %dma_wait3A_377 = arith.constant 1 : i32
      %dma_wait3A_378 = arith.constant 5 : i32
      %dma_wait3A_379 = arith.constant 0 : i32
      %dma_wait3A_380 = arith.constant 0 : i32
      %dma_wait3A_381 = tpu.memref_slice %arg12[%dma_wait3A_377, %dma_wait3A_379, %dma_wait3A_380] : memref<2x128x128xf32, #tpu.memory_space<vmem>> -> memref<1x128x128xf32, #tpu.memory_space<vmem>>
      %dma_wait3A_382 = tpu.memref_squeeze %dma_wait3A_381 : memref<1x128x128xf32, #tpu.memory_space<vmem>> -> memref<128x128xf32, #tpu.memory_space<vmem>>
      %dma_wait3A_383 = arith.constant 0 : i32
      %dma_wait3A_384 = tpu.memref_slice %arg11[%dma_wait3A_378, %dma_wait3A_383] : memref<16x128xi32, #tpu.memory_space<vmem>> -> memref<1x128xi32, #tpu.memory_space<vmem>>
      %dma_wait3A_385 = tpu.memref_squeeze %dma_wait3A_384 : memref<1x128xi32, #tpu.memory_space<vmem>> -> memref<128xi32, #tpu.memory_space<vmem>>
      %dma_wait3A_386 = arith.constant 0 : i32
      %dma_wait3A_387 = arith.constant 0 : i32
      %dma_wait3A_388 = tpu.memref_slice %arg14[%dma_wait3A_386, %dma_wait3A_387] : memref<10368x128xf32, #tpu.memory_space<vmem_shared>> -> memref<10368x128xf32, #tpu.memory_space<vmem_shared>>
      tpu.wait_indirect_dma semaphore(%arg17 : memref<!tpu.dma_semaphore, #tpu.memory_space<semaphore_mem>>) src(%dma_wait3A_382 : memref<128x128xf32, #tpu.memory_space<vmem>>) dst(%dma_wait3A_388 : memref<10368x128xf32, #tpu.memory_space<vmem_shared>>)
      %dma_start3A_389 = arith.constant 7 : i32
      %dma_start3A_390 = arith.constant 1 : i32
      %dma_start3A_391 = arith.constant 0 : i32
      %dma_start3A_392 = arith.constant 0 : i32
      %dma_start3A_393 = tpu.memref_slice %arg12[%dma_start3A_390, %dma_start3A_391, %dma_start3A_392] : memref<2x128x128xf32, #tpu.memory_space<vmem>> -> memref<1x128x128xf32, #tpu.memory_space<vmem>>
      %dma_start3A_394 = tpu.memref_squeeze %dma_start3A_393 : memref<1x128x128xf32, #tpu.memory_space<vmem>> -> memref<128x128xf32, #tpu.memory_space<vmem>>
      %dma_start3A_395 = arith.constant 0 : i32
      %dma_start3A_396 = tpu.memref_slice %arg10[%dma_start3A_389, %dma_start3A_395] : memref<16x128xi32, #tpu.memory_space<vmem>> -> memref<1x128xi32, #tpu.memory_space<vmem>>
      %dma_start3A_397 = tpu.memref_squeeze %dma_start3A_396 : memref<1x128xi32, #tpu.memory_space<vmem>> -> memref<128xi32, #tpu.memory_space<vmem>>
      %dma_start3A_398 = arith.constant 0 : i32
      %dma_start3A_399 = arith.constant 0 : i32
      %dma_start3A_400 = tpu.memref_slice %arg2[%dma_start3A_398, %dma_start3A_399] : memref<10240x128xf32, #tpu.memory_space<hbm>> -> memref<10240x128xf32, #tpu.memory_space<hbm>>
      tpu.enqueue_indirect_dma source(%dma_start3A_400 : memref<10240x128xf32, #tpu.memory_space<hbm>>) target(%dma_start3A_394 : memref<128x128xf32, #tpu.memory_space<vmem>>) offsets(%dma_start3A_397 : memref<128xi32, #tpu.memory_space<vmem>>) semaphore(%arg16 : memref<!tpu.dma_semaphore, #tpu.memory_space<semaphore_mem>>)
      %dma_wait3A_401 = arith.constant 7 : i32
      %dma_wait3A_402 = arith.constant 1 : i32
      %dma_wait3A_403 = arith.constant 0 : i32
      %dma_wait3A_404 = arith.constant 0 : i32
      %dma_wait3A_405 = tpu.memref_slice %arg12[%dma_wait3A_402, %dma_wait3A_403, %dma_wait3A_404] : memref<2x128x128xf32, #tpu.memory_space<vmem>> -> memref<1x128x128xf32, #tpu.memory_space<vmem>>
      %dma_wait3A_406 = tpu.memref_squeeze %dma_wait3A_405 : memref<1x128x128xf32, #tpu.memory_space<vmem>> -> memref<128x128xf32, #tpu.memory_space<vmem>>
      %dma_wait3A_407 = arith.constant 0 : i32
      %dma_wait3A_408 = tpu.memref_slice %arg10[%dma_wait3A_401, %dma_wait3A_407] : memref<16x128xi32, #tpu.memory_space<vmem>> -> memref<1x128xi32, #tpu.memory_space<vmem>>
      %dma_wait3A_409 = tpu.memref_squeeze %dma_wait3A_408 : memref<1x128xi32, #tpu.memory_space<vmem>> -> memref<128xi32, #tpu.memory_space<vmem>>
      %dma_wait3A_410 = arith.constant 0 : i32
      %dma_wait3A_411 = arith.constant 0 : i32
      %dma_wait3A_412 = tpu.memref_slice %arg2[%dma_wait3A_410, %dma_wait3A_411] : memref<10240x128xf32, #tpu.memory_space<hbm>> -> memref<10240x128xf32, #tpu.memory_space<hbm>>
      tpu.wait_indirect_dma semaphore(%arg16 : memref<!tpu.dma_semaphore, #tpu.memory_space<semaphore_mem>>) src(%dma_wait3A_412 : memref<10240x128xf32, #tpu.memory_space<hbm>>) dst(%dma_wait3A_406 : memref<128x128xf32, #tpu.memory_space<vmem>>)
      %dma_start3A_413 = arith.constant 1 : i32
      %dma_start3A_414 = arith.constant 7 : i32
      %dma_start3A_415 = arith.constant 0 : i32
      %dma_start3A_416 = arith.constant 0 : i32
      %dma_start3A_417 = tpu.memref_slice %arg12[%dma_start3A_413, %dma_start3A_415, %dma_start3A_416] : memref<2x128x128xf32, #tpu.memory_space<vmem>> -> memref<1x128x128xf32, #tpu.memory_space<vmem>>
      %dma_start3A_418 = tpu.memref_squeeze %dma_start3A_417 : memref<1x128x128xf32, #tpu.memory_space<vmem>> -> memref<128x128xf32, #tpu.memory_space<vmem>>
      %dma_start3A_419 = arith.constant 0 : i32
      %dma_start3A_420 = tpu.memref_slice %arg11[%dma_start3A_414, %dma_start3A_419] : memref<16x128xi32, #tpu.memory_space<vmem>> -> memref<1x128xi32, #tpu.memory_space<vmem>>
      %dma_start3A_421 = tpu.memref_squeeze %dma_start3A_420 : memref<1x128xi32, #tpu.memory_space<vmem>> -> memref<128xi32, #tpu.memory_space<vmem>>
      %dma_start3A_422 = arith.constant 0 : i32
      %dma_start3A_423 = arith.constant 0 : i32
      %dma_start3A_424 = tpu.memref_slice %arg14[%dma_start3A_422, %dma_start3A_423] : memref<10368x128xf32, #tpu.memory_space<vmem_shared>> -> memref<10368x128xf32, #tpu.memory_space<vmem_shared>>
      tpu.enqueue_indirect_dma source(%dma_start3A_418 : memref<128x128xf32, #tpu.memory_space<vmem>>) target(%dma_start3A_424 : memref<10368x128xf32, #tpu.memory_space<vmem_shared>>) offsets(%dma_start3A_421 : memref<128xi32, #tpu.memory_space<vmem>>) semaphore(%arg17 : memref<!tpu.dma_semaphore, #tpu.memory_space<semaphore_mem>>) {add = true}
      %dma_start3A_425 = arith.constant 7 : i32
      %dma_start3A_426 = arith.constant 0 : i32
      %dma_start3A_427 = tpu.memref_slice %arg11[%dma_start3A_425, %dma_start3A_426] : memref<16x128xi32, #tpu.memory_space<vmem>> -> memref<1x128xi32, #tpu.memory_space<vmem>>
      %dma_start3A_428 = tpu.memref_squeeze %dma_start3A_427 : memref<1x128xi32, #tpu.memory_space<vmem>> -> memref<128xi32, #tpu.memory_space<vmem>>
      %dma_start3A_429 = arith.constant 0 : i32
      %dma_start3A_430 = tpu.memref_slice %arg15[%dma_start3A_429] : memref<10368xf32, #tpu.memory_space<vmem_shared>> -> memref<10368xf32, #tpu.memory_space<vmem_shared>>
      tpu.enqueue_indirect_dma source(%arg13 : memref<128xf32, #tpu.memory_space<vmem>>) target(%dma_start3A_430 : memref<10368xf32, #tpu.memory_space<vmem_shared>>) offsets(%dma_start3A_428 : memref<128xi32, #tpu.memory_space<vmem>>) semaphore(%arg18 : memref<!tpu.dma_semaphore, #tpu.memory_space<semaphore_mem>>) {add = true}
      %dma_wait3A_431 = arith.constant 0 : i32
      %dma_wait3A_432 = arith.constant 6 : i32
      %dma_wait3A_433 = arith.constant 0 : i32
      %dma_wait3A_434 = arith.constant 0 : i32
      %dma_wait3A_435 = tpu.memref_slice %arg12[%dma_wait3A_431, %dma_wait3A_433, %dma_wait3A_434] : memref<2x128x128xf32, #tpu.memory_space<vmem>> -> memref<1x128x128xf32, #tpu.memory_space<vmem>>
      %dma_wait3A_436 = tpu.memref_squeeze %dma_wait3A_435 : memref<1x128x128xf32, #tpu.memory_space<vmem>> -> memref<128x128xf32, #tpu.memory_space<vmem>>
      %dma_wait3A_437 = arith.constant 0 : i32
      %dma_wait3A_438 = tpu.memref_slice %arg11[%dma_wait3A_432, %dma_wait3A_437] : memref<16x128xi32, #tpu.memory_space<vmem>> -> memref<1x128xi32, #tpu.memory_space<vmem>>
      %dma_wait3A_439 = tpu.memref_squeeze %dma_wait3A_438 : memref<1x128xi32, #tpu.memory_space<vmem>> -> memref<128xi32, #tpu.memory_space<vmem>>
      %dma_wait3A_440 = arith.constant 0 : i32
      %dma_wait3A_441 = arith.constant 0 : i32
      %dma_wait3A_442 = tpu.memref_slice %arg14[%dma_wait3A_440, %dma_wait3A_441] : memref<10368x128xf32, #tpu.memory_space<vmem_shared>> -> memref<10368x128xf32, #tpu.memory_space<vmem_shared>>
      tpu.wait_indirect_dma semaphore(%arg17 : memref<!tpu.dma_semaphore, #tpu.memory_space<semaphore_mem>>) src(%dma_wait3A_436 : memref<128x128xf32, #tpu.memory_space<vmem>>) dst(%dma_wait3A_442 : memref<10368x128xf32, #tpu.memory_space<vmem_shared>>)
      %dma_start3A_443 = arith.constant 8 : i32
      %dma_start3A_444 = arith.constant 0 : i32
      %dma_start3A_445 = arith.constant 0 : i32
      %dma_start3A_446 = arith.constant 0 : i32
      %dma_start3A_447 = tpu.memref_slice %arg12[%dma_start3A_444, %dma_start3A_445, %dma_start3A_446] : memref<2x128x128xf32, #tpu.memory_space<vmem>> -> memref<1x128x128xf32, #tpu.memory_space<vmem>>
      %dma_start3A_448 = tpu.memref_squeeze %dma_start3A_447 : memref<1x128x128xf32, #tpu.memory_space<vmem>> -> memref<128x128xf32, #tpu.memory_space<vmem>>
      %dma_start3A_449 = arith.constant 0 : i32
      %dma_start3A_450 = tpu.memref_slice %arg10[%dma_start3A_443, %dma_start3A_449] : memref<16x128xi32, #tpu.memory_space<vmem>> -> memref<1x128xi32, #tpu.memory_space<vmem>>
      %dma_start3A_451 = tpu.memref_squeeze %dma_start3A_450 : memref<1x128xi32, #tpu.memory_space<vmem>> -> memref<128xi32, #tpu.memory_space<vmem>>
      %dma_start3A_452 = arith.constant 0 : i32
      %dma_start3A_453 = arith.constant 0 : i32
      %dma_start3A_454 = tpu.memref_slice %arg2[%dma_start3A_452, %dma_start3A_453] : memref<10240x128xf32, #tpu.memory_space<hbm>> -> memref<10240x128xf32, #tpu.memory_space<hbm>>
      tpu.enqueue_indirect_dma source(%dma_start3A_454 : memref<10240x128xf32, #tpu.memory_space<hbm>>) target(%dma_start3A_448 : memref<128x128xf32, #tpu.memory_space<vmem>>) offsets(%dma_start3A_451 : memref<128xi32, #tpu.memory_space<vmem>>) semaphore(%arg16 : memref<!tpu.dma_semaphore, #tpu.memory_space<semaphore_mem>>)
      %dma_wait3A_455 = arith.constant 8 : i32
      %dma_wait3A_456 = arith.constant 0 : i32
      %dma_wait3A_457 = arith.constant 0 : i32
      %dma_wait3A_458 = arith.constant 0 : i32
      %dma_wait3A_459 = tpu.memref_slice %arg12[%dma_wait3A_456, %dma_wait3A_457, %dma_wait3A_458] : memref<2x128x128xf32, #tpu.memory_space<vmem>> -> memref<1x128x128xf32, #tpu.memory_space<vmem>>
      %dma_wait3A_460 = tpu.memref_squeeze %dma_wait3A_459 : memref<1x128x128xf32, #tpu.memory_space<vmem>> -> memref<128x128xf32, #tpu.memory_space<vmem>>
      %dma_wait3A_461 = arith.constant 0 : i32
      %dma_wait3A_462 = tpu.memref_slice %arg10[%dma_wait3A_455, %dma_wait3A_461] : memref<16x128xi32, #tpu.memory_space<vmem>> -> memref<1x128xi32, #tpu.memory_space<vmem>>
      %dma_wait3A_463 = tpu.memref_squeeze %dma_wait3A_462 : memref<1x128xi32, #tpu.memory_space<vmem>> -> memref<128xi32, #tpu.memory_space<vmem>>
      %dma_wait3A_464 = arith.constant 0 : i32
      %dma_wait3A_465 = arith.constant 0 : i32
      %dma_wait3A_466 = tpu.memref_slice %arg2[%dma_wait3A_464, %dma_wait3A_465] : memref<10240x128xf32, #tpu.memory_space<hbm>> -> memref<10240x128xf32, #tpu.memory_space<hbm>>
      tpu.wait_indirect_dma semaphore(%arg16 : memref<!tpu.dma_semaphore, #tpu.memory_space<semaphore_mem>>) src(%dma_wait3A_466 : memref<10240x128xf32, #tpu.memory_space<hbm>>) dst(%dma_wait3A_460 : memref<128x128xf32, #tpu.memory_space<vmem>>)
      %dma_start3A_467 = arith.constant 0 : i32
      %dma_start3A_468 = arith.constant 8 : i32
      %dma_start3A_469 = arith.constant 0 : i32
      %dma_start3A_470 = arith.constant 0 : i32
      %dma_start3A_471 = tpu.memref_slice %arg12[%dma_start3A_467, %dma_start3A_469, %dma_start3A_470] : memref<2x128x128xf32, #tpu.memory_space<vmem>> -> memref<1x128x128xf32, #tpu.memory_space<vmem>>
      %dma_start3A_472 = tpu.memref_squeeze %dma_start3A_471 : memref<1x128x128xf32, #tpu.memory_space<vmem>> -> memref<128x128xf32, #tpu.memory_space<vmem>>
      %dma_start3A_473 = arith.constant 0 : i32
      %dma_start3A_474 = tpu.memref_slice %arg11[%dma_start3A_468, %dma_start3A_473] : memref<16x128xi32, #tpu.memory_space<vmem>> -> memref<1x128xi32, #tpu.memory_space<vmem>>
      %dma_start3A_475 = tpu.memref_squeeze %dma_start3A_474 : memref<1x128xi32, #tpu.memory_space<vmem>> -> memref<128xi32, #tpu.memory_space<vmem>>
      %dma_start3A_476 = arith.constant 0 : i32
      %dma_start3A_477 = arith.constant 0 : i32
      %dma_start3A_478 = tpu.memref_slice %arg14[%dma_start3A_476, %dma_start3A_477] : memref<10368x128xf32, #tpu.memory_space<vmem_shared>> -> memref<10368x128xf32, #tpu.memory_space<vmem_shared>>
      tpu.enqueue_indirect_dma source(%dma_start3A_472 : memref<128x128xf32, #tpu.memory_space<vmem>>) target(%dma_start3A_478 : memref<10368x128xf32, #tpu.memory_space<vmem_shared>>) offsets(%dma_start3A_475 : memref<128xi32, #tpu.memory_space<vmem>>) semaphore(%arg17 : memref<!tpu.dma_semaphore, #tpu.memory_space<semaphore_mem>>) {add = true}
      %dma_start3A_479 = arith.constant 8 : i32
      %dma_start3A_480 = arith.constant 0 : i32
      %dma_start3A_481 = tpu.memref_slice %arg11[%dma_start3A_479, %dma_start3A_480] : memref<16x128xi32, #tpu.memory_space<vmem>> -> memref<1x128xi32, #tpu.memory_space<vmem>>
      %dma_start3A_482 = tpu.memref_squeeze %dma_start3A_481 : memref<1x128xi32, #tpu.memory_space<vmem>> -> memref<128xi32, #tpu.memory_space<vmem>>
      %dma_start3A_483 = arith.constant 0 : i32
      %dma_start3A_484 = tpu.memref_slice %arg15[%dma_start3A_483] : memref<10368xf32, #tpu.memory_space<vmem_shared>> -> memref<10368xf32, #tpu.memory_space<vmem_shared>>
      tpu.enqueue_indirect_dma source(%arg13 : memref<128xf32, #tpu.memory_space<vmem>>) target(%dma_start3A_484 : memref<10368xf32, #tpu.memory_space<vmem_shared>>) offsets(%dma_start3A_482 : memref<128xi32, #tpu.memory_space<vmem>>) semaphore(%arg18 : memref<!tpu.dma_semaphore, #tpu.memory_space<semaphore_mem>>) {add = true}
      %dma_wait3A_485 = arith.constant 1 : i32
      %dma_wait3A_486 = arith.constant 7 : i32
      %dma_wait3A_487 = arith.constant 0 : i32
      %dma_wait3A_488 = arith.constant 0 : i32
      %dma_wait3A_489 = tpu.memref_slice %arg12[%dma_wait3A_485, %dma_wait3A_487, %dma_wait3A_488] : memref<2x128x128xf32, #tpu.memory_space<vmem>> -> memref<1x128x128xf32, #tpu.memory_space<vmem>>
      %dma_wait3A_490 = tpu.memref_squeeze %dma_wait3A_489 : memref<1x128x128xf32, #tpu.memory_space<vmem>> -> memref<128x128xf32, #tpu.memory_space<vmem>>
      %dma_wait3A_491 = arith.constant 0 : i32
      %dma_wait3A_492 = tpu.memref_slice %arg11[%dma_wait3A_486, %dma_wait3A_491] : memref<16x128xi32, #tpu.memory_space<vmem>> -> memref<1x128xi32, #tpu.memory_space<vmem>>
      %dma_wait3A_493 = tpu.memref_squeeze %dma_wait3A_492 : memref<1x128xi32, #tpu.memory_space<vmem>> -> memref<128xi32, #tpu.memory_space<vmem>>
      %dma_wait3A_494 = arith.constant 0 : i32
      %dma_wait3A_495 = arith.constant 0 : i32
      %dma_wait3A_496 = tpu.memref_slice %arg14[%dma_wait3A_494, %dma_wait3A_495] : memref<10368x128xf32, #tpu.memory_space<vmem_shared>> -> memref<10368x128xf32, #tpu.memory_space<vmem_shared>>
      tpu.wait_indirect_dma semaphore(%arg17 : memref<!tpu.dma_semaphore, #tpu.memory_space<semaphore_mem>>) src(%dma_wait3A_490 : memref<128x128xf32, #tpu.memory_space<vmem>>) dst(%dma_wait3A_496 : memref<10368x128xf32, #tpu.memory_space<vmem_shared>>)
      %dma_start3A_497 = arith.constant 9 : i32
      %dma_start3A_498 = arith.constant 1 : i32
      %dma_start3A_499 = arith.constant 0 : i32
      %dma_start3A_500 = arith.constant 0 : i32
      %dma_start3A_501 = tpu.memref_slice %arg12[%dma_start3A_498, %dma_start3A_499, %dma_start3A_500] : memref<2x128x128xf32, #tpu.memory_space<vmem>> -> memref<1x128x128xf32, #tpu.memory_space<vmem>>
      %dma_start3A_502 = tpu.memref_squeeze %dma_start3A_501 : memref<1x128x128xf32, #tpu.memory_space<vmem>> -> memref<128x128xf32, #tpu.memory_space<vmem>>
      %dma_start3A_503 = arith.constant 0 : i32
      %dma_start3A_504 = tpu.memref_slice %arg10[%dma_start3A_497, %dma_start3A_503] : memref<16x128xi32, #tpu.memory_space<vmem>> -> memref<1x128xi32, #tpu.memory_space<vmem>>
      %dma_start3A_505 = tpu.memref_squeeze %dma_start3A_504 : memref<1x128xi32, #tpu.memory_space<vmem>> -> memref<128xi32, #tpu.memory_space<vmem>>
      %dma_start3A_506 = arith.constant 0 : i32
      %dma_start3A_507 = arith.constant 0 : i32
      %dma_start3A_508 = tpu.memref_slice %arg2[%dma_start3A_506, %dma_start3A_507] : memref<10240x128xf32, #tpu.memory_space<hbm>> -> memref<10240x128xf32, #tpu.memory_space<hbm>>
      tpu.enqueue_indirect_dma source(%dma_start3A_508 : memref<10240x128xf32, #tpu.memory_space<hbm>>) target(%dma_start3A_502 : memref<128x128xf32, #tpu.memory_space<vmem>>) offsets(%dma_start3A_505 : memref<128xi32, #tpu.memory_space<vmem>>) semaphore(%arg16 : memref<!tpu.dma_semaphore, #tpu.memory_space<semaphore_mem>>)
      %dma_wait3A_509 = arith.constant 9 : i32
      %dma_wait3A_510 = arith.constant 1 : i32
      %dma_wait3A_511 = arith.constant 0 : i32
      %dma_wait3A_512 = arith.constant 0 : i32
      %dma_wait3A_513 = tpu.memref_slice %arg12[%dma_wait3A_510, %dma_wait3A_511, %dma_wait3A_512] : memref<2x128x128xf32, #tpu.memory_space<vmem>> -> memref<1x128x128xf32, #tpu.memory_space<vmem>>
      %dma_wait3A_514 = tpu.memref_squeeze %dma_wait3A_513 : memref<1x128x128xf32, #tpu.memory_space<vmem>> -> memref<128x128xf32, #tpu.memory_space<vmem>>
      %dma_wait3A_515 = arith.constant 0 : i32
      %dma_wait3A_516 = tpu.memref_slice %arg10[%dma_wait3A_509, %dma_wait3A_515] : memref<16x128xi32, #tpu.memory_space<vmem>> -> memref<1x128xi32, #tpu.memory_space<vmem>>
      %dma_wait3A_517 = tpu.memref_squeeze %dma_wait3A_516 : memref<1x128xi32, #tpu.memory_space<vmem>> -> memref<128xi32, #tpu.memory_space<vmem>>
      %dma_wait3A_518 = arith.constant 0 : i32
      %dma_wait3A_519 = arith.constant 0 : i32
      %dma_wait3A_520 = tpu.memref_slice %arg2[%dma_wait3A_518, %dma_wait3A_519] : memref<10240x128xf32, #tpu.memory_space<hbm>> -> memref<10240x128xf32, #tpu.memory_space<hbm>>
      tpu.wait_indirect_dma semaphore(%arg16 : memref<!tpu.dma_semaphore, #tpu.memory_space<semaphore_mem>>) src(%dma_wait3A_520 : memref<10240x128xf32, #tpu.memory_space<hbm>>) dst(%dma_wait3A_514 : memref<128x128xf32, #tpu.memory_space<vmem>>)
      %dma_start3A_521 = arith.constant 1 : i32
      %dma_start3A_522 = arith.constant 9 : i32
      %dma_start3A_523 = arith.constant 0 : i32
      %dma_start3A_524 = arith.constant 0 : i32
      %dma_start3A_525 = tpu.memref_slice %arg12[%dma_start3A_521, %dma_start3A_523, %dma_start3A_524] : memref<2x128x128xf32, #tpu.memory_space<vmem>> -> memref<1x128x128xf32, #tpu.memory_space<vmem>>
      %dma_start3A_526 = tpu.memref_squeeze %dma_start3A_525 : memref<1x128x128xf32, #tpu.memory_space<vmem>> -> memref<128x128xf32, #tpu.memory_space<vmem>>
      %dma_start3A_527 = arith.constant 0 : i32
      %dma_start3A_528 = tpu.memref_slice %arg11[%dma_start3A_522, %dma_start3A_527] : memref<16x128xi32, #tpu.memory_space<vmem>> -> memref<1x128xi32, #tpu.memory_space<vmem>>
      %dma_start3A_529 = tpu.memref_squeeze %dma_start3A_528 : memref<1x128xi32, #tpu.memory_space<vmem>> -> memref<128xi32, #tpu.memory_space<vmem>>
      %dma_start3A_530 = arith.constant 0 : i32
      %dma_start3A_531 = arith.constant 0 : i32
      %dma_start3A_532 = tpu.memref_slice %arg14[%dma_start3A_530, %dma_start3A_531] : memref<10368x128xf32, #tpu.memory_space<vmem_shared>> -> memref<10368x128xf32, #tpu.memory_space<vmem_shared>>
      tpu.enqueue_indirect_dma source(%dma_start3A_526 : memref<128x128xf32, #tpu.memory_space<vmem>>) target(%dma_start3A_532 : memref<10368x128xf32, #tpu.memory_space<vmem_shared>>) offsets(%dma_start3A_529 : memref<128xi32, #tpu.memory_space<vmem>>) semaphore(%arg17 : memref<!tpu.dma_semaphore, #tpu.memory_space<semaphore_mem>>) {add = true}
      %dma_start3A_533 = arith.constant 9 : i32
      %dma_start3A_534 = arith.constant 0 : i32
      %dma_start3A_535 = tpu.memref_slice %arg11[%dma_start3A_533, %dma_start3A_534] : memref<16x128xi32, #tpu.memory_space<vmem>> -> memref<1x128xi32, #tpu.memory_space<vmem>>
      %dma_start3A_536 = tpu.memref_squeeze %dma_start3A_535 : memref<1x128xi32, #tpu.memory_space<vmem>> -> memref<128xi32, #tpu.memory_space<vmem>>
      %dma_start3A_537 = arith.constant 0 : i32
      %dma_start3A_538 = tpu.memref_slice %arg15[%dma_start3A_537] : memref<10368xf32, #tpu.memory_space<vmem_shared>> -> memref<10368xf32, #tpu.memory_space<vmem_shared>>
      tpu.enqueue_indirect_dma source(%arg13 : memref<128xf32, #tpu.memory_space<vmem>>) target(%dma_start3A_538 : memref<10368xf32, #tpu.memory_space<vmem_shared>>) offsets(%dma_start3A_536 : memref<128xi32, #tpu.memory_space<vmem>>) semaphore(%arg18 : memref<!tpu.dma_semaphore, #tpu.memory_space<semaphore_mem>>) {add = true}
      %dma_wait3A_539 = arith.constant 0 : i32
      %dma_wait3A_540 = arith.constant 8 : i32
      %dma_wait3A_541 = arith.constant 0 : i32
      %dma_wait3A_542 = arith.constant 0 : i32
      %dma_wait3A_543 = tpu.memref_slice %arg12[%dma_wait3A_539, %dma_wait3A_541, %dma_wait3A_542] : memref<2x128x128xf32, #tpu.memory_space<vmem>> -> memref<1x128x128xf32, #tpu.memory_space<vmem>>
      %dma_wait3A_544 = tpu.memref_squeeze %dma_wait3A_543 : memref<1x128x128xf32, #tpu.memory_space<vmem>> -> memref<128x128xf32, #tpu.memory_space<vmem>>
      %dma_wait3A_545 = arith.constant 0 : i32
      %dma_wait3A_546 = tpu.memref_slice %arg11[%dma_wait3A_540, %dma_wait3A_545] : memref<16x128xi32, #tpu.memory_space<vmem>> -> memref<1x128xi32, #tpu.memory_space<vmem>>
      %dma_wait3A_547 = tpu.memref_squeeze %dma_wait3A_546 : memref<1x128xi32, #tpu.memory_space<vmem>> -> memref<128xi32, #tpu.memory_space<vmem>>
      %dma_wait3A_548 = arith.constant 0 : i32
      %dma_wait3A_549 = arith.constant 0 : i32
      %dma_wait3A_550 = tpu.memref_slice %arg14[%dma_wait3A_548, %dma_wait3A_549] : memref<10368x128xf32, #tpu.memory_space<vmem_shared>> -> memref<10368x128xf32, #tpu.memory_space<vmem_shared>>
      tpu.wait_indirect_dma semaphore(%arg17 : memref<!tpu.dma_semaphore, #tpu.memory_space<semaphore_mem>>) src(%dma_wait3A_544 : memref<128x128xf32, #tpu.memory_space<vmem>>) dst(%dma_wait3A_550 : memref<10368x128xf32, #tpu.memory_space<vmem_shared>>)
      %dma_start3A_551 = arith.constant 10 : i32
      %dma_start3A_552 = arith.constant 0 : i32
      %dma_start3A_553 = arith.constant 0 : i32
      %dma_start3A_554 = arith.constant 0 : i32
      %dma_start3A_555 = tpu.memref_slice %arg12[%dma_start3A_552, %dma_start3A_553, %dma_start3A_554] : memref<2x128x128xf32, #tpu.memory_space<vmem>> -> memref<1x128x128xf32, #tpu.memory_space<vmem>>
      %dma_start3A_556 = tpu.memref_squeeze %dma_start3A_555 : memref<1x128x128xf32, #tpu.memory_space<vmem>> -> memref<128x128xf32, #tpu.memory_space<vmem>>
      %dma_start3A_557 = arith.constant 0 : i32
      %dma_start3A_558 = tpu.memref_slice %arg10[%dma_start3A_551, %dma_start3A_557] : memref<16x128xi32, #tpu.memory_space<vmem>> -> memref<1x128xi32, #tpu.memory_space<vmem>>
      %dma_start3A_559 = tpu.memref_squeeze %dma_start3A_558 : memref<1x128xi32, #tpu.memory_space<vmem>> -> memref<128xi32, #tpu.memory_space<vmem>>
      %dma_start3A_560 = arith.constant 0 : i32
      %dma_start3A_561 = arith.constant 0 : i32
      %dma_start3A_562 = tpu.memref_slice %arg2[%dma_start3A_560, %dma_start3A_561] : memref<10240x128xf32, #tpu.memory_space<hbm>> -> memref<10240x128xf32, #tpu.memory_space<hbm>>
      tpu.enqueue_indirect_dma source(%dma_start3A_562 : memref<10240x128xf32, #tpu.memory_space<hbm>>) target(%dma_start3A_556 : memref<128x128xf32, #tpu.memory_space<vmem>>) offsets(%dma_start3A_559 : memref<128xi32, #tpu.memory_space<vmem>>) semaphore(%arg16 : memref<!tpu.dma_semaphore, #tpu.memory_space<semaphore_mem>>)
      %dma_wait3A_563 = arith.constant 10 : i32
      %dma_wait3A_564 = arith.constant 0 : i32
      %dma_wait3A_565 = arith.constant 0 : i32
      %dma_wait3A_566 = arith.constant 0 : i32
      %dma_wait3A_567 = tpu.memref_slice %arg12[%dma_wait3A_564, %dma_wait3A_565, %dma_wait3A_566] : memref<2x128x128xf32, #tpu.memory_space<vmem>> -> memref<1x128x128xf32, #tpu.memory_space<vmem>>
      %dma_wait3A_568 = tpu.memref_squeeze %dma_wait3A_567 : memref<1x128x128xf32, #tpu.memory_space<vmem>> -> memref<128x128xf32, #tpu.memory_space<vmem>>
      %dma_wait3A_569 = arith.constant 0 : i32
      %dma_wait3A_570 = tpu.memref_slice %arg10[%dma_wait3A_563, %dma_wait3A_569] : memref<16x128xi32, #tpu.memory_space<vmem>> -> memref<1x128xi32, #tpu.memory_space<vmem>>
      %dma_wait3A_571 = tpu.memref_squeeze %dma_wait3A_570 : memref<1x128xi32, #tpu.memory_space<vmem>> -> memref<128xi32, #tpu.memory_space<vmem>>
      %dma_wait3A_572 = arith.constant 0 : i32
      %dma_wait3A_573 = arith.constant 0 : i32
      %dma_wait3A_574 = tpu.memref_slice %arg2[%dma_wait3A_572, %dma_wait3A_573] : memref<10240x128xf32, #tpu.memory_space<hbm>> -> memref<10240x128xf32, #tpu.memory_space<hbm>>
      tpu.wait_indirect_dma semaphore(%arg16 : memref<!tpu.dma_semaphore, #tpu.memory_space<semaphore_mem>>) src(%dma_wait3A_574 : memref<10240x128xf32, #tpu.memory_space<hbm>>) dst(%dma_wait3A_568 : memref<128x128xf32, #tpu.memory_space<vmem>>)
      %dma_start3A_575 = arith.constant 0 : i32
      %dma_start3A_576 = arith.constant 10 : i32
      %dma_start3A_577 = arith.constant 0 : i32
      %dma_start3A_578 = arith.constant 0 : i32
      %dma_start3A_579 = tpu.memref_slice %arg12[%dma_start3A_575, %dma_start3A_577, %dma_start3A_578] : memref<2x128x128xf32, #tpu.memory_space<vmem>> -> memref<1x128x128xf32, #tpu.memory_space<vmem>>
      %dma_start3A_580 = tpu.memref_squeeze %dma_start3A_579 : memref<1x128x128xf32, #tpu.memory_space<vmem>> -> memref<128x128xf32, #tpu.memory_space<vmem>>
      %dma_start3A_581 = arith.constant 0 : i32
      %dma_start3A_582 = tpu.memref_slice %arg11[%dma_start3A_576, %dma_start3A_581] : memref<16x128xi32, #tpu.memory_space<vmem>> -> memref<1x128xi32, #tpu.memory_space<vmem>>
      %dma_start3A_583 = tpu.memref_squeeze %dma_start3A_582 : memref<1x128xi32, #tpu.memory_space<vmem>> -> memref<128xi32, #tpu.memory_space<vmem>>
      %dma_start3A_584 = arith.constant 0 : i32
      %dma_start3A_585 = arith.constant 0 : i32
      %dma_start3A_586 = tpu.memref_slice %arg14[%dma_start3A_584, %dma_start3A_585] : memref<10368x128xf32, #tpu.memory_space<vmem_shared>> -> memref<10368x128xf32, #tpu.memory_space<vmem_shared>>
      tpu.enqueue_indirect_dma source(%dma_start3A_580 : memref<128x128xf32, #tpu.memory_space<vmem>>) target(%dma_start3A_586 : memref<10368x128xf32, #tpu.memory_space<vmem_shared>>) offsets(%dma_start3A_583 : memref<128xi32, #tpu.memory_space<vmem>>) semaphore(%arg17 : memref<!tpu.dma_semaphore, #tpu.memory_space<semaphore_mem>>) {add = true}
      %dma_start3A_587 = arith.constant 10 : i32
      %dma_start3A_588 = arith.constant 0 : i32
      %dma_start3A_589 = tpu.memref_slice %arg11[%dma_start3A_587, %dma_start3A_588] : memref<16x128xi32, #tpu.memory_space<vmem>> -> memref<1x128xi32, #tpu.memory_space<vmem>>
      %dma_start3A_590 = tpu.memref_squeeze %dma_start3A_589 : memref<1x128xi32, #tpu.memory_space<vmem>> -> memref<128xi32, #tpu.memory_space<vmem>>
      %dma_start3A_591 = arith.constant 0 : i32
      %dma_start3A_592 = tpu.memref_slice %arg15[%dma_start3A_591] : memref<10368xf32, #tpu.memory_space<vmem_shared>> -> memref<10368xf32, #tpu.memory_space<vmem_shared>>
      tpu.enqueue_indirect_dma source(%arg13 : memref<128xf32, #tpu.memory_space<vmem>>) target(%dma_start3A_592 : memref<10368xf32, #tpu.memory_space<vmem_shared>>) offsets(%dma_start3A_590 : memref<128xi32, #tpu.memory_space<vmem>>) semaphore(%arg18 : memref<!tpu.dma_semaphore, #tpu.memory_space<semaphore_mem>>) {add = true}
      %dma_wait3A_593 = arith.constant 1 : i32
      %dma_wait3A_594 = arith.constant 9 : i32
      %dma_wait3A_595 = arith.constant 0 : i32
      %dma_wait3A_596 = arith.constant 0 : i32
      %dma_wait3A_597 = tpu.memref_slice %arg12[%dma_wait3A_593, %dma_wait3A_595, %dma_wait3A_596] : memref<2x128x128xf32, #tpu.memory_space<vmem>> -> memref<1x128x128xf32, #tpu.memory_space<vmem>>
      %dma_wait3A_598 = tpu.memref_squeeze %dma_wait3A_597 : memref<1x128x128xf32, #tpu.memory_space<vmem>> -> memref<128x128xf32, #tpu.memory_space<vmem>>
      %dma_wait3A_599 = arith.constant 0 : i32
      %dma_wait3A_600 = tpu.memref_slice %arg11[%dma_wait3A_594, %dma_wait3A_599] : memref<16x128xi32, #tpu.memory_space<vmem>> -> memref<1x128xi32, #tpu.memory_space<vmem>>
      %dma_wait3A_601 = tpu.memref_squeeze %dma_wait3A_600 : memref<1x128xi32, #tpu.memory_space<vmem>> -> memref<128xi32, #tpu.memory_space<vmem>>
      %dma_wait3A_602 = arith.constant 0 : i32
      %dma_wait3A_603 = arith.constant 0 : i32
      %dma_wait3A_604 = tpu.memref_slice %arg14[%dma_wait3A_602, %dma_wait3A_603] : memref<10368x128xf32, #tpu.memory_space<vmem_shared>> -> memref<10368x128xf32, #tpu.memory_space<vmem_shared>>
      tpu.wait_indirect_dma semaphore(%arg17 : memref<!tpu.dma_semaphore, #tpu.memory_space<semaphore_mem>>) src(%dma_wait3A_598 : memref<128x128xf32, #tpu.memory_space<vmem>>) dst(%dma_wait3A_604 : memref<10368x128xf32, #tpu.memory_space<vmem_shared>>)
      %dma_start3A_605 = arith.constant 11 : i32
      %dma_start3A_606 = arith.constant 1 : i32
      %dma_start3A_607 = arith.constant 0 : i32
      %dma_start3A_608 = arith.constant 0 : i32
      %dma_start3A_609 = tpu.memref_slice %arg12[%dma_start3A_606, %dma_start3A_607, %dma_start3A_608] : memref<2x128x128xf32, #tpu.memory_space<vmem>> -> memref<1x128x128xf32, #tpu.memory_space<vmem>>
      %dma_start3A_610 = tpu.memref_squeeze %dma_start3A_609 : memref<1x128x128xf32, #tpu.memory_space<vmem>> -> memref<128x128xf32, #tpu.memory_space<vmem>>
      %dma_start3A_611 = arith.constant 0 : i32
      %dma_start3A_612 = tpu.memref_slice %arg10[%dma_start3A_605, %dma_start3A_611] : memref<16x128xi32, #tpu.memory_space<vmem>> -> memref<1x128xi32, #tpu.memory_space<vmem>>
      %dma_start3A_613 = tpu.memref_squeeze %dma_start3A_612 : memref<1x128xi32, #tpu.memory_space<vmem>> -> memref<128xi32, #tpu.memory_space<vmem>>
      %dma_start3A_614 = arith.constant 0 : i32
      %dma_start3A_615 = arith.constant 0 : i32
      %dma_start3A_616 = tpu.memref_slice %arg2[%dma_start3A_614, %dma_start3A_615] : memref<10240x128xf32, #tpu.memory_space<hbm>> -> memref<10240x128xf32, #tpu.memory_space<hbm>>
      tpu.enqueue_indirect_dma source(%dma_start3A_616 : memref<10240x128xf32, #tpu.memory_space<hbm>>) target(%dma_start3A_610 : memref<128x128xf32, #tpu.memory_space<vmem>>) offsets(%dma_start3A_613 : memref<128xi32, #tpu.memory_space<vmem>>) semaphore(%arg16 : memref<!tpu.dma_semaphore, #tpu.memory_space<semaphore_mem>>)
      %dma_wait3A_617 = arith.constant 11 : i32
      %dma_wait3A_618 = arith.constant 1 : i32
      %dma_wait3A_619 = arith.constant 0 : i32
      %dma_wait3A_620 = arith.constant 0 : i32
      %dma_wait3A_621 = tpu.memref_slice %arg12[%dma_wait3A_618, %dma_wait3A_619, %dma_wait3A_620] : memref<2x128x128xf32, #tpu.memory_space<vmem>> -> memref<1x128x128xf32, #tpu.memory_space<vmem>>
      %dma_wait3A_622 = tpu.memref_squeeze %dma_wait3A_621 : memref<1x128x128xf32, #tpu.memory_space<vmem>> -> memref<128x128xf32, #tpu.memory_space<vmem>>
      %dma_wait3A_623 = arith.constant 0 : i32
      %dma_wait3A_624 = tpu.memref_slice %arg10[%dma_wait3A_617, %dma_wait3A_623] : memref<16x128xi32, #tpu.memory_space<vmem>> -> memref<1x128xi32, #tpu.memory_space<vmem>>
      %dma_wait3A_625 = tpu.memref_squeeze %dma_wait3A_624 : memref<1x128xi32, #tpu.memory_space<vmem>> -> memref<128xi32, #tpu.memory_space<vmem>>
      %dma_wait3A_626 = arith.constant 0 : i32
      %dma_wait3A_627 = arith.constant 0 : i32
      %dma_wait3A_628 = tpu.memref_slice %arg2[%dma_wait3A_626, %dma_wait3A_627] : memref<10240x128xf32, #tpu.memory_space<hbm>> -> memref<10240x128xf32, #tpu.memory_space<hbm>>
      tpu.wait_indirect_dma semaphore(%arg16 : memref<!tpu.dma_semaphore, #tpu.memory_space<semaphore_mem>>) src(%dma_wait3A_628 : memref<10240x128xf32, #tpu.memory_space<hbm>>) dst(%dma_wait3A_622 : memref<128x128xf32, #tpu.memory_space<vmem>>)
      %dma_start3A_629 = arith.constant 1 : i32
      %dma_start3A_630 = arith.constant 11 : i32
      %dma_start3A_631 = arith.constant 0 : i32
      %dma_start3A_632 = arith.constant 0 : i32
      %dma_start3A_633 = tpu.memref_slice %arg12[%dma_start3A_629, %dma_start3A_631, %dma_start3A_632] : memref<2x128x128xf32, #tpu.memory_space<vmem>> -> memref<1x128x128xf32, #tpu.memory_space<vmem>>
      %dma_start3A_634 = tpu.memref_squeeze %dma_start3A_633 : memref<1x128x128xf32, #tpu.memory_space<vmem>> -> memref<128x128xf32, #tpu.memory_space<vmem>>
      %dma_start3A_635 = arith.constant 0 : i32
      %dma_start3A_636 = tpu.memref_slice %arg11[%dma_start3A_630, %dma_start3A_635] : memref<16x128xi32, #tpu.memory_space<vmem>> -> memref<1x128xi32, #tpu.memory_space<vmem>>
      %dma_start3A_637 = tpu.memref_squeeze %dma_start3A_636 : memref<1x128xi32, #tpu.memory_space<vmem>> -> memref<128xi32, #tpu.memory_space<vmem>>
      %dma_start3A_638 = arith.constant 0 : i32
      %dma_start3A_639 = arith.constant 0 : i32
      %dma_start3A_640 = tpu.memref_slice %arg14[%dma_start3A_638, %dma_start3A_639] : memref<10368x128xf32, #tpu.memory_space<vmem_shared>> -> memref<10368x128xf32, #tpu.memory_space<vmem_shared>>
      tpu.enqueue_indirect_dma source(%dma_start3A_634 : memref<128x128xf32, #tpu.memory_space<vmem>>) target(%dma_start3A_640 : memref<10368x128xf32, #tpu.memory_space<vmem_shared>>) offsets(%dma_start3A_637 : memref<128xi32, #tpu.memory_space<vmem>>) semaphore(%arg17 : memref<!tpu.dma_semaphore, #tpu.memory_space<semaphore_mem>>) {add = true}
      %dma_start3A_641 = arith.constant 11 : i32
      %dma_start3A_642 = arith.constant 0 : i32
      %dma_start3A_643 = tpu.memref_slice %arg11[%dma_start3A_641, %dma_start3A_642] : memref<16x128xi32, #tpu.memory_space<vmem>> -> memref<1x128xi32, #tpu.memory_space<vmem>>
      %dma_start3A_644 = tpu.memref_squeeze %dma_start3A_643 : memref<1x128xi32, #tpu.memory_space<vmem>> -> memref<128xi32, #tpu.memory_space<vmem>>
      %dma_start3A_645 = arith.constant 0 : i32
      %dma_start3A_646 = tpu.memref_slice %arg15[%dma_start3A_645] : memref<10368xf32, #tpu.memory_space<vmem_shared>> -> memref<10368xf32, #tpu.memory_space<vmem_shared>>
      tpu.enqueue_indirect_dma source(%arg13 : memref<128xf32, #tpu.memory_space<vmem>>) target(%dma_start3A_646 : memref<10368xf32, #tpu.memory_space<vmem_shared>>) offsets(%dma_start3A_644 : memref<128xi32, #tpu.memory_space<vmem>>) semaphore(%arg18 : memref<!tpu.dma_semaphore, #tpu.memory_space<semaphore_mem>>) {add = true}
      %dma_wait3A_647 = arith.constant 0 : i32
      %dma_wait3A_648 = arith.constant 10 : i32
      %dma_wait3A_649 = arith.constant 0 : i32
      %dma_wait3A_650 = arith.constant 0 : i32
      %dma_wait3A_651 = tpu.memref_slice %arg12[%dma_wait3A_647, %dma_wait3A_649, %dma_wait3A_650] : memref<2x128x128xf32, #tpu.memory_space<vmem>> -> memref<1x128x128xf32, #tpu.memory_space<vmem>>
      %dma_wait3A_652 = tpu.memref_squeeze %dma_wait3A_651 : memref<1x128x128xf32, #tpu.memory_space<vmem>> -> memref<128x128xf32, #tpu.memory_space<vmem>>
      %dma_wait3A_653 = arith.constant 0 : i32
      %dma_wait3A_654 = tpu.memref_slice %arg11[%dma_wait3A_648, %dma_wait3A_653] : memref<16x128xi32, #tpu.memory_space<vmem>> -> memref<1x128xi32, #tpu.memory_space<vmem>>
      %dma_wait3A_655 = tpu.memref_squeeze %dma_wait3A_654 : memref<1x128xi32, #tpu.memory_space<vmem>> -> memref<128xi32, #tpu.memory_space<vmem>>
      %dma_wait3A_656 = arith.constant 0 : i32
      %dma_wait3A_657 = arith.constant 0 : i32
      %dma_wait3A_658 = tpu.memref_slice %arg14[%dma_wait3A_656, %dma_wait3A_657] : memref<10368x128xf32, #tpu.memory_space<vmem_shared>> -> memref<10368x128xf32, #tpu.memory_space<vmem_shared>>
      tpu.wait_indirect_dma semaphore(%arg17 : memref<!tpu.dma_semaphore, #tpu.memory_space<semaphore_mem>>) src(%dma_wait3A_652 : memref<128x128xf32, #tpu.memory_space<vmem>>) dst(%dma_wait3A_658 : memref<10368x128xf32, #tpu.memory_space<vmem_shared>>)
      %dma_start3A_659 = arith.constant 12 : i32
      %dma_start3A_660 = arith.constant 0 : i32
      %dma_start3A_661 = arith.constant 0 : i32
      %dma_start3A_662 = arith.constant 0 : i32
      %dma_start3A_663 = tpu.memref_slice %arg12[%dma_start3A_660, %dma_start3A_661, %dma_start3A_662] : memref<2x128x128xf32, #tpu.memory_space<vmem>> -> memref<1x128x128xf32, #tpu.memory_space<vmem>>
      %dma_start3A_664 = tpu.memref_squeeze %dma_start3A_663 : memref<1x128x128xf32, #tpu.memory_space<vmem>> -> memref<128x128xf32, #tpu.memory_space<vmem>>
      %dma_start3A_665 = arith.constant 0 : i32
      %dma_start3A_666 = tpu.memref_slice %arg10[%dma_start3A_659, %dma_start3A_665] : memref<16x128xi32, #tpu.memory_space<vmem>> -> memref<1x128xi32, #tpu.memory_space<vmem>>
      %dma_start3A_667 = tpu.memref_squeeze %dma_start3A_666 : memref<1x128xi32, #tpu.memory_space<vmem>> -> memref<128xi32, #tpu.memory_space<vmem>>
      %dma_start3A_668 = arith.constant 0 : i32
      %dma_start3A_669 = arith.constant 0 : i32
      %dma_start3A_670 = tpu.memref_slice %arg2[%dma_start3A_668, %dma_start3A_669] : memref<10240x128xf32, #tpu.memory_space<hbm>> -> memref<10240x128xf32, #tpu.memory_space<hbm>>
      tpu.enqueue_indirect_dma source(%dma_start3A_670 : memref<10240x128xf32, #tpu.memory_space<hbm>>) target(%dma_start3A_664 : memref<128x128xf32, #tpu.memory_space<vmem>>) offsets(%dma_start3A_667 : memref<128xi32, #tpu.memory_space<vmem>>) semaphore(%arg16 : memref<!tpu.dma_semaphore, #tpu.memory_space<semaphore_mem>>)
      %dma_wait3A_671 = arith.constant 12 : i32
      %dma_wait3A_672 = arith.constant 0 : i32
      %dma_wait3A_673 = arith.constant 0 : i32
      %dma_wait3A_674 = arith.constant 0 : i32
      %dma_wait3A_675 = tpu.memref_slice %arg12[%dma_wait3A_672, %dma_wait3A_673, %dma_wait3A_674] : memref<2x128x128xf32, #tpu.memory_space<vmem>> -> memref<1x128x128xf32, #tpu.memory_space<vmem>>
      %dma_wait3A_676 = tpu.memref_squeeze %dma_wait3A_675 : memref<1x128x128xf32, #tpu.memory_space<vmem>> -> memref<128x128xf32, #tpu.memory_space<vmem>>
      %dma_wait3A_677 = arith.constant 0 : i32
      %dma_wait3A_678 = tpu.memref_slice %arg10[%dma_wait3A_671, %dma_wait3A_677] : memref<16x128xi32, #tpu.memory_space<vmem>> -> memref<1x128xi32, #tpu.memory_space<vmem>>
      %dma_wait3A_679 = tpu.memref_squeeze %dma_wait3A_678 : memref<1x128xi32, #tpu.memory_space<vmem>> -> memref<128xi32, #tpu.memory_space<vmem>>
      %dma_wait3A_680 = arith.constant 0 : i32
      %dma_wait3A_681 = arith.constant 0 : i32
      %dma_wait3A_682 = tpu.memref_slice %arg2[%dma_wait3A_680, %dma_wait3A_681] : memref<10240x128xf32, #tpu.memory_space<hbm>> -> memref<10240x128xf32, #tpu.memory_space<hbm>>
      tpu.wait_indirect_dma semaphore(%arg16 : memref<!tpu.dma_semaphore, #tpu.memory_space<semaphore_mem>>) src(%dma_wait3A_682 : memref<10240x128xf32, #tpu.memory_space<hbm>>) dst(%dma_wait3A_676 : memref<128x128xf32, #tpu.memory_space<vmem>>)
      %dma_start3A_683 = arith.constant 0 : i32
      %dma_start3A_684 = arith.constant 12 : i32
      %dma_start3A_685 = arith.constant 0 : i32
      %dma_start3A_686 = arith.constant 0 : i32
      %dma_start3A_687 = tpu.memref_slice %arg12[%dma_start3A_683, %dma_start3A_685, %dma_start3A_686] : memref<2x128x128xf32, #tpu.memory_space<vmem>> -> memref<1x128x128xf32, #tpu.memory_space<vmem>>
      %dma_start3A_688 = tpu.memref_squeeze %dma_start3A_687 : memref<1x128x128xf32, #tpu.memory_space<vmem>> -> memref<128x128xf32, #tpu.memory_space<vmem>>
      %dma_start3A_689 = arith.constant 0 : i32
      %dma_start3A_690 = tpu.memref_slice %arg11[%dma_start3A_684, %dma_start3A_689] : memref<16x128xi32, #tpu.memory_space<vmem>> -> memref<1x128xi32, #tpu.memory_space<vmem>>
      %dma_start3A_691 = tpu.memref_squeeze %dma_start3A_690 : memref<1x128xi32, #tpu.memory_space<vmem>> -> memref<128xi32, #tpu.memory_space<vmem>>
      %dma_start3A_692 = arith.constant 0 : i32
      %dma_start3A_693 = arith.constant 0 : i32
      %dma_start3A_694 = tpu.memref_slice %arg14[%dma_start3A_692, %dma_start3A_693] : memref<10368x128xf32, #tpu.memory_space<vmem_shared>> -> memref<10368x128xf32, #tpu.memory_space<vmem_shared>>
      tpu.enqueue_indirect_dma source(%dma_start3A_688 : memref<128x128xf32, #tpu.memory_space<vmem>>) target(%dma_start3A_694 : memref<10368x128xf32, #tpu.memory_space<vmem_shared>>) offsets(%dma_start3A_691 : memref<128xi32, #tpu.memory_space<vmem>>) semaphore(%arg17 : memref<!tpu.dma_semaphore, #tpu.memory_space<semaphore_mem>>) {add = true}
      %dma_start3A_695 = arith.constant 12 : i32
      %dma_start3A_696 = arith.constant 0 : i32
      %dma_start3A_697 = tpu.memref_slice %arg11[%dma_start3A_695, %dma_start3A_696] : memref<16x128xi32, #tpu.memory_space<vmem>> -> memref<1x128xi32, #tpu.memory_space<vmem>>
      %dma_start3A_698 = tpu.memref_squeeze %dma_start3A_697 : memref<1x128xi32, #tpu.memory_space<vmem>> -> memref<128xi32, #tpu.memory_space<vmem>>
      %dma_start3A_699 = arith.constant 0 : i32
      %dma_start3A_700 = tpu.memref_slice %arg15[%dma_start3A_699] : memref<10368xf32, #tpu.memory_space<vmem_shared>> -> memref<10368xf32, #tpu.memory_space<vmem_shared>>
      tpu.enqueue_indirect_dma source(%arg13 : memref<128xf32, #tpu.memory_space<vmem>>) target(%dma_start3A_700 : memref<10368xf32, #tpu.memory_space<vmem_shared>>) offsets(%dma_start3A_698 : memref<128xi32, #tpu.memory_space<vmem>>) semaphore(%arg18 : memref<!tpu.dma_semaphore, #tpu.memory_space<semaphore_mem>>) {add = true}
      %dma_wait3A_701 = arith.constant 1 : i32
      %dma_wait3A_702 = arith.constant 11 : i32
      %dma_wait3A_703 = arith.constant 0 : i32
      %dma_wait3A_704 = arith.constant 0 : i32
      %dma_wait3A_705 = tpu.memref_slice %arg12[%dma_wait3A_701, %dma_wait3A_703, %dma_wait3A_704] : memref<2x128x128xf32, #tpu.memory_space<vmem>> -> memref<1x128x128xf32, #tpu.memory_space<vmem>>
      %dma_wait3A_706 = tpu.memref_squeeze %dma_wait3A_705 : memref<1x128x128xf32, #tpu.memory_space<vmem>> -> memref<128x128xf32, #tpu.memory_space<vmem>>
      %dma_wait3A_707 = arith.constant 0 : i32
      %dma_wait3A_708 = tpu.memref_slice %arg11[%dma_wait3A_702, %dma_wait3A_707] : memref<16x128xi32, #tpu.memory_space<vmem>> -> memref<1x128xi32, #tpu.memory_space<vmem>>
      %dma_wait3A_709 = tpu.memref_squeeze %dma_wait3A_708 : memref<1x128xi32, #tpu.memory_space<vmem>> -> memref<128xi32, #tpu.memory_space<vmem>>
      %dma_wait3A_710 = arith.constant 0 : i32
      %dma_wait3A_711 = arith.constant 0 : i32
      %dma_wait3A_712 = tpu.memref_slice %arg14[%dma_wait3A_710, %dma_wait3A_711] : memref<10368x128xf32, #tpu.memory_space<vmem_shared>> -> memref<10368x128xf32, #tpu.memory_space<vmem_shared>>
      tpu.wait_indirect_dma semaphore(%arg17 : memref<!tpu.dma_semaphore, #tpu.memory_space<semaphore_mem>>) src(%dma_wait3A_706 : memref<128x128xf32, #tpu.memory_space<vmem>>) dst(%dma_wait3A_712 : memref<10368x128xf32, #tpu.memory_space<vmem_shared>>)
      %dma_start3A_713 = arith.constant 13 : i32
      %dma_start3A_714 = arith.constant 1 : i32
      %dma_start3A_715 = arith.constant 0 : i32
      %dma_start3A_716 = arith.constant 0 : i32
      %dma_start3A_717 = tpu.memref_slice %arg12[%dma_start3A_714, %dma_start3A_715, %dma_start3A_716] : memref<2x128x128xf32, #tpu.memory_space<vmem>> -> memref<1x128x128xf32, #tpu.memory_space<vmem>>
      %dma_start3A_718 = tpu.memref_squeeze %dma_start3A_717 : memref<1x128x128xf32, #tpu.memory_space<vmem>> -> memref<128x128xf32, #tpu.memory_space<vmem>>
      %dma_start3A_719 = arith.constant 0 : i32
      %dma_start3A_720 = tpu.memref_slice %arg10[%dma_start3A_713, %dma_start3A_719] : memref<16x128xi32, #tpu.memory_space<vmem>> -> memref<1x128xi32, #tpu.memory_space<vmem>>
      %dma_start3A_721 = tpu.memref_squeeze %dma_start3A_720 : memref<1x128xi32, #tpu.memory_space<vmem>> -> memref<128xi32, #tpu.memory_space<vmem>>
      %dma_start3A_722 = arith.constant 0 : i32
      %dma_start3A_723 = arith.constant 0 : i32
      %dma_start3A_724 = tpu.memref_slice %arg2[%dma_start3A_722, %dma_start3A_723] : memref<10240x128xf32, #tpu.memory_space<hbm>> -> memref<10240x128xf32, #tpu.memory_space<hbm>>
      tpu.enqueue_indirect_dma source(%dma_start3A_724 : memref<10240x128xf32, #tpu.memory_space<hbm>>) target(%dma_start3A_718 : memref<128x128xf32, #tpu.memory_space<vmem>>) offsets(%dma_start3A_721 : memref<128xi32, #tpu.memory_space<vmem>>) semaphore(%arg16 : memref<!tpu.dma_semaphore, #tpu.memory_space<semaphore_mem>>)
      %dma_wait3A_725 = arith.constant 13 : i32
      %dma_wait3A_726 = arith.constant 1 : i32
      %dma_wait3A_727 = arith.constant 0 : i32
      %dma_wait3A_728 = arith.constant 0 : i32
      %dma_wait3A_729 = tpu.memref_slice %arg12[%dma_wait3A_726, %dma_wait3A_727, %dma_wait3A_728] : memref<2x128x128xf32, #tpu.memory_space<vmem>> -> memref<1x128x128xf32, #tpu.memory_space<vmem>>
      %dma_wait3A_730 = tpu.memref_squeeze %dma_wait3A_729 : memref<1x128x128xf32, #tpu.memory_space<vmem>> -> memref<128x128xf32, #tpu.memory_space<vmem>>
      %dma_wait3A_731 = arith.constant 0 : i32
      %dma_wait3A_732 = tpu.memref_slice %arg10[%dma_wait3A_725, %dma_wait3A_731] : memref<16x128xi32, #tpu.memory_space<vmem>> -> memref<1x128xi32, #tpu.memory_space<vmem>>
      %dma_wait3A_733 = tpu.memref_squeeze %dma_wait3A_732 : memref<1x128xi32, #tpu.memory_space<vmem>> -> memref<128xi32, #tpu.memory_space<vmem>>
      %dma_wait3A_734 = arith.constant 0 : i32
      %dma_wait3A_735 = arith.constant 0 : i32
      %dma_wait3A_736 = tpu.memref_slice %arg2[%dma_wait3A_734, %dma_wait3A_735] : memref<10240x128xf32, #tpu.memory_space<hbm>> -> memref<10240x128xf32, #tpu.memory_space<hbm>>
      tpu.wait_indirect_dma semaphore(%arg16 : memref<!tpu.dma_semaphore, #tpu.memory_space<semaphore_mem>>) src(%dma_wait3A_736 : memref<10240x128xf32, #tpu.memory_space<hbm>>) dst(%dma_wait3A_730 : memref<128x128xf32, #tpu.memory_space<vmem>>)
      %dma_start3A_737 = arith.constant 1 : i32
      %dma_start3A_738 = arith.constant 13 : i32
      %dma_start3A_739 = arith.constant 0 : i32
      %dma_start3A_740 = arith.constant 0 : i32
      %dma_start3A_741 = tpu.memref_slice %arg12[%dma_start3A_737, %dma_start3A_739, %dma_start3A_740] : memref<2x128x128xf32, #tpu.memory_space<vmem>> -> memref<1x128x128xf32, #tpu.memory_space<vmem>>
      %dma_start3A_742 = tpu.memref_squeeze %dma_start3A_741 : memref<1x128x128xf32, #tpu.memory_space<vmem>> -> memref<128x128xf32, #tpu.memory_space<vmem>>
      %dma_start3A_743 = arith.constant 0 : i32
      %dma_start3A_744 = tpu.memref_slice %arg11[%dma_start3A_738, %dma_start3A_743] : memref<16x128xi32, #tpu.memory_space<vmem>> -> memref<1x128xi32, #tpu.memory_space<vmem>>
      %dma_start3A_745 = tpu.memref_squeeze %dma_start3A_744 : memref<1x128xi32, #tpu.memory_space<vmem>> -> memref<128xi32, #tpu.memory_space<vmem>>
      %dma_start3A_746 = arith.constant 0 : i32
      %dma_start3A_747 = arith.constant 0 : i32
      %dma_start3A_748 = tpu.memref_slice %arg14[%dma_start3A_746, %dma_start3A_747] : memref<10368x128xf32, #tpu.memory_space<vmem_shared>> -> memref<10368x128xf32, #tpu.memory_space<vmem_shared>>
      tpu.enqueue_indirect_dma source(%dma_start3A_742 : memref<128x128xf32, #tpu.memory_space<vmem>>) target(%dma_start3A_748 : memref<10368x128xf32, #tpu.memory_space<vmem_shared>>) offsets(%dma_start3A_745 : memref<128xi32, #tpu.memory_space<vmem>>) semaphore(%arg17 : memref<!tpu.dma_semaphore, #tpu.memory_space<semaphore_mem>>) {add = true}
      %dma_start3A_749 = arith.constant 13 : i32
      %dma_start3A_750 = arith.constant 0 : i32
      %dma_start3A_751 = tpu.memref_slice %arg11[%dma_start3A_749, %dma_start3A_750] : memref<16x128xi32, #tpu.memory_space<vmem>> -> memref<1x128xi32, #tpu.memory_space<vmem>>
      %dma_start3A_752 = tpu.memref_squeeze %dma_start3A_751 : memref<1x128xi32, #tpu.memory_space<vmem>> -> memref<128xi32, #tpu.memory_space<vmem>>
      %dma_start3A_753 = arith.constant 0 : i32
      %dma_start3A_754 = tpu.memref_slice %arg15[%dma_start3A_753] : memref<10368xf32, #tpu.memory_space<vmem_shared>> -> memref<10368xf32, #tpu.memory_space<vmem_shared>>
      tpu.enqueue_indirect_dma source(%arg13 : memref<128xf32, #tpu.memory_space<vmem>>) target(%dma_start3A_754 : memref<10368xf32, #tpu.memory_space<vmem_shared>>) offsets(%dma_start3A_752 : memref<128xi32, #tpu.memory_space<vmem>>) semaphore(%arg18 : memref<!tpu.dma_semaphore, #tpu.memory_space<semaphore_mem>>) {add = true}
      %dma_wait3A_755 = arith.constant 0 : i32
      %dma_wait3A_756 = arith.constant 12 : i32
      %dma_wait3A_757 = arith.constant 0 : i32
      %dma_wait3A_758 = arith.constant 0 : i32
      %dma_wait3A_759 = tpu.memref_slice %arg12[%dma_wait3A_755, %dma_wait3A_757, %dma_wait3A_758] : memref<2x128x128xf32, #tpu.memory_space<vmem>> -> memref<1x128x128xf32, #tpu.memory_space<vmem>>
      %dma_wait3A_760 = tpu.memref_squeeze %dma_wait3A_759 : memref<1x128x128xf32, #tpu.memory_space<vmem>> -> memref<128x128xf32, #tpu.memory_space<vmem>>
      %dma_wait3A_761 = arith.constant 0 : i32
      %dma_wait3A_762 = tpu.memref_slice %arg11[%dma_wait3A_756, %dma_wait3A_761] : memref<16x128xi32, #tpu.memory_space<vmem>> -> memref<1x128xi32, #tpu.memory_space<vmem>>
      %dma_wait3A_763 = tpu.memref_squeeze %dma_wait3A_762 : memref<1x128xi32, #tpu.memory_space<vmem>> -> memref<128xi32, #tpu.memory_space<vmem>>
      %dma_wait3A_764 = arith.constant 0 : i32
      %dma_wait3A_765 = arith.constant 0 : i32
      %dma_wait3A_766 = tpu.memref_slice %arg14[%dma_wait3A_764, %dma_wait3A_765] : memref<10368x128xf32, #tpu.memory_space<vmem_shared>> -> memref<10368x128xf32, #tpu.memory_space<vmem_shared>>
      tpu.wait_indirect_dma semaphore(%arg17 : memref<!tpu.dma_semaphore, #tpu.memory_space<semaphore_mem>>) src(%dma_wait3A_760 : memref<128x128xf32, #tpu.memory_space<vmem>>) dst(%dma_wait3A_766 : memref<10368x128xf32, #tpu.memory_space<vmem_shared>>)
      %dma_start3A_767 = arith.constant 14 : i32
      %dma_start3A_768 = arith.constant 0 : i32
      %dma_start3A_769 = arith.constant 0 : i32
      %dma_start3A_770 = arith.constant 0 : i32
      %dma_start3A_771 = tpu.memref_slice %arg12[%dma_start3A_768, %dma_start3A_769, %dma_start3A_770] : memref<2x128x128xf32, #tpu.memory_space<vmem>> -> memref<1x128x128xf32, #tpu.memory_space<vmem>>
      %dma_start3A_772 = tpu.memref_squeeze %dma_start3A_771 : memref<1x128x128xf32, #tpu.memory_space<vmem>> -> memref<128x128xf32, #tpu.memory_space<vmem>>
      %dma_start3A_773 = arith.constant 0 : i32
      %dma_start3A_774 = tpu.memref_slice %arg10[%dma_start3A_767, %dma_start3A_773] : memref<16x128xi32, #tpu.memory_space<vmem>> -> memref<1x128xi32, #tpu.memory_space<vmem>>
      %dma_start3A_775 = tpu.memref_squeeze %dma_start3A_774 : memref<1x128xi32, #tpu.memory_space<vmem>> -> memref<128xi32, #tpu.memory_space<vmem>>
      %dma_start3A_776 = arith.constant 0 : i32
      %dma_start3A_777 = arith.constant 0 : i32
      %dma_start3A_778 = tpu.memref_slice %arg2[%dma_start3A_776, %dma_start3A_777] : memref<10240x128xf32, #tpu.memory_space<hbm>> -> memref<10240x128xf32, #tpu.memory_space<hbm>>
      tpu.enqueue_indirect_dma source(%dma_start3A_778 : memref<10240x128xf32, #tpu.memory_space<hbm>>) target(%dma_start3A_772 : memref<128x128xf32, #tpu.memory_space<vmem>>) offsets(%dma_start3A_775 : memref<128xi32, #tpu.memory_space<vmem>>) semaphore(%arg16 : memref<!tpu.dma_semaphore, #tpu.memory_space<semaphore_mem>>)
      %dma_wait3A_779 = arith.constant 14 : i32
      %dma_wait3A_780 = arith.constant 0 : i32
      %dma_wait3A_781 = arith.constant 0 : i32
      %dma_wait3A_782 = arith.constant 0 : i32
      %dma_wait3A_783 = tpu.memref_slice %arg12[%dma_wait3A_780, %dma_wait3A_781, %dma_wait3A_782] : memref<2x128x128xf32, #tpu.memory_space<vmem>> -> memref<1x128x128xf32, #tpu.memory_space<vmem>>
      %dma_wait3A_784 = tpu.memref_squeeze %dma_wait3A_783 : memref<1x128x128xf32, #tpu.memory_space<vmem>> -> memref<128x128xf32, #tpu.memory_space<vmem>>
      %dma_wait3A_785 = arith.constant 0 : i32
      %dma_wait3A_786 = tpu.memref_slice %arg10[%dma_wait3A_779, %dma_wait3A_785] : memref<16x128xi32, #tpu.memory_space<vmem>> -> memref<1x128xi32, #tpu.memory_space<vmem>>
      %dma_wait3A_787 = tpu.memref_squeeze %dma_wait3A_786 : memref<1x128xi32, #tpu.memory_space<vmem>> -> memref<128xi32, #tpu.memory_space<vmem>>
      %dma_wait3A_788 = arith.constant 0 : i32
      %dma_wait3A_789 = arith.constant 0 : i32
      %dma_wait3A_790 = tpu.memref_slice %arg2[%dma_wait3A_788, %dma_wait3A_789] : memref<10240x128xf32, #tpu.memory_space<hbm>> -> memref<10240x128xf32, #tpu.memory_space<hbm>>
      tpu.wait_indirect_dma semaphore(%arg16 : memref<!tpu.dma_semaphore, #tpu.memory_space<semaphore_mem>>) src(%dma_wait3A_790 : memref<10240x128xf32, #tpu.memory_space<hbm>>) dst(%dma_wait3A_784 : memref<128x128xf32, #tpu.memory_space<vmem>>)
      %dma_start3A_791 = arith.constant 0 : i32
      %dma_start3A_792 = arith.constant 14 : i32
      %dma_start3A_793 = arith.constant 0 : i32
      %dma_start3A_794 = arith.constant 0 : i32
      %dma_start3A_795 = tpu.memref_slice %arg12[%dma_start3A_791, %dma_start3A_793, %dma_start3A_794] : memref<2x128x128xf32, #tpu.memory_space<vmem>> -> memref<1x128x128xf32, #tpu.memory_space<vmem>>
      %dma_start3A_796 = tpu.memref_squeeze %dma_start3A_795 : memref<1x128x128xf32, #tpu.memory_space<vmem>> -> memref<128x128xf32, #tpu.memory_space<vmem>>
      %dma_start3A_797 = arith.constant 0 : i32
      %dma_start3A_798 = tpu.memref_slice %arg11[%dma_start3A_792, %dma_start3A_797] : memref<16x128xi32, #tpu.memory_space<vmem>> -> memref<1x128xi32, #tpu.memory_space<vmem>>
      %dma_start3A_799 = tpu.memref_squeeze %dma_start3A_798 : memref<1x128xi32, #tpu.memory_space<vmem>> -> memref<128xi32, #tpu.memory_space<vmem>>
      %dma_start3A_800 = arith.constant 0 : i32
      %dma_start3A_801 = arith.constant 0 : i32
      %dma_start3A_802 = tpu.memref_slice %arg14[%dma_start3A_800, %dma_start3A_801] : memref<10368x128xf32, #tpu.memory_space<vmem_shared>> -> memref<10368x128xf32, #tpu.memory_space<vmem_shared>>
      tpu.enqueue_indirect_dma source(%dma_start3A_796 : memref<128x128xf32, #tpu.memory_space<vmem>>) target(%dma_start3A_802 : memref<10368x128xf32, #tpu.memory_space<vmem_shared>>) offsets(%dma_start3A_799 : memref<128xi32, #tpu.memory_space<vmem>>) semaphore(%arg17 : memref<!tpu.dma_semaphore, #tpu.memory_space<semaphore_mem>>) {add = true}
      %dma_start3A_803 = arith.constant 14 : i32
      %dma_start3A_804 = arith.constant 0 : i32
      %dma_start3A_805 = tpu.memref_slice %arg11[%dma_start3A_803, %dma_start3A_804] : memref<16x128xi32, #tpu.memory_space<vmem>> -> memref<1x128xi32, #tpu.memory_space<vmem>>
      %dma_start3A_806 = tpu.memref_squeeze %dma_start3A_805 : memref<1x128xi32, #tpu.memory_space<vmem>> -> memref<128xi32, #tpu.memory_space<vmem>>
      %dma_start3A_807 = arith.constant 0 : i32
      %dma_start3A_808 = tpu.memref_slice %arg15[%dma_start3A_807] : memref<10368xf32, #tpu.memory_space<vmem_shared>> -> memref<10368xf32, #tpu.memory_space<vmem_shared>>
      tpu.enqueue_indirect_dma source(%arg13 : memref<128xf32, #tpu.memory_space<vmem>>) target(%dma_start3A_808 : memref<10368xf32, #tpu.memory_space<vmem_shared>>) offsets(%dma_start3A_806 : memref<128xi32, #tpu.memory_space<vmem>>) semaphore(%arg18 : memref<!tpu.dma_semaphore, #tpu.memory_space<semaphore_mem>>) {add = true}
      %dma_wait3A_809 = arith.constant 1 : i32
      %dma_wait3A_810 = arith.constant 13 : i32
      %dma_wait3A_811 = arith.constant 0 : i32
      %dma_wait3A_812 = arith.constant 0 : i32
      %dma_wait3A_813 = tpu.memref_slice %arg12[%dma_wait3A_809, %dma_wait3A_811, %dma_wait3A_812] : memref<2x128x128xf32, #tpu.memory_space<vmem>> -> memref<1x128x128xf32, #tpu.memory_space<vmem>>
      %dma_wait3A_814 = tpu.memref_squeeze %dma_wait3A_813 : memref<1x128x128xf32, #tpu.memory_space<vmem>> -> memref<128x128xf32, #tpu.memory_space<vmem>>
      %dma_wait3A_815 = arith.constant 0 : i32
      %dma_wait3A_816 = tpu.memref_slice %arg11[%dma_wait3A_810, %dma_wait3A_815] : memref<16x128xi32, #tpu.memory_space<vmem>> -> memref<1x128xi32, #tpu.memory_space<vmem>>
      %dma_wait3A_817 = tpu.memref_squeeze %dma_wait3A_816 : memref<1x128xi32, #tpu.memory_space<vmem>> -> memref<128xi32, #tpu.memory_space<vmem>>
      %dma_wait3A_818 = arith.constant 0 : i32
      %dma_wait3A_819 = arith.constant 0 : i32
      %dma_wait3A_820 = tpu.memref_slice %arg14[%dma_wait3A_818, %dma_wait3A_819] : memref<10368x128xf32, #tpu.memory_space<vmem_shared>> -> memref<10368x128xf32, #tpu.memory_space<vmem_shared>>
      tpu.wait_indirect_dma semaphore(%arg17 : memref<!tpu.dma_semaphore, #tpu.memory_space<semaphore_mem>>) src(%dma_wait3A_814 : memref<128x128xf32, #tpu.memory_space<vmem>>) dst(%dma_wait3A_820 : memref<10368x128xf32, #tpu.memory_space<vmem_shared>>)
      %dma_start3A_821 = arith.constant 15 : i32
      %dma_start3A_822 = arith.constant 1 : i32
      %dma_start3A_823 = arith.constant 0 : i32
      %dma_start3A_824 = arith.constant 0 : i32
      %dma_start3A_825 = tpu.memref_slice %arg12[%dma_start3A_822, %dma_start3A_823, %dma_start3A_824] : memref<2x128x128xf32, #tpu.memory_space<vmem>> -> memref<1x128x128xf32, #tpu.memory_space<vmem>>
      %dma_start3A_826 = tpu.memref_squeeze %dma_start3A_825 : memref<1x128x128xf32, #tpu.memory_space<vmem>> -> memref<128x128xf32, #tpu.memory_space<vmem>>
      %dma_start3A_827 = arith.constant 0 : i32
      %dma_start3A_828 = tpu.memref_slice %arg10[%dma_start3A_821, %dma_start3A_827] : memref<16x128xi32, #tpu.memory_space<vmem>> -> memref<1x128xi32, #tpu.memory_space<vmem>>
      %dma_start3A_829 = tpu.memref_squeeze %dma_start3A_828 : memref<1x128xi32, #tpu.memory_space<vmem>> -> memref<128xi32, #tpu.memory_space<vmem>>
      %dma_start3A_830 = arith.constant 0 : i32
      %dma_start3A_831 = arith.constant 0 : i32
      %dma_start3A_832 = tpu.memref_slice %arg2[%dma_start3A_830, %dma_start3A_831] : memref<10240x128xf32, #tpu.memory_space<hbm>> -> memref<10240x128xf32, #tpu.memory_space<hbm>>
      tpu.enqueue_indirect_dma source(%dma_start3A_832 : memref<10240x128xf32, #tpu.memory_space<hbm>>) target(%dma_start3A_826 : memref<128x128xf32, #tpu.memory_space<vmem>>) offsets(%dma_start3A_829 : memref<128xi32, #tpu.memory_space<vmem>>) semaphore(%arg16 : memref<!tpu.dma_semaphore, #tpu.memory_space<semaphore_mem>>)
      %dma_wait3A_833 = arith.constant 15 : i32
      %dma_wait3A_834 = arith.constant 1 : i32
      %dma_wait3A_835 = arith.constant 0 : i32
      %dma_wait3A_836 = arith.constant 0 : i32
      %dma_wait3A_837 = tpu.memref_slice %arg12[%dma_wait3A_834, %dma_wait3A_835, %dma_wait3A_836] : memref<2x128x128xf32, #tpu.memory_space<vmem>> -> memref<1x128x128xf32, #tpu.memory_space<vmem>>
      %dma_wait3A_838 = tpu.memref_squeeze %dma_wait3A_837 : memref<1x128x128xf32, #tpu.memory_space<vmem>> -> memref<128x128xf32, #tpu.memory_space<vmem>>
      %dma_wait3A_839 = arith.constant 0 : i32
      %dma_wait3A_840 = tpu.memref_slice %arg10[%dma_wait3A_833, %dma_wait3A_839] : memref<16x128xi32, #tpu.memory_space<vmem>> -> memref<1x128xi32, #tpu.memory_space<vmem>>
      %dma_wait3A_841 = tpu.memref_squeeze %dma_wait3A_840 : memref<1x128xi32, #tpu.memory_space<vmem>> -> memref<128xi32, #tpu.memory_space<vmem>>
      %dma_wait3A_842 = arith.constant 0 : i32
      %dma_wait3A_843 = arith.constant 0 : i32
      %dma_wait3A_844 = tpu.memref_slice %arg2[%dma_wait3A_842, %dma_wait3A_843] : memref<10240x128xf32, #tpu.memory_space<hbm>> -> memref<10240x128xf32, #tpu.memory_space<hbm>>
      tpu.wait_indirect_dma semaphore(%arg16 : memref<!tpu.dma_semaphore, #tpu.memory_space<semaphore_mem>>) src(%dma_wait3A_844 : memref<10240x128xf32, #tpu.memory_space<hbm>>) dst(%dma_wait3A_838 : memref<128x128xf32, #tpu.memory_space<vmem>>)
      %dma_start3A_845 = arith.constant 1 : i32
      %dma_start3A_846 = arith.constant 15 : i32
      %dma_start3A_847 = arith.constant 0 : i32
      %dma_start3A_848 = arith.constant 0 : i32
      %dma_start3A_849 = tpu.memref_slice %arg12[%dma_start3A_845, %dma_start3A_847, %dma_start3A_848] : memref<2x128x128xf32, #tpu.memory_space<vmem>> -> memref<1x128x128xf32, #tpu.memory_space<vmem>>
      %dma_start3A_850 = tpu.memref_squeeze %dma_start3A_849 : memref<1x128x128xf32, #tpu.memory_space<vmem>> -> memref<128x128xf32, #tpu.memory_space<vmem>>
      %dma_start3A_851 = arith.constant 0 : i32
      %dma_start3A_852 = tpu.memref_slice %arg11[%dma_start3A_846, %dma_start3A_851] : memref<16x128xi32, #tpu.memory_space<vmem>> -> memref<1x128xi32, #tpu.memory_space<vmem>>
      %dma_start3A_853 = tpu.memref_squeeze %dma_start3A_852 : memref<1x128xi32, #tpu.memory_space<vmem>> -> memref<128xi32, #tpu.memory_space<vmem>>
      %dma_start3A_854 = arith.constant 0 : i32
      %dma_start3A_855 = arith.constant 0 : i32
      %dma_start3A_856 = tpu.memref_slice %arg14[%dma_start3A_854, %dma_start3A_855] : memref<10368x128xf32, #tpu.memory_space<vmem_shared>> -> memref<10368x128xf32, #tpu.memory_space<vmem_shared>>
      tpu.enqueue_indirect_dma source(%dma_start3A_850 : memref<128x128xf32, #tpu.memory_space<vmem>>) target(%dma_start3A_856 : memref<10368x128xf32, #tpu.memory_space<vmem_shared>>) offsets(%dma_start3A_853 : memref<128xi32, #tpu.memory_space<vmem>>) semaphore(%arg17 : memref<!tpu.dma_semaphore, #tpu.memory_space<semaphore_mem>>) {add = true}
      %dma_start3A_857 = arith.constant 15 : i32
      %dma_start3A_858 = arith.constant 0 : i32
      %dma_start3A_859 = tpu.memref_slice %arg11[%dma_start3A_857, %dma_start3A_858] : memref<16x128xi32, #tpu.memory_space<vmem>> -> memref<1x128xi32, #tpu.memory_space<vmem>>
      %dma_start3A_860 = tpu.memref_squeeze %dma_start3A_859 : memref<1x128xi32, #tpu.memory_space<vmem>> -> memref<128xi32, #tpu.memory_space<vmem>>
      %dma_start3A_861 = arith.constant 0 : i32
      %dma_start3A_862 = tpu.memref_slice %arg15[%dma_start3A_861] : memref<10368xf32, #tpu.memory_space<vmem_shared>> -> memref<10368xf32, #tpu.memory_space<vmem_shared>>
      tpu.enqueue_indirect_dma source(%arg13 : memref<128xf32, #tpu.memory_space<vmem>>) target(%dma_start3A_862 : memref<10368xf32, #tpu.memory_space<vmem_shared>>) offsets(%dma_start3A_860 : memref<128xi32, #tpu.memory_space<vmem>>) semaphore(%arg18 : memref<!tpu.dma_semaphore, #tpu.memory_space<semaphore_mem>>) {add = true}
      %dma_wait3A_863 = arith.constant 0 : i32
      %dma_wait3A_864 = arith.constant 14 : i32
      %dma_wait3A_865 = arith.constant 0 : i32
      %dma_wait3A_866 = arith.constant 0 : i32
      %dma_wait3A_867 = tpu.memref_slice %arg12[%dma_wait3A_863, %dma_wait3A_865, %dma_wait3A_866] : memref<2x128x128xf32, #tpu.memory_space<vmem>> -> memref<1x128x128xf32, #tpu.memory_space<vmem>>
      %dma_wait3A_868 = tpu.memref_squeeze %dma_wait3A_867 : memref<1x128x128xf32, #tpu.memory_space<vmem>> -> memref<128x128xf32, #tpu.memory_space<vmem>>
      %dma_wait3A_869 = arith.constant 0 : i32
      %dma_wait3A_870 = tpu.memref_slice %arg11[%dma_wait3A_864, %dma_wait3A_869] : memref<16x128xi32, #tpu.memory_space<vmem>> -> memref<1x128xi32, #tpu.memory_space<vmem>>
      %dma_wait3A_871 = tpu.memref_squeeze %dma_wait3A_870 : memref<1x128xi32, #tpu.memory_space<vmem>> -> memref<128xi32, #tpu.memory_space<vmem>>
      %dma_wait3A_872 = arith.constant 0 : i32
      %dma_wait3A_873 = arith.constant 0 : i32
      %dma_wait3A_874 = tpu.memref_slice %arg14[%dma_wait3A_872, %dma_wait3A_873] : memref<10368x128xf32, #tpu.memory_space<vmem_shared>> -> memref<10368x128xf32, #tpu.memory_space<vmem_shared>>
      tpu.wait_indirect_dma semaphore(%arg17 : memref<!tpu.dma_semaphore, #tpu.memory_space<semaphore_mem>>) src(%dma_wait3A_868 : memref<128x128xf32, #tpu.memory_space<vmem>>) dst(%dma_wait3A_874 : memref<10368x128xf32, #tpu.memory_space<vmem_shared>>)
      %dma_wait3A_875 = arith.constant 1 : i32
      %dma_wait3A_876 = arith.constant 15 : i32
      %dma_wait3A_877 = arith.constant 0 : i32
      %dma_wait3A_878 = arith.constant 0 : i32
      %dma_wait3A_879 = tpu.memref_slice %arg12[%dma_wait3A_875, %dma_wait3A_877, %dma_wait3A_878] : memref<2x128x128xf32, #tpu.memory_space<vmem>> -> memref<1x128x128xf32, #tpu.memory_space<vmem>>
      %dma_wait3A_880 = tpu.memref_squeeze %dma_wait3A_879 : memref<1x128x128xf32, #tpu.memory_space<vmem>> -> memref<128x128xf32, #tpu.memory_space<vmem>>
      %dma_wait3A_881 = arith.constant 0 : i32
      %dma_wait3A_882 = tpu.memref_slice %arg11[%dma_wait3A_876, %dma_wait3A_881] : memref<16x128xi32, #tpu.memory_space<vmem>> -> memref<1x128xi32, #tpu.memory_space<vmem>>
      %dma_wait3A_883 = tpu.memref_squeeze %dma_wait3A_882 : memref<1x128xi32, #tpu.memory_space<vmem>> -> memref<128xi32, #tpu.memory_space<vmem>>
      %dma_wait3A_884 = arith.constant 0 : i32
      %dma_wait3A_885 = arith.constant 0 : i32
      %dma_wait3A_886 = tpu.memref_slice %arg14[%dma_wait3A_884, %dma_wait3A_885] : memref<10368x128xf32, #tpu.memory_space<vmem_shared>> -> memref<10368x128xf32, #tpu.memory_space<vmem_shared>>
      tpu.wait_indirect_dma semaphore(%arg17 : memref<!tpu.dma_semaphore, #tpu.memory_space<semaphore_mem>>) src(%dma_wait3A_880 : memref<128x128xf32, #tpu.memory_space<vmem>>) dst(%dma_wait3A_886 : memref<10368x128xf32, #tpu.memory_space<vmem_shared>>)
      %dma_wait3A_887 = arith.constant 0 : i32
      %dma_wait3A_888 = arith.constant 0 : i32
      %dma_wait3A_889 = tpu.memref_slice %arg11[%dma_wait3A_887, %dma_wait3A_888] : memref<16x128xi32, #tpu.memory_space<vmem>> -> memref<1x128xi32, #tpu.memory_space<vmem>>
      %dma_wait3A_890 = tpu.memref_squeeze %dma_wait3A_889 : memref<1x128xi32, #tpu.memory_space<vmem>> -> memref<128xi32, #tpu.memory_space<vmem>>
      %dma_wait3A_891 = arith.constant 0 : i32
      %dma_wait3A_892 = tpu.memref_slice %arg15[%dma_wait3A_891] : memref<10368xf32, #tpu.memory_space<vmem_shared>> -> memref<10368xf32, #tpu.memory_space<vmem_shared>>
      tpu.wait_indirect_dma semaphore(%arg18 : memref<!tpu.dma_semaphore, #tpu.memory_space<semaphore_mem>>) src(%arg13 : memref<128xf32, #tpu.memory_space<vmem>>) dst(%dma_wait3A_892 : memref<10368xf32, #tpu.memory_space<vmem_shared>>)
      %dma_wait3A_893 = arith.constant 1 : i32
      %dma_wait3A_894 = arith.constant 0 : i32
      %dma_wait3A_895 = tpu.memref_slice %arg11[%dma_wait3A_893, %dma_wait3A_894] : memref<16x128xi32, #tpu.memory_space<vmem>> -> memref<1x128xi32, #tpu.memory_space<vmem>>
      %dma_wait3A_896 = tpu.memref_squeeze %dma_wait3A_895 : memref<1x128xi32, #tpu.memory_space<vmem>> -> memref<128xi32, #tpu.memory_space<vmem>>
      %dma_wait3A_897 = arith.constant 0 : i32
      %dma_wait3A_898 = tpu.memref_slice %arg15[%dma_wait3A_897] : memref<10368xf32, #tpu.memory_space<vmem_shared>> -> memref<10368xf32, #tpu.memory_space<vmem_shared>>
      tpu.wait_indirect_dma semaphore(%arg18 : memref<!tpu.dma_semaphore, #tpu.memory_space<semaphore_mem>>) src(%arg13 : memref<128xf32, #tpu.memory_space<vmem>>) dst(%dma_wait3A_898 : memref<10368xf32, #tpu.memory_space<vmem_shared>>)
      %dma_wait3A_899 = arith.constant 2 : i32
      %dma_wait3A_900 = arith.constant 0 : i32
      %dma_wait3A_901 = tpu.memref_slice %arg11[%dma_wait3A_899, %dma_wait3A_900] : memref<16x128xi32, #tpu.memory_space<vmem>> -> memref<1x128xi32, #tpu.memory_space<vmem>>
      %dma_wait3A_902 = tpu.memref_squeeze %dma_wait3A_901 : memref<1x128xi32, #tpu.memory_space<vmem>> -> memref<128xi32, #tpu.memory_space<vmem>>
      %dma_wait3A_903 = arith.constant 0 : i32
      %dma_wait3A_904 = tpu.memref_slice %arg15[%dma_wait3A_903] : memref<10368xf32, #tpu.memory_space<vmem_shared>> -> memref<10368xf32, #tpu.memory_space<vmem_shared>>
      tpu.wait_indirect_dma semaphore(%arg18 : memref<!tpu.dma_semaphore, #tpu.memory_space<semaphore_mem>>) src(%arg13 : memref<128xf32, #tpu.memory_space<vmem>>) dst(%dma_wait3A_904 : memref<10368xf32, #tpu.memory_space<vmem_shared>>)
      %dma_wait3A_905 = arith.constant 3 : i32
      %dma_wait3A_906 = arith.constant 0 : i32
      %dma_wait3A_907 = tpu.memref_slice %arg11[%dma_wait3A_905, %dma_wait3A_906] : memref<16x128xi32, #tpu.memory_space<vmem>> -> memref<1x128xi32, #tpu.memory_space<vmem>>
      %dma_wait3A_908 = tpu.memref_squeeze %dma_wait3A_907 : memref<1x128xi32, #tpu.memory_space<vmem>> -> memref<128xi32, #tpu.memory_space<vmem>>
      %dma_wait3A_909 = arith.constant 0 : i32
      %dma_wait3A_910 = tpu.memref_slice %arg15[%dma_wait3A_909] : memref<10368xf32, #tpu.memory_space<vmem_shared>> -> memref<10368xf32, #tpu.memory_space<vmem_shared>>
      tpu.wait_indirect_dma semaphore(%arg18 : memref<!tpu.dma_semaphore, #tpu.memory_space<semaphore_mem>>) src(%arg13 : memref<128xf32, #tpu.memory_space<vmem>>) dst(%dma_wait3A_910 : memref<10368xf32, #tpu.memory_space<vmem_shared>>)
      %dma_wait3A_911 = arith.constant 4 : i32
      %dma_wait3A_912 = arith.constant 0 : i32
      %dma_wait3A_913 = tpu.memref_slice %arg11[%dma_wait3A_911, %dma_wait3A_912] : memref<16x128xi32, #tpu.memory_space<vmem>> -> memref<1x128xi32, #tpu.memory_space<vmem>>
      %dma_wait3A_914 = tpu.memref_squeeze %dma_wait3A_913 : memref<1x128xi32, #tpu.memory_space<vmem>> -> memref<128xi32, #tpu.memory_space<vmem>>
      %dma_wait3A_915 = arith.constant 0 : i32
      %dma_wait3A_916 = tpu.memref_slice %arg15[%dma_wait3A_915] : memref<10368xf32, #tpu.memory_space<vmem_shared>> -> memref<10368xf32, #tpu.memory_space<vmem_shared>>
      tpu.wait_indirect_dma semaphore(%arg18 : memref<!tpu.dma_semaphore, #tpu.memory_space<semaphore_mem>>) src(%arg13 : memref<128xf32, #tpu.memory_space<vmem>>) dst(%dma_wait3A_916 : memref<10368xf32, #tpu.memory_space<vmem_shared>>)
      %dma_wait3A_917 = arith.constant 5 : i32
      %dma_wait3A_918 = arith.constant 0 : i32
      %dma_wait3A_919 = tpu.memref_slice %arg11[%dma_wait3A_917, %dma_wait3A_918] : memref<16x128xi32, #tpu.memory_space<vmem>> -> memref<1x128xi32, #tpu.memory_space<vmem>>
      %dma_wait3A_920 = tpu.memref_squeeze %dma_wait3A_919 : memref<1x128xi32, #tpu.memory_space<vmem>> -> memref<128xi32, #tpu.memory_space<vmem>>
      %dma_wait3A_921 = arith.constant 0 : i32
      %dma_wait3A_922 = tpu.memref_slice %arg15[%dma_wait3A_921] : memref<10368xf32, #tpu.memory_space<vmem_shared>> -> memref<10368xf32, #tpu.memory_space<vmem_shared>>
      tpu.wait_indirect_dma semaphore(%arg18 : memref<!tpu.dma_semaphore, #tpu.memory_space<semaphore_mem>>) src(%arg13 : memref<128xf32, #tpu.memory_space<vmem>>) dst(%dma_wait3A_922 : memref<10368xf32, #tpu.memory_space<vmem_shared>>)
      %dma_wait3A_923 = arith.constant 6 : i32
      %dma_wait3A_924 = arith.constant 0 : i32
      %dma_wait3A_925 = tpu.memref_slice %arg11[%dma_wait3A_923, %dma_wait3A_924] : memref<16x128xi32, #tpu.memory_space<vmem>> -> memref<1x128xi32, #tpu.memory_space<vmem>>
      %dma_wait3A_926 = tpu.memref_squeeze %dma_wait3A_925 : memref<1x128xi32, #tpu.memory_space<vmem>> -> memref<128xi32, #tpu.memory_space<vmem>>
      %dma_wait3A_927 = arith.constant 0 : i32
      %dma_wait3A_928 = tpu.memref_slice %arg15[%dma_wait3A_927] : memref<10368xf32, #tpu.memory_space<vmem_shared>> -> memref<10368xf32, #tpu.memory_space<vmem_shared>>
      tpu.wait_indirect_dma semaphore(%arg18 : memref<!tpu.dma_semaphore, #tpu.memory_space<semaphore_mem>>) src(%arg13 : memref<128xf32, #tpu.memory_space<vmem>>) dst(%dma_wait3A_928 : memref<10368xf32, #tpu.memory_space<vmem_shared>>)
      %dma_wait3A_929 = arith.constant 7 : i32
      %dma_wait3A_930 = arith.constant 0 : i32
      %dma_wait3A_931 = tpu.memref_slice %arg11[%dma_wait3A_929, %dma_wait3A_930] : memref<16x128xi32, #tpu.memory_space<vmem>> -> memref<1x128xi32, #tpu.memory_space<vmem>>
      %dma_wait3A_932 = tpu.memref_squeeze %dma_wait3A_931 : memref<1x128xi32, #tpu.memory_space<vmem>> -> memref<128xi32, #tpu.memory_space<vmem>>
      %dma_wait3A_933 = arith.constant 0 : i32
      %dma_wait3A_934 = tpu.memref_slice %arg15[%dma_wait3A_933] : memref<10368xf32, #tpu.memory_space<vmem_shared>> -> memref<10368xf32, #tpu.memory_space<vmem_shared>>
      tpu.wait_indirect_dma semaphore(%arg18 : memref<!tpu.dma_semaphore, #tpu.memory_space<semaphore_mem>>) src(%arg13 : memref<128xf32, #tpu.memory_space<vmem>>) dst(%dma_wait3A_934 : memref<10368xf32, #tpu.memory_space<vmem_shared>>)
      %dma_wait3A_935 = arith.constant 8 : i32
      %dma_wait3A_936 = arith.constant 0 : i32
      %dma_wait3A_937 = tpu.memref_slice %arg11[%dma_wait3A_935, %dma_wait3A_936] : memref<16x128xi32, #tpu.memory_space<vmem>> -> memref<1x128xi32, #tpu.memory_space<vmem>>
      %dma_wait3A_938 = tpu.memref_squeeze %dma_wait3A_937 : memref<1x128xi32, #tpu.memory_space<vmem>> -> memref<128xi32, #tpu.memory_space<vmem>>
      %dma_wait3A_939 = arith.constant 0 : i32
      %dma_wait3A_940 = tpu.memref_slice %arg15[%dma_wait3A_939] : memref<10368xf32, #tpu.memory_space<vmem_shared>> -> memref<10368xf32, #tpu.memory_space<vmem_shared>>
      tpu.wait_indirect_dma semaphore(%arg18 : memref<!tpu.dma_semaphore, #tpu.memory_space<semaphore_mem>>) src(%arg13 : memref<128xf32, #tpu.memory_space<vmem>>) dst(%dma_wait3A_940 : memref<10368xf32, #tpu.memory_space<vmem_shared>>)
      %dma_wait3A_941 = arith.constant 9 : i32
      %dma_wait3A_942 = arith.constant 0 : i32
      %dma_wait3A_943 = tpu.memref_slice %arg11[%dma_wait3A_941, %dma_wait3A_942] : memref<16x128xi32, #tpu.memory_space<vmem>> -> memref<1x128xi32, #tpu.memory_space<vmem>>
      %dma_wait3A_944 = tpu.memref_squeeze %dma_wait3A_943 : memref<1x128xi32, #tpu.memory_space<vmem>> -> memref<128xi32, #tpu.memory_space<vmem>>
      %dma_wait3A_945 = arith.constant 0 : i32
      %dma_wait3A_946 = tpu.memref_slice %arg15[%dma_wait3A_945] : memref<10368xf32, #tpu.memory_space<vmem_shared>> -> memref<10368xf32, #tpu.memory_space<vmem_shared>>
      tpu.wait_indirect_dma semaphore(%arg18 : memref<!tpu.dma_semaphore, #tpu.memory_space<semaphore_mem>>) src(%arg13 : memref<128xf32, #tpu.memory_space<vmem>>) dst(%dma_wait3A_946 : memref<10368xf32, #tpu.memory_space<vmem_shared>>)
      %dma_wait3A_947 = arith.constant 10 : i32
      %dma_wait3A_948 = arith.constant 0 : i32
      %dma_wait3A_949 = tpu.memref_slice %arg11[%dma_wait3A_947, %dma_wait3A_948] : memref<16x128xi32, #tpu.memory_space<vmem>> -> memref<1x128xi32, #tpu.memory_space<vmem>>
      %dma_wait3A_950 = tpu.memref_squeeze %dma_wait3A_949 : memref<1x128xi32, #tpu.memory_space<vmem>> -> memref<128xi32, #tpu.memory_space<vmem>>
      %dma_wait3A_951 = arith.constant 0 : i32
      %dma_wait3A_952 = tpu.memref_slice %arg15[%dma_wait3A_951] : memref<10368xf32, #tpu.memory_space<vmem_shared>> -> memref<10368xf32, #tpu.memory_space<vmem_shared>>
      tpu.wait_indirect_dma semaphore(%arg18 : memref<!tpu.dma_semaphore, #tpu.memory_space<semaphore_mem>>) src(%arg13 : memref<128xf32, #tpu.memory_space<vmem>>) dst(%dma_wait3A_952 : memref<10368xf32, #tpu.memory_space<vmem_shared>>)
      %dma_wait3A_953 = arith.constant 11 : i32
      %dma_wait3A_954 = arith.constant 0 : i32
      %dma_wait3A_955 = tpu.memref_slice %arg11[%dma_wait3A_953, %dma_wait3A_954] : memref<16x128xi32, #tpu.memory_space<vmem>> -> memref<1x128xi32, #tpu.memory_space<vmem>>
      %dma_wait3A_956 = tpu.memref_squeeze %dma_wait3A_955 : memref<1x128xi32, #tpu.memory_space<vmem>> -> memref<128xi32, #tpu.memory_space<vmem>>
      %dma_wait3A_957 = arith.constant 0 : i32
      %dma_wait3A_958 = tpu.memref_slice %arg15[%dma_wait3A_957] : memref<10368xf32, #tpu.memory_space<vmem_shared>> -> memref<10368xf32, #tpu.memory_space<vmem_shared>>
      tpu.wait_indirect_dma semaphore(%arg18 : memref<!tpu.dma_semaphore, #tpu.memory_space<semaphore_mem>>) src(%arg13 : memref<128xf32, #tpu.memory_space<vmem>>) dst(%dma_wait3A_958 : memref<10368xf32, #tpu.memory_space<vmem_shared>>)
      %dma_wait3A_959 = arith.constant 12 : i32
      %dma_wait3A_960 = arith.constant 0 : i32
      %dma_wait3A_961 = tpu.memref_slice %arg11[%dma_wait3A_959, %dma_wait3A_960] : memref<16x128xi32, #tpu.memory_space<vmem>> -> memref<1x128xi32, #tpu.memory_space<vmem>>
      %dma_wait3A_962 = tpu.memref_squeeze %dma_wait3A_961 : memref<1x128xi32, #tpu.memory_space<vmem>> -> memref<128xi32, #tpu.memory_space<vmem>>
      %dma_wait3A_963 = arith.constant 0 : i32
      %dma_wait3A_964 = tpu.memref_slice %arg15[%dma_wait3A_963] : memref<10368xf32, #tpu.memory_space<vmem_shared>> -> memref<10368xf32, #tpu.memory_space<vmem_shared>>
      tpu.wait_indirect_dma semaphore(%arg18 : memref<!tpu.dma_semaphore, #tpu.memory_space<semaphore_mem>>) src(%arg13 : memref<128xf32, #tpu.memory_space<vmem>>) dst(%dma_wait3A_964 : memref<10368xf32, #tpu.memory_space<vmem_shared>>)
      %dma_wait3A_965 = arith.constant 13 : i32
      %dma_wait3A_966 = arith.constant 0 : i32
      %dma_wait3A_967 = tpu.memref_slice %arg11[%dma_wait3A_965, %dma_wait3A_966] : memref<16x128xi32, #tpu.memory_space<vmem>> -> memref<1x128xi32, #tpu.memory_space<vmem>>
      %dma_wait3A_968 = tpu.memref_squeeze %dma_wait3A_967 : memref<1x128xi32, #tpu.memory_space<vmem>> -> memref<128xi32, #tpu.memory_space<vmem>>
      %dma_wait3A_969 = arith.constant 0 : i32
      %dma_wait3A_970 = tpu.memref_slice %arg15[%dma_wait3A_969] : memref<10368xf32, #tpu.memory_space<vmem_shared>> -> memref<10368xf32, #tpu.memory_space<vmem_shared>>
      tpu.wait_indirect_dma semaphore(%arg18 : memref<!tpu.dma_semaphore, #tpu.memory_space<semaphore_mem>>) src(%arg13 : memref<128xf32, #tpu.memory_space<vmem>>) dst(%dma_wait3A_970 : memref<10368xf32, #tpu.memory_space<vmem_shared>>)
      %dma_wait3A_971 = arith.constant 14 : i32
      %dma_wait3A_972 = arith.constant 0 : i32
      %dma_wait3A_973 = tpu.memref_slice %arg11[%dma_wait3A_971, %dma_wait3A_972] : memref<16x128xi32, #tpu.memory_space<vmem>> -> memref<1x128xi32, #tpu.memory_space<vmem>>
      %dma_wait3A_974 = tpu.memref_squeeze %dma_wait3A_973 : memref<1x128xi32, #tpu.memory_space<vmem>> -> memref<128xi32, #tpu.memory_space<vmem>>
      %dma_wait3A_975 = arith.constant 0 : i32
      %dma_wait3A_976 = tpu.memref_slice %arg15[%dma_wait3A_975] : memref<10368xf32, #tpu.memory_space<vmem_shared>> -> memref<10368xf32, #tpu.memory_space<vmem_shared>>
      tpu.wait_indirect_dma semaphore(%arg18 : memref<!tpu.dma_semaphore, #tpu.memory_space<semaphore_mem>>) src(%arg13 : memref<128xf32, #tpu.memory_space<vmem>>) dst(%dma_wait3A_976 : memref<10368xf32, #tpu.memory_space<vmem_shared>>)
      %dma_wait3A_977 = arith.constant 15 : i32
      %dma_wait3A_978 = arith.constant 0 : i32
      %dma_wait3A_979 = tpu.memref_slice %arg11[%dma_wait3A_977, %dma_wait3A_978] : memref<16x128xi32, #tpu.memory_space<vmem>> -> memref<1x128xi32, #tpu.memory_space<vmem>>
      %dma_wait3A_980 = tpu.memref_squeeze %dma_wait3A_979 : memref<1x128xi32, #tpu.memory_space<vmem>> -> memref<128xi32, #tpu.memory_space<vmem>>
      %dma_wait3A_981 = arith.constant 0 : i32
      %dma_wait3A_982 = tpu.memref_slice %arg15[%dma_wait3A_981] : memref<10368xf32, #tpu.memory_space<vmem_shared>> -> memref<10368xf32, #tpu.memory_space<vmem_shared>>
      tpu.wait_indirect_dma semaphore(%arg18 : memref<!tpu.dma_semaphore, #tpu.memory_space<semaphore_mem>>) src(%arg13 : memref<128xf32, #tpu.memory_space<vmem>>) dst(%dma_wait3A_982 : memref<10368xf32, #tpu.memory_space<vmem_shared>>)
    }
    %scan3A_11 = arith.constant 5 : i32
    %barrier3A_12 = arith.constant 0 : index
    tpu.barrier barrier_id(%barrier3A_12)
    %mul3A_13 = arith.constant 640 : i32
    %mul3A_14 = arith.muli %arg1, %mul3A_13 : i32
    %mul3A_15 = arith.constant 640 : i32
    %mul3A_16 = arith.muli %arg1, %mul3A_15 : i32
    "tpu.region"() ({
      %run_scoped3A = tpu.sem_alloc : memref<!tpu.dma_semaphore, #tpu.memory_space<semaphore_mem>>
      %dma_start3A = arith.constant 0 : i32
      %dma_start3A_21 = arith.constant 0 : i32
      %dma_start3A_22 = tpu.memref_slice %arg8[%arg0, %dma_start3A, %dma_start3A_21] : memref<2x10240x128xf32, #tpu.memory_space<hbm>> -> memref<1x10240x128xf32, #tpu.memory_space<hbm>>
      %dma_start3A_23 = tpu.memref_squeeze %dma_start3A_22 : memref<1x10240x128xf32, #tpu.memory_space<hbm>> -> memref<10240x128xf32, #tpu.memory_space<hbm>>
      %dma_start3A_24 = arith.constant 0 : i32
      %dma_start3A_25 = tpu.memref_slice %dma_start3A_23[%mul3A_16, %dma_start3A_24] : memref<10240x128xf32, #tpu.memory_space<hbm>> -> memref<640x128xf32, #tpu.memory_space<hbm>>
      %dma_start3A_26 = arith.constant 0 : i32
      %dma_start3A_27 = tpu.memref_slice %arg14[%mul3A_14, %dma_start3A_26] : memref<10368x128xf32, #tpu.memory_space<vmem_shared>> -> memref<640x128xf32, #tpu.memory_space<vmem_shared>>
      tpu.enqueue_dma source(%dma_start3A_27 : memref<640x128xf32, #tpu.memory_space<vmem_shared>>) target(%dma_start3A_25 : memref<640x128xf32, #tpu.memory_space<hbm>>) target_semaphore(%run_scoped3A : memref<!tpu.dma_semaphore, #tpu.memory_space<semaphore_mem>>)
      %dma_wait3A = arith.constant 0 : i32
      %dma_wait3A_28 = arith.constant 0 : i32
      %dma_wait3A_29 = tpu.memref_slice %arg8[%arg0, %dma_wait3A, %dma_wait3A_28] : memref<2x10240x128xf32, #tpu.memory_space<hbm>> -> memref<1x10240x128xf32, #tpu.memory_space<hbm>>
      %dma_wait3A_30 = tpu.memref_squeeze %dma_wait3A_29 : memref<1x10240x128xf32, #tpu.memory_space<hbm>> -> memref<10240x128xf32, #tpu.memory_space<hbm>>
      %dma_wait3A_31 = arith.constant 0 : i32
      %dma_wait3A_32 = tpu.memref_slice %dma_wait3A_30[%mul3A_16, %dma_wait3A_31] : memref<10240x128xf32, #tpu.memory_space<hbm>> -> memref<640x128xf32, #tpu.memory_space<hbm>>
      %dma_wait3A_33 = arith.constant 0 : i32
      %dma_wait3A_34 = tpu.memref_slice %arg14[%mul3A_14, %dma_wait3A_33] : memref<10368x128xf32, #tpu.memory_space<vmem_shared>> -> memref<640x128xf32, #tpu.memory_space<vmem_shared>>
      tpu.wait_dma2 semaphore(%run_scoped3A : memref<!tpu.dma_semaphore, #tpu.memory_space<semaphore_mem>>) src(%dma_wait3A_34 : memref<640x128xf32, #tpu.memory_space<vmem_shared>>) dst(%dma_wait3A_32 : memref<640x128xf32, #tpu.memory_space<hbm>>)
      tpu.yield
    }) : () -> ()
    %mul3A_17 = arith.constant 640 : i32
    %mul3A_18 = arith.muli %arg1, %mul3A_17 : i32
    %mul3A_19 = arith.constant 640 : i32
    %mul3A_20 = arith.muli %arg1, %mul3A_19 : i32
    "tpu.region"() ({
      %run_scoped3A = tpu.sem_alloc : memref<!tpu.dma_semaphore, #tpu.memory_space<semaphore_mem>>
      %dma_start3A = arith.constant 0 : i32
      %dma_start3A_21 = tpu.memref_slice %arg9[%arg0, %dma_start3A] : memref<2x10240xf32, #tpu.memory_space<hbm>> -> memref<1x10240xf32, #tpu.memory_space<hbm>>
      %dma_start3A_22 = tpu.memref_squeeze %dma_start3A_21 : memref<1x10240xf32, #tpu.memory_space<hbm>> -> memref<10240xf32, #tpu.memory_space<hbm>>
      %dma_start3A_23 = tpu.memref_slice %dma_start3A_22[%mul3A_20] : memref<10240xf32, #tpu.memory_space<hbm>> -> memref<640xf32, #tpu.memory_space<hbm>>
      %dma_start3A_24 = tpu.memref_slice %arg15[%mul3A_18] : memref<10368xf32, #tpu.memory_space<vmem_shared>> -> memref<640xf32, #tpu.memory_space<vmem_shared>>
      tpu.enqueue_dma source(%dma_start3A_24 : memref<640xf32, #tpu.memory_space<vmem_shared>>) target(%dma_start3A_23 : memref<640xf32, #tpu.memory_space<hbm>>) target_semaphore(%run_scoped3A : memref<!tpu.dma_semaphore, #tpu.memory_space<semaphore_mem>>)
      %dma_wait3A = arith.constant 0 : i32
      %dma_wait3A_25 = tpu.memref_slice %arg9[%arg0, %dma_wait3A] : memref<2x10240xf32, #tpu.memory_space<hbm>> -> memref<1x10240xf32, #tpu.memory_space<hbm>>
      %dma_wait3A_26 = tpu.memref_squeeze %dma_wait3A_25 : memref<1x10240xf32, #tpu.memory_space<hbm>> -> memref<10240xf32, #tpu.memory_space<hbm>>
      %dma_wait3A_27 = tpu.memref_slice %dma_wait3A_26[%mul3A_20] : memref<10240xf32, #tpu.memory_space<hbm>> -> memref<640xf32, #tpu.memory_space<hbm>>
      %dma_wait3A_28 = tpu.memref_slice %arg15[%mul3A_18] : memref<10368xf32, #tpu.memory_space<vmem_shared>> -> memref<640xf32, #tpu.memory_space<vmem_shared>>
      tpu.wait_dma2 semaphore(%run_scoped3A : memref<!tpu.dma_semaphore, #tpu.memory_space<semaphore_mem>>) src(%dma_wait3A_28 : memref<640xf32, #tpu.memory_space<vmem_shared>>) dst(%dma_wait3A_27 : memref<640xf32, #tpu.memory_space<hbm>>)
      tpu.yield
    }) : () -> ()
    return
  }
}

module attributes {stable_mosaic.version = 14 : i64} {
  func.func @_tc_layer_body(%arg0: i32, %arg1: memref<1024x128xf32, #tpu.memory_space<vmem>>, %arg2: memref<1024x128xf32, #tpu.memory_space<vmem>>, %arg3: memref<1024x128xf32, #tpu.memory_space<vmem>>, %arg4: memref<1024x1xf32, #tpu.memory_space<vmem>>, %arg5: memref<1024x1xf32, #tpu.memory_space<vmem>>, %arg6: memref<128x128xf32, #tpu.memory_space<vmem>>, %arg7: memref<128x128xf32, #tpu.memory_space<vmem>>, %arg8: memref<1x128xf32, #tpu.memory_space<vmem>>, %arg9: memref<1024x128xf32, #tpu.memory_space<vmem>>) attributes {dimension_semantics = [#tpu.dimension_semantics<arbitrary>], iteration_bounds = array<i64: 10>, scalar_prefetch = 0 : i64, scratch_operands = 0 : i64, tpu.core_type = #tpu.core_type<tc>, window_params = [{transform_indices = @transform_0, window_bounds = array<i64: 1024, 128>}, {transform_indices = @transform_1, window_bounds = array<i64: 1024, 128>}, {transform_indices = @transform_2, window_bounds = array<i64: 1024, 128>}, {transform_indices = @transform_3, window_bounds = array<i64: 1024, 1>}, {transform_indices = @transform_4, window_bounds = array<i64: 1024, 1>}, {pipeline_mode = #tpu.pipeline_mode<synchronous>, transform_indices = @transform_5, window_bounds = array<i64: 128, 128>}, {pipeline_mode = #tpu.pipeline_mode<synchronous>, transform_indices = @transform_6, window_bounds = array<i64: 128, 128>}, {pipeline_mode = #tpu.pipeline_mode<synchronous>, transform_indices = @transform_7, window_bounds = array<i64: 1, 128>}, {transform_indices = @transform_8, window_bounds = array<i64: 1024, 128>}]} {
    %get3A = arith.constant 0 : index
    %get3A_0 = arith.constant 0 : index
    %get3A_1 = vector.load %arg4[%get3A, %get3A_0] : memref<1024x1xf32, #tpu.memory_space<vmem>>, vector<1024x1xf32>
    %get3A_2 = arith.constant 0 : index
    %get3A_3 = arith.constant 0 : index
    %get3A_4 = vector.load %arg5[%get3A_2, %get3A_3] : memref<1024x1xf32, #tpu.memory_space<vmem>>, vector<1024x1xf32>
    %add3A = arith.addf %get3A_1, %get3A_4 : vector<1024x1xf32>
    %max3A = arith.constant 1.000000e+00 : f32
    %max3A_5 = vector.broadcast %max3A : f32 to vector<1024x1xf32>
    %max3A_6 = arith.maximumf %add3A, %max3A_5 : vector<1024x1xf32>
    %get3A_7 = arith.constant 0 : index
    %get3A_8 = arith.constant 0 : index
    %get3A_9 = vector.load %arg2[%get3A_7, %get3A_8] : memref<1024x128xf32, #tpu.memory_space<vmem>>, vector<1024x128xf32>
    %get3A_10 = arith.constant 0 : index
    %get3A_11 = arith.constant 0 : index
    %get3A_12 = vector.load %arg3[%get3A_10, %get3A_11] : memref<1024x128xf32, #tpu.memory_space<vmem>>, vector<1024x128xf32>
    %add3A_13 = arith.addf %get3A_9, %get3A_12 : vector<1024x128xf32>
    %get3A_14 = arith.constant 0 : index
    %get3A_15 = arith.constant 0 : index
    %get3A_16 = vector.load %arg6[%get3A_14, %get3A_15] : memref<128x128xf32, #tpu.memory_space<vmem>>, vector<128x128xf32>
    %dot_general3A = arith.constant dense<0.000000e+00> : vector<1024x128xf32>
    %dot_general3A_17 = tpu.matmul %add3A_13, %get3A_16, %dot_general3A {dimension_numbers = #tpu.dot_dimension_numbers<[1], [0], [0], [1], [0, 0, 1, 1], [], []>, transpose_lhs_hint = false} : vector<1024x128xf32>, vector<128x128xf32>, vector<1024x128xf32> -> vector<1024x128xf32>
    %div3A = vector.broadcast %max3A_6 : vector<1024x1xf32> to vector<1024x128xf32>
    %div3A_18 = arith.divf %dot_general3A_17, %div3A : vector<1024x128xf32>
    %get3A_19 = arith.constant 0 : index
    %get3A_20 = arith.constant 0 : index
    %get3A_21 = vector.load %arg1[%get3A_19, %get3A_20] : memref<1024x128xf32, #tpu.memory_space<vmem>>, vector<1024x128xf32>
    %get3A_22 = arith.constant 0 : index
    %get3A_23 = arith.constant 0 : index
    %get3A_24 = vector.load %arg7[%get3A_22, %get3A_23] : memref<128x128xf32, #tpu.memory_space<vmem>>, vector<128x128xf32>
    %dot_general3A_25 = arith.constant dense<0.000000e+00> : vector<1024x128xf32>
    %dot_general3A_26 = tpu.matmul %get3A_21, %get3A_24, %dot_general3A_25 {dimension_numbers = #tpu.dot_dimension_numbers<[1], [0], [0], [1], [0, 0, 1, 1], [], []>, transpose_lhs_hint = false} : vector<1024x128xf32>, vector<128x128xf32>, vector<1024x128xf32> -> vector<1024x128xf32>
    %get3A_27 = arith.constant 0 : index
    %get3A_28 = arith.constant 0 : index
    %get3A_29 = vector.load %arg8[%get3A_27, %get3A_28] : memref<1x128xf32, #tpu.memory_space<vmem>>, vector<1x128xf32>
    %add3A_30 = vector.broadcast %get3A_29 : vector<1x128xf32> to vector<1024x128xf32>
    %add3A_31 = arith.addf %dot_general3A_26, %add3A_30 : vector<1024x128xf32>
    %add3A_32 = arith.addf %add3A_31, %div3A_18 : vector<1024x128xf32>
    %max3A_33 = arith.constant 0.000000e+00 : f32
    %max3A_34 = vector.broadcast %max3A_33 : f32 to vector<1024x128xf32>
    %max3A_35 = arith.maximumf %add3A_32, %max3A_34 : vector<1024x128xf32>
    %swap3A = arith.constant 0 : index
    %swap3A_36 = arith.constant 0 : index
    %swap3A_37 = vector.load %arg9[%swap3A, %swap3A_36] : memref<1024x128xf32, #tpu.memory_space<vmem>>, vector<1024x128xf32>
    tpu.vector_store %arg9[%swap3A, %swap3A_36], %max3A_35 {strides = array<i32>} : memref<1024x128xf32, #tpu.memory_space<vmem>>, vector<1024x128xf32>,
    return
  }
  func.func @transform_0(%arg0: i32) -> (i32, i32) {
    %c0_i32 = arith.constant 0 : i32
    %c0_i32_0 = arith.constant 0 : i32
    return %arg0, %c0_i32 : i32, i32
  }
  func.func @transform_1(%arg0: i32) -> (i32, i32) {
    %c0_i32 = arith.constant 0 : i32
    %c0_i32_0 = arith.constant 0 : i32
    return %arg0, %c0_i32 : i32, i32
  }
  func.func @transform_2(%arg0: i32) -> (i32, i32) {
    %c0_i32 = arith.constant 0 : i32
    %c0_i32_0 = arith.constant 0 : i32
    return %arg0, %c0_i32 : i32, i32
  }
  func.func @transform_3(%arg0: i32) -> (i32, i32) {
    %c0_i32 = arith.constant 0 : i32
    %c0_i32_0 = arith.constant 0 : i32
    return %arg0, %c0_i32 : i32, i32
  }
  func.func @transform_4(%arg0: i32) -> (i32, i32) {
    %c0_i32 = arith.constant 0 : i32
    %c0_i32_0 = arith.constant 0 : i32
    return %arg0, %c0_i32 : i32, i32
  }
  func.func @transform_5(%arg0: i32) -> (i32, i32) {
    %c0_i32 = arith.constant 0 : i32
    %c0_i32_0 = arith.constant 0 : i32
    %c0_i32_1 = arith.constant 0 : i32
    return %c0_i32, %c0_i32_0 : i32, i32
  }
  func.func @transform_6(%arg0: i32) -> (i32, i32) {
    %c0_i32 = arith.constant 0 : i32
    %c0_i32_0 = arith.constant 0 : i32
    %c0_i32_1 = arith.constant 0 : i32
    return %c0_i32, %c0_i32_0 : i32, i32
  }
  func.func @transform_7(%arg0: i32) -> (i32, i32) {
    %c0_i32 = arith.constant 0 : i32
    %c0_i32_0 = arith.constant 0 : i32
    %c0_i32_1 = arith.constant 0 : i32
    return %c0_i32, %c0_i32_0 : i32, i32
  }
  func.func @transform_8(%arg0: i32) -> (i32, i32) {
    %c0_i32 = arith.constant 0 : i32
    %c0_i32_0 = arith.constant 0 : i32
    return %arg0, %c0_i32 : i32, i32
  }
}

module attributes {stable_mosaic.version = 14 : i64} {
  func.func @_tc_layer_body(%arg0: i32, %arg1: memref<1024x128xf32, #tpu.memory_space<vmem>>, %arg2: memref<1024x128xf32, #tpu.memory_space<vmem>>, %arg3: memref<1024x128xf32, #tpu.memory_space<vmem>>, %arg4: memref<1024x1xf32, #tpu.memory_space<vmem>>, %arg5: memref<1024x1xf32, #tpu.memory_space<vmem>>, %arg6: memref<128x128xf32, #tpu.memory_space<vmem>>, %arg7: memref<128x128xf32, #tpu.memory_space<vmem>>, %arg8: memref<1x128xf32, #tpu.memory_space<vmem>>, %arg9: memref<1024x128xf32, #tpu.memory_space<vmem>>) attributes {dimension_semantics = [#tpu.dimension_semantics<arbitrary>], iteration_bounds = array<i64: 10>, scalar_prefetch = 0 : i64, scratch_operands = 0 : i64, tpu.core_type = #tpu.core_type<tc>, window_params = [{transform_indices = @transform_0, window_bounds = array<i64: 1024, 128>}, {transform_indices = @transform_1, window_bounds = array<i64: 1024, 128>}, {transform_indices = @transform_2, window_bounds = array<i64: 1024, 128>}, {transform_indices = @transform_3, window_bounds = array<i64: 1024, 1>}, {transform_indices = @transform_4, window_bounds = array<i64: 1024, 1>}, {pipeline_mode = #tpu.pipeline_mode<synchronous>, transform_indices = @transform_5, window_bounds = array<i64: 128, 128>}, {pipeline_mode = #tpu.pipeline_mode<synchronous>, transform_indices = @transform_6, window_bounds = array<i64: 128, 128>}, {pipeline_mode = #tpu.pipeline_mode<synchronous>, transform_indices = @transform_7, window_bounds = array<i64: 1, 128>}, {transform_indices = @transform_8, window_bounds = array<i64: 1024, 128>}]} {
    %get3A = arith.constant 0 : index
    %get3A_0 = arith.constant 0 : index
    %get3A_1 = vector.load %arg4[%get3A, %get3A_0] : memref<1024x1xf32, #tpu.memory_space<vmem>>, vector<1024x1xf32>
    %get3A_2 = arith.constant 0 : index
    %get3A_3 = arith.constant 0 : index
    %get3A_4 = vector.load %arg5[%get3A_2, %get3A_3] : memref<1024x1xf32, #tpu.memory_space<vmem>>, vector<1024x1xf32>
    %add3A = arith.addf %get3A_1, %get3A_4 : vector<1024x1xf32>
    %max3A = arith.constant 1.000000e+00 : f32
    %max3A_5 = vector.broadcast %max3A : f32 to vector<1024x1xf32>
    %max3A_6 = arith.maximumf %add3A, %max3A_5 : vector<1024x1xf32>
    %get3A_7 = arith.constant 0 : index
    %get3A_8 = arith.constant 0 : index
    %get3A_9 = vector.load %arg2[%get3A_7, %get3A_8] : memref<1024x128xf32, #tpu.memory_space<vmem>>, vector<1024x128xf32>
    %get3A_10 = arith.constant 0 : index
    %get3A_11 = arith.constant 0 : index
    %get3A_12 = vector.load %arg3[%get3A_10, %get3A_11] : memref<1024x128xf32, #tpu.memory_space<vmem>>, vector<1024x128xf32>
    %add3A_13 = arith.addf %get3A_9, %get3A_12 : vector<1024x128xf32>
    %get3A_14 = arith.constant 0 : index
    %get3A_15 = arith.constant 0 : index
    %get3A_16 = vector.load %arg6[%get3A_14, %get3A_15] : memref<128x128xf32, #tpu.memory_space<vmem>>, vector<128x128xf32>
    %dot_general3A = arith.constant dense<0.000000e+00> : vector<1024x128xf32>
    %dot_general3A_17 = tpu.matmul %add3A_13, %get3A_16, %dot_general3A {dimension_numbers = #tpu.dot_dimension_numbers<[1], [0], [0], [1], [0, 0, 1, 1], [], []>, transpose_lhs_hint = false} : vector<1024x128xf32>, vector<128x128xf32>, vector<1024x128xf32> -> vector<1024x128xf32>
    %div3A = vector.broadcast %max3A_6 : vector<1024x1xf32> to vector<1024x128xf32>
    %div3A_18 = arith.divf %dot_general3A_17, %div3A : vector<1024x128xf32>
    %get3A_19 = arith.constant 0 : index
    %get3A_20 = arith.constant 0 : index
    %get3A_21 = vector.load %arg1[%get3A_19, %get3A_20] : memref<1024x128xf32, #tpu.memory_space<vmem>>, vector<1024x128xf32>
    %get3A_22 = arith.constant 0 : index
    %get3A_23 = arith.constant 0 : index
    %get3A_24 = vector.load %arg7[%get3A_22, %get3A_23] : memref<128x128xf32, #tpu.memory_space<vmem>>, vector<128x128xf32>
    %dot_general3A_25 = arith.constant dense<0.000000e+00> : vector<1024x128xf32>
    %dot_general3A_26 = tpu.matmul %get3A_21, %get3A_24, %dot_general3A_25 {dimension_numbers = #tpu.dot_dimension_numbers<[1], [0], [0], [1], [0, 0, 1, 1], [], []>, transpose_lhs_hint = false} : vector<1024x128xf32>, vector<128x128xf32>, vector<1024x128xf32> -> vector<1024x128xf32>
    %get3A_27 = arith.constant 0 : index
    %get3A_28 = arith.constant 0 : index
    %get3A_29 = vector.load %arg8[%get3A_27, %get3A_28] : memref<1x128xf32, #tpu.memory_space<vmem>>, vector<1x128xf32>
    %add3A_30 = vector.broadcast %get3A_29 : vector<1x128xf32> to vector<1024x128xf32>
    %add3A_31 = arith.addf %dot_general3A_26, %add3A_30 : vector<1024x128xf32>
    %add3A_32 = arith.addf %add3A_31, %div3A_18 : vector<1024x128xf32>
    %swap3A = arith.constant 0 : index
    %swap3A_33 = arith.constant 0 : index
    %swap3A_34 = vector.load %arg9[%swap3A, %swap3A_33] : memref<1024x128xf32, #tpu.memory_space<vmem>>, vector<1024x128xf32>
    tpu.vector_store %arg9[%swap3A, %swap3A_33], %add3A_32 {strides = array<i32>} : memref<1024x128xf32, #tpu.memory_space<vmem>>, vector<1024x128xf32>,
    return
  }
  func.func @transform_0(%arg0: i32) -> (i32, i32) {
    %c0_i32 = arith.constant 0 : i32
    %c0_i32_0 = arith.constant 0 : i32
    return %arg0, %c0_i32 : i32, i32
  }
  func.func @transform_1(%arg0: i32) -> (i32, i32) {
    %c0_i32 = arith.constant 0 : i32
    %c0_i32_0 = arith.constant 0 : i32
    return %arg0, %c0_i32 : i32, i32
  }
  func.func @transform_2(%arg0: i32) -> (i32, i32) {
    %c0_i32 = arith.constant 0 : i32
    %c0_i32_0 = arith.constant 0 : i32
    return %arg0, %c0_i32 : i32, i32
  }
  func.func @transform_3(%arg0: i32) -> (i32, i32) {
    %c0_i32 = arith.constant 0 : i32
    %c0_i32_0 = arith.constant 0 : i32
    return %arg0, %c0_i32 : i32, i32
  }
  func.func @transform_4(%arg0: i32) -> (i32, i32) {
    %c0_i32 = arith.constant 0 : i32
    %c0_i32_0 = arith.constant 0 : i32
    return %arg0, %c0_i32 : i32, i32
  }
  func.func @transform_5(%arg0: i32) -> (i32, i32) {
    %c0_i32 = arith.constant 0 : i32
    %c0_i32_0 = arith.constant 0 : i32
    %c0_i32_1 = arith.constant 0 : i32
    return %c0_i32, %c0_i32_0 : i32, i32
  }
  func.func @transform_6(%arg0: i32) -> (i32, i32) {
    %c0_i32 = arith.constant 0 : i32
    %c0_i32_0 = arith.constant 0 : i32
    %c0_i32_1 = arith.constant 0 : i32
    return %c0_i32, %c0_i32_0 : i32, i32
  }
  func.func @transform_7(%arg0: i32) -> (i32, i32) {
    %c0_i32 = arith.constant 0 : i32
    %c0_i32_0 = arith.constant 0 : i32
    %c0_i32_1 = arith.constant 0 : i32
    return %c0_i32, %c0_i32_0 : i32, i32
  }
  func.func @transform_8(%arg0: i32) -> (i32, i32) {
    %c0_i32 = arith.constant 0 : i32
    %c0_i32_0 = arith.constant 0 : i32
    return %arg0, %c0_i32 : i32, i32
  }
}

</mosaic_0001>

<sc_bundles>
// kernel: kernel.6.cloned.1.call-start
scs
__scs_entry_jumppad:
0x0: {  	(pc) =	sbr.rel $0x88, $3  }
0x1: {  	(tag) =	ssettag $0x0;
	lr =	simm.s32 $0x1  }
0x2: {  	[smem:$0x3F99] =	sst lr;
	_ =	strace $0xD0000000  }
0x3: {  	_ = 	snop  }
0x4: {  	_ = 	snop  }
0x5: {  	_ = 	snop  }
0x6: {  	_ = 	snop  }
0x7: {  	_ = 	snop  }
__scs_overlays_trampoline_lowered:
0x8: {  	[smem:$0x3FA8] =	sst s0  }
0x9: {  	[smem:$0x3FA9] =	sst s1  }
0xa: {  	[smem:$0x3FAA] =	sst s2  }
0xb: {  	[smem:$0x3FAB] =	sst s3  }
0xc: {  	[smem:$0x3FAC] =	sst s4  }
0xd: {  	[smem:$0x3FAD] =	sst s5  }
0xe: {  	[smem:$0x3FAE] =	sst s6  }
0xf: {  	[smem:$0x3FAF] =	sst s7  }
0x10: {  	[smem:$0x3FB0] =	sst s8  }
0x11: {  	[smem:$0x3FB1] =	sst s9;
	s0 =	simm.s32 @!p0 $0x0  }
0x12: {  	s1 =	sld [smem:$0x3F97];
	s0 =	simm.s32 @p0 $0x1  }
0x13: {  	[smem:$0x3FB2] =	sst s0;
	s0 =	simm.s32 @!p1 $0x0  }
0x14: {  	s2 =	sld [smem:$0x3F96];
	s0 =	simm.s32 @p1 $0x1  }
0x15: {  	[smem:$0x3FB3] =	sst s0;
	s0 =	simm.s32 @!p2 $0x0  }
0x16: {  	s3 =	sld [smem:$0x3FDB];
	s0 =	simm.s32 @p2 $0x1  }
0x17: {  	s4 =	simm.s32 $0x1BF5;
	[smem:$0x3FB5] =	sst s0  }
0x18: {  	s0 =	sld [smem:$0x3F98];
	_ =	swait.ge [sflag:s4], $0x0  }
0x19: {  	s7 =	sld [smem:$0x3F99]  }
0x1a: {  	s8 =	sadd.s32 $0xFFFFE003, lr  }
0x1b: {  	s9 =	sadd.s32 $0xFFFFFEF7, lr;
	s5 =	simm.s32 $0xFFFFFFFF;
	p2 =	slt.u32 s8, $0xFFFFF086  }
0x1c: {  	p1 =	slt.u32 s9, $0xF7A;
	s5 =	simm.s32 @!p2 $0x0  }
0x1d: {  	s5 =	simm.s32 @p1 $0x1;
	p0 =	seq.s32 s7, s2  }
0x1e: {  	s7 =	smul.u32 @!p0 $0xF7A, s2;
	p2 =	seq.s32 @!p0 s5, $0x0  }
0x1f: {  	s9 =	smul.u32 $0xF7A, s1;
	s8 =	simm.s32 @!p0 $0x1BF5;
	p2 =	por !p2, p0  }
0x20: {  	[sflag:s8] =	ssyncset.s32 @!p0 $0xFFFFF086;
	s6 =	sadd.s32 @!p0 s3, s7;
	s7 =	simm.s32 @!p0 $0x108  }
0x21: {  	s3 =	sadd.s32 s3, s9;
	s6 =	sadd.s32 @!p0 $0x88, s6;
	s7 =	simm.s32 @p2 $0x1082  }
0x22: {  	[simem:s7], [sflag:s8] =	dma.local @!p0 [hbm:s6], $0xF7A  }
0x23: {  	s9 =	sor.u32 $0xD0000000, s2;
	s6 =	simm.s32 $0x108;
	_ =	swait.ge @!p0 [sflag:s8], $0x0  }
0x24: {  	s3 =	sadd.s32 $0x88, s3;
	s6 =	simm.s32 @!p1 $0x1082;
	[sflag:s4] =	ssyncset.s32 $0xFFFFF086  }
0x25: {  	[simem:s6], [sflag:s4] =	dma.local [hbm:s3], $0xF7A  }
0x26: {  	[smem:$0x3F99] =	sst s1;
	(tag) =	ssettag s2;
	_ =	strace s9  }
0x27: {  	s1 =	sld [smem:$0x3FA9]  }
0x28: {  	s2 =	sld [smem:$0x3FAA]  }
0x29: {  	s4 =	sld [smem:$0x3FAC]  }
0x2a: {  	p0 =	seq.s32 s5, $0x0;
	s5 =	sld [smem:$0x3FAD]  }
0x2b: {  	s6 =	sld [smem:$0x3FAE]  }
0x2c: {  	s7 =	sld [smem:$0x3FAF]  }
0x2d: {  	s3 =	simm.s32 $0x108;
	s8 =	sld [smem:$0x3FB0]  }
0x2e: {  	s3 =	simm.s32 @!p0 $0x1082;
	s9 =	sld [smem:$0x3FB1]  }
0x2f: {  	lr =	sadd.s32 s0, s3;
	s0 =	sld [smem:$0x3FA8]  }
0x30: {  	s3 =	sld [smem:$0x3FAB]  }
0x31: {  	[smem:$0x3FB4] =	sst s10  }
0x32: {  	s10 =	sld [smem:$0x3FB2];
	_ =	sdelay $0x3  }
0x33: {  	p0 =	seq.s32 s10, $0x1;
	s10 =	sld [smem:$0x3FB4];
	_ =	sdelay $0x3  }
0x34: {  	[smem:$0x3FB4] =	sst s10  }
0x35: {  	s10 =	sld [smem:$0x3FB3];
	_ =	sdelay $0x3  }
0x36: {  	p1 =	seq.s32 s10, $0x1;
	s10 =	sld [smem:$0x3FB4];
	_ =	sdelay $0x3  }
0x37: {  	[smem:$0x3FB4] =	sst s10  }
0x38: {  	s10 =	sld [smem:$0x3FB5]  }
0x39: {  	_ = 	snop;
	(pc) =	sbr.ind lr, $3  }
0x3a: {  	_ = 	snop  }
0x3b: {  	_ = 	snop  }
0x3c: {  	p2 =	seq.s32 s10, $0x1;
	s10 =	sld [smem:$0x3FB4]  }
0x3d: {  	_ =	shalt  }
0x3e: {  	_ =	shalt  }
0x3f: {  	_ =	shalt  }
0x40: {  	_ =	shalt  }
0x41: {  	_ =	shalt  }
0x42: {  	_ =	shalt  }
0x43: {  	_ =	shalt  }
0x44: {  	_ =	shalt  }
0x45: {  	_ =	shalt  }
0x46: {  	_ =	shalt  }
0x47: {  	_ =	shalt  }
0x48: {  	_ =	shalt  }
0x49: {  	_ =	shalt  }
0x4a: {  	_ =	shalt  }
0x4b: {  	_ =	shalt  }
0x4c: {  	_ =	shalt  }
0x4d: {  	_ =	shalt  }
0x4e: {  	_ =	shalt  }
0x4f: {  	_ =	shalt  }
0x50: {  	_ =	shalt  }
0x51: {  	_ =	shalt  }
0x52: {  	_ =	shalt  }
0x53: {  	_ =	shalt  }
0x54: {  	_ =	shalt  }
0x55: {  	_ =	shalt  }
0x56: {  	_ =	shalt  }
0x57: {  	_ =	shalt  }
0x58: {  	_ =	shalt  }
0x59: {  	_ =	shalt  }
0x5a: {  	_ =	shalt  }
0x5b: {  	_ =	shalt  }
0x5c: {  	_ =	shalt  }
0x5d: {  	_ =	shalt  }
0x5e: {  	_ =	shalt  }
0x5f: {  	_ =	shalt  }
0x60: {  	_ =	shalt  }
0x61: {  	_ =	shalt  }
0x62: {  	_ =	shalt  }
0x63: {  	_ =	shalt  }
0x64: {  	_ =	shalt  }
0x65: {  	_ =	shalt  }
0x66: {  	_ =	shalt  }
0x67: {  	_ =	shalt  }
0x68: {  	_ =	shalt  }
0x69: {  	_ =	shalt  }
0x6a: {  	_ =	shalt  }
0x6b: {  	_ =	shalt  }
0x6c: {  	_ =	shalt  }
0x6d: {  	_ =	shalt  }
0x6e: {  	_ =	shalt  }
0x6f: {  	_ =	shalt  }
0x70: {  	_ =	shalt  }
0x71: {  	_ =	shalt  }
0x72: {  	_ =	shalt  }
0x73: {  	_ =	shalt  }
0x74: {  	_ =	shalt  }
0x75: {  	_ =	shalt  }
0x76: {  	_ =	shalt  }
0x77: {  	_ =	shalt  }
0x78: {  	_ =	shalt  }
0x79: {  	_ =	shalt  }
0x7a: {  	_ =	shalt  }
0x7b: {  	_ =	shalt  }
0x7c: {  	_ =	shalt  }
0x7d: {  	_ =	shalt  }
0x7e: {  	_ =	shalt  }
0x7f: {  	_ =	shalt  }
0x80: {  	_ =	shalt  }
0x81: {  	_ =	shalt  }
0x82: {  	_ =	shalt  }
0x83: {  	_ =	shalt  }
0x84: {  	_ =	shalt  }
0x85: {  	_ =	shalt  }
0x86: {  	_ =	shalt  }
0x87: {  	_ =	shalt  }
.Lfunc_end0:
.L_simem_size_0:
called_computation_lowered:
.L_overlay_start_0:
0x88: {  	s2 =	sld [smem:$0x3FD9]  }
0x89: {  	s3 =	sld [smem:$0x3FFE];
	_ =	sdelay $0x1  }
0x8a: {  	s1 =	srdreg.scid  }
0x8b: {  	s0 =	sand.u32 $0x1, s1  }
0x8c: {  	s17 =	sshll.u32 s0, $0xA;
	s2 =	sadd.s32 s3, s2  }
0x8d: {  	s2 =	sadd.s32 s2, s17  }
0x8e: {  	[smem:$0x3FC0] =	sst s2  }
0x8f: {  	_ = 	snop  }
0x90: {  	s2 =	sld [smem:$0x3FD0];
	(tm) =	ssettm $0x1  }
0x91: {  	s18 =	sld [smem:$0x3FFB];
	_ =	sdelay $0x3  }
0x92: {  	_ =	strace s18  }
0x93: {  	s3 =	sld [smem:$0x3FFC];
	_ =	sdelay $0x3  }
0x94: {  	_ =	strace s3  }
0x95: {  	s3 =	sld [smem:$0x3FFD];
	_ =	sdelay $0x3  }
0x96: {  	_ =	strace s3  }
0x97: {  	_ =	strace $0x8FFFFFFF  }
0x98: {  	s19 =	sld [smem:$0x3FDB];
	_ =	sdelay $0x1  }
0x99: {  	s4 =	simm.s32 $_scs_section_size  }
0x9a: {  	s5 =	simm.s32 $_size__tile_overlayer_lowered;
	s6 =	simm.s32 $_tile_overlayer_lowered  }
0x9b: {  	s22 =	simm.s32 $0x1BFF;
	s21 =	sshll.u32 s6, $0x1;
	s3 =	sadd.s32 s4, s19  }
0x9c: {  	s7 =	simm.s32 $0x0;
	s20 =	sshll.u32 s5, $0x1;
	s5 =	sadd.s32 s21, s3  }
0x9d: {  	[timem:s7], [sflag:s22] =	dma.local [hbm:s5], s20  }
0x9e: {  	_ =	swait.ge [sflag:s22], s20  }
0x9f: {  	s4 =	ssub.s32 $0x0, s20;
	[sflag:s22] =	ssyncset.done $0x0  }
0xa0: {  	[sflag:s22] =	ssyncadd.s32 s4;
	_ =	sdelay $0x1  }
0xa1: {  	s23 =	simm.s32 $0x1B8B  }
0xa2: {  	_ =	swait.ge [sflag:s23], $0x1  }
0xa3: {  	[sflag:s23] =	ssyncset.done $0x0  }
0xa4: {  	s25 =	simm.s32 $0x1B8E;
	s24 =	sld [smem:$0x3FFE];
	[sflag:s23] =	ssyncadd.s32 $0xFFFFFFFF  }
0xa5: {  	s26 =	simm.s32 $execute0_lowered;
	[smem:$0x3FD2] =	sst s25  }
0xa6: {  	s5 =	sshll.u32 s26, $0x1;
	_ =	strace $0x80000046;
	[dreg:$0x1] =	wrdreg $0xFFFFFFFF  }
0xa7: {  	s28 =	simm.s32 $_size_execute0_lowered;
	s3 =	sadd.s32 s3, s5;
	[dreg:$0x0] =	wrdreg $0x0  }
0xa8: {  	s5 =	sshll.u32 s28, $0x1;
	[dreg:$0x2] =	wrdreg s3  }
0xa9: {  	[dreg:$0x3] =	wrdreg s5  }
0xaa: {  	[dreg:$0x4] =	wrdreg $0xC0  }
0xab: {  	_ =	task [dreg:s7], $0x5FFFF  }
0xac: {  	[dreg:$0x1] =	wrdreg $0xFFFFFFFF  }
0xad: {  	[dreg:$0x0] =	wrdreg $0x60  }
0xae: {  	[dreg:$0x2] =	wrdreg s24  }
0xaf: {  	[dreg:$0x3] =	wrdreg s2  }
0xb0: {  	[dreg:$0x4] =	wrdreg $0x90800  }
0xb1: {  	[dreg:$0x5] =	wrdreg $0x1D4800  }
0xb2: {  	[dreg:$0x6] =	wrdreg $0x9  }
0xb3: {  	_ =	task.clear_ibuf [dreg:s7], $0x7FFFF;
	_ =	strace $0x90000046  }
0xb4: {  	s29 =	simm.s32 $0x9;
	_ =	strace $0x80000048  }
0xb5: {  	_ =	swait.ge [sflag:s29], $0x1  }
0xb6: {  	[sflag:s29] =	ssyncadd.s32 $0xFFFFFFFF  }
0xb7: {  	_ =	strace $0x90000048  }
0xb8: {  	_ =	sfence  }
0xb9: {  	s30 =	sld [smem:$0x0];
	_ =	sdelay $0x2  }
0xba: {  	s31 =	sshll.u32 s1, $0xD;
	s1 =	sshrl.u32 s1, $0x2  }
0xbb: {  	s3 =	sand.u32 $0x4000, s31;
	s1 =	sadd.s32 s1, s30  }
0xbc: {  	s0 =	sor.u32 s3, s0;
	s1 =	sshll.u32 s1, $0x11  }
0xbd: {  	s0 =	sor.u32 s1, s0  }
0xbe: {  	s0 =	sadd.s32 $0x8F2B, s0  }
0xbf: {  	[sflag:s0] =	ssyncadd.remote.s32 $0x1  }
0xc0: {  	_ =	sfence.sel $0xFFFF  }
0xc1: {  	[dreg:$0x0] =	wrdreg $0xFFFFFFFF;
	(pc) =	sbr.abs _section_cstart, $3  }
0xc2: {  	[dreg:$0x1] =	wrdreg $0xFFFFFFFF  }
0xc3: {  	_ =	task.clear_ibuf [dreg:s7], $0x2FFFF;
	_ =	strace $0x9FFFFFFF  }
0xc4: {  	(tm) =	ssettm $0x7FFFFFFF  }
0xc5: {  	_ =	shalt  }
tec
execute0_lowered:
.L_overlay_start_1:
0x0: {  	(tag) =	ssettag $0x1  }
0x1: {  	s0 =	rddreg [dreg:$0x0]  }
0x2: {  	s1 =	rddreg [dreg:$0x1];
	s3 =	srdreg.scid  }
0x3: {  	s13 =	stileid.u32;
	s2 =	rddreg [dreg:$0x2];
	s4 =	simm.s32 $0x0  }
0x4: {  	s14 =	simm.s32 $0x380;
	s16 =	simm.s32 $0x400;
	s17 =	simm.s32 $0x480  }
0x5: {  	s28 =	simm.s32 $0xA80;
	s29 =	simm.s32 $0xB00;
	s30 =	simm.s32 $0xB80  }
0x6: {  	s6 =	sand.u32 $0x1, s3;
	s5 =	smul.u32 $0x5000, s13;
	s3 =	rddreg [dreg:$0x3]  }
0x7: {  	[smem:$0x7FF] =	sst s4;
	s9 =	sadd.s32 $0x34C00, s0;
	s18 =	sadd.s32 $0x37400, s0  }
0x8: {  	s12 =	smul.u32 $0x50000, s13;
	_ =	strace $0x80000047;
	[dreg:$0x15] =	wrdreg s9  }
0x9: {  	s19 =	sadd.s32 $0x37600, s0;
	s24 =	smul.u32 $0xA00, s13;
	[dreg:$0x16] =	wrdreg s18  }
0xa: {  	s31 =	simm.s32 $0xC00;
	s7 =	smul.u32 $0x2800, s6;
	[dreg:$0x17] =	wrdreg s19  }
0xb: {  	s23 =	sshll.u32 s13, $0x6;
	s20 =	smul.u32 $0x28000, s6;
	[dreg:$0xc] =	wrdreg s14  }
0xc: {  	s10 =	ssub.s32 $0x2, s6;
	s6 =	sshll.u32 s6, $0x4;
	[dreg:$0xd] =	wrdreg s16  }
0xd: {  	[dreg:$0xe] =	wrdreg s17;
	s19 =	simm.s32 $0x500;
	s14 =	simm.s32 $0x9000  }
0xe: {  	s16 =	simm.s32 $0x80;
	s17 =	simm.s32 $0x1000;
	s11 =	sshrl.u32 s10, $0x1  }
0xf: {  	s22 =	sshrl.u32 s12, $0x2;
	s25 =	sshrl.u32 s24, $0x2;
	s12 =	simm.s32 $0x280  }
0x10: {  	[dreg:$0xf] =	wrdreg s19;
	s24 =	simm.s32 $0x700;
	s19 =	simm.s32 $0x5000  }
0x11: {  	s7 =	sadd.s32 s7, s5;
	s5 =	sadd.s32 $0x2C00, s0;
	s9 =	sadd.s32 s20, s0  }
0x12: {  	s21 =	ssub.s32 s10, s11;
	s10 =	sadd.s32 s22, s2;
	s20 =	sor.u32 $0x1C04, s23  }
0x13: {  	s11 =	simm.s32 $0x200;
	[dreg:$0xa] =	wrdreg s12;
	s12 =	simm.s32 $0x4  }
0x14: {  	s22 =	simm.s32 $0x600;
	s23 =	simm.s32 $0x680;
	[dreg:$0x13] =	wrdreg s24  }
0x15: {  	s24 =	simm.s32 $0x3;
	s7 =	sshrl.u32 s7, $0x3;
	[dreg:$0x9] =	wrdreg s11  }
0x16: {  	s9 =	sadd.s32 $0x37800, s9;
	s11 =	smul.u32 $0xA0, s13;
	[dreg:$0x11] =	wrdreg s22  }
0x17: {  	s15 =	sshrl.u32 s10, $0x3;
	[dreg:$0x12] =	wrdreg s23;
	s23 =	simm.s32 $0x900  }
0x18: {  	s10 =	simm.s32 $0xF00;
	s22 =	simm.s32 $0xF80;
	[dreg:$0x18] =	wrdreg s20  }
0x19: {  	s8 =	sadd.s32 s7, s0;
	s0 =	sadd.s32 s6, s0;
	s1 =	sadd.s32 s7, s1  }
0x1a: {  	s7 =	sadd.s32 s25, s3;
	s25 =	simm.s32 $0x180;
	[dreg:$0x1a] =	wrdreg s15  }
0x1b: {  	s6 =	smax.u32 s21, $0x1;
	s21 =	simm.s32 $0x580;
	[dreg:$0x5] =	wrdreg s1  }
0x1c: {  	s15 =	simm.s32 $0x800;
	s26 =	sadd.s32 $0x2AC00, s8;
	[dreg:$0x8] =	wrdreg s25  }
0x1d: {  	s8 =	simm.s32 $0x100;
	s0 =	sadd.s32 $0x87800, s0;
	[dreg:$0x19] =	wrdreg s6  }
0x1e: {  	s18 =	sshrl.u32 s7, $0x3;
	[dreg:$0x10] =	wrdreg s21;
	s25 =	simm.s32 $0x780  }
0x1f: {  	s21 =	simm.s32 $0x2;
	s1 =	simm.s32 $0xC80;
	[dreg:$0x6] =	wrdreg s26  }
0x20: {  	s6 =	simm.s32 $0xD80;
	s7 =	simm.s32 $0xE00;
	[dreg:$0x7] =	wrdreg s8  }
0x21: {  	s26 =	smul.u32 $0x2800, s13;
	s13 =	simm.s32 $0x300;
	[dreg:$0x1b] =	wrdreg s18  }
0x22: {  	s18 =	simm.s32 $0x1;
	[dreg:$0x14] =	wrdreg s25;
	s0 =	sadd.s32 s11, s0  }
0x23: {  	s25 =	simm.s32 $0x980;
	s8 =	simm.s32 $0xE80;
	[dreg:$0xb] =	wrdreg s13  }
0x24: {  	[dreg:$0x1d] =	wrdreg s0;
	s0 =	simm.s32 $0xD00;
	s26 =	sadd.s32 s26, s9  }
0x25: {  	s13 =	simm.s32 $0x0;
	[dreg:$0x1c] =	wrdreg s26;
	s26 =	simm.s32 $0xA00  }
.LBB2_1:
0x26: {  	[dreg:$0x1e] =	wrdreg s13  }
0x27: {  	s9 =	rddreg [dreg:$0x15]  }
0x28: {  	s11 =	rddreg [dreg:$0x1a]  }
0x29: {  	[spmem:s11], [sflag:s20] =	dma.local [hbm:s9], $0x2800  }
0x2a: {  	_ =	swait.ge [sflag:s12], $0x2800  }
0x2b: {  	[sflag:s12] =	ssyncset.done $0x0;
	s11 =	rddreg [dreg:$0x16]  }
0x2c: {  	s13 =	rddreg [dreg:$0x1b];
	[sflag:s12] =	ssyncadd.s32 $0xFFFFD800  }
0x2d: {  	[spmem:s13], [sflag:s20] =	dma.local [hbm:s11], $0x50  }
0x2e: {  	_ =	swait.ge [sflag:s12], $0x50  }
0x2f: {  	[sflag:s12] =	ssyncset.done $0x0  }
0x30: {  	s11 =	rddreg [dreg:$0x17];
	[sflag:s12] =	ssyncadd.s32 $0xFFFFFFB0  }
0x31: {  	[tilespmem:s14], [sflag:$0x4] =	stream.linear.gather [hbm4b:s11+s4], $0x80, $0x38;
	[tilespmem:$0x1D708] =	vst v63  }
0x32: {  	_ =	swait.ge [sflag:s12], $0x80  }
0x33: {  	[sflag:s12] =	ssyncset.done $0x0  }
0x34: {  	[sflag:s12] =	ssyncadd.s32 $0xFFFFFF80  }
0x35: {  	[bflag:$0x0] =	sbarrier.arrive $0xFFFF  }
0x36: {  	s13 =	rddreg [dreg:$0x6]  }
0x37: {  	s9 =	sadd.s32 $0x0, s13  }
0x38: {  	[tilespmem:s4], [sflag:$0x4] =	stream.linear.gather [hbm4b:s9+s4], $0x800, $0x38;
	[tilespmem:$0x1D708] =	vst v63  }
0x39: {  	_ =	swait.ge [sflag:s12], $0x800  }
0x3a: {  	s20 =	rddreg [dreg:$0x5];
	[sflag:s12] =	ssyncset.done $0x0  }
0x3b: {  	[sflag:s12] =	ssyncadd.s32 $0xFFFFF800;
	s9 =	sadd.s32 $0x0, s20  }
0x3c: {  	[tilespmem:s15], [sflag:$0x4] =	stream.linear.gather [hbm4b:s9+s4], $0x800, $0x38;
	[tilespmem:$0x1D708] =	vst v63  }
0x3d: {  	_ =	swait.ge [sflag:s12], $0x800  }
0x3e: {  	[sflag:s12] =	ssyncset.done $0x0  }
0x3f: {  	[sflag:s12] =	ssyncadd.s32 $0xFFFFF800  }
0x40: {  	[tilespmem:s17], [sflag:$0x1] =	stream.indirect.gather [hbm4b:s5+s16], $0x80, s4, s16, $0xb8;
	[tilespmem:$0x1D708] =	vst v63  }
0x41: {  	_ =	swait.ge [sflag:s18], $0x4000  }
0x42: {  	[sflag:s18] =	ssyncset.done $0x0  }
0x43: {  	[sflag:s18] =	ssyncadd.s32 $0xFFFFC000  }
0x44: {  	[spmem:s2] =	stream.indirect.scatter.add.f32 [tilespmem:s17], [sflag:$0x2], $0x80, s15, s16, $0xb8;
	[tilespmem:$0x1D708] =	vst v63  }
0x45: {  	_ = 	snop  }
0x46: {  	[spmem:s3] =	stream.indirect.scatter.add.f32 [tilespmem:s14], [sflag:$0x3], $0x1, s15, s16, $0xb8;
	[tilespmem:$0x1D708] =	vst v63  }
0x47: {  	_ = 	snop  }
0x48: {  	[tilespmem:s19], [sflag:$0x1] =	stream.indirect.gather [hbm4b:s5+s16], $0x80, s16, s16, $0xb8;
	[tilespmem:$0x1D708] =	vst v63  }
0x49: {  	_ =	swait.ge [sflag:s18], $0x4000  }
0x4a: {  	[sflag:s18] =	ssyncset.done $0x0  }
0x4b: {  	s11 =	simm.s32 $0x880;
	[sflag:s18] =	ssyncadd.s32 $0xFFFFC000  }
0x4c: {  	[spmem:s2] =	stream.indirect.scatter.add.f32 [tilespmem:s19], [sflag:$0x2], $0x80, s11, s16, $0xb8;
	[tilespmem:$0x1D708] =	vst v63  }
0x4d: {  	_ = 	snop  }
0x4e: {  	[spmem:s3] =	stream.indirect.scatter.add.f32 [tilespmem:s14], [sflag:$0x3], $0x1, s11, s16, $0xb8;
	[tilespmem:$0x1D708] =	vst v63  }
0x4f: {  	_ =	swait.ge [sflag:s21], $0x4000  }
0x50: {  	[sflag:s21] =	ssyncset.done $0x0  }
0x51: {  	s13 =	rddreg [dreg:$0x7];
	[sflag:s21] =	ssyncadd.s32 $0xFFFFC000  }
0x52: {  	[tilespmem:s17], [sflag:$0x1] =	stream.indirect.gather [hbm4b:s5+s16], $0x80, s13, s16, $0xb8;
	[tilespmem:$0x1D708] =	vst v63  }
0x53: {  	_ =	swait.ge [sflag:s18], $0x4000  }
0x54: {  	[sflag:s18] =	ssyncset.done $0x0  }
0x55: {  	[sflag:s18] =	ssyncadd.s32 $0xFFFFC000  }
0x56: {  	[spmem:s2] =	stream.indirect.scatter.add.f32 [tilespmem:s17], [sflag:$0x2], $0x80, s23, s16, $0xb8;
	[tilespmem:$0x1D708] =	vst v63  }
0x57: {  	_ = 	snop  }
0x58: {  	[spmem:s3] =	stream.indirect.scatter.add.f32 [tilespmem:s14], [sflag:$0x3], $0x1, s23, s16, $0xb8;
	[tilespmem:$0x1D708] =	vst v63  }
0x59: {  	_ =	swait.ge [sflag:s21], $0x4000  }
0x5a: {  	[sflag:s21] =	ssyncset.done $0x0  }
0x5b: {  	s20 =	rddreg [dreg:$0x8];
	[sflag:s21] =	ssyncadd.s32 $0xFFFFC000  }
0x5c: {  	[tilespmem:s19], [sflag:$0x1] =	stream.indirect.gather [hbm4b:s5+s16], $0x80, s20, s16, $0xb8;
	[tilespmem:$0x1D708] =	vst v63  }
0x5d: {  	_ =	swait.ge [sflag:s18], $0x4000  }
0x5e: {  	[sflag:s18] =	ssyncset.done $0x0  }
0x5f: {  	[sflag:s18] =	ssyncadd.s32 $0xFFFFC000  }
0x60: {  	[spmem:s2] =	stream.indirect.scatter.add.f32 [tilespmem:s19], [sflag:$0x2], $0x80, s25, s16, $0xb8;
	[tilespmem:$0x1D708] =	vst v63  }
0x61: {  	_ = 	snop  }
0x62: {  	[spmem:s3] =	stream.indirect.scatter.add.f32 [tilespmem:s14], [sflag:$0x3], $0x1, s25, s16, $0xb8;
	[tilespmem:$0x1D708] =	vst v63  }
0x63: {  	_ =	swait.ge [sflag:s21], $0x4000  }
0x64: {  	[sflag:s21] =	ssyncset.done $0x0  }
0x65: {  	s11 =	rddreg [dreg:$0x9];
	[sflag:s21] =	ssyncadd.s32 $0xFFFFC000  }
0x66: {  	[tilespmem:s17], [sflag:$0x1] =	stream.indirect.gather [hbm4b:s5+s16], $0x80, s11, s16, $0xb8;
	[tilespmem:$0x1D708] =	vst v63  }
0x67: {  	_ =	swait.ge [sflag:s18], $0x4000  }
0x68: {  	[sflag:s18] =	ssyncset.done $0x0  }
0x69: {  	[sflag:s18] =	ssyncadd.s32 $0xFFFFC000  }
0x6a: {  	[spmem:s2] =	stream.indirect.scatter.add.f32 [tilespmem:s17], [sflag:$0x2], $0x80, s26, s16, $0xb8;
	[tilespmem:$0x1D708] =	vst v63  }
0x6b: {  	_ = 	snop  }
0x6c: {  	[spmem:s3] =	stream.indirect.scatter.add.f32 [tilespmem:s14], [sflag:$0x3], $0x1, s26, s16, $0xb8;
	[tilespmem:$0x1D708] =	vst v63  }
0x6d: {  	_ =	swait.ge [sflag:s21], $0x4000  }
0x6e: {  	[sflag:s21] =	ssyncset.done $0x0  }
0x6f: {  	s13 =	rddreg [dreg:$0xa];
	[sflag:s21] =	ssyncadd.s32 $0xFFFFC000  }
0x70: {  	[tilespmem:s19], [sflag:$0x1] =	stream.indirect.gather [hbm4b:s5+s16], $0x80, s13, s16, $0xb8;
	[tilespmem:$0x1D708] =	vst v63  }
0x71: {  	_ =	swait.ge [sflag:s18], $0x4000  }
0x72: {  	[sflag:s18] =	ssyncset.done $0x0  }
0x73: {  	[sflag:s18] =	ssyncadd.s32 $0xFFFFC000  }
0x74: {  	[spmem:s2] =	stream.indirect.scatter.add.f32 [tilespmem:s19], [sflag:$0x2], $0x80, s28, s16, $0xb8;
	[tilespmem:$0x1D708] =	vst v63  }
0x75: {  	_ = 	snop  }
0x76: {  	[spmem:s3] =	stream.indirect.scatter.add.f32 [tilespmem:s14], [sflag:$0x3], $0x1, s28, s16, $0xb8;
	[tilespmem:$0x1D708] =	vst v63  }
0x77: {  	_ =	swait.ge [sflag:s21], $0x4000  }
0x78: {  	[sflag:s21] =	ssyncset.done $0x0  }
0x79: {  	s20 =	rddreg [dreg:$0xb];
	[sflag:s21] =	ssyncadd.s32 $0xFFFFC000  }
0x7a: {  	[tilespmem:s17], [sflag:$0x1] =	stream.indirect.gather [hbm4b:s5+s16], $0x80, s20, s16, $0xb8;
	[tilespmem:$0x1D708] =	vst v63  }
0x7b: {  	_ =	swait.ge [sflag:s18], $0x4000  }
0x7c: {  	[sflag:s18] =	ssyncset.done $0x0  }
0x7d: {  	[sflag:s18] =	ssyncadd.s32 $0xFFFFC000  }
0x7e: {  	[spmem:s2] =	stream.indirect.scatter.add.f32 [tilespmem:s17], [sflag:$0x2], $0x80, s29, s16, $0xb8;
	[tilespmem:$0x1D708] =	vst v63  }
0x7f: {  	_ = 	snop  }
0x80: {  	[spmem:s3] =	stream.indirect.scatter.add.f32 [tilespmem:s14], [sflag:$0x3], $0x1, s29, s16, $0xb8;
	[tilespmem:$0x1D708] =	vst v63  }
0x81: {  	_ =	swait.ge [sflag:s21], $0x4000  }
0x82: {  	[sflag:s21] =	ssyncset.done $0x0  }
0x83: {  	s11 =	rddreg [dreg:$0xc];
	[sflag:s21] =	ssyncadd.s32 $0xFFFFC000  }
0x84: {  	[tilespmem:s19], [sflag:$0x1] =	stream.indirect.gather [hbm4b:s5+s16], $0x80, s11, s16, $0xb8;
	[tilespmem:$0x1D708] =	vst v63  }
0x85: {  	_ =	swait.ge [sflag:s18], $0x4000  }
0x86: {  	[sflag:s18] =	ssyncset.done $0x0  }
0x87: {  	[sflag:s18] =	ssyncadd.s32 $0xFFFFC000  }
0x88: {  	[spmem:s2] =	stream.indirect.scatter.add.f32 [tilespmem:s19], [sflag:$0x2], $0x80, s30, s16, $0xb8;
	[tilespmem:$0x1D708] =	vst v63  }
0x89: {  	_ = 	snop  }
0x8a: {  	[spmem:s3] =	stream.indirect.scatter.add.f32 [tilespmem:s14], [sflag:$0x3], $0x1, s30, s16, $0xb8;
	[tilespmem:$0x1D708] =	vst v63  }
0x8b: {  	_ =	swait.ge [sflag:s21], $0x4000  }
0x8c: {  	[sflag:s21] =	ssyncset.done $0x0  }
0x8d: {  	s13 =	rddreg [dreg:$0xd];
	[sflag:s21] =	ssyncadd.s32 $0xFFFFC000  }
0x8e: {  	[tilespmem:s17], [sflag:$0x1] =	stream.indirect.gather [hbm4b:s5+s16], $0x80, s13, s16, $0xb8;
	[tilespmem:$0x1D708] =	vst v63  }
0x8f: {  	_ =	swait.ge [sflag:s18], $0x4000  }
0x90: {  	[sflag:s18] =	ssyncset.done $0x0  }
0x91: {  	[sflag:s18] =	ssyncadd.s32 $0xFFFFC000  }
0x92: {  	[spmem:s2] =	stream.indirect.scatter.add.f32 [tilespmem:s17], [sflag:$0x2], $0x80, s31, s16, $0xb8;
	[tilespmem:$0x1D708] =	vst v63  }
0x93: {  	_ = 	snop  }
0x94: {  	[spmem:s3] =	stream.indirect.scatter.add.f32 [tilespmem:s14], [sflag:$0x3], $0x1, s31, s16, $0xb8;
	[tilespmem:$0x1D708] =	vst v63  }
0x95: {  	_ =	swait.ge [sflag:s21], $0x4000  }
0x96: {  	[sflag:s21] =	ssyncset.done $0x0  }
0x97: {  	s20 =	rddreg [dreg:$0xe];
	[sflag:s21] =	ssyncadd.s32 $0xFFFFC000  }
0x98: {  	[tilespmem:s19], [sflag:$0x1] =	stream.indirect.gather [hbm4b:s5+s16], $0x80, s20, s16, $0xb8;
	[tilespmem:$0x1D708] =	vst v63  }
0x99: {  	_ =	swait.ge [sflag:s18], $0x4000  }
0x9a: {  	[sflag:s18] =	ssyncset.done $0x0  }
0x9b: {  	[sflag:s18] =	ssyncadd.s32 $0xFFFFC000  }
0x9c: {  	[spmem:s2] =	stream.indirect.scatter.add.f32 [tilespmem:s19], [sflag:$0x2], $0x80, s1, s16, $0xb8;
	[tilespmem:$0x1D708] =	vst v63  }
0x9d: {  	_ = 	snop  }
0x9e: {  	[spmem:s3] =	stream.indirect.scatter.add.f32 [tilespmem:s14], [sflag:$0x3], $0x1, s1, s16, $0xb8;
	[tilespmem:$0x1D708] =	vst v63  }
0x9f: {  	_ =	swait.ge [sflag:s21], $0x4000  }
0xa0: {  	[sflag:s21] =	ssyncset.done $0x0  }
0xa1: {  	s11 =	rddreg [dreg:$0xf];
	[sflag:s21] =	ssyncadd.s32 $0xFFFFC000  }
0xa2: {  	[tilespmem:s17], [sflag:$0x1] =	stream.indirect.gather [hbm4b:s5+s16], $0x80, s11, s16, $0xb8;
	[tilespmem:$0x1D708] =	vst v63  }
0xa3: {  	_ =	swait.ge [sflag:s18], $0x4000  }
0xa4: {  	[sflag:s18] =	ssyncset.done $0x0  }
0xa5: {  	[sflag:s18] =	ssyncadd.s32 $0xFFFFC000  }
0xa6: {  	[spmem:s2] =	stream.indirect.scatter.add.f32 [tilespmem:s17], [sflag:$0x2], $0x80, s0, s16, $0xb8;
	[tilespmem:$0x1D708] =	vst v63  }
0xa7: {  	_ = 	snop  }
0xa8: {  	[spmem:s3] =	stream.indirect.scatter.add.f32 [tilespmem:s14], [sflag:$0x3], $0x1, s0, s16, $0xb8;
	[tilespmem:$0x1D708] =	vst v63  }
0xa9: {  	_ =	swait.ge [sflag:s21], $0x4000  }
0xaa: {  	[sflag:s21] =	ssyncset.done $0x0  }
0xab: {  	s13 =	rddreg [dreg:$0x10];
	[sflag:s21] =	ssyncadd.s32 $0xFFFFC000  }
0xac: {  	[tilespmem:s19], [sflag:$0x1] =	stream.indirect.gather [hbm4b:s5+s16], $0x80, s13, s16, $0xb8;
	[tilespmem:$0x1D708] =	vst v63  }
0xad: {  	_ =	swait.ge [sflag:s18], $0x4000  }
0xae: {  	[sflag:s18] =	ssyncset.done $0x0  }
0xaf: {  	[sflag:s18] =	ssyncadd.s32 $0xFFFFC000  }
0xb0: {  	[spmem:s2] =	stream.indirect.scatter.add.f32 [tilespmem:s19], [sflag:$0x2], $0x80, s6, s16, $0xb8;
	[tilespmem:$0x1D708] =	vst v63  }
0xb1: {  	_ = 	snop  }
0xb2: {  	[spmem:s3] =	stream.indirect.scatter.add.f32 [tilespmem:s14], [sflag:$0x3], $0x1, s6, s16, $0xb8;
	[tilespmem:$0x1D708] =	vst v63  }
0xb3: {  	_ =	swait.ge [sflag:s21], $0x4000  }
0xb4: {  	[sflag:s21] =	ssyncset.done $0x0  }
0xb5: {  	s20 =	rddreg [dreg:$0x11];
	[sflag:s21] =	ssyncadd.s32 $0xFFFFC000  }
0xb6: {  	[tilespmem:s17], [sflag:$0x1] =	stream.indirect.gather [hbm4b:s5+s16], $0x80, s20, s16, $0xb8;
	[tilespmem:$0x1D708] =	vst v63  }
0xb7: {  	_ =	swait.ge [sflag:s18], $0x4000  }
0xb8: {  	[sflag:s18] =	ssyncset.done $0x0  }
0xb9: {  	[sflag:s18] =	ssyncadd.s32 $0xFFFFC000  }
0xba: {  	[spmem:s2] =	stream.indirect.scatter.add.f32 [tilespmem:s17], [sflag:$0x2], $0x80, s7, s16, $0xb8;
	[tilespmem:$0x1D708] =	vst v63  }
0xbb: {  	_ = 	snop  }
0xbc: {  	[spmem:s3] =	stream.indirect.scatter.add.f32 [tilespmem:s14], [sflag:$0x3], $0x1, s7, s16, $0xb8;
	[tilespmem:$0x1D708] =	vst v63  }
0xbd: {  	_ =	swait.ge [sflag:s21], $0x4000  }
0xbe: {  	[sflag:s21] =	ssyncset.done $0x0  }
0xbf: {  	s11 =	rddreg [dreg:$0x12];
	[sflag:s21] =	ssyncadd.s32 $0xFFFFC000  }
0xc0: {  	[tilespmem:s19], [sflag:$0x1] =	stream.indirect.gather [hbm4b:s5+s16], $0x80, s11, s16, $0xb8;
	[tilespmem:$0x1D708] =	vst v63  }
0xc1: {  	_ =	swait.ge [sflag:s18], $0x4000  }
0xc2: {  	[sflag:s18] =	ssyncset.done $0x0  }
0xc3: {  	[sflag:s18] =	ssyncadd.s32 $0xFFFFC000  }
0xc4: {  	[spmem:s2] =	stream.indirect.scatter.add.f32 [tilespmem:s19], [sflag:$0x2], $0x80, s8, s16, $0xb8;
	[tilespmem:$0x1D708] =	vst v63  }
0xc5: {  	_ = 	snop  }
0xc6: {  	[spmem:s3] =	stream.indirect.scatter.add.f32 [tilespmem:s14], [sflag:$0x3], $0x1, s8, s16, $0xb8;
	[tilespmem:$0x1D708] =	vst v63  }
0xc7: {  	_ =	swait.ge [sflag:s21], $0x4000  }
0xc8: {  	[sflag:s21] =	ssyncset.done $0x0  }
0xc9: {  	s13 =	rddreg [dreg:$0x13];
	[sflag:s21] =	ssyncadd.s32 $0xFFFFC000  }
0xca: {  	[tilespmem:s17], [sflag:$0x1] =	stream.indirect.gather [hbm4b:s5+s16], $0x80, s13, s16, $0xb8;
	[tilespmem:$0x1D708] =	vst v63  }
0xcb: {  	_ =	swait.ge [sflag:s18], $0x4000  }
0xcc: {  	[sflag:s18] =	ssyncset.done $0x0  }
0xcd: {  	[sflag:s18] =	ssyncadd.s32 $0xFFFFC000  }
0xce: {  	[spmem:s2] =	stream.indirect.scatter.add.f32 [tilespmem:s17], [sflag:$0x2], $0x80, s10, s16, $0xb8;
	[tilespmem:$0x1D708] =	vst v63  }
0xcf: {  	_ = 	snop  }
0xd0: {  	[spmem:s3] =	stream.indirect.scatter.add.f32 [tilespmem:s14], [sflag:$0x3], $0x1, s10, s16, $0xb8;
	[tilespmem:$0x1D708] =	vst v63  }
0xd1: {  	_ =	swait.ge [sflag:s21], $0x4000  }
0xd2: {  	[sflag:s21] =	ssyncset.done $0x0  }
0xd3: {  	s20 =	rddreg [dreg:$0x14];
	[sflag:s21] =	ssyncadd.s32 $0xFFFFC000  }
0xd4: {  	[tilespmem:s19], [sflag:$0x1] =	stream.indirect.gather [hbm4b:s5+s16], $0x80, s20, s16, $0xb8;
	[tilespmem:$0x1D708] =	vst v63  }
0xd5: {  	_ =	swait.ge [sflag:s18], $0x4000  }
0xd6: {  	[sflag:s18] =	ssyncset.done $0x0  }
0xd7: {  	[sflag:s18] =	ssyncadd.s32 $0xFFFFC000  }
0xd8: {  	[spmem:s2] =	stream.indirect.scatter.add.f32 [tilespmem:s19], [sflag:$0x2], $0x80, s22, s16, $0xb8;
	[tilespmem:$0x1D708] =	vst v63  }
0xd9: {  	_ = 	snop  }
0xda: {  	[spmem:s3] =	stream.indirect.scatter.add.f32 [tilespmem:s14], [sflag:$0x3], $0x1, s22, s16, $0xb8;
	[tilespmem:$0x1D708] =	vst v63  }
0xdb: {  	_ =	swait.ge [sflag:s21], $0x4000  }
0xdc: {  	[sflag:s21] =	ssyncset.done $0x0  }
0xdd: {  	[sflag:s21] =	ssyncadd.s32 $0xFFFFC000  }
0xde: {  	_ =	swait.ge [sflag:s21], $0x4000  }
0xdf: {  	[sflag:s21] =	ssyncset.done $0x0  }
0xe0: {  	[sflag:s21] =	ssyncadd.s32 $0xFFFFC000  }
0xe1: {  	_ =	swait.ge [sflag:s24], $0x80  }
0xe2: {  	[sflag:s24] =	ssyncset.done $0x0  }
0xe3: {  	[sflag:s24] =	ssyncadd.s32 $0xFFFFFF80  }
0xe4: {  	_ =	swait.ge [sflag:s24], $0x80  }
0xe5: {  	[sflag:s24] =	ssyncset.done $0x0  }
0xe6: {  	[sflag:s24] =	ssyncadd.s32 $0xFFFFFF80  }
0xe7: {  	_ =	swait.ge [sflag:s24], $0x80  }
0xe8: {  	[sflag:s24] =	ssyncset.done $0x0  }
0xe9: {  	[sflag:s24] =	ssyncadd.s32 $0xFFFFFF80  }
0xea: {  	_ =	swait.ge [sflag:s24], $0x80  }
0xeb: {  	[sflag:s24] =	ssyncset.done $0x0  }
0xec: {  	[sflag:s24] =	ssyncadd.s32 $0xFFFFFF80  }
0xed: {  	_ =	swait.ge [sflag:s24], $0x80  }
0xee: {  	[sflag:s24] =	ssyncset.done $0x0  }
0xef: {  	[sflag:s24] =	ssyncadd.s32 $0xFFFFFF80  }
0xf0: {  	_ =	swait.ge [sflag:s24], $0x80  }
0xf1: {  	[sflag:s24] =	ssyncset.done $0x0  }
0xf2: {  	[sflag:s24] =	ssyncadd.s32 $0xFFFFFF80  }
0xf3: {  	_ =	swait.ge [sflag:s24], $0x80  }
0xf4: {  	[sflag:s24] =	ssyncset.done $0x0  }
0xf5: {  	[sflag:s24] =	ssyncadd.s32 $0xFFFFFF80  }
0xf6: {  	_ =	swait.ge [sflag:s24], $0x80  }
0xf7: {  	[sflag:s24] =	ssyncset.done $0x0  }
0xf8: {  	[sflag:s24] =	ssyncadd.s32 $0xFFFFFF80  }
0xf9: {  	_ =	swait.ge [sflag:s24], $0x80  }
0xfa: {  	[sflag:s24] =	ssyncset.done $0x0  }
0xfb: {  	[sflag:s24] =	ssyncadd.s32 $0xFFFFFF80  }
0xfc: {  	_ =	swait.ge [sflag:s24], $0x80  }
0xfd: {  	[sflag:s24] =	ssyncset.done $0x0  }
0xfe: {  	[sflag:s24] =	ssyncadd.s32 $0xFFFFFF80  }
0xff: {  	_ =	swait.ge [sflag:s24], $0x80  }
0x100: {  	[sflag:s24] =	ssyncset.done $0x0  }
0x101: {  	[sflag:s24] =	ssyncadd.s32 $0xFFFFFF80  }
0x102: {  	_ =	swait.ge [sflag:s24], $0x80  }
0x103: {  	[sflag:s24] =	ssyncset.done $0x0  }
0x104: {  	[sflag:s24] =	ssyncadd.s32 $0xFFFFFF80  }
0x105: {  	_ =	swait.ge [sflag:s24], $0x80  }
0x106: {  	[sflag:s24] =	ssyncset.done $0x0  }
0x107: {  	[sflag:s24] =	ssyncadd.s32 $0xFFFFFF80  }
0x108: {  	_ =	swait.ge [sflag:s24], $0x80  }
0x109: {  	[sflag:s24] =	ssyncset.done $0x0  }
0x10a: {  	[sflag:s24] =	ssyncadd.s32 $0xFFFFFF80  }
0x10b: {  	_ =	swait.ge [sflag:s24], $0x80  }
0x10c: {  	[sflag:s24] =	ssyncset.done $0x0  }
0x10d: {  	[sflag:s24] =	ssyncadd.s32 $0xFFFFFF80  }
0x10e: {  	s9 =	simm.s32 $0x200;
	_ =	swait.ge [sflag:s24], $0x80  }
0x10f: {  	s13 =	simm.s32 $0x100;
	s11 =	rddreg [dreg:$0x6];
	[sflag:s24] =	ssyncset.done $0x0  }
.LBB2_2:
0x110: {  	[sflag:s24] =	ssyncadd.s32 $0xFFFFFF80;
	s11 =	sadd.s32 s13, s11  }
0x111: {  	[tilespmem:s4], [sflag:$0x4] =	stream.linear.gather [hbm4b:s11+s4], $0x800, $0x38;
	[tilespmem:$0x1D708] =	vst v63  }
0x112: {  	_ =	swait.ge [sflag:s12], $0x800  }
0x113: {  	s11 =	rddreg [dreg:$0x5];
	[sflag:s12] =	ssyncset.done $0x0  }
0x114: {  	[sflag:s12] =	ssyncadd.s32 $0xFFFFF800;
	s11 =	sadd.s32 s13, s11  }
0x115: {  	[tilespmem:s15], [sflag:$0x4] =	stream.linear.gather [hbm4b:s11+s4], $0x800, $0x38;
	[tilespmem:$0x1D708] =	vst v63  }
0x116: {  	_ =	swait.ge [sflag:s12], $0x800  }
0x117: {  	[sflag:s12] =	ssyncset.done $0x0  }
0x118: {  	[sflag:s12] =	ssyncadd.s32 $0xFFFFF800  }
0x119: {  	[tilespmem:s17], [sflag:$0x1] =	stream.indirect.gather [hbm4b:s5+s16], $0x80, s4, s16, $0xb8;
	[tilespmem:$0x1D708] =	vst v63  }
0x11a: {  	_ =	swait.ge [sflag:s18], $0x4000  }
0x11b: {  	[sflag:s18] =	ssyncset.done $0x0  }
0x11c: {  	[sflag:s18] =	ssyncadd.s32 $0xFFFFC000  }
0x11d: {  	[spmem:s2] =	stream.indirect.scatter.add.f32 [tilespmem:s17], [sflag:$0x2], $0x80, s15, s16, $0xb8;
	[tilespmem:$0x1D708] =	vst v63  }
0x11e: {  	_ = 	snop  }
0x11f: {  	[spmem:s3] =	stream.indirect.scatter.add.f32 [tilespmem:s14], [sflag:$0x3], $0x1, s15, s16, $0xb8;
	[tilespmem:$0x1D708] =	vst v63  }
0x120: {  	_ = 	snop  }
0x121: {  	[tilespmem:s19], [sflag:$0x1] =	stream.indirect.gather [hbm4b:s5+s16], $0x80, s16, s16, $0xb8;
	[tilespmem:$0x1D708] =	vst v63  }
0x122: {  	_ =	swait.ge [sflag:s18], $0x4000  }
0x123: {  	s20 =	smov.u32 s9;
	[sflag:s18] =	ssyncset.done $0x0  }
0x124: {  	s13 =	smov.u32 s20;
	s20 =	simm.s32 $0x880;
	[sflag:s18] =	ssyncadd.s32 $0xFFFFC000  }
0x125: {  	[spmem:s2] =	stream.indirect.scatter.add.f32 [tilespmem:s19], [sflag:$0x2], $0x80, s20, s16, $0xb8;
	[tilespmem:$0x1D708] =	vst v63  }
0x126: {  	_ = 	snop  }
0x127: {  	[spmem:s3] =	stream.indirect.scatter.add.f32 [tilespmem:s14], [sflag:$0x3], $0x1, s20, s16, $0xb8;
	[tilespmem:$0x1D708] =	vst v63  }
0x128: {  	_ =	swait.ge [sflag:s21], $0x4000  }
0x129: {  	[sflag:s21] =	ssyncset.done $0x0  }
0x12a: {  	s20 =	rddreg [dreg:$0x7];
	[sflag:s21] =	ssyncadd.s32 $0xFFFFC000  }
0x12b: {  	[tilespmem:s17], [sflag:$0x1] =	stream.indirect.gather [hbm4b:s5+s16], $0x80, s20, s16, $0xb8;
	[tilespmem:$0x1D708] =	vst v63  }
0x12c: {  	_ =	swait.ge [sflag:s18], $0x4000  }
0x12d: {  	[sflag:s18] =	ssyncset.done $0x0  }
0x12e: {  	[sflag:s18] =	ssyncadd.s32 $0xFFFFC000  }
0x12f: {  	[spmem:s2] =	stream.indirect.scatter.add.f32 [tilespmem:s17], [sflag:$0x2], $0x80, s23, s16, $0xb8;
	[tilespmem:$0x1D708] =	vst v63  }
0x130: {  	_ = 	snop  }
0x131: {  	[spmem:s3] =	stream.indirect.scatter.add.f32 [tilespmem:s14], [sflag:$0x3], $0x1, s23, s16, $0xb8;
	[tilespmem:$0x1D708] =	vst v63  }
0x132: {  	_ =	swait.ge [sflag:s21], $0x4000  }
0x133: {  	[sflag:s21] =	ssyncset.done $0x0  }
0x134: {  	s20 =	rddreg [dreg:$0x8];
	[sflag:s21] =	ssyncadd.s32 $0xFFFFC000  }
0x135: {  	[tilespmem:s19], [sflag:$0x1] =	stream.indirect.gather [hbm4b:s5+s16], $0x80, s20, s16, $0xb8;
	[tilespmem:$0x1D708] =	vst v63  }
0x136: {  	_ =	swait.ge [sflag:s18], $0x4000  }
0x137: {  	[sflag:s18] =	ssyncset.done $0x0  }
0x138: {  	[sflag:s18] =	ssyncadd.s32 $0xFFFFC000  }
0x139: {  	[spmem:s2] =	stream.indirect.scatter.add.f32 [tilespmem:s19], [sflag:$0x2], $0x80, s25, s16, $0xb8;
	[tilespmem:$0x1D708] =	vst v63  }
0x13a: {  	_ = 	snop  }
0x13b: {  	[spmem:s3] =	stream.indirect.scatter.add.f32 [tilespmem:s14], [sflag:$0x3], $0x1, s25, s16, $0xb8;
	[tilespmem:$0x1D708] =	vst v63  }
0x13c: {  	_ =	swait.ge [sflag:s21], $0x4000  }
0x13d: {  	[sflag:s21] =	ssyncset.done $0x0  }
0x13e: {  	s20 =	rddreg [dreg:$0x9];
	[sflag:s21] =	ssyncadd.s32 $0xFFFFC000  }
0x13f: {  	[tilespmem:s17], [sflag:$0x1] =	stream.indirect.gather [hbm4b:s5+s16], $0x80, s20, s16, $0xb8;
	[tilespmem:$0x1D708] =	vst v63  }
0x140: {  	_ =	swait.ge [sflag:s18], $0x4000  }
0x141: {  	[sflag:s18] =	ssyncset.done $0x0  }
0x142: {  	[sflag:s18] =	ssyncadd.s32 $0xFFFFC000  }
0x143: {  	[spmem:s2] =	stream.indirect.scatter.add.f32 [tilespmem:s17], [sflag:$0x2], $0x80, s26, s16, $0xb8;
	[tilespmem:$0x1D708] =	vst v63  }
0x144: {  	_ = 	snop  }
0x145: {  	[spmem:s3] =	stream.indirect.scatter.add.f32 [tilespmem:s14], [sflag:$0x3], $0x1, s26, s16, $0xb8;
	[tilespmem:$0x1D708] =	vst v63  }
0x146: {  	_ =	swait.ge [sflag:s21], $0x4000  }
0x147: {  	[sflag:s21] =	ssyncset.done $0x0  }
0x148: {  	s20 =	rddreg [dreg:$0xa];
	[sflag:s21] =	ssyncadd.s32 $0xFFFFC000  }
0x149: {  	[tilespmem:s19], [sflag:$0x1] =	stream.indirect.gather [hbm4b:s5+s16], $0x80, s20, s16, $0xb8;
	[tilespmem:$0x1D708] =	vst v63  }
0x14a: {  	_ =	swait.ge [sflag:s18], $0x4000  }
0x14b: {  	[sflag:s18] =	ssyncset.done $0x0  }
0x14c: {  	[sflag:s18] =	ssyncadd.s32 $0xFFFFC000  }
0x14d: {  	[spmem:s2] =	stream.indirect.scatter.add.f32 [tilespmem:s19], [sflag:$0x2], $0x80, s28, s16, $0xb8;
	[tilespmem:$0x1D708] =	vst v63  }
0x14e: {  	_ = 	snop  }
0x14f: {  	[spmem:s3] =	stream.indirect.scatter.add.f32 [tilespmem:s14], [sflag:$0x3], $0x1, s28, s16, $0xb8;
	[tilespmem:$0x1D708] =	vst v63  }
0x150: {  	_ =	swait.ge [sflag:s21], $0x4000  }
0x151: {  	[sflag:s21] =	ssyncset.done $0x0  }
0x152: {  	s20 =	rddreg [dreg:$0xb];
	[sflag:s21] =	ssyncadd.s32 $0xFFFFC000  }
0x153: {  	[tilespmem:s17], [sflag:$0x1] =	stream.indirect.gather [hbm4b:s5+s16], $0x80, s20, s16, $0xb8;
	[tilespmem:$0x1D708] =	vst v63  }
0x154: {  	_ =	swait.ge [sflag:s18], $0x4000  }
0x155: {  	[sflag:s18] =	ssyncset.done $0x0  }
0x156: {  	[sflag:s18] =	ssyncadd.s32 $0xFFFFC000  }
0x157: {  	[spmem:s2] =	stream.indirect.scatter.add.f32 [tilespmem:s17], [sflag:$0x2], $0x80, s29, s16, $0xb8;
	[tilespmem:$0x1D708] =	vst v63  }
0x158: {  	_ = 	snop  }
0x159: {  	[spmem:s3] =	stream.indirect.scatter.add.f32 [tilespmem:s14], [sflag:$0x3], $0x1, s29, s16, $0xb8;
	[tilespmem:$0x1D708] =	vst v63  }
0x15a: {  	_ =	swait.ge [sflag:s21], $0x4000  }
0x15b: {  	[sflag:s21] =	ssyncset.done $0x0  }
0x15c: {  	s20 =	rddreg [dreg:$0xc];
	[sflag:s21] =	ssyncadd.s32 $0xFFFFC000  }
0x15d: {  	[tilespmem:s19], [sflag:$0x1] =	stream.indirect.gather [hbm4b:s5+s16], $0x80, s20, s16, $0xb8;
	[tilespmem:$0x1D708] =	vst v63  }
0x15e: {  	_ =	swait.ge [sflag:s18], $0x4000  }
0x15f: {  	[sflag:s18] =	ssyncset.done $0x0  }
0x160: {  	[sflag:s18] =	ssyncadd.s32 $0xFFFFC000  }
0x161: {  	[spmem:s2] =	stream.indirect.scatter.add.f32 [tilespmem:s19], [sflag:$0x2], $0x80, s30, s16, $0xb8;
	[tilespmem:$0x1D708] =	vst v63  }
0x162: {  	_ = 	snop  }
0x163: {  	[spmem:s3] =	stream.indirect.scatter.add.f32 [tilespmem:s14], [sflag:$0x3], $0x1, s30, s16, $0xb8;
	[tilespmem:$0x1D708] =	vst v63  }
0x164: {  	_ =	swait.ge [sflag:s21], $0x4000  }
0x165: {  	[sflag:s21] =	ssyncset.done $0x0  }
0x166: {  	s20 =	rddreg [dreg:$0xd];
	[sflag:s21] =	ssyncadd.s32 $0xFFFFC000  }
0x167: {  	[tilespmem:s17], [sflag:$0x1] =	stream.indirect.gather [hbm4b:s5+s16], $0x80, s20, s16, $0xb8;
	[tilespmem:$0x1D708] =	vst v63  }
0x168: {  	_ =	swait.ge [sflag:s18], $0x4000  }
0x169: {  	[sflag:s18] =	ssyncset.done $0x0  }
0x16a: {  	[sflag:s18] =	ssyncadd.s32 $0xFFFFC000  }
0x16b: {  	[spmem:s2] =	stream.indirect.scatter.add.f32 [tilespmem:s17], [sflag:$0x2], $0x80, s31, s16, $0xb8;
	[tilespmem:$0x1D708] =	vst v63  }
0x16c: {  	_ = 	snop  }
0x16d: {  	[spmem:s3] =	stream.indirect.scatter.add.f32 [tilespmem:s14], [sflag:$0x3], $0x1, s31, s16, $0xb8;
	[tilespmem:$0x1D708] =	vst v63  }
0x16e: {  	_ =	swait.ge [sflag:s21], $0x4000  }
0x16f: {  	[sflag:s21] =	ssyncset.done $0x0  }
0x170: {  	s20 =	rddreg [dreg:$0xe];
	[sflag:s21] =	ssyncadd.s32 $0xFFFFC000  }
0x171: {  	[tilespmem:s19], [sflag:$0x1] =	stream.indirect.gather [hbm4b:s5+s16], $0x80, s20, s16, $0xb8;
	[tilespmem:$0x1D708] =	vst v63  }
0x172: {  	_ =	swait.ge [sflag:s18], $0x4000  }
0x173: {  	[sflag:s18] =	ssyncset.done $0x0  }
0x174: {  	[sflag:s18] =	ssyncadd.s32 $0xFFFFC000  }
0x175: {  	[spmem:s2] =	stream.indirect.scatter.add.f32 [tilespmem:s19], [sflag:$0x2], $0x80, s1, s16, $0xb8;
	[tilespmem:$0x1D708] =	vst v63  }
0x176: {  	_ = 	snop  }
0x177: {  	[spmem:s3] =	stream.indirect.scatter.add.f32 [tilespmem:s14], [sflag:$0x3], $0x1, s1, s16, $0xb8;
	[tilespmem:$0x1D708] =	vst v63  }
0x178: {  	_ =	swait.ge [sflag:s21], $0x4000  }
0x179: {  	[sflag:s21] =	ssyncset.done $0x0  }
0x17a: {  	s20 =	rddreg [dreg:$0xf];
	[sflag:s21] =	ssyncadd.s32 $0xFFFFC000  }
0x17b: {  	[tilespmem:s17], [sflag:$0x1] =	stream.indirect.gather [hbm4b:s5+s16], $0x80, s20, s16, $0xb8;
	[tilespmem:$0x1D708] =	vst v63  }
0x17c: {  	_ =	swait.ge [sflag:s18], $0x4000  }
0x17d: {  	[sflag:s18] =	ssyncset.done $0x0  }
0x17e: {  	[sflag:s18] =	ssyncadd.s32 $0xFFFFC000  }
0x17f: {  	[spmem:s2] =	stream.indirect.scatter.add.f32 [tilespmem:s17], [sflag:$0x2], $0x80, s0, s16, $0xb8;
	[tilespmem:$0x1D708] =	vst v63  }
0x180: {  	_ = 	snop  }
0x181: {  	[spmem:s3] =	stream.indirect.scatter.add.f32 [tilespmem:s14], [sflag:$0x3], $0x1, s0, s16, $0xb8;
	[tilespmem:$0x1D708] =	vst v63  }
0x182: {  	_ =	swait.ge [sflag:s21], $0x4000  }
0x183: {  	[sflag:s21] =	ssyncset.done $0x0  }
0x184: {  	s20 =	rddreg [dreg:$0x10];
	[sflag:s21] =	ssyncadd.s32 $0xFFFFC000  }
0x185: {  	[tilespmem:s19], [sflag:$0x1] =	stream.indirect.gather [hbm4b:s5+s16], $0x80, s20, s16, $0xb8;
	[tilespmem:$0x1D708] =	vst v63  }
0x186: {  	_ =	swait.ge [sflag:s18], $0x4000  }
0x187: {  	[sflag:s18] =	ssyncset.done $0x0  }
0x188: {  	[sflag:s18] =	ssyncadd.s32 $0xFFFFC000  }
0x189: {  	[spmem:s2] =	stream.indirect.scatter.add.f32 [tilespmem:s19], [sflag:$0x2], $0x80, s6, s16, $0xb8;
	[tilespmem:$0x1D708] =	vst v63  }
0x18a: {  	_ = 	snop  }
0x18b: {  	[spmem:s3] =	stream.indirect.scatter.add.f32 [tilespmem:s14], [sflag:$0x3], $0x1, s6, s16, $0xb8;
	[tilespmem:$0x1D708] =	vst v63  }
0x18c: {  	_ =	swait.ge [sflag:s21], $0x4000  }
0x18d: {  	[sflag:s21] =	ssyncset.done $0x0  }
0x18e: {  	s20 =	rddreg [dreg:$0x11];
	[sflag:s21] =	ssyncadd.s32 $0xFFFFC000  }
0x18f: {  	[tilespmem:s17], [sflag:$0x1] =	stream.indirect.gather [hbm4b:s5+s16], $0x80, s20, s16, $0xb8;
	[tilespmem:$0x1D708] =	vst v63  }
0x190: {  	_ =	swait.ge [sflag:s18], $0x4000  }
0x191: {  	[sflag:s18] =	ssyncset.done $0x0  }
0x192: {  	[sflag:s18] =	ssyncadd.s32 $0xFFFFC000  }
0x193: {  	[spmem:s2] =	stream.indirect.scatter.add.f32 [tilespmem:s17], [sflag:$0x2], $0x80, s7, s16, $0xb8;
	[tilespmem:$0x1D708] =	vst v63  }
0x194: {  	_ = 	snop  }
0x195: {  	[spmem:s3] =	stream.indirect.scatter.add.f32 [tilespmem:s14], [sflag:$0x3], $0x1, s7, s16, $0xb8;
	[tilespmem:$0x1D708] =	vst v63  }
0x196: {  	_ =	swait.ge [sflag:s21], $0x4000  }
0x197: {  	[sflag:s21] =	ssyncset.done $0x0  }
0x198: {  	s20 =	rddreg [dreg:$0x12];
	[sflag:s21] =	ssyncadd.s32 $0xFFFFC000  }
0x199: {  	[tilespmem:s19], [sflag:$0x1] =	stream.indirect.gather [hbm4b:s5+s16], $0x80, s20, s16, $0xb8;
	[tilespmem:$0x1D708] =	vst v63  }
0x19a: {  	_ =	swait.ge [sflag:s18], $0x4000  }
0x19b: {  	[sflag:s18] =	ssyncset.done $0x0  }
0x19c: {  	[sflag:s18] =	ssyncadd.s32 $0xFFFFC000  }
0x19d: {  	[spmem:s2] =	stream.indirect.scatter.add.f32 [tilespmem:s19], [sflag:$0x2], $0x80, s8, s16, $0xb8;
	[tilespmem:$0x1D708] =	vst v63  }
0x19e: {  	_ = 	snop  }
0x19f: {  	[spmem:s3] =	stream.indirect.scatter.add.f32 [tilespmem:s14], [sflag:$0x3], $0x1, s8, s16, $0xb8;
	[tilespmem:$0x1D708] =	vst v63  }
0x1a0: {  	_ =	swait.ge [sflag:s21], $0x4000  }
0x1a1: {  	[sflag:s21] =	ssyncset.done $0x0  }
0x1a2: {  	s20 =	rddreg [dreg:$0x13];
	[sflag:s21] =	ssyncadd.s32 $0xFFFFC000  }
0x1a3: {  	[tilespmem:s17], [sflag:$0x1] =	stream.indirect.gather [hbm4b:s5+s16], $0x80, s20, s16, $0xb8;
	[tilespmem:$0x1D708] =	vst v63  }
0x1a4: {  	_ =	swait.ge [sflag:s18], $0x4000  }
0x1a5: {  	[sflag:s18] =	ssyncset.done $0x0  }
0x1a6: {  	[sflag:s18] =	ssyncadd.s32 $0xFFFFC000  }
0x1a7: {  	[spmem:s2] =	stream.indirect.scatter.add.f32 [tilespmem:s17], [sflag:$0x2], $0x80, s10, s16, $0xb8;
	[tilespmem:$0x1D708] =	vst v63  }
0x1a8: {  	_ = 	snop  }
0x1a9: {  	[spmem:s3] =	stream.indirect.scatter.add.f32 [tilespmem:s14], [sflag:$0x3], $0x1, s10, s16, $0xb8;
	[tilespmem:$0x1D708] =	vst v63  }
0x1aa: {  	_ =	swait.ge [sflag:s21], $0x4000  }
0x1ab: {  	[sflag:s21] =	ssyncset.done $0x0  }
0x1ac: {  	s20 =	rddreg [dreg:$0x14];
	[sflag:s21] =	ssyncadd.s32 $0xFFFFC000  }
0x1ad: {  	[tilespmem:s19], [sflag:$0x1] =	stream.indirect.gather [hbm4b:s5+s16], $0x80, s20, s16, $0xb8;
	[tilespmem:$0x1D708] =	vst v63  }
0x1ae: {  	_ =	swait.ge [sflag:s18], $0x4000  }
0x1af: {  	[sflag:s18] =	ssyncset.done $0x0  }
0x1b0: {  	[sflag:s18] =	ssyncadd.s32 $0xFFFFC000  }
0x1b1: {  	[spmem:s2] =	stream.indirect.scatter.add.f32 [tilespmem:s19], [sflag:$0x2], $0x80, s22, s16, $0xb8;
	[tilespmem:$0x1D708] =	vst v63  }
0x1b2: {  	_ = 	snop  }
0x1b3: {  	[spmem:s3] =	stream.indirect.scatter.add.f32 [tilespmem:s14], [sflag:$0x3], $0x1, s22, s16, $0xb8;
	[tilespmem:$0x1D708] =	vst v63  }
0x1b4: {  	_ =	swait.ge [sflag:s21], $0x4000  }
0x1b5: {  	[sflag:s21] =	ssyncset.done $0x0  }
0x1b6: {  	[sflag:s21] =	ssyncadd.s32 $0xFFFFC000  }
0x1b7: {  	_ =	swait.ge [sflag:s21], $0x4000  }
0x1b8: {  	[sflag:s21] =	ssyncset.done $0x0  }
0x1b9: {  	[sflag:s21] =	ssyncadd.s32 $0xFFFFC000  }
0x1ba: {  	_ =	swait.ge [sflag:s24], $0x80  }
0x1bb: {  	[sflag:s24] =	ssyncset.done $0x0  }
0x1bc: {  	[sflag:s24] =	ssyncadd.s32 $0xFFFFFF80  }
0x1bd: {  	_ =	swait.ge [sflag:s24], $0x80  }
0x1be: {  	[sflag:s24] =	ssyncset.done $0x0  }
0x1bf: {  	[sflag:s24] =	ssyncadd.s32 $0xFFFFFF80  }
0x1c0: {  	_ =	swait.ge [sflag:s24], $0x80  }
0x1c1: {  	[sflag:s24] =	ssyncset.done $0x0  }
0x1c2: {  	[sflag:s24] =	ssyncadd.s32 $0xFFFFFF80  }
0x1c3: {  	_ =	swait.ge [sflag:s24], $0x80  }
0x1c4: {  	[sflag:s24] =	ssyncset.done $0x0  }
0x1c5: {  	[sflag:s24] =	ssyncadd.s32 $0xFFFFFF80  }
0x1c6: {  	_ =	swait.ge [sflag:s24], $0x80  }
0x1c7: {  	[sflag:s24] =	ssyncset.done $0x0  }
0x1c8: {  	[sflag:s24] =	ssyncadd.s32 $0xFFFFFF80  }
0x1c9: {  	_ =	swait.ge [sflag:s24], $0x80  }
0x1ca: {  	[sflag:s24] =	ssyncset.done $0x0  }
0x1cb: {  	[sflag:s24] =	ssyncadd.s32 $0xFFFFFF80  }
0x1cc: {  	_ =	swait.ge [sflag:s24], $0x80  }
0x1cd: {  	[sflag:s24] =	ssyncset.done $0x0  }
0x1ce: {  	[sflag:s24] =	ssyncadd.s32 $0xFFFFFF80  }
0x1cf: {  	_ =	swait.ge [sflag:s24], $0x80  }
0x1d0: {  	[sflag:s24] =	ssyncset.done $0x0  }
0x1d1: {  	[sflag:s24] =	ssyncadd.s32 $0xFFFFFF80  }
0x1d2: {  	_ =	swait.ge [sflag:s24], $0x80  }
0x1d3: {  	[sflag:s24] =	ssyncset.done $0x0  }
0x1d4: {  	[sflag:s24] =	ssyncadd.s32 $0xFFFFFF80  }
0x1d5: {  	_ =	swait.ge [sflag:s24], $0x80  }
0x1d6: {  	[sflag:s24] =	ssyncset.done $0x0  }
0x1d7: {  	[sflag:s24] =	ssyncadd.s32 $0xFFFFFF80  }
0x1d8: {  	_ =	swait.ge [sflag:s24], $0x80  }
0x1d9: {  	[sflag:s24] =	ssyncset.done $0x0  }
0x1da: {  	[sflag:s24] =	ssyncadd.s32 $0xFFFFFF80  }
0x1db: {  	_ =	swait.ge [sflag:s24], $0x80  }
0x1dc: {  	[sflag:s24] =	ssyncset.done $0x0  }
0x1dd: {  	[sflag:s24] =	ssyncadd.s32 $0xFFFFFF80  }
0x1de: {  	_ =	swait.ge [sflag:s24], $0x80  }
0x1df: {  	[sflag:s24] =	ssyncset.done $0x0  }
0x1e0: {  	[sflag:s24] =	ssyncadd.s32 $0xFFFFFF80  }
0x1e1: {  	_ =	swait.ge [sflag:s24], $0x80  }
0x1e2: {  	[sflag:s24] =	ssyncset.done $0x0  }
0x1e3: {  	p0 =	sne.s32 s9, $0x400;
	[sflag:s24] =	ssyncadd.s32 $0xFFFFFF80  }
.Ltmp0:
0x1e4: {  	_ =	swait.ge [sflag:s24], $0x80;
	(pc) =	sbr.rel @p0 .LBB2_2-.Ltmp0, $4  }
0x1e5: {  	[sflag:s24] =	ssyncset.done $0x0  }
0x1e6: {  	[sflag:s24] =	ssyncadd.s32 $0xFFFFFF80  }
0x1e7: {  	_ =	swait.ge [sflag:s24], $0x80  }
0x1e8: {  	s9 =	sadd.s32 $0x100, s9;
	s11 =	rddreg [dreg:$0x6];
	[sflag:s24] =	ssyncset.done $0x0  }
0x1e9: {  	[sflag:s24] =	ssyncadd.s32 $0xFFFFFF80;
	s9 =	sadd.s32 s13, s11  }
0x1ea: {  	[tilespmem:s4], [sflag:$0x4] =	stream.linear.gather [hbm4b:s9+s4], $0x800, $0x38;
	[tilespmem:$0x1D708] =	vst v63  }
0x1eb: {  	_ =	swait.ge [sflag:s12], $0x800  }
0x1ec: {  	s11 =	rddreg [dreg:$0x5];
	[sflag:s12] =	ssyncset.done $0x0  }
0x1ed: {  	s9 =	sadd.s32 s13, s11;
	[sflag:s12] =	ssyncadd.s32 $0xFFFFF800  }
0x1ee: {  	[tilespmem:s15], [sflag:$0x4] =	stream.linear.gather [hbm4b:s9+s4], $0x800, $0x38;
	[tilespmem:$0x1D708] =	vst v63  }
0x1ef: {  	_ =	swait.ge [sflag:s12], $0x800  }
0x1f0: {  	[sflag:s12] =	ssyncset.done $0x0  }
0x1f1: {  	[sflag:s12] =	ssyncadd.s32 $0xFFFFF800  }
0x1f2: {  	[tilespmem:s17], [sflag:$0x1] =	stream.indirect.gather [hbm4b:s5+s16], $0x80, s4, s16, $0xb8;
	[tilespmem:$0x1D708] =	vst v63  }
0x1f3: {  	_ =	swait.ge [sflag:s18], $0x4000  }
0x1f4: {  	[sflag:s18] =	ssyncset.done $0x0  }
0x1f5: {  	[sflag:s18] =	ssyncadd.s32 $0xFFFFC000  }
0x1f6: {  	[spmem:s2] =	stream.indirect.scatter.add.f32 [tilespmem:s17], [sflag:$0x2], $0x80, s15, s16, $0xb8;
	[tilespmem:$0x1D708] =	vst v63  }
0x1f7: {  	_ = 	snop  }
0x1f8: {  	[spmem:s3] =	stream.indirect.scatter.add.f32 [tilespmem:s14], [sflag:$0x3], $0x1, s15, s16, $0xb8;
	[tilespmem:$0x1D708] =	vst v63  }
0x1f9: {  	_ = 	snop  }
0x1fa: {  	[tilespmem:s19], [sflag:$0x1] =	stream.indirect.gather [hbm4b:s5+s16], $0x80, s16, s16, $0xb8;
	[tilespmem:$0x1D708] =	vst v63  }
0x1fb: {  	_ =	swait.ge [sflag:s18], $0x4000  }
0x1fc: {  	[sflag:s18] =	ssyncset.done $0x0  }
0x1fd: {  	s13 =	simm.s32 $0x880;
	[sflag:s18] =	ssyncadd.s32 $0xFFFFC000  }
0x1fe: {  	[spmem:s2] =	stream.indirect.scatter.add.f32 [tilespmem:s19], [sflag:$0x2], $0x80, s13, s16, $0xb8;
	[tilespmem:$0x1D708] =	vst v63  }
0x1ff: {  	_ = 	snop  }
0x200: {  	[spmem:s3] =	stream.indirect.scatter.add.f32 [tilespmem:s14], [sflag:$0x3], $0x1, s13, s16, $0xb8;
	[tilespmem:$0x1D708] =	vst v63  }
0x201: {  	_ =	swait.ge [sflag:s21], $0x4000  }
0x202: {  	[sflag:s21] =	ssyncset.done $0x0  }
0x203: {  	s20 =	rddreg [dreg:$0x7];
	[sflag:s21] =	ssyncadd.s32 $0xFFFFC000  }
0x204: {  	[tilespmem:s17], [sflag:$0x1] =	stream.indirect.gather [hbm4b:s5+s16], $0x80, s20, s16, $0xb8;
	[tilespmem:$0x1D708] =	vst v63  }
0x205: {  	_ =	swait.ge [sflag:s18], $0x4000  }
0x206: {  	[sflag:s18] =	ssyncset.done $0x0  }
0x207: {  	[sflag:s18] =	ssyncadd.s32 $0xFFFFC000  }
0x208: {  	[spmem:s2] =	stream.indirect.scatter.add.f32 [tilespmem:s17], [sflag:$0x2], $0x80, s23, s16, $0xb8;
	[tilespmem:$0x1D708] =	vst v63  }
0x209: {  	_ = 	snop  }
0x20a: {  	[spmem:s3] =	stream.indirect.scatter.add.f32 [tilespmem:s14], [sflag:$0x3], $0x1, s23, s16, $0xb8;
	[tilespmem:$0x1D708] =	vst v63  }
0x20b: {  	_ =	swait.ge [sflag:s21], $0x4000  }
0x20c: {  	[sflag:s21] =	ssyncset.done $0x0  }
0x20d: {  	s11 =	rddreg [dreg:$0x8];
	[sflag:s21] =	ssyncadd.s32 $0xFFFFC000  }
0x20e: {  	[tilespmem:s19], [sflag:$0x1] =	stream.indirect.gather [hbm4b:s5+s16], $0x80, s11, s16, $0xb8;
	[tilespmem:$0x1D708] =	vst v63  }
0x20f: {  	_ =	swait.ge [sflag:s18], $0x4000  }
0x210: {  	[sflag:s18] =	ssyncset.done $0x0  }
0x211: {  	[sflag:s18] =	ssyncadd.s32 $0xFFFFC000  }
0x212: {  	[spmem:s2] =	stream.indirect.scatter.add.f32 [tilespmem:s19], [sflag:$0x2], $0x80, s25, s16, $0xb8;
	[tilespmem:$0x1D708] =	vst v63  }
0x213: {  	_ = 	snop  }
0x214: {  	[spmem:s3] =	stream.indirect.scatter.add.f32 [tilespmem:s14], [sflag:$0x3], $0x1, s25, s16, $0xb8;
	[tilespmem:$0x1D708] =	vst v63  }
0x215: {  	_ =	swait.ge [sflag:s21], $0x4000  }
0x216: {  	[sflag:s21] =	ssyncset.done $0x0  }
0x217: {  	s13 =	rddreg [dreg:$0x9];
	[sflag:s21] =	ssyncadd.s32 $0xFFFFC000  }
0x218: {  	[tilespmem:s17], [sflag:$0x1] =	stream.indirect.gather [hbm4b:s5+s16], $0x80, s13, s16, $0xb8;
	[tilespmem:$0x1D708] =	vst v63  }
0x219: {  	_ =	swait.ge [sflag:s18], $0x4000  }
0x21a: {  	[sflag:s18] =	ssyncset.done $0x0  }
0x21b: {  	[sflag:s18] =	ssyncadd.s32 $0xFFFFC000  }
0x21c: {  	[spmem:s2] =	stream.indirect.scatter.add.f32 [tilespmem:s17], [sflag:$0x2], $0x80, s26, s16, $0xb8;
	[tilespmem:$0x1D708] =	vst v63  }
0x21d: {  	_ = 	snop  }
0x21e: {  	[spmem:s3] =	stream.indirect.scatter.add.f32 [tilespmem:s14], [sflag:$0x3], $0x1, s26, s16, $0xb8;
	[tilespmem:$0x1D708] =	vst v63  }
0x21f: {  	_ =	swait.ge [sflag:s21], $0x4000  }
0x220: {  	[sflag:s21] =	ssyncset.done $0x0  }
0x221: {  	s20 =	rddreg [dreg:$0xa];
	[sflag:s21] =	ssyncadd.s32 $0xFFFFC000  }
0x222: {  	[tilespmem:s19], [sflag:$0x1] =	stream.indirect.gather [hbm4b:s5+s16], $0x80, s20, s16, $0xb8;
	[tilespmem:$0x1D708] =	vst v63  }
0x223: {  	_ =	swait.ge [sflag:s18], $0x4000  }
0x224: {  	[sflag:s18] =	ssyncset.done $0x0  }
0x225: {  	[sflag:s18] =	ssyncadd.s32 $0xFFFFC000  }
0x226: {  	[spmem:s2] =	stream.indirect.scatter.add.f32 [tilespmem:s19], [sflag:$0x2], $0x80, s28, s16, $0xb8;
	[tilespmem:$0x1D708] =	vst v63  }
0x227: {  	_ = 	snop  }
0x228: {  	[spmem:s3] =	stream.indirect.scatter.add.f32 [tilespmem:s14], [sflag:$0x3], $0x1, s28, s16, $0xb8;
	[tilespmem:$0x1D708] =	vst v63  }
0x229: {  	_ =	swait.ge [sflag:s21], $0x4000  }
0x22a: {  	[sflag:s21] =	ssyncset.done $0x0  }
0x22b: {  	s23 =	rddreg [dreg:$0xb];
	[sflag:s21] =	ssyncadd.s32 $0xFFFFC000  }
0x22c: {  	[tilespmem:s17], [sflag:$0x1] =	stream.indirect.gather [hbm4b:s5+s16], $0x80, s23, s16, $0xb8;
	[tilespmem:$0x1D708] =	vst v63  }
0x22d: {  	_ =	swait.ge [sflag:s18], $0x4000  }
0x22e: {  	[sflag:s18] =	ssyncset.done $0x0  }
0x22f: {  	[sflag:s18] =	ssyncadd.s32 $0xFFFFC000  }
0x230: {  	[spmem:s2] =	stream.indirect.scatter.add.f32 [tilespmem:s17], [sflag:$0x2], $0x80, s29, s16, $0xb8;
	[tilespmem:$0x1D708] =	vst v63  }
0x231: {  	_ = 	snop  }
0x232: {  	[spmem:s3] =	stream.indirect.scatter.add.f32 [tilespmem:s14], [sflag:$0x3], $0x1, s29, s16, $0xb8;
	[tilespmem:$0x1D708] =	vst v63  }
0x233: {  	_ =	swait.ge [sflag:s21], $0x4000  }
0x234: {  	[sflag:s21] =	ssyncset.done $0x0  }
0x235: {  	s11 =	rddreg [dreg:$0xc];
	[sflag:s21] =	ssyncadd.s32 $0xFFFFC000  }
0x236: {  	[tilespmem:s19], [sflag:$0x1] =	stream.indirect.gather [hbm4b:s5+s16], $0x80, s11, s16, $0xb8;
	[tilespmem:$0x1D708] =	vst v63  }
0x237: {  	_ =	swait.ge [sflag:s18], $0x4000  }
0x238: {  	[sflag:s18] =	ssyncset.done $0x0  }
0x239: {  	[sflag:s18] =	ssyncadd.s32 $0xFFFFC000  }
0x23a: {  	[spmem:s2] =	stream.indirect.scatter.add.f32 [tilespmem:s19], [sflag:$0x2], $0x80, s30, s16, $0xb8;
	[tilespmem:$0x1D708] =	vst v63  }
0x23b: {  	_ = 	snop  }
0x23c: {  	[spmem:s3] =	stream.indirect.scatter.add.f32 [tilespmem:s14], [sflag:$0x3], $0x1, s30, s16, $0xb8;
	[tilespmem:$0x1D708] =	vst v63  }
0x23d: {  	_ =	swait.ge [sflag:s21], $0x4000  }
0x23e: {  	[sflag:s21] =	ssyncset.done $0x0  }
0x23f: {  	s13 =	rddreg [dreg:$0xd];
	[sflag:s21] =	ssyncadd.s32 $0xFFFFC000  }
0x240: {  	[tilespmem:s17], [sflag:$0x1] =	stream.indirect.gather [hbm4b:s5+s16], $0x80, s13, s16, $0xb8;
	[tilespmem:$0x1D708] =	vst v63  }
0x241: {  	_ =	swait.ge [sflag:s18], $0x4000  }
0x242: {  	[sflag:s18] =	ssyncset.done $0x0  }
0x243: {  	[sflag:s18] =	ssyncadd.s32 $0xFFFFC000  }
0x244: {  	[spmem:s2] =	stream.indirect.scatter.add.f32 [tilespmem:s17], [sflag:$0x2], $0x80, s31, s16, $0xb8;
	[tilespmem:$0x1D708] =	vst v63  }
0x245: {  	_ = 	snop  }
0x246: {  	[spmem:s3] =	stream.indirect.scatter.add.f32 [tilespmem:s14], [sflag:$0x3], $0x1, s31, s16, $0xb8;
	[tilespmem:$0x1D708] =	vst v63  }
0x247: {  	_ =	swait.ge [sflag:s21], $0x4000  }
0x248: {  	[sflag:s21] =	ssyncset.done $0x0  }
0x249: {  	s20 =	rddreg [dreg:$0xe];
	[sflag:s21] =	ssyncadd.s32 $0xFFFFC000  }
0x24a: {  	[tilespmem:s19], [sflag:$0x1] =	stream.indirect.gather [hbm4b:s5+s16], $0x80, s20, s16, $0xb8;
	[tilespmem:$0x1D708] =	vst v63  }
0x24b: {  	_ =	swait.ge [sflag:s18], $0x4000  }
0x24c: {  	[sflag:s18] =	ssyncset.done $0x0  }
0x24d: {  	[sflag:s18] =	ssyncadd.s32 $0xFFFFC000  }
0x24e: {  	[spmem:s2] =	stream.indirect.scatter.add.f32 [tilespmem:s19], [sflag:$0x2], $0x80, s1, s16, $0xb8;
	[tilespmem:$0x1D708] =	vst v63  }
0x24f: {  	_ = 	snop  }
0x250: {  	[spmem:s3] =	stream.indirect.scatter.add.f32 [tilespmem:s14], [sflag:$0x3], $0x1, s1, s16, $0xb8;
	[tilespmem:$0x1D708] =	vst v63  }
0x251: {  	_ =	swait.ge [sflag:s21], $0x4000  }
0x252: {  	[sflag:s21] =	ssyncset.done $0x0  }
0x253: {  	s23 =	rddreg [dreg:$0xf];
	[sflag:s21] =	ssyncadd.s32 $0xFFFFC000  }
0x254: {  	[tilespmem:s17], [sflag:$0x1] =	stream.indirect.gather [hbm4b:s5+s16], $0x80, s23, s16, $0xb8;
	[tilespmem:$0x1D708] =	vst v63  }
0x255: {  	_ =	swait.ge [sflag:s18], $0x4000  }
0x256: {  	[sflag:s18] =	ssyncset.done $0x0  }
0x257: {  	[sflag:s18] =	ssyncadd.s32 $0xFFFFC000  }
0x258: {  	[spmem:s2] =	stream.indirect.scatter.add.f32 [tilespmem:s17], [sflag:$0x2], $0x80, s0, s16, $0xb8;
	[tilespmem:$0x1D708] =	vst v63  }
0x259: {  	_ = 	snop  }
0x25a: {  	[spmem:s3] =	stream.indirect.scatter.add.f32 [tilespmem:s14], [sflag:$0x3], $0x1, s0, s16, $0xb8;
	[tilespmem:$0x1D708] =	vst v63  }
0x25b: {  	_ =	swait.ge [sflag:s21], $0x4000  }
0x25c: {  	[sflag:s21] =	ssyncset.done $0x0  }
0x25d: {  	s11 =	rddreg [dreg:$0x10];
	[sflag:s21] =	ssyncadd.s32 $0xFFFFC000  }
0x25e: {  	[tilespmem:s19], [sflag:$0x1] =	stream.indirect.gather [hbm4b:s5+s16], $0x80, s11, s16, $0xb8;
	[tilespmem:$0x1D708] =	vst v63  }
0x25f: {  	_ =	swait.ge [sflag:s18], $0x4000  }
0x260: {  	[sflag:s18] =	ssyncset.done $0x0  }
0x261: {  	[sflag:s18] =	ssyncadd.s32 $0xFFFFC000  }
0x262: {  	[spmem:s2] =	stream.indirect.scatter.add.f32 [tilespmem:s19], [sflag:$0x2], $0x80, s6, s16, $0xb8;
	[tilespmem:$0x1D708] =	vst v63  }
0x263: {  	_ = 	snop  }
0x264: {  	[spmem:s3] =	stream.indirect.scatter.add.f32 [tilespmem:s14], [sflag:$0x3], $0x1, s6, s16, $0xb8;
	[tilespmem:$0x1D708] =	vst v63  }
0x265: {  	_ =	swait.ge [sflag:s21], $0x4000  }
0x266: {  	[sflag:s21] =	ssyncset.done $0x0  }
0x267: {  	s13 =	rddreg [dreg:$0x11];
	[sflag:s21] =	ssyncadd.s32 $0xFFFFC000  }
0x268: {  	[tilespmem:s17], [sflag:$0x1] =	stream.indirect.gather [hbm4b:s5+s16], $0x80, s13, s16, $0xb8;
	[tilespmem:$0x1D708] =	vst v63  }
0x269: {  	_ =	swait.ge [sflag:s18], $0x4000  }
0x26a: {  	[sflag:s18] =	ssyncset.done $0x0  }
0x26b: {  	[sflag:s18] =	ssyncadd.s32 $0xFFFFC000  }
0x26c: {  	[spmem:s2] =	stream.indirect.scatter.add.f32 [tilespmem:s17], [sflag:$0x2], $0x80, s7, s16, $0xb8;
	[tilespmem:$0x1D708] =	vst v63  }
0x26d: {  	_ = 	snop  }
0x26e: {  	[spmem:s3] =	stream.indirect.scatter.add.f32 [tilespmem:s14], [sflag:$0x3], $0x1, s7, s16, $0xb8;
	[tilespmem:$0x1D708] =	vst v63  }
0x26f: {  	_ =	swait.ge [sflag:s21], $0x4000  }
0x270: {  	[sflag:s21] =	ssyncset.done $0x0  }
0x271: {  	s20 =	rddreg [dreg:$0x12];
	[sflag:s21] =	ssyncadd.s32 $0xFFFFC000  }
0x272: {  	[tilespmem:s19], [sflag:$0x1] =	stream.indirect.gather [hbm4b:s5+s16], $0x80, s20, s16, $0xb8;
	[tilespmem:$0x1D708] =	vst v63  }
0x273: {  	_ =	swait.ge [sflag:s18], $0x4000  }
0x274: {  	[sflag:s18] =	ssyncset.done $0x0  }
0x275: {  	[sflag:s18] =	ssyncadd.s32 $0xFFFFC000  }
0x276: {  	[spmem:s2] =	stream.indirect.scatter.add.f32 [tilespmem:s19], [sflag:$0x2], $0x80, s8, s16, $0xb8;
	[tilespmem:$0x1D708] =	vst v63  }
0x277: {  	_ = 	snop  }
0x278: {  	[spmem:s3] =	stream.indirect.scatter.add.f32 [tilespmem:s14], [sflag:$0x3], $0x1, s8, s16, $0xb8;
	[tilespmem:$0x1D708] =	vst v63  }
0x279: {  	_ =	swait.ge [sflag:s21], $0x4000  }
0x27a: {  	[sflag:s21] =	ssyncset.done $0x0  }
0x27b: {  	s23 =	rddreg [dreg:$0x13];
	[sflag:s21] =	ssyncadd.s32 $0xFFFFC000  }
0x27c: {  	[tilespmem:s17], [sflag:$0x1] =	stream.indirect.gather [hbm4b:s5+s16], $0x80, s23, s16, $0xb8;
	[tilespmem:$0x1D708] =	vst v63  }
0x27d: {  	_ =	swait.ge [sflag:s18], $0x4000  }
0x27e: {  	[sflag:s18] =	ssyncset.done $0x0  }
0x27f: {  	[sflag:s18] =	ssyncadd.s32 $0xFFFFC000  }
0x280: {  	[spmem:s2] =	stream.indirect.scatter.add.f32 [tilespmem:s17], [sflag:$0x2], $0x80, s10, s16, $0xb8;
	[tilespmem:$0x1D708] =	vst v63  }
0x281: {  	_ = 	snop  }
0x282: {  	[spmem:s3] =	stream.indirect.scatter.add.f32 [tilespmem:s14], [sflag:$0x3], $0x1, s10, s16, $0xb8;
	[tilespmem:$0x1D708] =	vst v63  }
0x283: {  	_ =	swait.ge [sflag:s21], $0x4000  }
0x284: {  	[sflag:s21] =	ssyncset.done $0x0  }
0x285: {  	s11 =	rddreg [dreg:$0x14];
	[sflag:s21] =	ssyncadd.s32 $0xFFFFC000  }
0x286: {  	[tilespmem:s19], [sflag:$0x1] =	stream.indirect.gather [hbm4b:s5+s16], $0x80, s11, s16, $0xb8;
	[tilespmem:$0x1D708] =	vst v63  }
0x287: {  	_ =	swait.ge [sflag:s18], $0x4000  }
0x288: {  	[sflag:s18] =	ssyncset.done $0x0  }
0x289: {  	[sflag:s18] =	ssyncadd.s32 $0xFFFFC000  }
0x28a: {  	[spmem:s2] =	stream.indirect.scatter.add.f32 [tilespmem:s19], [sflag:$0x2], $0x80, s22, s16, $0xb8;
	[tilespmem:$0x1D708] =	vst v63  }
0x28b: {  	_ = 	snop  }
0x28c: {  	[spmem:s3] =	stream.indirect.scatter.add.f32 [tilespmem:s14], [sflag:$0x3], $0x1, s22, s16, $0xb8;
	[tilespmem:$0x1D708] =	vst v63  }
0x28d: {  	_ =	swait.ge [sflag:s21], $0x4000  }
0x28e: {  	[sflag:s21] =	ssyncset.done $0x0  }
0x28f: {  	[sflag:s21] =	ssyncadd.s32 $0xFFFFC000  }
0x290: {  	_ =	swait.ge [sflag:s21], $0x4000  }
0x291: {  	[sflag:s21] =	ssyncset.done $0x0  }
0x292: {  	[sflag:s21] =	ssyncadd.s32 $0xFFFFC000  }
0x293: {  	_ =	swait.ge [sflag:s24], $0x80  }
0x294: {  	[sflag:s24] =	ssyncset.done $0x0  }
0x295: {  	[sflag:s24] =	ssyncadd.s32 $0xFFFFFF80  }
0x296: {  	_ =	swait.ge [sflag:s24], $0x80  }
0x297: {  	[sflag:s24] =	ssyncset.done $0x0  }
0x298: {  	[sflag:s24] =	ssyncadd.s32 $0xFFFFFF80  }
0x299: {  	_ =	swait.ge [sflag:s24], $0x80  }
0x29a: {  	[sflag:s24] =	ssyncset.done $0x0  }
0x29b: {  	[sflag:s24] =	ssyncadd.s32 $0xFFFFFF80  }
0x29c: {  	_ =	swait.ge [sflag:s24], $0x80  }
0x29d: {  	[sflag:s24] =	ssyncset.done $0x0  }
0x29e: {  	[sflag:s24] =	ssyncadd.s32 $0xFFFFFF80  }
0x29f: {  	_ =	swait.ge [sflag:s24], $0x80  }
0x2a0: {  	[sflag:s24] =	ssyncset.done $0x0  }
0x2a1: {  	[sflag:s24] =	ssyncadd.s32 $0xFFFFFF80  }
0x2a2: {  	_ =	swait.ge [sflag:s24], $0x80  }
0x2a3: {  	[sflag:s24] =	ssyncset.done $0x0  }
0x2a4: {  	[sflag:s24] =	ssyncadd.s32 $0xFFFFFF80  }
0x2a5: {  	_ =	swait.ge [sflag:s24], $0x80  }
0x2a6: {  	[sflag:s24] =	ssyncset.done $0x0  }
0x2a7: {  	[sflag:s24] =	ssyncadd.s32 $0xFFFFFF80  }
0x2a8: {  	_ =	swait.ge [sflag:s24], $0x80  }
0x2a9: {  	[sflag:s24] =	ssyncset.done $0x0  }
0x2aa: {  	[sflag:s24] =	ssyncadd.s32 $0xFFFFFF80  }
0x2ab: {  	_ =	swait.ge [sflag:s24], $0x80  }
0x2ac: {  	[sflag:s24] =	ssyncset.done $0x0  }
0x2ad: {  	[sflag:s24] =	ssyncadd.s32 $0xFFFFFF80  }
0x2ae: {  	_ =	swait.ge [sflag:s24], $0x80  }
0x2af: {  	[sflag:s24] =	ssyncset.done $0x0  }
0x2b0: {  	[sflag:s24] =	ssyncadd.s32 $0xFFFFFF80  }
0x2b1: {  	_ =	swait.ge [sflag:s24], $0x80  }
0x2b2: {  	[sflag:s24] =	ssyncset.done $0x0  }
0x2b3: {  	[sflag:s24] =	ssyncadd.s32 $0xFFFFFF80  }
0x2b4: {  	_ =	swait.ge [sflag:s24], $0x80  }
0x2b5: {  	[sflag:s24] =	ssyncset.done $0x0  }
0x2b6: {  	[sflag:s24] =	ssyncadd.s32 $0xFFFFFF80  }
0x2b7: {  	_ =	swait.ge [sflag:s24], $0x80  }
0x2b8: {  	[sflag:s24] =	ssyncset.done $0x0  }
0x2b9: {  	[sflag:s24] =	ssyncadd.s32 $0xFFFFFF80  }
0x2ba: {  	_ =	swait.ge [sflag:s24], $0x80  }
0x2bb: {  	[sflag:s24] =	ssyncset.done $0x0  }
0x2bc: {  	[sflag:s24] =	ssyncadd.s32 $0xFFFFFF80  }
0x2bd: {  	_ =	swait.ge [sflag:s24], $0x80  }
0x2be: {  	[sflag:s24] =	ssyncset.done $0x0  }
0x2bf: {  	[sflag:s24] =	ssyncadd.s32 $0xFFFFFF80  }
0x2c0: {  	_ =	swait.ge [sflag:s24], $0x80  }
0x2c1: {  	[sflag:s24] =	ssyncset.done $0x0  }
0x2c2: {  	[sflag:s24] =	ssyncadd.s32 $0xFFFFFF80  }
0x2c3: {  	[bflag:$0x0] =	sbarrier.arrive $0xFFFF  }
0x2c4: {  	s13 =	rddreg [dreg:$0x18]  }
0x2c5: {  	s20 =	rddreg [dreg:$0x1a]  }
0x2c6: {  	s23 =	rddreg [dreg:$0x1c]  }
0x2c7: {  	[hbm:s23], [sflag:s13] =	dma.local [spmem:s20], $0x2800  }
0x2c8: {  	_ =	swait.ge [sflag:s12], $0x2800  }
0x2c9: {  	s9 =	rddreg [dreg:$0x1d]  }
0x2ca: {  	s13 =	simm.s32 $0x20;
	[sflag:s12] =	ssyncset.done $0x0;
	s11 =	rddreg [dreg:$0x1b]  }
0x2cb: {  	s20 =	simm.s32 $0x10;
	s23 =	rddreg [dreg:$0x18];
	[sflag:s12] =	ssyncadd.s32 $0xFFFFD800  }
0x2cc: {  	[hbm:s9@s13], [sflag:s23] =	dma.strided [spmem:s11@s20], $0x50, s18, $0x10   }
0x2cd: {  	s20 =	rddreg [dreg:$0x18];
	_ =	swait.ge [sflag:s12], $0x50  }
0x2ce: {  	s9 =	rddreg [dreg:$0x1e]  }
0x2cf: {  	s11 =	rddreg [dreg:$0x19];
	s13 =	sadd.s32 $0x1, s9  }
0x2d0: {  	p0 =	sne.s32 s13, s11  }
.Ltmp1:
0x2d1: {  	_ = 	snop;
	(pc) =	sbr.rel @p0 .LBB2_1-.Ltmp1, $3  }
0x2d2: {  	_ =	sdelay $0x1  }
0x2d3: {  	[sflag:s12] =	ssyncset.done $0x0  }
0x2d4: {  	s23 =	simm.s32 $0x900;
	[sflag:s12] =	ssyncadd.s32 $0xFFFFFFB0  }
0x2d5: {  	_ =	sfence.sel $0x180000  }
0x2d6: {  	[bflag:$0x0] =	sbarrier.arrive $0xFFFF  }
0x2d7: {  	_ =	strace $0x90000047  }
0x2d8: {  	s0 =	stileid.u32;
	[bflag:$0x2] =	sbarrier.arrive $0xFFFF  }
0x2d9: {  	p0 =	sne.s32 s0, $0x0;
	s0 =	rddreg [dreg:$0x4]  }
0x2da: {  	s0 =	sadd.s32 @!p0 $0x100000, s0  }
0x2db: {  	[sflag:s0] =	ssyncadd.tile.s32 @!p0 $0x1;
	_ =	shalt  }
.Lfunc_end2:
_tile_overlayer_lowered:
.L_overlay_start_2:
0x2dc: {  	(tag) =	ssettag $0x2  }
0x2dd: {  	s0 =	rddreg [dreg:$0x0];
	s2 =	stileid.u32  }
0x2de: {  	s1 =	rddreg [dreg:$0x1];
	p0 =	sne.s32 s2, $0x0  }
0x2df: {  	s3 =	rddreg [dreg:$0x2];
	[bflag:$0x3] =	sbarrier.arrive $0xFFFF;
	s2 =	simm.s32 @!p0 $0x1C04  }
0x2e0: {  	[timem:s3], [sflag:s2] =	dma.local @!p0 [hbm:s0], s1  }
0x2e1: {  	s0 =	simm.s32 @!p0 $0x4  }
0x2e2: {  	_ =	swait.ge @!p0 [sflag:s0], s1  }
0x2e3: {  	s1 =	ssub.s32 @!p0 $0x0, s1;
	[sflag:s0] =	ssyncset.done @!p0 $0x0  }
0x2e4: {  	[sflag:s0] =	ssyncadd.s32 @!p0 s1  }
0x2e5: {  	[bflag:$0x3] =	sbarrier.arrive $0xFFFF  }
0x2e6: {  	_ =	shalt  }

// kernel: kernel.9.cloned.1.call-start
scs
__scs_entry_jumppad:
0x0: {  	(pc) =	sbr.rel $0x88, $3  }
0x1: {  	(tag) =	ssettag $0x0;
	lr =	simm.s32 $0x1  }
0x2: {  	[smem:$0x3F99] =	sst lr;
	_ =	strace $0xD0000000  }
0x3: {  	_ = 	snop  }
0x4: {  	_ = 	snop  }
0x5: {  	_ = 	snop  }
0x6: {  	_ = 	snop  }
0x7: {  	_ = 	snop  }
__scs_overlays_trampoline_lowered:
0x8: {  	[smem:$0x3FA8] =	sst s0  }
0x9: {  	[smem:$0x3FA9] =	sst s1  }
0xa: {  	[smem:$0x3FAA] =	sst s2  }
0xb: {  	[smem:$0x3FAB] =	sst s3  }
0xc: {  	[smem:$0x3FAC] =	sst s4  }
0xd: {  	[smem:$0x3FAD] =	sst s5  }
0xe: {  	[smem:$0x3FAE] =	sst s6  }
0xf: {  	[smem:$0x3FAF] =	sst s7  }
0x10: {  	[smem:$0x3FB0] =	sst s8  }
0x11: {  	[smem:$0x3FB1] =	sst s9;
	s0 =	simm.s32 @!p0 $0x0  }
0x12: {  	s1 =	sld [smem:$0x3F97];
	s0 =	simm.s32 @p0 $0x1  }
0x13: {  	[smem:$0x3FB2] =	sst s0;
	s0 =	simm.s32 @!p1 $0x0  }
0x14: {  	s2 =	sld [smem:$0x3F96];
	s0 =	simm.s32 @p1 $0x1  }
0x15: {  	[smem:$0x3FB3] =	sst s0;
	s0 =	simm.s32 @!p2 $0x0  }
0x16: {  	s3 =	sld [smem:$0x3FDB];
	s0 =	simm.s32 @p2 $0x1  }
0x17: {  	s4 =	simm.s32 $0x1BF5;
	[smem:$0x3FB5] =	sst s0  }
0x18: {  	s0 =	sld [smem:$0x3F98];
	_ =	swait.ge [sflag:s4], $0x0  }
0x19: {  	s7 =	sld [smem:$0x3F99]  }
0x1a: {  	s8 =	sadd.s32 $0xFFFFE003, lr  }
0x1b: {  	s9 =	sadd.s32 $0xFFFFFEF7, lr;
	s5 =	simm.s32 $0xFFFFFFFF;
	p2 =	slt.u32 s8, $0xFFFFF086  }
0x1c: {  	p1 =	slt.u32 s9, $0xF7A;
	s5 =	simm.s32 @!p2 $0x0  }
0x1d: {  	s5 =	simm.s32 @p1 $0x1;
	p0 =	seq.s32 s7, s2  }
0x1e: {  	s7 =	smul.u32 @!p0 $0xF7A, s2;
	p2 =	seq.s32 @!p0 s5, $0x0  }
0x1f: {  	s9 =	smul.u32 $0xF7A, s1;
	s8 =	simm.s32 @!p0 $0x1BF5;
	p2 =	por !p2, p0  }
0x20: {  	[sflag:s8] =	ssyncset.s32 @!p0 $0xFFFFF086;
	s6 =	sadd.s32 @!p0 s3, s7;
	s7 =	simm.s32 @!p0 $0x108  }
0x21: {  	s3 =	sadd.s32 s3, s9;
	s6 =	sadd.s32 @!p0 $0x88, s6;
	s7 =	simm.s32 @p2 $0x1082  }
0x22: {  	[simem:s7], [sflag:s8] =	dma.local @!p0 [hbm:s6], $0xF7A  }
0x23: {  	s9 =	sor.u32 $0xD0000000, s2;
	s6 =	simm.s32 $0x108;
	_ =	swait.ge @!p0 [sflag:s8], $0x0  }
0x24: {  	s3 =	sadd.s32 $0x88, s3;
	s6 =	simm.s32 @!p1 $0x1082;
	[sflag:s4] =	ssyncset.s32 $0xFFFFF086  }
0x25: {  	[simem:s6], [sflag:s4] =	dma.local [hbm:s3], $0xF7A  }
0x26: {  	[smem:$0x3F99] =	sst s1;
	(tag) =	ssettag s2;
	_ =	strace s9  }
0x27: {  	s1 =	sld [smem:$0x3FA9]  }
0x28: {  	s2 =	sld [smem:$0x3FAA]  }
0x29: {  	s4 =	sld [smem:$0x3FAC]  }
0x2a: {  	p0 =	seq.s32 s5, $0x0;
	s5 =	sld [smem:$0x3FAD]  }
0x2b: {  	s6 =	sld [smem:$0x3FAE]  }
0x2c: {  	s7 =	sld [smem:$0x3FAF]  }
0x2d: {  	s3 =	simm.s32 $0x108;
	s8 =	sld [smem:$0x3FB0]  }
0x2e: {  	s3 =	simm.s32 @!p0 $0x1082;
	s9 =	sld [smem:$0x3FB1]  }
0x2f: {  	lr =	sadd.s32 s0, s3;
	s0 =	sld [smem:$0x3FA8]  }
0x30: {  	s3 =	sld [smem:$0x3FAB]  }
0x31: {  	[smem:$0x3FB4] =	sst s10  }
0x32: {  	s10 =	sld [smem:$0x3FB2];
	_ =	sdelay $0x3  }
0x33: {  	p0 =	seq.s32 s10, $0x1;
	s10 =	sld [smem:$0x3FB4];
	_ =	sdelay $0x3  }
0x34: {  	[smem:$0x3FB4] =	sst s10  }
0x35: {  	s10 =	sld [smem:$0x3FB3];
	_ =	sdelay $0x3  }
0x36: {  	p1 =	seq.s32 s10, $0x1;
	s10 =	sld [smem:$0x3FB4];
	_ =	sdelay $0x3  }
0x37: {  	[smem:$0x3FB4] =	sst s10  }
0x38: {  	s10 =	sld [smem:$0x3FB5]  }
0x39: {  	_ = 	snop;
	(pc) =	sbr.ind lr, $3  }
0x3a: {  	_ = 	snop  }
0x3b: {  	_ = 	snop  }
0x3c: {  	p2 =	seq.s32 s10, $0x1;
	s10 =	sld [smem:$0x3FB4]  }
0x3d: {  	_ =	shalt  }
0x3e: {  	_ =	shalt  }
0x3f: {  	_ =	shalt  }
0x40: {  	_ =	shalt  }
0x41: {  	_ =	shalt  }
0x42: {  	_ =	shalt  }
0x43: {  	_ =	shalt  }
0x44: {  	_ =	shalt  }
0x45: {  	_ =	shalt  }
0x46: {  	_ =	shalt  }
0x47: {  	_ =	shalt  }
0x48: {  	_ =	shalt  }
0x49: {  	_ =	shalt  }
0x4a: {  	_ =	shalt  }
0x4b: {  	_ =	shalt  }
0x4c: {  	_ =	shalt  }
0x4d: {  	_ =	shalt  }
0x4e: {  	_ =	shalt  }
0x4f: {  	_ =	shalt  }
0x50: {  	_ =	shalt  }
0x51: {  	_ =	shalt  }
0x52: {  	_ =	shalt  }
0x53: {  	_ =	shalt  }
0x54: {  	_ =	shalt  }
0x55: {  	_ =	shalt  }
0x56: {  	_ =	shalt  }
0x57: {  	_ =	shalt  }
0x58: {  	_ =	shalt  }
0x59: {  	_ =	shalt  }
0x5a: {  	_ =	shalt  }
0x5b: {  	_ =	shalt  }
0x5c: {  	_ =	shalt  }
0x5d: {  	_ =	shalt  }
0x5e: {  	_ =	shalt  }
0x5f: {  	_ =	shalt  }
0x60: {  	_ =	shalt  }
0x61: {  	_ =	shalt  }
0x62: {  	_ =	shalt  }
0x63: {  	_ =	shalt  }
0x64: {  	_ =	shalt  }
0x65: {  	_ =	shalt  }
0x66: {  	_ =	shalt  }
0x67: {  	_ =	shalt  }
0x68: {  	_ =	shalt  }
0x69: {  	_ =	shalt  }
0x6a: {  	_ =	shalt  }
0x6b: {  	_ =	shalt  }
0x6c: {  	_ =	shalt  }
0x6d: {  	_ =	shalt  }
0x6e: {  	_ =	shalt  }
0x6f: {  	_ =	shalt  }
0x70: {  	_ =	shalt  }
0x71: {  	_ =	shalt  }
0x72: {  	_ =	shalt  }
0x73: {  	_ =	shalt  }
0x74: {  	_ =	shalt  }
0x75: {  	_ =	shalt  }
0x76: {  	_ =	shalt  }
0x77: {  	_ =	shalt  }
0x78: {  	_ =	shalt  }
0x79: {  	_ =	shalt  }
0x7a: {  	_ =	shalt  }
0x7b: {  	_ =	shalt  }
0x7c: {  	_ =	shalt  }
0x7d: {  	_ =	shalt  }
0x7e: {  	_ =	shalt  }
0x7f: {  	_ =	shalt  }
0x80: {  	_ =	shalt  }
0x81: {  	_ =	shalt  }
0x82: {  	_ =	shalt  }
0x83: {  	_ =	shalt  }
0x84: {  	_ =	shalt  }
0x85: {  	_ =	shalt  }
0x86: {  	_ =	shalt  }
0x87: {  	_ =	shalt  }
.Lfunc_end0:
.L_simem_size_0:
called_computation.1_lowered:
.L_overlay_start_0:
0x88: {  	s2 =	sld [smem:$0x3FD9]  }
0x89: {  	s3 =	sld [smem:$0x3FFE];
	_ =	sdelay $0x1  }
0x8a: {  	s1 =	srdreg.scid  }
0x8b: {  	s0 =	sand.u32 $0x1, s1  }
0x8c: {  	s17 =	sshll.u32 s0, $0xA;
	s2 =	sadd.s32 s3, s2  }
0x8d: {  	s2 =	sadd.s32 s2, s17  }
0x8e: {  	[smem:$0x3FC0] =	sst s2  }
0x8f: {  	_ = 	snop  }
0x90: {  	s2 =	sld [smem:$0x3FD0];
	(tm) =	ssettm $0x1  }
0x91: {  	s18 =	sld [smem:$0x3FFB];
	_ =	sdelay $0x3  }
0x92: {  	_ =	strace s18  }
0x93: {  	s3 =	sld [smem:$0x3FFC];
	_ =	sdelay $0x3  }
0x94: {  	_ =	strace s3  }
0x95: {  	s3 =	sld [smem:$0x3FFD];
	_ =	sdelay $0x3  }
0x96: {  	_ =	strace s3  }
0x97: {  	_ =	strace $0x8FFFFFFF  }
0x98: {  	s19 =	sld [smem:$0x3FDB];
	_ =	sdelay $0x1  }
0x99: {  	s4 =	simm.s32 $_scs_section_size  }
0x9a: {  	s5 =	simm.s32 $_size__tile_overlayer_lowered;
	s6 =	simm.s32 $_tile_overlayer_lowered  }
0x9b: {  	s22 =	simm.s32 $0x1BFF;
	s21 =	sshll.u32 s6, $0x1;
	s3 =	sadd.s32 s4, s19  }
0x9c: {  	s7 =	simm.s32 $0x0;
	s20 =	sshll.u32 s5, $0x1;
	s5 =	sadd.s32 s21, s3  }
0x9d: {  	[timem:s7], [sflag:s22] =	dma.local [hbm:s5], s20  }
0x9e: {  	_ =	swait.ge [sflag:s22], s20  }
0x9f: {  	s4 =	ssub.s32 $0x0, s20;
	[sflag:s22] =	ssyncset.done $0x0  }
0xa0: {  	[sflag:s22] =	ssyncadd.s32 s4;
	_ =	sdelay $0x1  }
0xa1: {  	s23 =	simm.s32 $0x1B8B  }
0xa2: {  	_ =	swait.ge [sflag:s23], $0x1  }
0xa3: {  	[sflag:s23] =	ssyncset.done $0x0  }
0xa4: {  	s25 =	simm.s32 $0x1B8E;
	s24 =	sld [smem:$0x3FFE];
	[sflag:s23] =	ssyncadd.s32 $0xFFFFFFFF  }
0xa5: {  	s26 =	simm.s32 $execute0_lowered;
	[smem:$0x3FD2] =	sst s25  }
0xa6: {  	s5 =	sshll.u32 s26, $0x1;
	_ =	strace $0x80000049;
	[dreg:$0x1] =	wrdreg $0xFFFFFFFF  }
0xa7: {  	s28 =	simm.s32 $_size_execute0_lowered;
	s3 =	sadd.s32 s3, s5;
	[dreg:$0x0] =	wrdreg $0x0  }
0xa8: {  	s5 =	sshll.u32 s28, $0x1;
	[dreg:$0x2] =	wrdreg s3  }
0xa9: {  	[dreg:$0x3] =	wrdreg s5  }
0xaa: {  	[dreg:$0x4] =	wrdreg $0xC0  }
0xab: {  	_ =	task [dreg:s7], $0x5FFFF  }
0xac: {  	[dreg:$0x1] =	wrdreg $0xFFFFFFFF  }
0xad: {  	[dreg:$0x0] =	wrdreg $0x60  }
0xae: {  	[dreg:$0x2] =	wrdreg s24  }
0xaf: {  	[dreg:$0x3] =	wrdreg s2  }
0xb0: {  	[dreg:$0x4] =	wrdreg $0x90800  }
0xb1: {  	[dreg:$0x5] =	wrdreg $0x1D4800  }
0xb2: {  	[dreg:$0x6] =	wrdreg $0x9  }
0xb3: {  	_ =	task.clear_ibuf [dreg:s7], $0x7FFFF;
	_ =	strace $0x90000049  }
0xb4: {  	s29 =	simm.s32 $0x9;
	_ =	strace $0x8000004B  }
0xb5: {  	_ =	swait.ge [sflag:s29], $0x1  }
0xb6: {  	[sflag:s29] =	ssyncadd.s32 $0xFFFFFFFF  }
0xb7: {  	_ =	strace $0x9000004B  }
0xb8: {  	_ =	sfence  }
0xb9: {  	s30 =	sld [smem:$0x0];
	_ =	sdelay $0x2  }
0xba: {  	s31 =	sshll.u32 s1, $0xD;
	s1 =	sshrl.u32 s1, $0x2  }
0xbb: {  	s3 =	sand.u32 $0x4000, s31;
	s1 =	sadd.s32 s1, s30  }
0xbc: {  	s0 =	sor.u32 s3, s0;
	s1 =	sshll.u32 s1, $0x11  }
0xbd: {  	s0 =	sor.u32 s1, s0  }
0xbe: {  	s0 =	sadd.s32 $0x8F2B, s0  }
0xbf: {  	[sflag:s0] =	ssyncadd.remote.s32 $0x1  }
0xc0: {  	_ =	sfence.sel $0xFFFF  }
0xc1: {  	[dreg:$0x0] =	wrdreg $0xFFFFFFFF;
	(pc) =	sbr.abs _section_cstart, $3  }
0xc2: {  	[dreg:$0x1] =	wrdreg $0xFFFFFFFF  }
0xc3: {  	_ =	task.clear_ibuf [dreg:s7], $0x2FFFF;
	_ =	strace $0x9FFFFFFF  }
0xc4: {  	(tm) =	ssettm $0x7FFFFFFF  }
0xc5: {  	_ =	shalt  }
tec
execute0_lowered:
.L_overlay_start_1:
0x0: {  	(tag) =	ssettag $0x1  }
0x1: {  	s0 =	rddreg [dreg:$0x0]  }
0x2: {  	s1 =	rddreg [dreg:$0x1];
	s3 =	srdreg.scid  }
0x3: {  	s13 =	stileid.u32;
	s2 =	rddreg [dreg:$0x2];
	s4 =	simm.s32 $0x0  }
0x4: {  	s14 =	simm.s32 $0x380;
	s16 =	simm.s32 $0x400;
	s17 =	simm.s32 $0x480  }
0x5: {  	s28 =	simm.s32 $0xA80;
	s29 =	simm.s32 $0xB00;
	s30 =	simm.s32 $0xB80  }
0x6: {  	s6 =	sand.u32 $0x1, s3;
	s5 =	smul.u32 $0x5000, s13;
	s3 =	rddreg [dreg:$0x3]  }
0x7: {  	[smem:$0x7FF] =	sst s4;
	s9 =	sadd.s32 $0x34C00, s0;
	s18 =	sadd.s32 $0x37400, s0  }
0x8: {  	s12 =	smul.u32 $0x50000, s13;
	_ =	strace $0x8000004A;
	[dreg:$0x15] =	wrdreg s9  }
0x9: {  	s19 =	sadd.s32 $0x37600, s0;
	s24 =	smul.u32 $0xA00, s13;
	[dreg:$0x16] =	wrdreg s18  }
0xa: {  	s31 =	simm.s32 $0xC00;
	s7 =	smul.u32 $0x2800, s6;
	[dreg:$0x17] =	wrdreg s19  }
0xb: {  	s23 =	sshll.u32 s13, $0x6;
	s20 =	smul.u32 $0x28000, s6;
	[dreg:$0xc] =	wrdreg s14  }
0xc: {  	s10 =	ssub.s32 $0x2, s6;
	s6 =	sshll.u32 s6, $0x4;
	[dreg:$0xd] =	wrdreg s16  }
0xd: {  	[dreg:$0xe] =	wrdreg s17;
	s19 =	simm.s32 $0x500;
	s14 =	simm.s32 $0x9000  }
0xe: {  	s16 =	simm.s32 $0x80;
	s17 =	simm.s32 $0x1000;
	s11 =	sshrl.u32 s10, $0x1  }
0xf: {  	s22 =	sshrl.u32 s12, $0x2;
	s25 =	sshrl.u32 s24, $0x2;
	s12 =	simm.s32 $0x280  }
0x10: {  	[dreg:$0xf] =	wrdreg s19;
	s24 =	simm.s32 $0x700;
	s19 =	simm.s32 $0x5000  }
0x11: {  	s7 =	sadd.s32 s7, s5;
	s5 =	sadd.s32 $0x2C00, s0;
	s9 =	sadd.s32 s20, s0  }
0x12: {  	s21 =	ssub.s32 s10, s11;
	s10 =	sadd.s32 s22, s2;
	s20 =	sor.u32 $0x1C04, s23  }
0x13: {  	s11 =	simm.s32 $0x200;
	[dreg:$0xa] =	wrdreg s12;
	s12 =	simm.s32 $0x4  }
0x14: {  	s22 =	simm.s32 $0x600;
	s23 =	simm.s32 $0x680;
	[dreg:$0x13] =	wrdreg s24  }
0x15: {  	s24 =	simm.s32 $0x3;
	s7 =	sshrl.u32 s7, $0x3;
	[dreg:$0x9] =	wrdreg s11  }
0x16: {  	s9 =	sadd.s32 $0x88200, s9;
	s11 =	smul.u32 $0xA0, s13;
	[dreg:$0x11] =	wrdreg s22  }
0x17: {  	s15 =	sshrl.u32 s10, $0x3;
	[dreg:$0x12] =	wrdreg s23;
	s23 =	simm.s32 $0x900  }
0x18: {  	s10 =	simm.s32 $0xF00;
	s22 =	simm.s32 $0xF80;
	[dreg:$0x18] =	wrdreg s20  }
0x19: {  	s8 =	sadd.s32 s7, s0;
	s0 =	sadd.s32 s6, s0;
	s1 =	sadd.s32 s7, s1  }
0x1a: {  	s7 =	sadd.s32 s25, s3;
	s25 =	simm.s32 $0x180;
	[dreg:$0x1a] =	wrdreg s15  }
0x1b: {  	s6 =	smax.u32 s21, $0x1;
	s21 =	simm.s32 $0x580;
	[dreg:$0x5] =	wrdreg s1  }
0x1c: {  	s15 =	simm.s32 $0x800;
	s26 =	sadd.s32 $0x2AC00, s8;
	[dreg:$0x8] =	wrdreg s25  }
0x1d: {  	s8 =	simm.s32 $0x100;
	s0 =	sadd.s32 $0x87800, s0;
	[dreg:$0x19] =	wrdreg s6  }
0x1e: {  	s18 =	sshrl.u32 s7, $0x3;
	[dreg:$0x10] =	wrdreg s21;
	s25 =	simm.s32 $0x780  }
0x1f: {  	s21 =	simm.s32 $0x2;
	s1 =	simm.s32 $0xC80;
	[dreg:$0x6] =	wrdreg s26  }
0x20: {  	s6 =	simm.s32 $0xD80;
	s7 =	simm.s32 $0xE00;
	[dreg:$0x7] =	wrdreg s8  }
0x21: {  	s26 =	smul.u32 $0x2800, s13;
	s13 =	simm.s32 $0x300;
	[dreg:$0x1b] =	wrdreg s18  }
0x22: {  	s18 =	simm.s32 $0x1;
	[dreg:$0x14] =	wrdreg s25;
	s0 =	sadd.s32 s11, s0  }
0x23: {  	s25 =	simm.s32 $0x980;
	s8 =	simm.s32 $0xE80;
	[dreg:$0xb] =	wrdreg s13  }
0x24: {  	[dreg:$0x1d] =	wrdreg s0;
	s0 =	simm.s32 $0xD00;
	s26 =	sadd.s32 s26, s9  }
0x25: {  	s13 =	simm.s32 $0x0;
	[dreg:$0x1c] =	wrdreg s26;
	s26 =	simm.s32 $0xA00  }
.LBB2_1:
0x26: {  	[dreg:$0x1e] =	wrdreg s13  }
0x27: {  	s9 =	rddreg [dreg:$0x15]  }
0x28: {  	s11 =	rddreg [dreg:$0x1a]  }
0x29: {  	[spmem:s11], [sflag:s20] =	dma.local [hbm:s9], $0x2800  }
0x2a: {  	_ =	swait.ge [sflag:s12], $0x2800  }
0x2b: {  	[sflag:s12] =	ssyncset.done $0x0;
	s11 =	rddreg [dreg:$0x16]  }
0x2c: {  	s13 =	rddreg [dreg:$0x1b];
	[sflag:s12] =	ssyncadd.s32 $0xFFFFD800  }
0x2d: {  	[spmem:s13], [sflag:s20] =	dma.local [hbm:s11], $0x50  }
0x2e: {  	_ =	swait.ge [sflag:s12], $0x50  }
0x2f: {  	[sflag:s12] =	ssyncset.done $0x0  }
0x30: {  	s11 =	rddreg [dreg:$0x17];
	[sflag:s12] =	ssyncadd.s32 $0xFFFFFFB0  }
0x31: {  	[tilespmem:s14], [sflag:$0x4] =	stream.linear.gather [hbm4b:s11+s4], $0x80, $0x38;
	[tilespmem:$0x1D708] =	vst v63  }
0x32: {  	_ =	swait.ge [sflag:s12], $0x80  }
0x33: {  	[sflag:s12] =	ssyncset.done $0x0  }
0x34: {  	[sflag:s12] =	ssyncadd.s32 $0xFFFFFF80  }
0x35: {  	[bflag:$0x0] =	sbarrier.arrive $0xFFFF  }
0x36: {  	s13 =	rddreg [dreg:$0x6]  }
0x37: {  	s9 =	sadd.s32 $0x0, s13  }
0x38: {  	[tilespmem:s4], [sflag:$0x4] =	stream.linear.gather [hbm4b:s9+s4], $0x800, $0x38;
	[tilespmem:$0x1D708] =	vst v63  }
0x39: {  	_ =	swait.ge [sflag:s12], $0x800  }
0x3a: {  	s20 =	rddreg [dreg:$0x5];
	[sflag:s12] =	ssyncset.done $0x0  }
0x3b: {  	[sflag:s12] =	ssyncadd.s32 $0xFFFFF800;
	s9 =	sadd.s32 $0x0, s20  }
0x3c: {  	[tilespmem:s15], [sflag:$0x4] =	stream.linear.gather [hbm4b:s9+s4], $0x800, $0x38;
	[tilespmem:$0x1D708] =	vst v63  }
0x3d: {  	_ =	swait.ge [sflag:s12], $0x800  }
0x3e: {  	[sflag:s12] =	ssyncset.done $0x0  }
0x3f: {  	[sflag:s12] =	ssyncadd.s32 $0xFFFFF800  }
0x40: {  	[tilespmem:s17], [sflag:$0x1] =	stream.indirect.gather [hbm4b:s5+s16], $0x80, s4, s16, $0xb8;
	[tilespmem:$0x1D708] =	vst v63  }
0x41: {  	_ =	swait.ge [sflag:s18], $0x4000  }
0x42: {  	[sflag:s18] =	ssyncset.done $0x0  }
0x43: {  	[sflag:s18] =	ssyncadd.s32 $0xFFFFC000  }
0x44: {  	[spmem:s2] =	stream.indirect.scatter.add.f32 [tilespmem:s17], [sflag:$0x2], $0x80, s15, s16, $0xb8;
	[tilespmem:$0x1D708] =	vst v63  }
0x45: {  	_ = 	snop  }
0x46: {  	[spmem:s3] =	stream.indirect.scatter.add.f32 [tilespmem:s14], [sflag:$0x3], $0x1, s15, s16, $0xb8;
	[tilespmem:$0x1D708] =	vst v63  }
0x47: {  	_ = 	snop  }
0x48: {  	[tilespmem:s19], [sflag:$0x1] =	stream.indirect.gather [hbm4b:s5+s16], $0x80, s16, s16, $0xb8;
	[tilespmem:$0x1D708] =	vst v63  }
0x49: {  	_ =	swait.ge [sflag:s18], $0x4000  }
0x4a: {  	[sflag:s18] =	ssyncset.done $0x0  }
0x4b: {  	s11 =	simm.s32 $0x880;
	[sflag:s18] =	ssyncadd.s32 $0xFFFFC000  }
0x4c: {  	[spmem:s2] =	stream.indirect.scatter.add.f32 [tilespmem:s19], [sflag:$0x2], $0x80, s11, s16, $0xb8;
	[tilespmem:$0x1D708] =	vst v63  }
0x4d: {  	_ = 	snop  }
0x4e: {  	[spmem:s3] =	stream.indirect.scatter.add.f32 [tilespmem:s14], [sflag:$0x3], $0x1, s11, s16, $0xb8;
	[tilespmem:$0x1D708] =	vst v63  }
0x4f: {  	_ =	swait.ge [sflag:s21], $0x4000  }
0x50: {  	[sflag:s21] =	ssyncset.done $0x0  }
0x51: {  	s13 =	rddreg [dreg:$0x7];
	[sflag:s21] =	ssyncadd.s32 $0xFFFFC000  }
0x52: {  	[tilespmem:s17], [sflag:$0x1] =	stream.indirect.gather [hbm4b:s5+s16], $0x80, s13, s16, $0xb8;
	[tilespmem:$0x1D708] =	vst v63  }
0x53: {  	_ =	swait.ge [sflag:s18], $0x4000  }
0x54: {  	[sflag:s18] =	ssyncset.done $0x0  }
0x55: {  	[sflag:s18] =	ssyncadd.s32 $0xFFFFC000  }
0x56: {  	[spmem:s2] =	stream.indirect.scatter.add.f32 [tilespmem:s17], [sflag:$0x2], $0x80, s23, s16, $0xb8;
	[tilespmem:$0x1D708] =	vst v63  }
0x57: {  	_ = 	snop  }
0x58: {  	[spmem:s3] =	stream.indirect.scatter.add.f32 [tilespmem:s14], [sflag:$0x3], $0x1, s23, s16, $0xb8;
	[tilespmem:$0x1D708] =	vst v63  }
0x59: {  	_ =	swait.ge [sflag:s21], $0x4000  }
0x5a: {  	[sflag:s21] =	ssyncset.done $0x0  }
0x5b: {  	s20 =	rddreg [dreg:$0x8];
	[sflag:s21] =	ssyncadd.s32 $0xFFFFC000  }
0x5c: {  	[tilespmem:s19], [sflag:$0x1] =	stream.indirect.gather [hbm4b:s5+s16], $0x80, s20, s16, $0xb8;
	[tilespmem:$0x1D708] =	vst v63  }
0x5d: {  	_ =	swait.ge [sflag:s18], $0x4000  }
0x5e: {  	[sflag:s18] =	ssyncset.done $0x0  }
0x5f: {  	[sflag:s18] =	ssyncadd.s32 $0xFFFFC000  }
0x60: {  	[spmem:s2] =	stream.indirect.scatter.add.f32 [tilespmem:s19], [sflag:$0x2], $0x80, s25, s16, $0xb8;
	[tilespmem:$0x1D708] =	vst v63  }
0x61: {  	_ = 	snop  }
0x62: {  	[spmem:s3] =	stream.indirect.scatter.add.f32 [tilespmem:s14], [sflag:$0x3], $0x1, s25, s16, $0xb8;
	[tilespmem:$0x1D708] =	vst v63  }
0x63: {  	_ =	swait.ge [sflag:s21], $0x4000  }
0x64: {  	[sflag:s21] =	ssyncset.done $0x0  }
0x65: {  	s11 =	rddreg [dreg:$0x9];
	[sflag:s21] =	ssyncadd.s32 $0xFFFFC000  }
0x66: {  	[tilespmem:s17], [sflag:$0x1] =	stream.indirect.gather [hbm4b:s5+s16], $0x80, s11, s16, $0xb8;
	[tilespmem:$0x1D708] =	vst v63  }
0x67: {  	_ =	swait.ge [sflag:s18], $0x4000  }
0x68: {  	[sflag:s18] =	ssyncset.done $0x0  }
0x69: {  	[sflag:s18] =	ssyncadd.s32 $0xFFFFC000  }
0x6a: {  	[spmem:s2] =	stream.indirect.scatter.add.f32 [tilespmem:s17], [sflag:$0x2], $0x80, s26, s16, $0xb8;
	[tilespmem:$0x1D708] =	vst v63  }
0x6b: {  	_ = 	snop  }
0x6c: {  	[spmem:s3] =	stream.indirect.scatter.add.f32 [tilespmem:s14], [sflag:$0x3], $0x1, s26, s16, $0xb8;
	[tilespmem:$0x1D708] =	vst v63  }
0x6d: {  	_ =	swait.ge [sflag:s21], $0x4000  }
0x6e: {  	[sflag:s21] =	ssyncset.done $0x0  }
0x6f: {  	s13 =	rddreg [dreg:$0xa];
	[sflag:s21] =	ssyncadd.s32 $0xFFFFC000  }
0x70: {  	[tilespmem:s19], [sflag:$0x1] =	stream.indirect.gather [hbm4b:s5+s16], $0x80, s13, s16, $0xb8;
	[tilespmem:$0x1D708] =	vst v63  }
0x71: {  	_ =	swait.ge [sflag:s18], $0x4000  }
0x72: {  	[sflag:s18] =	ssyncset.done $0x0  }
0x73: {  	[sflag:s18] =	ssyncadd.s32 $0xFFFFC000  }
0x74: {  	[spmem:s2] =	stream.indirect.scatter.add.f32 [tilespmem:s19], [sflag:$0x2], $0x80, s28, s16, $0xb8;
	[tilespmem:$0x1D708] =	vst v63  }
0x75: {  	_ = 	snop  }
0x76: {  	[spmem:s3] =	stream.indirect.scatter.add.f32 [tilespmem:s14], [sflag:$0x3], $0x1, s28, s16, $0xb8;
	[tilespmem:$0x1D708] =	vst v63  }
0x77: {  	_ =	swait.ge [sflag:s21], $0x4000  }
0x78: {  	[sflag:s21] =	ssyncset.done $0x0  }
0x79: {  	s20 =	rddreg [dreg:$0xb];
	[sflag:s21] =	ssyncadd.s32 $0xFFFFC000  }
0x7a: {  	[tilespmem:s17], [sflag:$0x1] =	stream.indirect.gather [hbm4b:s5+s16], $0x80, s20, s16, $0xb8;
	[tilespmem:$0x1D708] =	vst v63  }
0x7b: {  	_ =	swait.ge [sflag:s18], $0x4000  }
0x7c: {  	[sflag:s18] =	ssyncset.done $0x0  }
0x7d: {  	[sflag:s18] =	ssyncadd.s32 $0xFFFFC000  }
0x7e: {  	[spmem:s2] =	stream.indirect.scatter.add.f32 [tilespmem:s17], [sflag:$0x2], $0x80, s29, s16, $0xb8;
	[tilespmem:$0x1D708] =	vst v63  }
0x7f: {  	_ = 	snop  }
0x80: {  	[spmem:s3] =	stream.indirect.scatter.add.f32 [tilespmem:s14], [sflag:$0x3], $0x1, s29, s16, $0xb8;
	[tilespmem:$0x1D708] =	vst v63  }
0x81: {  	_ =	swait.ge [sflag:s21], $0x4000  }
0x82: {  	[sflag:s21] =	ssyncset.done $0x0  }
0x83: {  	s11 =	rddreg [dreg:$0xc];
	[sflag:s21] =	ssyncadd.s32 $0xFFFFC000  }
0x84: {  	[tilespmem:s19], [sflag:$0x1] =	stream.indirect.gather [hbm4b:s5+s16], $0x80, s11, s16, $0xb8;
	[tilespmem:$0x1D708] =	vst v63  }
0x85: {  	_ =	swait.ge [sflag:s18], $0x4000  }
0x86: {  	[sflag:s18] =	ssyncset.done $0x0  }
0x87: {  	[sflag:s18] =	ssyncadd.s32 $0xFFFFC000  }
0x88: {  	[spmem:s2] =	stream.indirect.scatter.add.f32 [tilespmem:s19], [sflag:$0x2], $0x80, s30, s16, $0xb8;
	[tilespmem:$0x1D708] =	vst v63  }
0x89: {  	_ = 	snop  }
0x8a: {  	[spmem:s3] =	stream.indirect.scatter.add.f32 [tilespmem:s14], [sflag:$0x3], $0x1, s30, s16, $0xb8;
	[tilespmem:$0x1D708] =	vst v63  }
0x8b: {  	_ =	swait.ge [sflag:s21], $0x4000  }
0x8c: {  	[sflag:s21] =	ssyncset.done $0x0  }
0x8d: {  	s13 =	rddreg [dreg:$0xd];
	[sflag:s21] =	ssyncadd.s32 $0xFFFFC000  }
0x8e: {  	[tilespmem:s17], [sflag:$0x1] =	stream.indirect.gather [hbm4b:s5+s16], $0x80, s13, s16, $0xb8;
	[tilespmem:$0x1D708] =	vst v63  }
0x8f: {  	_ =	swait.ge [sflag:s18], $0x4000  }
0x90: {  	[sflag:s18] =	ssyncset.done $0x0  }
0x91: {  	[sflag:s18] =	ssyncadd.s32 $0xFFFFC000  }
0x92: {  	[spmem:s2] =	stream.indirect.scatter.add.f32 [tilespmem:s17], [sflag:$0x2], $0x80, s31, s16, $0xb8;
	[tilespmem:$0x1D708] =	vst v63  }
0x93: {  	_ = 	snop  }
0x94: {  	[spmem:s3] =	stream.indirect.scatter.add.f32 [tilespmem:s14], [sflag:$0x3], $0x1, s31, s16, $0xb8;
	[tilespmem:$0x1D708] =	vst v63  }
0x95: {  	_ =	swait.ge [sflag:s21], $0x4000  }
0x96: {  	[sflag:s21] =	ssyncset.done $0x0  }
0x97: {  	s20 =	rddreg [dreg:$0xe];
	[sflag:s21] =	ssyncadd.s32 $0xFFFFC000  }
0x98: {  	[tilespmem:s19], [sflag:$0x1] =	stream.indirect.gather [hbm4b:s5+s16], $0x80, s20, s16, $0xb8;
	[tilespmem:$0x1D708] =	vst v63  }
0x99: {  	_ =	swait.ge [sflag:s18], $0x4000  }
0x9a: {  	[sflag:s18] =	ssyncset.done $0x0  }
0x9b: {  	[sflag:s18] =	ssyncadd.s32 $0xFFFFC000  }
0x9c: {  	[spmem:s2] =	stream.indirect.scatter.add.f32 [tilespmem:s19], [sflag:$0x2], $0x80, s1, s16, $0xb8;
	[tilespmem:$0x1D708] =	vst v63  }
0x9d: {  	_ = 	snop  }
0x9e: {  	[spmem:s3] =	stream.indirect.scatter.add.f32 [tilespmem:s14], [sflag:$0x3], $0x1, s1, s16, $0xb8;
	[tilespmem:$0x1D708] =	vst v63  }
0x9f: {  	_ =	swait.ge [sflag:s21], $0x4000  }
0xa0: {  	[sflag:s21] =	ssyncset.done $0x0  }
0xa1: {  	s11 =	rddreg [dreg:$0xf];
	[sflag:s21] =	ssyncadd.s32 $0xFFFFC000  }
0xa2: {  	[tilespmem:s17], [sflag:$0x1] =	stream.indirect.gather [hbm4b:s5+s16], $0x80, s11, s16, $0xb8;
	[tilespmem:$0x1D708] =	vst v63  }
0xa3: {  	_ =	swait.ge [sflag:s18], $0x4000  }
0xa4: {  	[sflag:s18] =	ssyncset.done $0x0  }
0xa5: {  	[sflag:s18] =	ssyncadd.s32 $0xFFFFC000  }
0xa6: {  	[spmem:s2] =	stream.indirect.scatter.add.f32 [tilespmem:s17], [sflag:$0x2], $0x80, s0, s16, $0xb8;
	[tilespmem:$0x1D708] =	vst v63  }
0xa7: {  	_ = 	snop  }
0xa8: {  	[spmem:s3] =	stream.indirect.scatter.add.f32 [tilespmem:s14], [sflag:$0x3], $0x1, s0, s16, $0xb8;
	[tilespmem:$0x1D708] =	vst v63  }
0xa9: {  	_ =	swait.ge [sflag:s21], $0x4000  }
0xaa: {  	[sflag:s21] =	ssyncset.done $0x0  }
0xab: {  	s13 =	rddreg [dreg:$0x10];
	[sflag:s21] =	ssyncadd.s32 $0xFFFFC000  }
0xac: {  	[tilespmem:s19], [sflag:$0x1] =	stream.indirect.gather [hbm4b:s5+s16], $0x80, s13, s16, $0xb8;
	[tilespmem:$0x1D708] =	vst v63  }
0xad: {  	_ =	swait.ge [sflag:s18], $0x4000  }
0xae: {  	[sflag:s18] =	ssyncset.done $0x0  }
0xaf: {  	[sflag:s18] =	ssyncadd.s32 $0xFFFFC000  }
0xb0: {  	[spmem:s2] =	stream.indirect.scatter.add.f32 [tilespmem:s19], [sflag:$0x2], $0x80, s6, s16, $0xb8;
	[tilespmem:$0x1D708] =	vst v63  }
0xb1: {  	_ = 	snop  }
0xb2: {  	[spmem:s3] =	stream.indirect.scatter.add.f32 [tilespmem:s14], [sflag:$0x3], $0x1, s6, s16, $0xb8;
	[tilespmem:$0x1D708] =	vst v63  }
0xb3: {  	_ =	swait.ge [sflag:s21], $0x4000  }
0xb4: {  	[sflag:s21] =	ssyncset.done $0x0  }
0xb5: {  	s20 =	rddreg [dreg:$0x11];
	[sflag:s21] =	ssyncadd.s32 $0xFFFFC000  }
0xb6: {  	[tilespmem:s17], [sflag:$0x1] =	stream.indirect.gather [hbm4b:s5+s16], $0x80, s20, s16, $0xb8;
	[tilespmem:$0x1D708] =	vst v63  }
0xb7: {  	_ =	swait.ge [sflag:s18], $0x4000  }
0xb8: {  	[sflag:s18] =	ssyncset.done $0x0  }
0xb9: {  	[sflag:s18] =	ssyncadd.s32 $0xFFFFC000  }
0xba: {  	[spmem:s2] =	stream.indirect.scatter.add.f32 [tilespmem:s17], [sflag:$0x2], $0x80, s7, s16, $0xb8;
	[tilespmem:$0x1D708] =	vst v63  }
0xbb: {  	_ = 	snop  }
0xbc: {  	[spmem:s3] =	stream.indirect.scatter.add.f32 [tilespmem:s14], [sflag:$0x3], $0x1, s7, s16, $0xb8;
	[tilespmem:$0x1D708] =	vst v63  }
0xbd: {  	_ =	swait.ge [sflag:s21], $0x4000  }
0xbe: {  	[sflag:s21] =	ssyncset.done $0x0  }
0xbf: {  	s11 =	rddreg [dreg:$0x12];
	[sflag:s21] =	ssyncadd.s32 $0xFFFFC000  }
0xc0: {  	[tilespmem:s19], [sflag:$0x1] =	stream.indirect.gather [hbm4b:s5+s16], $0x80, s11, s16, $0xb8;
	[tilespmem:$0x1D708] =	vst v63  }
0xc1: {  	_ =	swait.ge [sflag:s18], $0x4000  }
0xc2: {  	[sflag:s18] =	ssyncset.done $0x0  }
0xc3: {  	[sflag:s18] =	ssyncadd.s32 $0xFFFFC000  }
0xc4: {  	[spmem:s2] =	stream.indirect.scatter.add.f32 [tilespmem:s19], [sflag:$0x2], $0x80, s8, s16, $0xb8;
	[tilespmem:$0x1D708] =	vst v63  }
0xc5: {  	_ = 	snop  }
0xc6: {  	[spmem:s3] =	stream.indirect.scatter.add.f32 [tilespmem:s14], [sflag:$0x3], $0x1, s8, s16, $0xb8;
	[tilespmem:$0x1D708] =	vst v63  }
0xc7: {  	_ =	swait.ge [sflag:s21], $0x4000  }
0xc8: {  	[sflag:s21] =	ssyncset.done $0x0  }
0xc9: {  	s13 =	rddreg [dreg:$0x13];
	[sflag:s21] =	ssyncadd.s32 $0xFFFFC000  }
0xca: {  	[tilespmem:s17], [sflag:$0x1] =	stream.indirect.gather [hbm4b:s5+s16], $0x80, s13, s16, $0xb8;
	[tilespmem:$0x1D708] =	vst v63  }
0xcb: {  	_ =	swait.ge [sflag:s18], $0x4000  }
0xcc: {  	[sflag:s18] =	ssyncset.done $0x0  }
0xcd: {  	[sflag:s18] =	ssyncadd.s32 $0xFFFFC000  }
0xce: {  	[spmem:s2] =	stream.indirect.scatter.add.f32 [tilespmem:s17], [sflag:$0x2], $0x80, s10, s16, $0xb8;
	[tilespmem:$0x1D708] =	vst v63  }
0xcf: {  	_ = 	snop  }
0xd0: {  	[spmem:s3] =	stream.indirect.scatter.add.f32 [tilespmem:s14], [sflag:$0x3], $0x1, s10, s16, $0xb8;
	[tilespmem:$0x1D708] =	vst v63  }
0xd1: {  	_ =	swait.ge [sflag:s21], $0x4000  }
0xd2: {  	[sflag:s21] =	ssyncset.done $0x0  }
0xd3: {  	s20 =	rddreg [dreg:$0x14];
	[sflag:s21] =	ssyncadd.s32 $0xFFFFC000  }
0xd4: {  	[tilespmem:s19], [sflag:$0x1] =	stream.indirect.gather [hbm4b:s5+s16], $0x80, s20, s16, $0xb8;
	[tilespmem:$0x1D708] =	vst v63  }
0xd5: {  	_ =	swait.ge [sflag:s18], $0x4000  }
0xd6: {  	[sflag:s18] =	ssyncset.done $0x0  }
0xd7: {  	[sflag:s18] =	ssyncadd.s32 $0xFFFFC000  }
0xd8: {  	[spmem:s2] =	stream.indirect.scatter.add.f32 [tilespmem:s19], [sflag:$0x2], $0x80, s22, s16, $0xb8;
	[tilespmem:$0x1D708] =	vst v63  }
0xd9: {  	_ = 	snop  }
0xda: {  	[spmem:s3] =	stream.indirect.scatter.add.f32 [tilespmem:s14], [sflag:$0x3], $0x1, s22, s16, $0xb8;
	[tilespmem:$0x1D708] =	vst v63  }
0xdb: {  	_ =	swait.ge [sflag:s21], $0x4000  }
0xdc: {  	[sflag:s21] =	ssyncset.done $0x0  }
0xdd: {  	[sflag:s21] =	ssyncadd.s32 $0xFFFFC000  }
0xde: {  	_ =	swait.ge [sflag:s21], $0x4000  }
0xdf: {  	[sflag:s21] =	ssyncset.done $0x0  }
0xe0: {  	[sflag:s21] =	ssyncadd.s32 $0xFFFFC000  }
0xe1: {  	_ =	swait.ge [sflag:s24], $0x80  }
0xe2: {  	[sflag:s24] =	ssyncset.done $0x0  }
0xe3: {  	[sflag:s24] =	ssyncadd.s32 $0xFFFFFF80  }
0xe4: {  	_ =	swait.ge [sflag:s24], $0x80  }
0xe5: {  	[sflag:s24] =	ssyncset.done $0x0  }
0xe6: {  	[sflag:s24] =	ssyncadd.s32 $0xFFFFFF80  }
0xe7: {  	_ =	swait.ge [sflag:s24], $0x80  }
0xe8: {  	[sflag:s24] =	ssyncset.done $0x0  }
0xe9: {  	[sflag:s24] =	ssyncadd.s32 $0xFFFFFF80  }
0xea: {  	_ =	swait.ge [sflag:s24], $0x80  }
0xeb: {  	[sflag:s24] =	ssyncset.done $0x0  }
0xec: {  	[sflag:s24] =	ssyncadd.s32 $0xFFFFFF80  }
0xed: {  	_ =	swait.ge [sflag:s24], $0x80  }
0xee: {  	[sflag:s24] =	ssyncset.done $0x0  }
0xef: {  	[sflag:s24] =	ssyncadd.s32 $0xFFFFFF80  }
0xf0: {  	_ =	swait.ge [sflag:s24], $0x80  }
0xf1: {  	[sflag:s24] =	ssyncset.done $0x0  }
0xf2: {  	[sflag:s24] =	ssyncadd.s32 $0xFFFFFF80  }
0xf3: {  	_ =	swait.ge [sflag:s24], $0x80  }
0xf4: {  	[sflag:s24] =	ssyncset.done $0x0  }
0xf5: {  	[sflag:s24] =	ssyncadd.s32 $0xFFFFFF80  }
0xf6: {  	_ =	swait.ge [sflag:s24], $0x80  }
0xf7: {  	[sflag:s24] =	ssyncset.done $0x0  }
0xf8: {  	[sflag:s24] =	ssyncadd.s32 $0xFFFFFF80  }
0xf9: {  	_ =	swait.ge [sflag:s24], $0x80  }
0xfa: {  	[sflag:s24] =	ssyncset.done $0x0  }
0xfb: {  	[sflag:s24] =	ssyncadd.s32 $0xFFFFFF80  }
0xfc: {  	_ =	swait.ge [sflag:s24], $0x80  }
0xfd: {  	[sflag:s24] =	ssyncset.done $0x0  }
0xfe: {  	[sflag:s24] =	ssyncadd.s32 $0xFFFFFF80  }
0xff: {  	_ =	swait.ge [sflag:s24], $0x80  }
0x100: {  	[sflag:s24] =	ssyncset.done $0x0  }
0x101: {  	[sflag:s24] =	ssyncadd.s32 $0xFFFFFF80  }
0x102: {  	_ =	swait.ge [sflag:s24], $0x80  }
0x103: {  	[sflag:s24] =	ssyncset.done $0x0  }
0x104: {  	[sflag:s24] =	ssyncadd.s32 $0xFFFFFF80  }
0x105: {  	_ =	swait.ge [sflag:s24], $0x80  }
0x106: {  	[sflag:s24] =	ssyncset.done $0x0  }
0x107: {  	[sflag:s24] =	ssyncadd.s32 $0xFFFFFF80  }
0x108: {  	_ =	swait.ge [sflag:s24], $0x80  }
0x109: {  	[sflag:s24] =	ssyncset.done $0x0  }
0x10a: {  	[sflag:s24] =	ssyncadd.s32 $0xFFFFFF80  }
0x10b: {  	_ =	swait.ge [sflag:s24], $0x80  }
0x10c: {  	[sflag:s24] =	ssyncset.done $0x0  }
0x10d: {  	[sflag:s24] =	ssyncadd.s32 $0xFFFFFF80  }
0x10e: {  	s9 =	simm.s32 $0x200;
	_ =	swait.ge [sflag:s24], $0x80  }
0x10f: {  	s13 =	simm.s32 $0x100;
	s11 =	rddreg [dreg:$0x6];
	[sflag:s24] =	ssyncset.done $0x0  }
.LBB2_2:
0x110: {  	[sflag:s24] =	ssyncadd.s32 $0xFFFFFF80;
	s11 =	sadd.s32 s13, s11  }
0x111: {  	[tilespmem:s4], [sflag:$0x4] =	stream.linear.gather [hbm4b:s11+s4], $0x800, $0x38;
	[tilespmem:$0x1D708] =	vst v63  }
0x112: {  	_ =	swait.ge [sflag:s12], $0x800  }
0x113: {  	s11 =	rddreg [dreg:$0x5];
	[sflag:s12] =	ssyncset.done $0x0  }
0x114: {  	[sflag:s12] =	ssyncadd.s32 $0xFFFFF800;
	s11 =	sadd.s32 s13, s11  }
0x115: {  	[tilespmem:s15], [sflag:$0x4] =	stream.linear.gather [hbm4b:s11+s4], $0x800, $0x38;
	[tilespmem:$0x1D708] =	vst v63  }
0x116: {  	_ =	swait.ge [sflag:s12], $0x800  }
0x117: {  	[sflag:s12] =	ssyncset.done $0x0  }
0x118: {  	[sflag:s12] =	ssyncadd.s32 $0xFFFFF800  }
0x119: {  	[tilespmem:s17], [sflag:$0x1] =	stream.indirect.gather [hbm4b:s5+s16], $0x80, s4, s16, $0xb8;
	[tilespmem:$0x1D708] =	vst v63  }
0x11a: {  	_ =	swait.ge [sflag:s18], $0x4000  }
0x11b: {  	[sflag:s18] =	ssyncset.done $0x0  }
0x11c: {  	[sflag:s18] =	ssyncadd.s32 $0xFFFFC000  }
0x11d: {  	[spmem:s2] =	stream.indirect.scatter.add.f32 [tilespmem:s17], [sflag:$0x2], $0x80, s15, s16, $0xb8;
	[tilespmem:$0x1D708] =	vst v63  }
0x11e: {  	_ = 	snop  }
0x11f: {  	[spmem:s3] =	stream.indirect.scatter.add.f32 [tilespmem:s14], [sflag:$0x3], $0x1, s15, s16, $0xb8;
	[tilespmem:$0x1D708] =	vst v63  }
0x120: {  	_ = 	snop  }
0x121: {  	[tilespmem:s19], [sflag:$0x1] =	stream.indirect.gather [hbm4b:s5+s16], $0x80, s16, s16, $0xb8;
	[tilespmem:$0x1D708] =	vst v63  }
0x122: {  	_ =	swait.ge [sflag:s18], $0x4000  }
0x123: {  	s20 =	smov.u32 s9;
	[sflag:s18] =	ssyncset.done $0x0  }
0x124: {  	s13 =	smov.u32 s20;
	s20 =	simm.s32 $0x880;
	[sflag:s18] =	ssyncadd.s32 $0xFFFFC000  }
0x125: {  	[spmem:s2] =	stream.indirect.scatter.add.f32 [tilespmem:s19], [sflag:$0x2], $0x80, s20, s16, $0xb8;
	[tilespmem:$0x1D708] =	vst v63  }
0x126: {  	_ = 	snop  }
0x127: {  	[spmem:s3] =	stream.indirect.scatter.add.f32 [tilespmem:s14], [sflag:$0x3], $0x1, s20, s16, $0xb8;
	[tilespmem:$0x1D708] =	vst v63  }
0x128: {  	_ =	swait.ge [sflag:s21], $0x4000  }
0x129: {  	[sflag:s21] =	ssyncset.done $0x0  }
0x12a: {  	s20 =	rddreg [dreg:$0x7];
	[sflag:s21] =	ssyncadd.s32 $0xFFFFC000  }
0x12b: {  	[tilespmem:s17], [sflag:$0x1] =	stream.indirect.gather [hbm4b:s5+s16], $0x80, s20, s16, $0xb8;
	[tilespmem:$0x1D708] =	vst v63  }
0x12c: {  	_ =	swait.ge [sflag:s18], $0x4000  }
0x12d: {  	[sflag:s18] =	ssyncset.done $0x0  }
0x12e: {  	[sflag:s18] =	ssyncadd.s32 $0xFFFFC000  }
0x12f: {  	[spmem:s2] =	stream.indirect.scatter.add.f32 [tilespmem:s17], [sflag:$0x2], $0x80, s23, s16, $0xb8;
	[tilespmem:$0x1D708] =	vst v63  }
0x130: {  	_ = 	snop  }
0x131: {  	[spmem:s3] =	stream.indirect.scatter.add.f32 [tilespmem:s14], [sflag:$0x3], $0x1, s23, s16, $0xb8;
	[tilespmem:$0x1D708] =	vst v63  }
0x132: {  	_ =	swait.ge [sflag:s21], $0x4000  }
0x133: {  	[sflag:s21] =	ssyncset.done $0x0  }
0x134: {  	s20 =	rddreg [dreg:$0x8];
	[sflag:s21] =	ssyncadd.s32 $0xFFFFC000  }
0x135: {  	[tilespmem:s19], [sflag:$0x1] =	stream.indirect.gather [hbm4b:s5+s16], $0x80, s20, s16, $0xb8;
	[tilespmem:$0x1D708] =	vst v63  }
0x136: {  	_ =	swait.ge [sflag:s18], $0x4000  }
0x137: {  	[sflag:s18] =	ssyncset.done $0x0  }
0x138: {  	[sflag:s18] =	ssyncadd.s32 $0xFFFFC000  }
0x139: {  	[spmem:s2] =	stream.indirect.scatter.add.f32 [tilespmem:s19], [sflag:$0x2], $0x80, s25, s16, $0xb8;
	[tilespmem:$0x1D708] =	vst v63  }
0x13a: {  	_ = 	snop  }
0x13b: {  	[spmem:s3] =	stream.indirect.scatter.add.f32 [tilespmem:s14], [sflag:$0x3], $0x1, s25, s16, $0xb8;
	[tilespmem:$0x1D708] =	vst v63  }
0x13c: {  	_ =	swait.ge [sflag:s21], $0x4000  }
0x13d: {  	[sflag:s21] =	ssyncset.done $0x0  }
0x13e: {  	s20 =	rddreg [dreg:$0x9];
	[sflag:s21] =	ssyncadd.s32 $0xFFFFC000  }
0x13f: {  	[tilespmem:s17], [sflag:$0x1] =	stream.indirect.gather [hbm4b:s5+s16], $0x80, s20, s16, $0xb8;
	[tilespmem:$0x1D708] =	vst v63  }
0x140: {  	_ =	swait.ge [sflag:s18], $0x4000  }
0x141: {  	[sflag:s18] =	ssyncset.done $0x0  }
0x142: {  	[sflag:s18] =	ssyncadd.s32 $0xFFFFC000  }
0x143: {  	[spmem:s2] =	stream.indirect.scatter.add.f32 [tilespmem:s17], [sflag:$0x2], $0x80, s26, s16, $0xb8;
	[tilespmem:$0x1D708] =	vst v63  }
0x144: {  	_ = 	snop  }
0x145: {  	[spmem:s3] =	stream.indirect.scatter.add.f32 [tilespmem:s14], [sflag:$0x3], $0x1, s26, s16, $0xb8;
	[tilespmem:$0x1D708] =	vst v63  }
0x146: {  	_ =	swait.ge [sflag:s21], $0x4000  }
0x147: {  	[sflag:s21] =	ssyncset.done $0x0  }
0x148: {  	s20 =	rddreg [dreg:$0xa];
	[sflag:s21] =	ssyncadd.s32 $0xFFFFC000  }
0x149: {  	[tilespmem:s19], [sflag:$0x1] =	stream.indirect.gather [hbm4b:s5+s16], $0x80, s20, s16, $0xb8;
	[tilespmem:$0x1D708] =	vst v63  }
0x14a: {  	_ =	swait.ge [sflag:s18], $0x4000  }
0x14b: {  	[sflag:s18] =	ssyncset.done $0x0  }
0x14c: {  	[sflag:s18] =	ssyncadd.s32 $0xFFFFC000  }
0x14d: {  	[spmem:s2] =	stream.indirect.scatter.add.f32 [tilespmem:s19], [sflag:$0x2], $0x80, s28, s16, $0xb8;
	[tilespmem:$0x1D708] =	vst v63  }
0x14e: {  	_ = 	snop  }
0x14f: {  	[spmem:s3] =	stream.indirect.scatter.add.f32 [tilespmem:s14], [sflag:$0x3], $0x1, s28, s16, $0xb8;
	[tilespmem:$0x1D708] =	vst v63  }
0x150: {  	_ =	swait.ge [sflag:s21], $0x4000  }
0x151: {  	[sflag:s21] =	ssyncset.done $0x0  }
0x152: {  	s20 =	rddreg [dreg:$0xb];
	[sflag:s21] =	ssyncadd.s32 $0xFFFFC000  }
0x153: {  	[tilespmem:s17], [sflag:$0x1] =	stream.indirect.gather [hbm4b:s5+s16], $0x80, s20, s16, $0xb8;
	[tilespmem:$0x1D708] =	vst v63  }
0x154: {  	_ =	swait.ge [sflag:s18], $0x4000  }
0x155: {  	[sflag:s18] =	ssyncset.done $0x0  }
0x156: {  	[sflag:s18] =	ssyncadd.s32 $0xFFFFC000  }
0x157: {  	[spmem:s2] =	stream.indirect.scatter.add.f32 [tilespmem:s17], [sflag:$0x2], $0x80, s29, s16, $0xb8;
	[tilespmem:$0x1D708] =	vst v63  }
0x158: {  	_ = 	snop  }
0x159: {  	[spmem:s3] =	stream.indirect.scatter.add.f32 [tilespmem:s14], [sflag:$0x3], $0x1, s29, s16, $0xb8;
	[tilespmem:$0x1D708] =	vst v63  }
0x15a: {  	_ =	swait.ge [sflag:s21], $0x4000  }
0x15b: {  	[sflag:s21] =	ssyncset.done $0x0  }
0x15c: {  	s20 =	rddreg [dreg:$0xc];
	[sflag:s21] =	ssyncadd.s32 $0xFFFFC000  }
0x15d: {  	[tilespmem:s19], [sflag:$0x1] =	stream.indirect.gather [hbm4b:s5+s16], $0x80, s20, s16, $0xb8;
	[tilespmem:$0x1D708] =	vst v63  }
0x15e: {  	_ =	swait.ge [sflag:s18], $0x4000  }
0x15f: {  	[sflag:s18] =	ssyncset.done $0x0  }
0x160: {  	[sflag:s18] =	ssyncadd.s32 $0xFFFFC000  }
0x161: {  	[spmem:s2] =	stream.indirect.scatter.add.f32 [tilespmem:s19], [sflag:$0x2], $0x80, s30, s16, $0xb8;
	[tilespmem:$0x1D708] =	vst v63  }
0x162: {  	_ = 	snop  }
0x163: {  	[spmem:s3] =	stream.indirect.scatter.add.f32 [tilespmem:s14], [sflag:$0x3], $0x1, s30, s16, $0xb8;
	[tilespmem:$0x1D708] =	vst v63  }
0x164: {  	_ =	swait.ge [sflag:s21], $0x4000  }
0x165: {  	[sflag:s21] =	ssyncset.done $0x0  }
0x166: {  	s20 =	rddreg [dreg:$0xd];
	[sflag:s21] =	ssyncadd.s32 $0xFFFFC000  }
0x167: {  	[tilespmem:s17], [sflag:$0x1] =	stream.indirect.gather [hbm4b:s5+s16], $0x80, s20, s16, $0xb8;
	[tilespmem:$0x1D708] =	vst v63  }
0x168: {  	_ =	swait.ge [sflag:s18], $0x4000  }
0x169: {  	[sflag:s18] =	ssyncset.done $0x0  }
0x16a: {  	[sflag:s18] =	ssyncadd.s32 $0xFFFFC000  }
0x16b: {  	[spmem:s2] =	stream.indirect.scatter.add.f32 [tilespmem:s17], [sflag:$0x2], $0x80, s31, s16, $0xb8;
	[tilespmem:$0x1D708] =	vst v63  }
0x16c: {  	_ = 	snop  }
0x16d: {  	[spmem:s3] =	stream.indirect.scatter.add.f32 [tilespmem:s14], [sflag:$0x3], $0x1, s31, s16, $0xb8;
	[tilespmem:$0x1D708] =	vst v63  }
0x16e: {  	_ =	swait.ge [sflag:s21], $0x4000  }
0x16f: {  	[sflag:s21] =	ssyncset.done $0x0  }
0x170: {  	s20 =	rddreg [dreg:$0xe];
	[sflag:s21] =	ssyncadd.s32 $0xFFFFC000  }
0x171: {  	[tilespmem:s19], [sflag:$0x1] =	stream.indirect.gather [hbm4b:s5+s16], $0x80, s20, s16, $0xb8;
	[tilespmem:$0x1D708] =	vst v63  }
0x172: {  	_ =	swait.ge [sflag:s18], $0x4000  }
0x173: {  	[sflag:s18] =	ssyncset.done $0x0  }
0x174: {  	[sflag:s18] =	ssyncadd.s32 $0xFFFFC000  }
0x175: {  	[spmem:s2] =	stream.indirect.scatter.add.f32 [tilespmem:s19], [sflag:$0x2], $0x80, s1, s16, $0xb8;
	[tilespmem:$0x1D708] =	vst v63  }
0x176: {  	_ = 	snop  }
0x177: {  	[spmem:s3] =	stream.indirect.scatter.add.f32 [tilespmem:s14], [sflag:$0x3], $0x1, s1, s16, $0xb8;
	[tilespmem:$0x1D708] =	vst v63  }
0x178: {  	_ =	swait.ge [sflag:s21], $0x4000  }
0x179: {  	[sflag:s21] =	ssyncset.done $0x0  }
0x17a: {  	s20 =	rddreg [dreg:$0xf];
	[sflag:s21] =	ssyncadd.s32 $0xFFFFC000  }
0x17b: {  	[tilespmem:s17], [sflag:$0x1] =	stream.indirect.gather [hbm4b:s5+s16], $0x80, s20, s16, $0xb8;
	[tilespmem:$0x1D708] =	vst v63  }
0x17c: {  	_ =	swait.ge [sflag:s18], $0x4000  }
0x17d: {  	[sflag:s18] =	ssyncset.done $0x0  }
0x17e: {  	[sflag:s18] =	ssyncadd.s32 $0xFFFFC000  }
0x17f: {  	[spmem:s2] =	stream.indirect.scatter.add.f32 [tilespmem:s17], [sflag:$0x2], $0x80, s0, s16, $0xb8;
	[tilespmem:$0x1D708] =	vst v63  }
0x180: {  	_ = 	snop  }
0x181: {  	[spmem:s3] =	stream.indirect.scatter.add.f32 [tilespmem:s14], [sflag:$0x3], $0x1, s0, s16, $0xb8;
	[tilespmem:$0x1D708] =	vst v63  }
0x182: {  	_ =	swait.ge [sflag:s21], $0x4000  }
0x183: {  	[sflag:s21] =	ssyncset.done $0x0  }
0x184: {  	s20 =	rddreg [dreg:$0x10];
	[sflag:s21] =	ssyncadd.s32 $0xFFFFC000  }
0x185: {  	[tilespmem:s19], [sflag:$0x1] =	stream.indirect.gather [hbm4b:s5+s16], $0x80, s20, s16, $0xb8;
	[tilespmem:$0x1D708] =	vst v63  }
0x186: {  	_ =	swait.ge [sflag:s18], $0x4000  }
0x187: {  	[sflag:s18] =	ssyncset.done $0x0  }
0x188: {  	[sflag:s18] =	ssyncadd.s32 $0xFFFFC000  }
0x189: {  	[spmem:s2] =	stream.indirect.scatter.add.f32 [tilespmem:s19], [sflag:$0x2], $0x80, s6, s16, $0xb8;
	[tilespmem:$0x1D708] =	vst v63  }
0x18a: {  	_ = 	snop  }
0x18b: {  	[spmem:s3] =	stream.indirect.scatter.add.f32 [tilespmem:s14], [sflag:$0x3], $0x1, s6, s16, $0xb8;
	[tilespmem:$0x1D708] =	vst v63  }
0x18c: {  	_ =	swait.ge [sflag:s21], $0x4000  }
0x18d: {  	[sflag:s21] =	ssyncset.done $0x0  }
0x18e: {  	s20 =	rddreg [dreg:$0x11];
	[sflag:s21] =	ssyncadd.s32 $0xFFFFC000  }
0x18f: {  	[tilespmem:s17], [sflag:$0x1] =	stream.indirect.gather [hbm4b:s5+s16], $0x80, s20, s16, $0xb8;
	[tilespmem:$0x1D708] =	vst v63  }
0x190: {  	_ =	swait.ge [sflag:s18], $0x4000  }
0x191: {  	[sflag:s18] =	ssyncset.done $0x0  }
0x192: {  	[sflag:s18] =	ssyncadd.s32 $0xFFFFC000  }
0x193: {  	[spmem:s2] =	stream.indirect.scatter.add.f32 [tilespmem:s17], [sflag:$0x2], $0x80, s7, s16, $0xb8;
	[tilespmem:$0x1D708] =	vst v63  }
0x194: {  	_ = 	snop  }
0x195: {  	[spmem:s3] =	stream.indirect.scatter.add.f32 [tilespmem:s14], [sflag:$0x3], $0x1, s7, s16, $0xb8;
	[tilespmem:$0x1D708] =	vst v63  }
0x196: {  	_ =	swait.ge [sflag:s21], $0x4000  }
0x197: {  	[sflag:s21] =	ssyncset.done $0x0  }
0x198: {  	s20 =	rddreg [dreg:$0x12];
	[sflag:s21] =	ssyncadd.s32 $0xFFFFC000  }
0x199: {  	[tilespmem:s19], [sflag:$0x1] =	stream.indirect.gather [hbm4b:s5+s16], $0x80, s20, s16, $0xb8;
	[tilespmem:$0x1D708] =	vst v63  }
0x19a: {  	_ =	swait.ge [sflag:s18], $0x4000  }
0x19b: {  	[sflag:s18] =	ssyncset.done $0x0  }
0x19c: {  	[sflag:s18] =	ssyncadd.s32 $0xFFFFC000  }
0x19d: {  	[spmem:s2] =	stream.indirect.scatter.add.f32 [tilespmem:s19], [sflag:$0x2], $0x80, s8, s16, $0xb8;
	[tilespmem:$0x1D708] =	vst v63  }
0x19e: {  	_ = 	snop  }
0x19f: {  	[spmem:s3] =	stream.indirect.scatter.add.f32 [tilespmem:s14], [sflag:$0x3], $0x1, s8, s16, $0xb8;
	[tilespmem:$0x1D708] =	vst v63  }
0x1a0: {  	_ =	swait.ge [sflag:s21], $0x4000  }
0x1a1: {  	[sflag:s21] =	ssyncset.done $0x0  }
0x1a2: {  	s20 =	rddreg [dreg:$0x13];
	[sflag:s21] =	ssyncadd.s32 $0xFFFFC000  }
0x1a3: {  	[tilespmem:s17], [sflag:$0x1] =	stream.indirect.gather [hbm4b:s5+s16], $0x80, s20, s16, $0xb8;
	[tilespmem:$0x1D708] =	vst v63  }
0x1a4: {  	_ =	swait.ge [sflag:s18], $0x4000  }
0x1a5: {  	[sflag:s18] =	ssyncset.done $0x0  }
0x1a6: {  	[sflag:s18] =	ssyncadd.s32 $0xFFFFC000  }
0x1a7: {  	[spmem:s2] =	stream.indirect.scatter.add.f32 [tilespmem:s17], [sflag:$0x2], $0x80, s10, s16, $0xb8;
	[tilespmem:$0x1D708] =	vst v63  }
0x1a8: {  	_ = 	snop  }
0x1a9: {  	[spmem:s3] =	stream.indirect.scatter.add.f32 [tilespmem:s14], [sflag:$0x3], $0x1, s10, s16, $0xb8;
	[tilespmem:$0x1D708] =	vst v63  }
0x1aa: {  	_ =	swait.ge [sflag:s21], $0x4000  }
0x1ab: {  	[sflag:s21] =	ssyncset.done $0x0  }
0x1ac: {  	s20 =	rddreg [dreg:$0x14];
	[sflag:s21] =	ssyncadd.s32 $0xFFFFC000  }
0x1ad: {  	[tilespmem:s19], [sflag:$0x1] =	stream.indirect.gather [hbm4b:s5+s16], $0x80, s20, s16, $0xb8;
	[tilespmem:$0x1D708] =	vst v63  }
0x1ae: {  	_ =	swait.ge [sflag:s18], $0x4000  }
0x1af: {  	[sflag:s18] =	ssyncset.done $0x0  }
0x1b0: {  	[sflag:s18] =	ssyncadd.s32 $0xFFFFC000  }
0x1b1: {  	[spmem:s2] =	stream.indirect.scatter.add.f32 [tilespmem:s19], [sflag:$0x2], $0x80, s22, s16, $0xb8;
	[tilespmem:$0x1D708] =	vst v63  }
0x1b2: {  	_ = 	snop  }
0x1b3: {  	[spmem:s3] =	stream.indirect.scatter.add.f32 [tilespmem:s14], [sflag:$0x3], $0x1, s22, s16, $0xb8;
	[tilespmem:$0x1D708] =	vst v63  }
0x1b4: {  	_ =	swait.ge [sflag:s21], $0x4000  }
0x1b5: {  	[sflag:s21] =	ssyncset.done $0x0  }
0x1b6: {  	[sflag:s21] =	ssyncadd.s32 $0xFFFFC000  }
0x1b7: {  	_ =	swait.ge [sflag:s21], $0x4000  }
0x1b8: {  	[sflag:s21] =	ssyncset.done $0x0  }
0x1b9: {  	[sflag:s21] =	ssyncadd.s32 $0xFFFFC000  }
0x1ba: {  	_ =	swait.ge [sflag:s24], $0x80  }
0x1bb: {  	[sflag:s24] =	ssyncset.done $0x0  }
0x1bc: {  	[sflag:s24] =	ssyncadd.s32 $0xFFFFFF80  }
0x1bd: {  	_ =	swait.ge [sflag:s24], $0x80  }
0x1be: {  	[sflag:s24] =	ssyncset.done $0x0  }
0x1bf: {  	[sflag:s24] =	ssyncadd.s32 $0xFFFFFF80  }
0x1c0: {  	_ =	swait.ge [sflag:s24], $0x80  }
0x1c1: {  	[sflag:s24] =	ssyncset.done $0x0  }
0x1c2: {  	[sflag:s24] =	ssyncadd.s32 $0xFFFFFF80  }
0x1c3: {  	_ =	swait.ge [sflag:s24], $0x80  }
0x1c4: {  	[sflag:s24] =	ssyncset.done $0x0  }
0x1c5: {  	[sflag:s24] =	ssyncadd.s32 $0xFFFFFF80  }
0x1c6: {  	_ =	swait.ge [sflag:s24], $0x80  }
0x1c7: {  	[sflag:s24] =	ssyncset.done $0x0  }
0x1c8: {  	[sflag:s24] =	ssyncadd.s32 $0xFFFFFF80  }
0x1c9: {  	_ =	swait.ge [sflag:s24], $0x80  }
0x1ca: {  	[sflag:s24] =	ssyncset.done $0x0  }
0x1cb: {  	[sflag:s24] =	ssyncadd.s32 $0xFFFFFF80  }
0x1cc: {  	_ =	swait.ge [sflag:s24], $0x80  }
0x1cd: {  	[sflag:s24] =	ssyncset.done $0x0  }
0x1ce: {  	[sflag:s24] =	ssyncadd.s32 $0xFFFFFF80  }
0x1cf: {  	_ =	swait.ge [sflag:s24], $0x80  }
0x1d0: {  	[sflag:s24] =	ssyncset.done $0x0  }
0x1d1: {  	[sflag:s24] =	ssyncadd.s32 $0xFFFFFF80  }
0x1d2: {  	_ =	swait.ge [sflag:s24], $0x80  }
0x1d3: {  	[sflag:s24] =	ssyncset.done $0x0  }
0x1d4: {  	[sflag:s24] =	ssyncadd.s32 $0xFFFFFF80  }
0x1d5: {  	_ =	swait.ge [sflag:s24], $0x80  }
0x1d6: {  	[sflag:s24] =	ssyncset.done $0x0  }
0x1d7: {  	[sflag:s24] =	ssyncadd.s32 $0xFFFFFF80  }
0x1d8: {  	_ =	swait.ge [sflag:s24], $0x80  }
0x1d9: {  	[sflag:s24] =	ssyncset.done $0x0  }
0x1da: {  	[sflag:s24] =	ssyncadd.s32 $0xFFFFFF80  }
0x1db: {  	_ =	swait.ge [sflag:s24], $0x80  }
0x1dc: {  	[sflag:s24] =	ssyncset.done $0x0  }
0x1dd: {  	[sflag:s24] =	ssyncadd.s32 $0xFFFFFF80  }
0x1de: {  	_ =	swait.ge [sflag:s24], $0x80  }
0x1df: {  	[sflag:s24] =	ssyncset.done $0x0  }
0x1e0: {  	[sflag:s24] =	ssyncadd.s32 $0xFFFFFF80  }
0x1e1: {  	_ =	swait.ge [sflag:s24], $0x80  }
0x1e2: {  	[sflag:s24] =	ssyncset.done $0x0  }
0x1e3: {  	p0 =	sne.s32 s9, $0x400;
	[sflag:s24] =	ssyncadd.s32 $0xFFFFFF80  }
.Ltmp0:
0x1e4: {  	_ =	swait.ge [sflag:s24], $0x80;
	(pc) =	sbr.rel @p0 .LBB2_2-.Ltmp0, $4  }
0x1e5: {  	[sflag:s24] =	ssyncset.done $0x0  }
0x1e6: {  	[sflag:s24] =	ssyncadd.s32 $0xFFFFFF80  }
0x1e7: {  	_ =	swait.ge [sflag:s24], $0x80  }
0x1e8: {  	s9 =	sadd.s32 $0x100, s9;
	s11 =	rddreg [dreg:$0x6];
	[sflag:s24] =	ssyncset.done $0x0  }
0x1e9: {  	[sflag:s24] =	ssyncadd.s32 $0xFFFFFF80;
	s9 =	sadd.s32 s13, s11  }
0x1ea: {  	[tilespmem:s4], [sflag:$0x4] =	stream.linear.gather [hbm4b:s9+s4], $0x800, $0x38;
	[tilespmem:$0x1D708] =	vst v63  }
0x1eb: {  	_ =	swait.ge [sflag:s12], $0x800  }
0x1ec: {  	s11 =	rddreg [dreg:$0x5];
	[sflag:s12] =	ssyncset.done $0x0  }
0x1ed: {  	s9 =	sadd.s32 s13, s11;
	[sflag:s12] =	ssyncadd.s32 $0xFFFFF800  }
0x1ee: {  	[tilespmem:s15], [sflag:$0x4] =	stream.linear.gather [hbm4b:s9+s4], $0x800, $0x38;
	[tilespmem:$0x1D708] =	vst v63  }
0x1ef: {  	_ =	swait.ge [sflag:s12], $0x800  }
0x1f0: {  	[sflag:s12] =	ssyncset.done $0x0  }
0x1f1: {  	[sflag:s12] =	ssyncadd.s32 $0xFFFFF800  }
0x1f2: {  	[tilespmem:s17], [sflag:$0x1] =	stream.indirect.gather [hbm4b:s5+s16], $0x80, s4, s16, $0xb8;
	[tilespmem:$0x1D708] =	vst v63  }
0x1f3: {  	_ =	swait.ge [sflag:s18], $0x4000  }
0x1f4: {  	[sflag:s18] =	ssyncset.done $0x0  }
0x1f5: {  	[sflag:s18] =	ssyncadd.s32 $0xFFFFC000  }
0x1f6: {  	[spmem:s2] =	stream.indirect.scatter.add.f32 [tilespmem:s17], [sflag:$0x2], $0x80, s15, s16, $0xb8;
	[tilespmem:$0x1D708] =	vst v63  }
0x1f7: {  	_ = 	snop  }
0x1f8: {  	[spmem:s3] =	stream.indirect.scatter.add.f32 [tilespmem:s14], [sflag:$0x3], $0x1, s15, s16, $0xb8;
	[tilespmem:$0x1D708] =	vst v63  }
0x1f9: {  	_ = 	snop  }
0x1fa: {  	[tilespmem:s19], [sflag:$0x1] =	stream.indirect.gather [hbm4b:s5+s16], $0x80, s16, s16, $0xb8;
	[tilespmem:$0x1D708] =	vst v63  }
0x1fb: {  	_ =	swait.ge [sflag:s18], $0x4000  }
0x1fc: {  	[sflag:s18] =	ssyncset.done $0x0  }
0x1fd: {  	s13 =	simm.s32 $0x880;
	[sflag:s18] =	ssyncadd.s32 $0xFFFFC000  }
0x1fe: {  	[spmem:s2] =	stream.indirect.scatter.add.f32 [tilespmem:s19], [sflag:$0x2], $0x80, s13, s16, $0xb8;
	[tilespmem:$0x1D708] =	vst v63  }
0x1ff: {  	_ = 	snop  }
0x200: {  	[spmem:s3] =	stream.indirect.scatter.add.f32 [tilespmem:s14], [sflag:$0x3], $0x1, s13, s16, $0xb8;
	[tilespmem:$0x1D708] =	vst v63  }
0x201: {  	_ =	swait.ge [sflag:s21], $0x4000  }
0x202: {  	[sflag:s21] =	ssyncset.done $0x0  }
0x203: {  	s20 =	rddreg [dreg:$0x7];
	[sflag:s21] =	ssyncadd.s32 $0xFFFFC000  }
0x204: {  	[tilespmem:s17], [sflag:$0x1] =	stream.indirect.gather [hbm4b:s5+s16], $0x80, s20, s16, $0xb8;
	[tilespmem:$0x1D708] =	vst v63  }
0x205: {  	_ =	swait.ge [sflag:s18], $0x4000  }
0x206: {  	[sflag:s18] =	ssyncset.done $0x0  }
0x207: {  	[sflag:s18] =	ssyncadd.s32 $0xFFFFC000  }
0x208: {  	[spmem:s2] =	stream.indirect.scatter.add.f32 [tilespmem:s17], [sflag:$0x2], $0x80, s23, s16, $0xb8;
	[tilespmem:$0x1D708] =	vst v63  }
0x209: {  	_ = 	snop  }
0x20a: {  	[spmem:s3] =	stream.indirect.scatter.add.f32 [tilespmem:s14], [sflag:$0x3], $0x1, s23, s16, $0xb8;
	[tilespmem:$0x1D708] =	vst v63  }
0x20b: {  	_ =	swait.ge [sflag:s21], $0x4000  }
0x20c: {  	[sflag:s21] =	ssyncset.done $0x0  }
0x20d: {  	s11 =	rddreg [dreg:$0x8];
	[sflag:s21] =	ssyncadd.s32 $0xFFFFC000  }
0x20e: {  	[tilespmem:s19], [sflag:$0x1] =	stream.indirect.gather [hbm4b:s5+s16], $0x80, s11, s16, $0xb8;
	[tilespmem:$0x1D708] =	vst v63  }
0x20f: {  	_ =	swait.ge [sflag:s18], $0x4000  }
0x210: {  	[sflag:s18] =	ssyncset.done $0x0  }
0x211: {  	[sflag:s18] =	ssyncadd.s32 $0xFFFFC000  }
0x212: {  	[spmem:s2] =	stream.indirect.scatter.add.f32 [tilespmem:s19], [sflag:$0x2], $0x80, s25, s16, $0xb8;
	[tilespmem:$0x1D708] =	vst v63  }
0x213: {  	_ = 	snop  }
0x214: {  	[spmem:s3] =	stream.indirect.scatter.add.f32 [tilespmem:s14], [sflag:$0x3], $0x1, s25, s16, $0xb8;
	[tilespmem:$0x1D708] =	vst v63  }
0x215: {  	_ =	swait.ge [sflag:s21], $0x4000  }
0x216: {  	[sflag:s21] =	ssyncset.done $0x0  }
0x217: {  	s13 =	rddreg [dreg:$0x9];
	[sflag:s21] =	ssyncadd.s32 $0xFFFFC000  }
0x218: {  	[tilespmem:s17], [sflag:$0x1] =	stream.indirect.gather [hbm4b:s5+s16], $0x80, s13, s16, $0xb8;
	[tilespmem:$0x1D708] =	vst v63  }
0x219: {  	_ =	swait.ge [sflag:s18], $0x4000  }
0x21a: {  	[sflag:s18] =	ssyncset.done $0x0  }
0x21b: {  	[sflag:s18] =	ssyncadd.s32 $0xFFFFC000  }
0x21c: {  	[spmem:s2] =	stream.indirect.scatter.add.f32 [tilespmem:s17], [sflag:$0x2], $0x80, s26, s16, $0xb8;
	[tilespmem:$0x1D708] =	vst v63  }
0x21d: {  	_ = 	snop  }
0x21e: {  	[spmem:s3] =	stream.indirect.scatter.add.f32 [tilespmem:s14], [sflag:$0x3], $0x1, s26, s16, $0xb8;
	[tilespmem:$0x1D708] =	vst v63  }
0x21f: {  	_ =	swait.ge [sflag:s21], $0x4000  }
0x220: {  	[sflag:s21] =	ssyncset.done $0x0  }
0x221: {  	s20 =	rddreg [dreg:$0xa];
	[sflag:s21] =	ssyncadd.s32 $0xFFFFC000  }
0x222: {  	[tilespmem:s19], [sflag:$0x1] =	stream.indirect.gather [hbm4b:s5+s16], $0x80, s20, s16, $0xb8;
	[tilespmem:$0x1D708] =	vst v63  }
0x223: {  	_ =	swait.ge [sflag:s18], $0x4000  }
0x224: {  	[sflag:s18] =	ssyncset.done $0x0  }
0x225: {  	[sflag:s18] =	ssyncadd.s32 $0xFFFFC000  }
0x226: {  	[spmem:s2] =	stream.indirect.scatter.add.f32 [tilespmem:s19], [sflag:$0x2], $0x80, s28, s16, $0xb8;
	[tilespmem:$0x1D708] =	vst v63  }
0x227: {  	_ = 	snop  }
0x228: {  	[spmem:s3] =	stream.indirect.scatter.add.f32 [tilespmem:s14], [sflag:$0x3], $0x1, s28, s16, $0xb8;
	[tilespmem:$0x1D708] =	vst v63  }
0x229: {  	_ =	swait.ge [sflag:s21], $0x4000  }
0x22a: {  	[sflag:s21] =	ssyncset.done $0x0  }
0x22b: {  	s23 =	rddreg [dreg:$0xb];
	[sflag:s21] =	ssyncadd.s32 $0xFFFFC000  }
0x22c: {  	[tilespmem:s17], [sflag:$0x1] =	stream.indirect.gather [hbm4b:s5+s16], $0x80, s23, s16, $0xb8;
	[tilespmem:$0x1D708] =	vst v63  }
0x22d: {  	_ =	swait.ge [sflag:s18], $0x4000  }
0x22e: {  	[sflag:s18] =	ssyncset.done $0x0  }
0x22f: {  	[sflag:s18] =	ssyncadd.s32 $0xFFFFC000  }
0x230: {  	[spmem:s2] =	stream.indirect.scatter.add.f32 [tilespmem:s17], [sflag:$0x2], $0x80, s29, s16, $0xb8;
	[tilespmem:$0x1D708] =	vst v63  }
0x231: {  	_ = 	snop  }
0x232: {  	[spmem:s3] =	stream.indirect.scatter.add.f32 [tilespmem:s14], [sflag:$0x3], $0x1, s29, s16, $0xb8;
	[tilespmem:$0x1D708] =	vst v63  }
0x233: {  	_ =	swait.ge [sflag:s21], $0x4000  }
0x234: {  	[sflag:s21] =	ssyncset.done $0x0  }
0x235: {  	s11 =	rddreg [dreg:$0xc];
	[sflag:s21] =	ssyncadd.s32 $0xFFFFC000  }
0x236: {  	[tilespmem:s19], [sflag:$0x1] =	stream.indirect.gather [hbm4b:s5+s16], $0x80, s11, s16, $0xb8;
	[tilespmem:$0x1D708] =	vst v63  }
0x237: {  	_ =	swait.ge [sflag:s18], $0x4000  }
0x238: {  	[sflag:s18] =	ssyncset.done $0x0  }
0x239: {  	[sflag:s18] =	ssyncadd.s32 $0xFFFFC000  }
0x23a: {  	[spmem:s2] =	stream.indirect.scatter.add.f32 [tilespmem:s19], [sflag:$0x2], $0x80, s30, s16, $0xb8;
	[tilespmem:$0x1D708] =	vst v63  }
0x23b: {  	_ = 	snop  }
0x23c: {  	[spmem:s3] =	stream.indirect.scatter.add.f32 [tilespmem:s14], [sflag:$0x3], $0x1, s30, s16, $0xb8;
	[tilespmem:$0x1D708] =	vst v63  }
0x23d: {  	_ =	swait.ge [sflag:s21], $0x4000  }
0x23e: {  	[sflag:s21] =	ssyncset.done $0x0  }
0x23f: {  	s13 =	rddreg [dreg:$0xd];
	[sflag:s21] =	ssyncadd.s32 $0xFFFFC000  }
0x240: {  	[tilespmem:s17], [sflag:$0x1] =	stream.indirect.gather [hbm4b:s5+s16], $0x80, s13, s16, $0xb8;
	[tilespmem:$0x1D708] =	vst v63  }
0x241: {  	_ =	swait.ge [sflag:s18], $0x4000  }
0x242: {  	[sflag:s18] =	ssyncset.done $0x0  }
0x243: {  	[sflag:s18] =	ssyncadd.s32 $0xFFFFC000  }
0x244: {  	[spmem:s2] =	stream.indirect.scatter.add.f32 [tilespmem:s17], [sflag:$0x2], $0x80, s31, s16, $0xb8;
	[tilespmem:$0x1D708] =	vst v63  }
0x245: {  	_ = 	snop  }
0x246: {  	[spmem:s3] =	stream.indirect.scatter.add.f32 [tilespmem:s14], [sflag:$0x3], $0x1, s31, s16, $0xb8;
	[tilespmem:$0x1D708] =	vst v63  }
0x247: {  	_ =	swait.ge [sflag:s21], $0x4000  }
0x248: {  	[sflag:s21] =	ssyncset.done $0x0  }
0x249: {  	s20 =	rddreg [dreg:$0xe];
	[sflag:s21] =	ssyncadd.s32 $0xFFFFC000  }
0x24a: {  	[tilespmem:s19], [sflag:$0x1] =	stream.indirect.gather [hbm4b:s5+s16], $0x80, s20, s16, $0xb8;
	[tilespmem:$0x1D708] =	vst v63  }
0x24b: {  	_ =	swait.ge [sflag:s18], $0x4000  }
0x24c: {  	[sflag:s18] =	ssyncset.done $0x0  }
0x24d: {  	[sflag:s18] =	ssyncadd.s32 $0xFFFFC000  }
0x24e: {  	[spmem:s2] =	stream.indirect.scatter.add.f32 [tilespmem:s19], [sflag:$0x2], $0x80, s1, s16, $0xb8;
	[tilespmem:$0x1D708] =	vst v63  }
0x24f: {  	_ = 	snop  }
0x250: {  	[spmem:s3] =	stream.indirect.scatter.add.f32 [tilespmem:s14], [sflag:$0x3], $0x1, s1, s16, $0xb8;
	[tilespmem:$0x1D708] =	vst v63  }
0x251: {  	_ =	swait.ge [sflag:s21], $0x4000  }
0x252: {  	[sflag:s21] =	ssyncset.done $0x0  }
0x253: {  	s23 =	rddreg [dreg:$0xf];
	[sflag:s21] =	ssyncadd.s32 $0xFFFFC000  }
0x254: {  	[tilespmem:s17], [sflag:$0x1] =	stream.indirect.gather [hbm4b:s5+s16], $0x80, s23, s16, $0xb8;
	[tilespmem:$0x1D708] =	vst v63  }
0x255: {  	_ =	swait.ge [sflag:s18], $0x4000  }
0x256: {  	[sflag:s18] =	ssyncset.done $0x0  }
0x257: {  	[sflag:s18] =	ssyncadd.s32 $0xFFFFC000  }
0x258: {  	[spmem:s2] =	stream.indirect.scatter.add.f32 [tilespmem:s17], [sflag:$0x2], $0x80, s0, s16, $0xb8;
	[tilespmem:$0x1D708] =	vst v63  }
0x259: {  	_ = 	snop  }
0x25a: {  	[spmem:s3] =	stream.indirect.scatter.add.f32 [tilespmem:s14], [sflag:$0x3], $0x1, s0, s16, $0xb8;
	[tilespmem:$0x1D708] =	vst v63  }
0x25b: {  	_ =	swait.ge [sflag:s21], $0x4000  }
0x25c: {  	[sflag:s21] =	ssyncset.done $0x0  }
0x25d: {  	s11 =	rddreg [dreg:$0x10];
	[sflag:s21] =	ssyncadd.s32 $0xFFFFC000  }
0x25e: {  	[tilespmem:s19], [sflag:$0x1] =	stream.indirect.gather [hbm4b:s5+s16], $0x80, s11, s16, $0xb8;
	[tilespmem:$0x1D708] =	vst v63  }
0x25f: {  	_ =	swait.ge [sflag:s18], $0x4000  }
0x260: {  	[sflag:s18] =	ssyncset.done $0x0  }
0x261: {  	[sflag:s18] =	ssyncadd.s32 $0xFFFFC000  }
0x262: {  	[spmem:s2] =	stream.indirect.scatter.add.f32 [tilespmem:s19], [sflag:$0x2], $0x80, s6, s16, $0xb8;
	[tilespmem:$0x1D708] =	vst v63  }
0x263: {  	_ = 	snop  }
0x264: {  	[spmem:s3] =	stream.indirect.scatter.add.f32 [tilespmem:s14], [sflag:$0x3], $0x1, s6, s16, $0xb8;
	[tilespmem:$0x1D708] =	vst v63  }
0x265: {  	_ =	swait.ge [sflag:s21], $0x4000  }
0x266: {  	[sflag:s21] =	ssyncset.done $0x0  }
0x267: {  	s13 =	rddreg [dreg:$0x11];
	[sflag:s21] =	ssyncadd.s32 $0xFFFFC000  }
0x268: {  	[tilespmem:s17], [sflag:$0x1] =	stream.indirect.gather [hbm4b:s5+s16], $0x80, s13, s16, $0xb8;
	[tilespmem:$0x1D708] =	vst v63  }
0x269: {  	_ =	swait.ge [sflag:s18], $0x4000  }
0x26a: {  	[sflag:s18] =	ssyncset.done $0x0  }
0x26b: {  	[sflag:s18] =	ssyncadd.s32 $0xFFFFC000  }
0x26c: {  	[spmem:s2] =	stream.indirect.scatter.add.f32 [tilespmem:s17], [sflag:$0x2], $0x80, s7, s16, $0xb8;
	[tilespmem:$0x1D708] =	vst v63  }
0x26d: {  	_ = 	snop  }
0x26e: {  	[spmem:s3] =	stream.indirect.scatter.add.f32 [tilespmem:s14], [sflag:$0x3], $0x1, s7, s16, $0xb8;
	[tilespmem:$0x1D708] =	vst v63  }
0x26f: {  	_ =	swait.ge [sflag:s21], $0x4000  }
0x270: {  	[sflag:s21] =	ssyncset.done $0x0  }
0x271: {  	s20 =	rddreg [dreg:$0x12];
	[sflag:s21] =	ssyncadd.s32 $0xFFFFC000  }
0x272: {  	[tilespmem:s19], [sflag:$0x1] =	stream.indirect.gather [hbm4b:s5+s16], $0x80, s20, s16, $0xb8;
	[tilespmem:$0x1D708] =	vst v63  }
0x273: {  	_ =	swait.ge [sflag:s18], $0x4000  }
0x274: {  	[sflag:s18] =	ssyncset.done $0x0  }
0x275: {  	[sflag:s18] =	ssyncadd.s32 $0xFFFFC000  }
0x276: {  	[spmem:s2] =	stream.indirect.scatter.add.f32 [tilespmem:s19], [sflag:$0x2], $0x80, s8, s16, $0xb8;
	[tilespmem:$0x1D708] =	vst v63  }
0x277: {  	_ = 	snop  }
0x278: {  	[spmem:s3] =	stream.indirect.scatter.add.f32 [tilespmem:s14], [sflag:$0x3], $0x1, s8, s16, $0xb8;
	[tilespmem:$0x1D708] =	vst v63  }
0x279: {  	_ =	swait.ge [sflag:s21], $0x4000  }
0x27a: {  	[sflag:s21] =	ssyncset.done $0x0  }
0x27b: {  	s23 =	rddreg [dreg:$0x13];
	[sflag:s21] =	ssyncadd.s32 $0xFFFFC000  }
0x27c: {  	[tilespmem:s17], [sflag:$0x1] =	stream.indirect.gather [hbm4b:s5+s16], $0x80, s23, s16, $0xb8;
	[tilespmem:$0x1D708] =	vst v63  }
0x27d: {  	_ =	swait.ge [sflag:s18], $0x4000  }
0x27e: {  	[sflag:s18] =	ssyncset.done $0x0  }
0x27f: {  	[sflag:s18] =	ssyncadd.s32 $0xFFFFC000  }
0x280: {  	[spmem:s2] =	stream.indirect.scatter.add.f32 [tilespmem:s17], [sflag:$0x2], $0x80, s10, s16, $0xb8;
	[tilespmem:$0x1D708] =	vst v63  }
0x281: {  	_ = 	snop  }
0x282: {  	[spmem:s3] =	stream.indirect.scatter.add.f32 [tilespmem:s14], [sflag:$0x3], $0x1, s10, s16, $0xb8;
	[tilespmem:$0x1D708] =	vst v63  }
0x283: {  	_ =	swait.ge [sflag:s21], $0x4000  }
0x284: {  	[sflag:s21] =	ssyncset.done $0x0  }
0x285: {  	s11 =	rddreg [dreg:$0x14];
	[sflag:s21] =	ssyncadd.s32 $0xFFFFC000  }
0x286: {  	[tilespmem:s19], [sflag:$0x1] =	stream.indirect.gather [hbm4b:s5+s16], $0x80, s11, s16, $0xb8;
	[tilespmem:$0x1D708] =	vst v63  }
0x287: {  	_ =	swait.ge [sflag:s18], $0x4000  }
0x288: {  	[sflag:s18] =	ssyncset.done $0x0  }
0x289: {  	[sflag:s18] =	ssyncadd.s32 $0xFFFFC000  }
0x28a: {  	[spmem:s2] =	stream.indirect.scatter.add.f32 [tilespmem:s19], [sflag:$0x2], $0x80, s22, s16, $0xb8;
	[tilespmem:$0x1D708] =	vst v63  }
0x28b: {  	_ = 	snop  }
0x28c: {  	[spmem:s3] =	stream.indirect.scatter.add.f32 [tilespmem:s14], [sflag:$0x3], $0x1, s22, s16, $0xb8;
	[tilespmem:$0x1D708] =	vst v63  }
0x28d: {  	_ =	swait.ge [sflag:s21], $0x4000  }
0x28e: {  	[sflag:s21] =	ssyncset.done $0x0  }
0x28f: {  	[sflag:s21] =	ssyncadd.s32 $0xFFFFC000  }
0x290: {  	_ =	swait.ge [sflag:s21], $0x4000  }
0x291: {  	[sflag:s21] =	ssyncset.done $0x0  }
0x292: {  	[sflag:s21] =	ssyncadd.s32 $0xFFFFC000  }
0x293: {  	_ =	swait.ge [sflag:s24], $0x80  }
0x294: {  	[sflag:s24] =	ssyncset.done $0x0  }
0x295: {  	[sflag:s24] =	ssyncadd.s32 $0xFFFFFF80  }
0x296: {  	_ =	swait.ge [sflag:s24], $0x80  }
0x297: {  	[sflag:s24] =	ssyncset.done $0x0  }
0x298: {  	[sflag:s24] =	ssyncadd.s32 $0xFFFFFF80  }
0x299: {  	_ =	swait.ge [sflag:s24], $0x80  }
0x29a: {  	[sflag:s24] =	ssyncset.done $0x0  }
0x29b: {  	[sflag:s24] =	ssyncadd.s32 $0xFFFFFF80  }
0x29c: {  	_ =	swait.ge [sflag:s24], $0x80  }
0x29d: {  	[sflag:s24] =	ssyncset.done $0x0  }
0x29e: {  	[sflag:s24] =	ssyncadd.s32 $0xFFFFFF80  }
0x29f: {  	_ =	swait.ge [sflag:s24], $0x80  }
0x2a0: {  	[sflag:s24] =	ssyncset.done $0x0  }
0x2a1: {  	[sflag:s24] =	ssyncadd.s32 $0xFFFFFF80  }
0x2a2: {  	_ =	swait.ge [sflag:s24], $0x80  }
0x2a3: {  	[sflag:s24] =	ssyncset.done $0x0  }
0x2a4: {  	[sflag:s24] =	ssyncadd.s32 $0xFFFFFF80  }
0x2a5: {  	_ =	swait.ge [sflag:s24], $0x80  }
0x2a6: {  	[sflag:s24] =	ssyncset.done $0x0  }
0x2a7: {  	[sflag:s24] =	ssyncadd.s32 $0xFFFFFF80  }
0x2a8: {  	_ =	swait.ge [sflag:s24], $0x80  }
0x2a9: {  	[sflag:s24] =	ssyncset.done $0x0  }
0x2aa: {  	[sflag:s24] =	ssyncadd.s32 $0xFFFFFF80  }
0x2ab: {  	_ =	swait.ge [sflag:s24], $0x80  }
0x2ac: {  	[sflag:s24] =	ssyncset.done $0x0  }
0x2ad: {  	[sflag:s24] =	ssyncadd.s32 $0xFFFFFF80  }
0x2ae: {  	_ =	swait.ge [sflag:s24], $0x80  }
0x2af: {  	[sflag:s24] =	ssyncset.done $0x0  }
0x2b0: {  	[sflag:s24] =	ssyncadd.s32 $0xFFFFFF80  }
0x2b1: {  	_ =	swait.ge [sflag:s24], $0x80  }
0x2b2: {  	[sflag:s24] =	ssyncset.done $0x0  }
0x2b3: {  	[sflag:s24] =	ssyncadd.s32 $0xFFFFFF80  }
0x2b4: {  	_ =	swait.ge [sflag:s24], $0x80  }
0x2b5: {  	[sflag:s24] =	ssyncset.done $0x0  }
0x2b6: {  	[sflag:s24] =	ssyncadd.s32 $0xFFFFFF80  }
0x2b7: {  	_ =	swait.ge [sflag:s24], $0x80  }
0x2b8: {  	[sflag:s24] =	ssyncset.done $0x0  }
0x2b9: {  	[sflag:s24] =	ssyncadd.s32 $0xFFFFFF80  }
0x2ba: {  	_ =	swait.ge [sflag:s24], $0x80  }
0x2bb: {  	[sflag:s24] =	ssyncset.done $0x0  }
0x2bc: {  	[sflag:s24] =	ssyncadd.s32 $0xFFFFFF80  }
0x2bd: {  	_ =	swait.ge [sflag:s24], $0x80  }
0x2be: {  	[sflag:s24] =	ssyncset.done $0x0  }
0x2bf: {  	[sflag:s24] =	ssyncadd.s32 $0xFFFFFF80  }
0x2c0: {  	_ =	swait.ge [sflag:s24], $0x80  }
0x2c1: {  	[sflag:s24] =	ssyncset.done $0x0  }
0x2c2: {  	[sflag:s24] =	ssyncadd.s32 $0xFFFFFF80  }
0x2c3: {  	[bflag:$0x0] =	sbarrier.arrive $0xFFFF  }
0x2c4: {  	s13 =	rddreg [dreg:$0x18]  }
0x2c5: {  	s20 =	rddreg [dreg:$0x1a]  }
0x2c6: {  	s23 =	rddreg [dreg:$0x1c]  }
0x2c7: {  	[hbm:s23], [sflag:s13] =	dma.local [spmem:s20], $0x2800  }
0x2c8: {  	_ =	swait.ge [sflag:s12], $0x2800  }
0x2c9: {  	s9 =	rddreg [dreg:$0x1d]  }
0x2ca: {  	s13 =	simm.s32 $0x20;
	[sflag:s12] =	ssyncset.done $0x0;
	s11 =	rddreg [dreg:$0x1b]  }
0x2cb: {  	s20 =	simm.s32 $0x10;
	s23 =	rddreg [dreg:$0x18];
	[sflag:s12] =	ssyncadd.s32 $0xFFFFD800  }
0x2cc: {  	[hbm:s9@s13], [sflag:s23] =	dma.strided [spmem:s11@s20], $0x50, s18, $0x10   }
0x2cd: {  	s20 =	rddreg [dreg:$0x18];
	_ =	swait.ge [sflag:s12], $0x50  }
0x2ce: {  	s9 =	rddreg [dreg:$0x1e]  }
0x2cf: {  	s11 =	rddreg [dreg:$0x19];
	s13 =	sadd.s32 $0x1, s9  }
0x2d0: {  	p0 =	sne.s32 s13, s11  }
.Ltmp1:
0x2d1: {  	_ = 	snop;
	(pc) =	sbr.rel @p0 .LBB2_1-.Ltmp1, $3  }
0x2d2: {  	_ =	sdelay $0x1  }
0x2d3: {  	[sflag:s12] =	ssyncset.done $0x0  }
0x2d4: {  	s23 =	simm.s32 $0x900;
	[sflag:s12] =	ssyncadd.s32 $0xFFFFFFB0  }
0x2d5: {  	_ =	sfence.sel $0x180000  }
0x2d6: {  	[bflag:$0x0] =	sbarrier.arrive $0xFFFF  }
0x2d7: {  	_ =	strace $0x9000004A  }
0x2d8: {  	s0 =	stileid.u32;
	[bflag:$0x2] =	sbarrier.arrive $0xFFFF  }
0x2d9: {  	p0 =	sne.s32 s0, $0x0;
	s0 =	rddreg [dreg:$0x4]  }
0x2da: {  	s0 =	sadd.s32 @!p0 $0x100000, s0  }
0x2db: {  	[sflag:s0] =	ssyncadd.tile.s32 @!p0 $0x1;
	_ =	shalt  }
.Lfunc_end2:
_tile_overlayer_lowered:
.L_overlay_start_2:
0x2dc: {  	(tag) =	ssettag $0x2  }
0x2dd: {  	s0 =	rddreg [dreg:$0x0];
	s2 =	stileid.u32  }
0x2de: {  	s1 =	rddreg [dreg:$0x1];
	p0 =	sne.s32 s2, $0x0  }
0x2df: {  	s3 =	rddreg [dreg:$0x2];
	[bflag:$0x3] =	sbarrier.arrive $0xFFFF;
	s2 =	simm.s32 @!p0 $0x1C04  }
0x2e0: {  	[timem:s3], [sflag:s2] =	dma.local @!p0 [hbm:s0], s1  }
0x2e1: {  	s0 =	simm.s32 @!p0 $0x4  }
0x2e2: {  	_ =	swait.ge @!p0 [sflag:s0], s1  }
0x2e3: {  	s1 =	ssub.s32 @!p0 $0x0, s1;
	[sflag:s0] =	ssyncset.done @!p0 $0x0  }
0x2e4: {  	[sflag:s0] =	ssyncadd.s32 @!p0 s1  }
0x2e5: {  	[bflag:$0x3] =	sbarrier.arrive $0xFFFF  }
0x2e6: {  	_ =	shalt  }

</sc_bundles>
